<compile_context>
chip_gen: v7x
topology: tpu7x:2x2x1
jax: 0.10.2.dev20260603
libtpu: 0.0.44.dev20260713+nightly
codegen_flags: <defaults>
</compile_context>

<pallas_src>
import dataclasses
import functools

import jax
import jax.numpy as jnp
from jax import lax
from jax.experimental import pallas as pl
from jax.experimental.pallas import tpu as pltpu
from jax.experimental.pallas import tpu_sc as plsc

B, N, D = 4, 8192, 768
TASK_DIM = 64
PHASE_DIV = 2.0
BN = 2048
K0, K1 = 512, 256
NW = 32



def _score_body(x_ref, temb0_ref, temb1_ref, w0_ref, w1_ref, b0_ref, b1_ref,
                s0_ref, s1_ref):
    xb = x_ref[0]
    t0 = jnp.broadcast_to(temb0_ref[0], (BN, TASK_DIM))
    t1 = jnp.broadcast_to(temb1_ref[0], (BN, TASK_DIM))
    h0 = jnp.concatenate([xb, t0], axis=-1)
    h1 = jnp.concatenate([xb, t1], axis=-1)
    s0 = h0 @ w0_ref[...] + b0_ref[...]
    s1 = h1 @ w1_ref[...] + b1_ref[...]
    s0_ref[0, 0, :] = s0[:, 0]
    s1_ref[0, 0, :] = s1[:, 0]


def _scores(x, temb0, temb1, Ws0, bs0, Ws1, bs1):
    grid = (B, N // BN)
    s0, s1 = pl.pallas_call(
        _score_body,
        grid=grid,
        in_specs=[
            pl.BlockSpec((1, BN, D), lambda b, n: (b, n, 0)),
            pl.BlockSpec((1, 1, TASK_DIM), lambda b, n: (b, 0, 0)),
            pl.BlockSpec((1, 1, TASK_DIM), lambda b, n: (b, 0, 0)),
            pl.BlockSpec((D + TASK_DIM, 1), lambda b, n: (0, 0)),
            pl.BlockSpec((D + TASK_DIM, 1), lambda b, n: (0, 0)),
            pl.BlockSpec((1,), lambda b, n: (0,)),
            pl.BlockSpec((1,), lambda b, n: (0,)),
        ],
        out_specs=[
            pl.BlockSpec((1, 1, BN), lambda b, n: (b, 0, n)),
            pl.BlockSpec((1, 1, BN), lambda b, n: (b, 0, n)),
        ],
        out_shape=[
            jax.ShapeDtypeStruct((B, 1, N), jnp.float32),
            jax.ShapeDtypeStruct((B, 1, N), jnp.float32),
        ],
    )(x, temb0.reshape(B, 1, TASK_DIM), temb1.reshape(B, 1, TASK_DIM),
      Ws0, Ws1, bs0, bs1)
    return s0, s1



def _thresh_body(s0_ref, s1_ref, tkey_ref, tbud_ref):
    rows = []
    for s_ref, k in ((s0_ref, K0), (s1_ref, K1)):
        s = s_ref[:, 0, :]
        bits = lax.bitcast_convert_type(s, jnp.uint32)
        ukey = jnp.where(s >= 0, bits | jnp.uint32(0x80000000), ~bits)
        t = jnp.zeros((B, 1), jnp.uint32)
        for bit in range(31, -1, -1):
            cand = t | jnp.uint32(1 << bit)
            cnt = jnp.sum((ukey >= cand).astype(jnp.int32), axis=1,
                          keepdims=True)
            t = jnp.where(cnt >= k, cand, t)
        cgt = jnp.sum((ukey > t).astype(jnp.int32), axis=1, keepdims=True)
        skey = lax.bitcast_convert_type(t ^ jnp.uint32(0x80000000), jnp.int32)
        rows.append((skey, k - cgt))
    tkey = jnp.concatenate([rows[0][0], rows[1][0]], axis=0)
    tbud = jnp.concatenate([rows[0][1], rows[1][1]], axis=0)
    tkey_ref[...] = jnp.broadcast_to(tkey, (2 * B, 16))
    tbud_ref[...] = jnp.broadcast_to(tbud, (2 * B, 16))


def _threshold(s0, s1):
    return pl.pallas_call(
        _thresh_body,
        out_shape=[
            jax.ShapeDtypeStruct((2 * B, 16), jnp.int32),
            jax.ShapeDtypeStruct((2 * B, 16), jnp.int32),
        ],
    )(s0, s1)



def _skey16(v):
    b = lax.bitcast_convert_type(v, jnp.int32)
    return b ^ ((b >> 31) & jnp.int32(0x7FFFFFFF))


def _sc_select_gather(scores_stk, tkey, tbud, x_flat):
    mesh = plsc.VectorSubcoreMesh(core_axis_name="c", subcore_axis_name="s")
    r0, r1 = K0 * B // NW, K1 * B // NW
    cp = pltpu.CompilerParams()
    if "needs_layout_passes" in pltpu.CompilerParams.__dataclass_fields__:
        cp = dataclasses.replace(cp, needs_layout_passes=False)

    @functools.partial(
        pl.kernel, mesh=mesh, compiler_params=cp,
        out_type=[
            jax.ShapeDtypeStruct((B * K0,), jnp.float32),
            jax.ShapeDtypeStruct((B * K1,), jnp.float32),
            jax.ShapeDtypeStruct((B * K0,), jnp.int32),
            jax.ShapeDtypeStruct((B * K1,), jnp.int32),
            jax.ShapeDtypeStruct((B * K0, D), jnp.float32),
            jax.ShapeDtypeStruct((B * K1, D), jnp.float32),
        ],
        scratch_types=[
            pltpu.VMEM((N,), jnp.float32),
            pltpu.VMEM((16,), jnp.int32),
            pltpu.VMEM((16,), jnp.int32),
            pltpu.VMEM((K0,), jnp.int32),
            pltpu.VMEM((K0,), jnp.int32),
            pltpu.VMEM((K0,), jnp.float32),
            pltpu.VMEM((K0,), jnp.int32),
            pltpu.VMEM((K0,), jnp.float32),
            pltpu.VMEM((r0,), jnp.int32),
            pltpu.VMEM((r1,), jnp.int32),
            pltpu.VMEM((r0, D), jnp.float32),
            pltpu.VMEM((r1, D), jnp.float32),
            pltpu.SemaphoreType.DMA,
        ],
    )
    def sck(scores_hbm, tkey_hbm, tbud_hbm, xflat_hbm,
            sc0_hbm, sc1_hbm, if0_hbm, if1_hbm, g0_hbm, g1_hbm,
            scores_v, tk_v, tb_v, ckey_v, cpos_v, cscr_v, spos_v, sscr_v,
            i0_v, i1_v, rows0_v, rows1_v, sem):
        sid = lax.axis_index("s")
        wid = sid * 2 + lax.axis_index("c")
        iota = lax.iota(jnp.int32, 16)

        def unit(k, row, b, sc_out, if_out):
            pltpu.sync_copy(scores_hbm.at[row], scores_v)
            pltpu.sync_copy(tkey_hbm.at[row], tk_v)
            pltpu.sync_copy(tbud_hbm.at[row], tb_v)
            tkey_vec = tk_v[...]
            bud_vec = tb_v[...]

            def comp_body(n, carry):
                cur, eqs = carry
                v = scores_v[pl.ds(n * 16, 16)]
                key = _skey16(v)
                m_gt = key > tkey_vec
                m_eq = key == tkey_vec
                psum = jnp.cumsum(m_eq.astype(jnp.int32))
                sel = m_gt | (m_eq & ((psum + eqs) <= bud_vec))
                seli = sel.astype(jnp.int32)
                dest = (jnp.cumsum(seli) - seli) + cur
                posv = iota + (n * 16 + b * N)
                plsc.store_scatter(ckey_v, [dest], key, mask=sel)
                plsc.store_scatter(cpos_v, [dest], posv, mask=sel)
                plsc.store_scatter(cscr_v, [dest], v, mask=sel)
                return cur + jnp.sum(seli), eqs + jnp.sum(m_eq.astype(jnp.int32))

            lax.fori_loop(0, N // 16, comp_body, (jnp.int32(0), jnp.int32(0)),
                          unroll=4)

            def rank_body(i, _):
                base = (i // 16) * 16
                lane = i - base
                vi = ckey_v[pl.ds(base, 16)]
                ki = jnp.sum(jnp.where(iota == lane, vi, 0))

                def jb(j, acc):
                    kj = ckey_v[pl.ds(j * 16, 16)]
                    lp = iota + j * 16
                    gt = (kj > ki).astype(jnp.int32)
                    eq = ((kj == ki) & (lp < i)).astype(jnp.int32)
                    return acc + gt + eq

                acc = lax.fori_loop(0, k // 16, jb, jnp.zeros((16,), jnp.int32),
                                    unroll=8)
                r = jnp.sum(acc)
                pv = cpos_v[pl.ds(base, 16)]
                pos_i = jnp.sum(jnp.where(iota == lane, pv, 0))
                sv = cscr_v[pl.ds(base, 16)]
                scr_i = jnp.sum(jnp.where(iota == lane, sv, jnp.float32(0)))
                mask0 = iota == 0
                ridx = jnp.full((16,), r, jnp.int32)
                plsc.store_scatter(spos_v, [ridx],
                                   jnp.full((16,), pos_i, jnp.int32), mask=mask0)
                plsc.store_scatter(sscr_v, [ridx],
                                   jnp.full((16,), scr_i, jnp.float32), mask=mask0)
                return 0

            lax.fori_loop(0, k, rank_body, 0)
            pltpu.sync_copy(spos_v.at[pl.ds(0, k)], if_out.at[pl.ds(b * k, k)])
            pltpu.sync_copy(sscr_v.at[pl.ds(0, k)], sc_out.at[pl.ds(b * k, k)])

        @pl.when(sid < 4)
        def _():
            unit(K0, sid, sid, sc0_hbm, if0_hbm)

        @pl.when((sid >= 4) & (sid < 8))
        def _():
            unit(K1, sid, sid - 4, sc1_hbm, if1_hbm)

        plsc.subcore_barrier()

        pltpu.sync_copy(if0_hbm.at[pl.ds(wid * r0, r0)], i0_v)
        pltpu.sync_copy(if1_hbm.at[pl.ds(wid * r1, r1)], i1_v)
        c0 = pltpu.async_copy(xflat_hbm.at[i0_v], rows0_v, sem)
        c1 = pltpu.async_copy(xflat_hbm.at[i1_v], rows1_v, sem)
        c0.wait()
        pltpu.sync_copy(rows0_v, g0_hbm.at[pl.ds(wid * r0, r0)])
        c1.wait()
        pltpu.sync_copy(rows1_v, g1_hbm.at[pl.ds(wid * r1, r1)])

    return sck(scores_stk, tkey, tbud, x_flat)



def _mlp_body(g_ref, sc_ref, temb_ref, W1_ref, b1_ref, g1_ref, be1_ref,
              W2_ref, b2_ref, g2_ref, be2_ref, W3_ref, b3_ref, out_ref, *, k):
    gr = g_ref[0]
    sc = sc_ref[0, 0]
    gated = gr * jax.nn.sigmoid(sc)[:, None]
    t = jnp.broadcast_to(temb_ref[0], (k, TASK_DIM))
    hk = jnp.concatenate([gated, t], axis=-1)

    z = hk @ W1_ref[...] + b1_ref[...]
    m = z.mean(-1, keepdims=True)
    v = z.var(-1, keepdims=True)
    z = (z - m) / jnp.sqrt(v + 1e-5) * g1_ref[...] + be1_ref[...]
    z = jax.nn.gelu(z)

    z = z @ W2_ref[...] + b2_ref[...]
    m = z.mean(-1, keepdims=True)
    v = z.var(-1, keepdims=True)
    z = (z - m) / jnp.sqrt(v + 1e-5) * g2_ref[...] + be2_ref[...]
    z = jax.nn.gelu(z)

    phase = jnp.sin((z @ W3_ref[...] + b3_ref[...]) * PHASE_DIV)
    out_ref[0] = jnp.concatenate([gated, phase], axis=-1)


def _mlp(gathered, topk_scores, temb, W1, b1, g1, be1, W2, b2, g2, be2, W3, b3, k):
    ph = W3.shape[-1]
    return pl.pallas_call(
        functools.partial(_mlp_body, k=k),
        grid=(B,),
        in_specs=[
            pl.BlockSpec((1, k, D), lambda b: (b, 0, 0)),
            pl.BlockSpec((1, 1, k), lambda b: (b, 0, 0)),
            pl.BlockSpec((1, 1, TASK_DIM), lambda b: (b, 0, 0)),
            pl.BlockSpec(W1.shape, lambda b: (0, 0)),
            pl.BlockSpec(b1.shape, lambda b: (0,)),
            pl.BlockSpec(g1.shape, lambda b: (0,)),
            pl.BlockSpec(be1.shape, lambda b: (0,)),
            pl.BlockSpec(W2.shape, lambda b: (0, 0)),
            pl.BlockSpec(b2.shape, lambda b: (0,)),
            pl.BlockSpec(g2.shape, lambda b: (0,)),
            pl.BlockSpec(be2.shape, lambda b: (0,)),
            pl.BlockSpec(W3.shape, lambda b: (0, 0)),
            pl.BlockSpec(b3.shape, lambda b: (0,)),
        ],
        out_specs=pl.BlockSpec((1, k, D + ph), lambda b: (b, 0, 0)),
        out_shape=jax.ShapeDtypeStruct((B, k, D + ph), jnp.float32),
    )(gathered, topk_scores.reshape(B, 1, k), temb.reshape(B, 1, TASK_DIM),
      W1, b1, g1, be1, W2, b2, g2, be2, W3, b3)


def kernel(x, task_id, te0, Ws0, bs0, W1_0, b1_0, g1_0, be1_0, W2_0, b2_0,
           g2_0, be2_0, W3_0, b3_0, te1, Ws1, bs1, W1_1, b1_1, g1_1, be1_1,
           W2_1, b2_1, g2_1, be2_1, W3_1, b3_1):
    temb0 = te0[task_id]
    temb1 = te1[task_id]
    s0, s1 = _scores(x, temb0, temb1, Ws0, bs0, Ws1, bs1)
    tkey, tbud = _threshold(s0, s1)

    scores_stk = jnp.concatenate(
        [s0.reshape(B, N), s1.reshape(B, N)], axis=0)
    x_flat = x.reshape(B * N, D)
    sc0, sc1, _if0, _if1, g0, g1 = _sc_select_gather(
        scores_stk, tkey, tbud, x_flat)

    out0 = _mlp(g0.reshape(B, K0, D), sc0.reshape(B, K0), temb0,
                W1_0, b1_0, g1_0, be1_0, W2_0, b2_0, g2_0, be2_0, W3_0, b3_0, K0)
    out1 = _mlp(g1.reshape(B, K1, D), sc1.reshape(B, K1), temb1,
                W1_1, b1_1, g1_1, be1_1, W2_1, b2_1, g2_1, be2_1, W3_1, b3_1, K1)
    return (out0, out1)

# --- scband reference (transcript-rebuilt; emitter-appended) ---
"""Pipeline reference for scband-hierarchical-thalamus-74320114090113 (READ-ONLY COPY).

The authoritative reference and input builder live on the scoring server;
editing this copy changes nothing except your own understanding.
"""

import jax, jax.numpy as jnp
import numpy as np

B, N = 4, 8192
D_MODEL = 768
TASK_DIM = 64
PHASE_DIM = 16
NUM_TASKS = 10
K_VALUES = (512, 256)
PHASE_DIVERSITY = 2.0


def _ln(z, g, b):
    m = z.mean(-1, keepdims=True)
    v = z.var(-1, keepdims=True)
    return (z - m) / jnp.sqrt(v + 1e-5) * g + b


def _thalamus_layer(x, task_id, params, k):
    te, Ws, bs, W1, b1, g1, be1, W2, b2, g2, be2, W3, b3 = params
    Bc, Nc, D = x.shape
    temb = te[task_id]  # [B, task_dim] embedding gather
    t_exp = jnp.broadcast_to(temb[:, None, :], (Bc, Nc, temb.shape[-1]))
    h = jnp.concatenate([x, t_exp], axis=-1)
    scores = (h @ Ws + bs)[..., 0]  # [B, N] task-conditioned salience
    topk_scores, topk_idx = jax.lax.top_k(scores, k)  # [B, k]
    gated = jnp.take_along_axis(x, topk_idx[..., None], axis=1)  # [B, k, D]
    gated = gated * jax.nn.sigmoid(topk_scores)[..., None]
    t_k = jnp.broadcast_to(temb[:, None, :], (Bc, k, temb.shape[-1]))
    hk = jnp.concatenate([gated, t_k], axis=-1)
    z = jax.nn.gelu(_ln(hk @ W1 + b1, g1, be1))
    z = jax.nn.gelu(_ln(z @ W2 + b2, g2, be2))
    phase = jnp.sin((z @ W3 + b3) * PHASE_DIVERSITY)  # [B, k, phase_dim]
    return jnp.concatenate([gated, phase], axis=-1)  # [B, k, D + phase_dim]


def setup_inputs(seed: int = 0) -> dict:
    key = jax.random.key(seed)
    ks = jax.random.split(key, 16)
    inp = {}
    inp["x"] = jax.random.normal(ks[0], (B, N, D_MODEL), dtype=jnp.float32)
    inp["task_id"] = jax.random.randint(ks[1], (B,), 0, NUM_TASKS)
    i = 2
    for l in range(2):
        inp[f"te{l}"] = jax.random.normal(ks[i], (NUM_TASKS, TASK_DIM), dtype=jnp.float32) * 0.02; i += 1
        inp[f"Ws{l}"] = jax.random.normal(ks[i], (D_MODEL + TASK_DIM, 1), dtype=jnp.float32) * 0.02; i += 1
        inp[f"bs{l}"] = jnp.zeros((1,), jnp.float32)
        inp[f"W1_{l}"] = jax.random.normal(ks[i], (D_MODEL + TASK_DIM, 128), dtype=jnp.float32) * 0.02; i += 1
        inp[f"b1_{l}"] = jnp.zeros((128,), jnp.float32)
        inp[f"g1_{l}"] = jnp.ones((128,), jnp.float32)
        inp[f"be1_{l}"] = jnp.zeros((128,), jnp.float32)
        inp[f"W2_{l}"] = jax.random.normal(ks[i], (128, 64), dtype=jnp.float32) * 0.02; i += 1
        inp[f"b2_{l}"] = jnp.zeros((64,), jnp.float32)
        inp[f"g2_{l}"] = jnp.ones((64,), jnp.float32)
        inp[f"be2_{l}"] = jnp.zeros((64,), jnp.float32)
        inp[f"W3_{l}"] = jax.random.normal(ks[i], (64, PHASE_DIM), dtype=jnp.float32) * 0.02; i += 1
        inp[f"b3_{l}"] = jnp.zeros((PHASE_DIM,), jnp.float32)
    return inp


def reference(x, task_id,
              te0, Ws0, bs0, W1_0, b1_0, g1_0, be1_0, W2_0, b2_0, g2_0, be2_0, W3_0, b3_0,
              te1, Ws1, bs1, W1_1, b1_1, g1_1, be1_1, W2_1, b2_1, g2_1, be2_1, W3_1, b3_1):
    p = {
        "te0": te0, "Ws0": Ws0, "bs0": bs0, "W1_0": W1_0, "b1_0": b1_0,
        "g1_0": g1_0, "be1_0": be1_0, "W2_0": W2_0, "b2_0": b2_0,
        "g2_0": g2_0, "be2_0": be2_0, "W3_0": W3_0, "b3_0": b3_0,
        "te1": te1, "Ws1": Ws1, "bs1": bs1, "W1_1": W1_1, "b1_1": b1_1,
        "g1_1": g1_1, "be1_1": be1_1, "W2_1": W2_1, "b2_1": b2_1,
        "g2_1": g2_1, "be2_1": be2_1, "W3_1": W3_1, "b3_1": b3_1,
    }
    outs = []
    layer_in = x
    for l, k in enumerate(K_VALUES):
        params = (p[f"te{l}"], p[f"Ws{l}"], p[f"bs{l}"], p[f"W1_{l}"], p[f"b1_{l}"], p[f"g1_{l}"], p[f"be1_{l}"], p[f"W2_{l}"], p[f"b2_{l}"], p[f"g2_{l}"], p[f"be2_{l}"], p[f"W3_{l}"], p[f"b3_{l}"])
        outs.append(_thalamus_layer(layer_in, task_id, params, k))
        # num_layers=2: feedback branch requires i>0 and i<num_layers-1, never taken
        layer_in = x
    return tuple(outs)

if __name__ == "__main__":
    import jax
    _d = setup_inputs()
    print(jax.jit(kernel)(*tuple(_d.values())))

</pallas_src>

<mosaic_0001>
#map = affine_map<(d0, d1) -> (0, 0)>
#map1 = affine_map<(d0, d1) -> (0)>
module attributes {stable_mosaic.version = 14 : i64} {
  func.func @sck(%arg0: i32, %arg1: i32, %arg2: memref<8x8192xf32, #tpu.memory_space<hbm>>, %arg3: memref<8x16xi32, #tpu.memory_space<hbm>>, %arg4: memref<8x16xi32, #tpu.memory_space<hbm>>, %arg5: memref<32768x768xf32, #tpu.memory_space<hbm>>, %arg6: memref<2048xf32, #tpu.memory_space<hbm>>, %arg7: memref<1024xf32, #tpu.memory_space<hbm>>, %arg8: memref<2048xi32, #tpu.memory_space<hbm>>, %arg9: memref<1024xi32, #tpu.memory_space<hbm>>, %arg10: memref<2048x768xf32, #tpu.memory_space<hbm>>, %arg11: memref<1024x768xf32, #tpu.memory_space<hbm>>, %arg12: memref<8192xf32, #tpu.memory_space<vmem>>, %arg13: memref<16xi32, #tpu.memory_space<vmem>>, %arg14: memref<16xi32, #tpu.memory_space<vmem>>, %arg15: memref<512xi32, #tpu.memory_space<vmem>>, %arg16: memref<512xi32, #tpu.memory_space<vmem>>, %arg17: memref<512xf32, #tpu.memory_space<vmem>>, %arg18: memref<512xi32, #tpu.memory_space<vmem>>, %arg19: memref<512xf32, #tpu.memory_space<vmem>>, %arg20: memref<64xi32, #tpu.memory_space<vmem>>, %arg21: memref<32xi32, #tpu.memory_space<vmem>>, %arg22: memref<64x768xf32, #tpu.memory_space<vmem>>, %arg23: memref<32x768xf32, #tpu.memory_space<vmem>>, %arg24: memref<!tpu.dma_semaphore, #tpu.memory_space<semaphore_mem>>) attributes {dimension_semantics = [#tpu.dimension_semantics<core_parallel>, #tpu.dimension_semantics<subcore_parallel>], iteration_bounds = array<i64: 2, 16>, scalar_prefetch = 0 : i64, scratch_operands = 13 : i64, tpu.core_type = #tpu.core_type<sc_vector_subcore>, window_params = [{transform_indices = #map}, {transform_indices = #map}, {transform_indices = #map}, {transform_indices = #map}, {transform_indices = #map1}, {transform_indices = #map1}, {transform_indices = #map1}, {transform_indices = #map1}, {transform_indices = #map}, {transform_indices = #map}]} {
    %mul3A = arith.constant 2 : i32
    %mul3A_0 = arith.muli %arg1, %mul3A : i32
    %add3A = arith.addi %mul3A_0, %arg0 : i32
    %iota3A = tpu.iota {dimensions = array<i32: 0>} : vector<16xi32>
    %lt3A = arith.constant 4 : i32
    %lt3A_1 = arith.cmpi slt, %arg1, %lt3A : i32
    %convert_element_type3A = arith.extui %lt3A_1 : i1 to i32
    %cond3A = arith.constant 0 : i32
    %cond3A_2 = arith.cmpi ne, %convert_element_type3A, %cond3A : i32
    scf.if %cond3A_2 {
      "tpu.region"() ({
        %run_scoped3A = tpu.sem_alloc : memref<!tpu.dma_semaphore, #tpu.memory_space<semaphore_mem>>
        %dma_start3A_48 = arith.constant 0 : i32
        %dma_start3A_49 = tpu.memref_slice %arg2[%arg1, %dma_start3A_48] : memref<8x8192xf32, #tpu.memory_space<hbm>> -> memref<1x8192xf32, #tpu.memory_space<hbm>>
        %dma_start3A_50 = tpu.memref_squeeze %dma_start3A_49 : memref<1x8192xf32, #tpu.memory_space<hbm>> -> memref<8192xf32, #tpu.memory_space<hbm>>
        %dma_start3A_51 = arith.constant 0 : i32
        %dma_start3A_52 = tpu.memref_slice %arg2[%arg1, %dma_start3A_51] : memref<8x8192xf32, #tpu.memory_space<hbm>> -> memref<1x8192xf32, #tpu.memory_space<hbm>>
        %dma_start3A_53 = tpu.memref_squeeze %dma_start3A_52 : memref<1x8192xf32, #tpu.memory_space<hbm>> -> memref<8192xf32, #tpu.memory_space<hbm>>
        tpu.enqueue_dma source(%dma_start3A_53 : memref<8192xf32, #tpu.memory_space<hbm>>) target(%arg12 : memref<8192xf32, #tpu.memory_space<vmem>>) target_semaphore(%run_scoped3A : memref<!tpu.dma_semaphore, #tpu.memory_space<semaphore_mem>>)
        %dma_wait3A_54 = arith.constant 0 : i32
        %dma_wait3A_55 = tpu.memref_slice %arg2[%arg1, %dma_wait3A_54] : memref<8x8192xf32, #tpu.memory_space<hbm>> -> memref<1x8192xf32, #tpu.memory_space<hbm>>
        %dma_wait3A_56 = tpu.memref_squeeze %dma_wait3A_55 : memref<1x8192xf32, #tpu.memory_space<hbm>> -> memref<8192xf32, #tpu.memory_space<hbm>>
        %dma_wait3A_57 = arith.constant 0 : i32
        %dma_wait3A_58 = tpu.memref_slice %arg2[%arg1, %dma_wait3A_57] : memref<8x8192xf32, #tpu.memory_space<hbm>> -> memref<1x8192xf32, #tpu.memory_space<hbm>>
        %dma_wait3A_59 = tpu.memref_squeeze %dma_wait3A_58 : memref<1x8192xf32, #tpu.memory_space<hbm>> -> memref<8192xf32, #tpu.memory_space<hbm>>
        tpu.wait_dma2 semaphore(%run_scoped3A : memref<!tpu.dma_semaphore, #tpu.memory_space<semaphore_mem>>) src(%dma_wait3A_59 : memref<8192xf32, #tpu.memory_space<hbm>>) dst(%arg12 : memref<8192xf32, #tpu.memory_space<vmem>>)
        tpu.yield
      }) : () -> ()
      "tpu.region"() ({
        %run_scoped3A = tpu.sem_alloc : memref<!tpu.dma_semaphore, #tpu.memory_space<semaphore_mem>>
        %dma_start3A_48 = arith.constant 0 : i32
        %dma_start3A_49 = tpu.memref_slice %arg3[%arg1, %dma_start3A_48] : memref<8x16xi32, #tpu.memory_space<hbm>> -> memref<1x16xi32, #tpu.memory_space<hbm>>
        %dma_start3A_50 = tpu.memref_squeeze %dma_start3A_49 : memref<1x16xi32, #tpu.memory_space<hbm>> -> memref<16xi32, #tpu.memory_space<hbm>>
        %dma_start3A_51 = arith.constant 0 : i32
        %dma_start3A_52 = tpu.memref_slice %arg3[%arg1, %dma_start3A_51] : memref<8x16xi32, #tpu.memory_space<hbm>> -> memref<1x16xi32, #tpu.memory_space<hbm>>
        %dma_start3A_53 = tpu.memref_squeeze %dma_start3A_52 : memref<1x16xi32, #tpu.memory_space<hbm>> -> memref<16xi32, #tpu.memory_space<hbm>>
        tpu.enqueue_dma source(%dma_start3A_53 : memref<16xi32, #tpu.memory_space<hbm>>) target(%arg13 : memref<16xi32, #tpu.memory_space<vmem>>) target_semaphore(%run_scoped3A : memref<!tpu.dma_semaphore, #tpu.memory_space<semaphore_mem>>)
        %dma_wait3A_54 = arith.constant 0 : i32
        %dma_wait3A_55 = tpu.memref_slice %arg3[%arg1, %dma_wait3A_54] : memref<8x16xi32, #tpu.memory_space<hbm>> -> memref<1x16xi32, #tpu.memory_space<hbm>>
        %dma_wait3A_56 = tpu.memref_squeeze %dma_wait3A_55 : memref<1x16xi32, #tpu.memory_space<hbm>> -> memref<16xi32, #tpu.memory_space<hbm>>
        %dma_wait3A_57 = arith.constant 0 : i32
        %dma_wait3A_58 = tpu.memref_slice %arg3[%arg1, %dma_wait3A_57] : memref<8x16xi32, #tpu.memory_space<hbm>> -> memref<1x16xi32, #tpu.memory_space<hbm>>
        %dma_wait3A_59 = tpu.memref_squeeze %dma_wait3A_58 : memref<1x16xi32, #tpu.memory_space<hbm>> -> memref<16xi32, #tpu.memory_space<hbm>>
        tpu.wait_dma2 semaphore(%run_scoped3A : memref<!tpu.dma_semaphore, #tpu.memory_space<semaphore_mem>>) src(%dma_wait3A_59 : memref<16xi32, #tpu.memory_space<hbm>>) dst(%arg13 : memref<16xi32, #tpu.memory_space<vmem>>)
        tpu.yield
      }) : () -> ()
      "tpu.region"() ({
        %run_scoped3A = tpu.sem_alloc : memref<!tpu.dma_semaphore, #tpu.memory_space<semaphore_mem>>
        %dma_start3A_48 = arith.constant 0 : i32
        %dma_start3A_49 = tpu.memref_slice %arg4[%arg1, %dma_start3A_48] : memref<8x16xi32, #tpu.memory_space<hbm>> -> memref<1x16xi32, #tpu.memory_space<hbm>>
        %dma_start3A_50 = tpu.memref_squeeze %dma_start3A_49 : memref<1x16xi32, #tpu.memory_space<hbm>> -> memref<16xi32, #tpu.memory_space<hbm>>
        %dma_start3A_51 = arith.constant 0 : i32
        %dma_start3A_52 = tpu.memref_slice %arg4[%arg1, %dma_start3A_51] : memref<8x16xi32, #tpu.memory_space<hbm>> -> memref<1x16xi32, #tpu.memory_space<hbm>>
        %dma_start3A_53 = tpu.memref_squeeze %dma_start3A_52 : memref<1x16xi32, #tpu.memory_space<hbm>> -> memref<16xi32, #tpu.memory_space<hbm>>
        tpu.enqueue_dma source(%dma_start3A_53 : memref<16xi32, #tpu.memory_space<hbm>>) target(%arg14 : memref<16xi32, #tpu.memory_space<vmem>>) target_semaphore(%run_scoped3A : memref<!tpu.dma_semaphore, #tpu.memory_space<semaphore_mem>>)
        %dma_wait3A_54 = arith.constant 0 : i32
        %dma_wait3A_55 = tpu.memref_slice %arg4[%arg1, %dma_wait3A_54] : memref<8x16xi32, #tpu.memory_space<hbm>> -> memref<1x16xi32, #tpu.memory_space<hbm>>
        %dma_wait3A_56 = tpu.memref_squeeze %dma_wait3A_55 : memref<1x16xi32, #tpu.memory_space<hbm>> -> memref<16xi32, #tpu.memory_space<hbm>>
        %dma_wait3A_57 = arith.constant 0 : i32
        %dma_wait3A_58 = tpu.memref_slice %arg4[%arg1, %dma_wait3A_57] : memref<8x16xi32, #tpu.memory_space<hbm>> -> memref<1x16xi32, #tpu.memory_space<hbm>>
        %dma_wait3A_59 = tpu.memref_squeeze %dma_wait3A_58 : memref<1x16xi32, #tpu.memory_space<hbm>> -> memref<16xi32, #tpu.memory_space<hbm>>
        tpu.wait_dma2 semaphore(%run_scoped3A : memref<!tpu.dma_semaphore, #tpu.memory_space<semaphore_mem>>) src(%dma_wait3A_59 : memref<16xi32, #tpu.memory_space<hbm>>) dst(%arg14 : memref<16xi32, #tpu.memory_space<vmem>>)
        tpu.yield
      }) : () -> ()
      %get3A = arith.constant 0 : index
      %get3A_27 = tpu.vector_load %arg13[%get3A] {strides = array<i32>} : memref<16xi32, #tpu.memory_space<vmem>>, vector<16xi32>,
      %get3A_28 = arith.constant 0 : index
      %get3A_29 = tpu.vector_load %arg14[%get3A_28] {strides = array<i32>} : memref<16xi32, #tpu.memory_space<vmem>>, vector<16xi32>,
      %scan3A = arith.constant 0 : i32
      %scan3A_30 = arith.constant 0 : i32
      %scan3A_31 = arith.constant 0 : i32
      %scan3A_32 = arith.constant 512 : i32
      %scan3A_33 = arith.addi %scan3A_31, %scan3A_32 : i32
      %scan3A_34 = arith.constant 4 : i32
      %scan3A_35:2 = scf.for %scan3A_48 = %scan3A_31 to %scan3A_33 step %scan3A_34 iter_args(%scan3A_49 = %scan3A, %scan3A_50 = %scan3A_30) -> (i32, i32)  : i32 {
        %mul3A_51 = arith.constant 16 : i32
        %mul3A_52 = arith.muli %scan3A_48, %mul3A_51 : i32
        %get3A_53 = arith.index_cast %mul3A_52 : i32 to index
        %get3A_54 = tpu.vector_load %arg12[%get3A_53] {strides = array<i32>} : memref<8192xf32, #tpu.memory_space<vmem>>, vector<16xf32>,
        %bitcast_convert_type3A = tpu.bitcast %get3A_54 : vector<16xf32> -> vector<16xi32>
        %shift_right_arithmetic3A = arith.constant 31 : i32
        %shift_right_arithmetic3A_55 = vector.broadcast %shift_right_arithmetic3A : i32 to vector<16xi32>
        %shift_right_arithmetic3A_56 = arith.shrsi %bitcast_convert_type3A, %shift_right_arithmetic3A_55 : vector<16xi32>
        %and3A_57 = arith.constant 2147483647 : i32
        %and3A_58 = vector.broadcast %and3A_57 : i32 to vector<16xi32>
        %and3A_59 = arith.andi %shift_right_arithmetic3A_56, %and3A_58 : vector<16xi32>
        %xor3A = arith.xori %bitcast_convert_type3A, %and3A_59 : vector<16xi32>
        %gt3A = arith.cmpi sgt, %xor3A, %get3A_27 : vector<16xi32>
        %eq3A = arith.cmpi eq, %xor3A, %get3A_27 : vector<16xi32>
        %convert_element_type3A_60 = arith.extui %eq3A : vector<16xi1> to vector<16xi32>
        %cumsum3A = arith.constant true
        %cumsum3A_61 = vector.broadcast %cumsum3A : i1 to vector<16xi1>
        %cumsum3A_62 = tpu.scan <sum>, %convert_element_type3A_60 masked %cumsum3A_61 : vector<16xi32>, vector<16xi1> -> vector<16xi32>
        %add3A_63 = vector.broadcast %scan3A_50 : i32 to vector<16xi32>
        %add3A_64 = arith.addi %cumsum3A_62, %add3A_63 : vector<16xi32>
        %le3A = arith.cmpi sle, %add3A_64, %get3A_29 : vector<16xi32>
        %and3A_65 = arith.andi %eq3A, %le3A : vector<16xi1>
        %or3A = arith.ori %gt3A, %and3A_65 : vector<16xi1>
        %convert_element_type3A_66 = arith.extui %or3A : vector<16xi1> to vector<16xi32>
        %cumsum3A_67 = arith.constant true
        %cumsum3A_68 = vector.broadcast %cumsum3A_67 : i1 to vector<16xi1>
        %cumsum3A_69 = tpu.scan <sum>, %convert_element_type3A_66 masked %cumsum3A_68 : vector<16xi32>, vector<16xi1> -> vector<16xi32>
        %sub3A = arith.subi %cumsum3A_69, %convert_element_type3A_66 : vector<16xi32>
        %add3A_70 = vector.broadcast %scan3A_49 : i32 to vector<16xi32>
        %add3A_71 = arith.addi %sub3A, %add3A_70 : vector<16xi32>
        %mul3A_72 = arith.constant 16 : i32
        %mul3A_73 = arith.muli %scan3A_48, %mul3A_72 : i32
        %mul3A_74 = arith.constant 8192 : i32
        %mul3A_75 = arith.muli %arg1, %mul3A_74 : i32
        %add3A_76 = arith.addi %mul3A_73, %mul3A_75 : i32
        %add3A_77 = vector.broadcast %add3A_76 : i32 to vector<16xi32>
        %add3A_78 = arith.addi %iota3A, %add3A_77 : vector<16xi32>
        tpu.vector_store_idx %arg15[%add3A_71], %xor3A masked %or3A : memref<512xi32, #tpu.memory_space<vmem>>[vector<16xi32>], vector<16xi32>, vector<16xi1>
        tpu.vector_store_idx %arg16[%add3A_71], %add3A_78 masked %or3A : memref<512xi32, #tpu.memory_space<vmem>>[vector<16xi32>], vector<16xi32>, vector<16xi1>
        tpu.vector_store_idx %arg17[%add3A_71], %get3A_54 masked %or3A : memref<512xf32, #tpu.memory_space<vmem>>[vector<16xi32>], vector<16xf32>, vector<16xi1>
        %reduce_sum3A = arith.constant true
        %reduce_sum3A_79 = vector.broadcast %reduce_sum3A : i1 to vector<16xi1>
        %reduce_sum3A_80 = tpu.scan <sum>, %convert_element_type3A_66 masked %reduce_sum3A_79 : vector<16xi32>, vector<16xi1> -> vector<16xi32>
        %reduce_sum3A_81 = vector.extract %reduce_sum3A_80[15] : i32 from vector<16xi32>
        %add3A_82 = arith.addi %scan3A_49, %reduce_sum3A_81 : i32
        %convert_element_type3A_83 = arith.extui %eq3A : vector<16xi1> to vector<16xi32>
        %reduce_sum3A_84 = arith.constant true
        %reduce_sum3A_85 = vector.broadcast %reduce_sum3A_84 : i1 to vector<16xi1>
        %reduce_sum3A_86 = tpu.scan <sum>, %convert_element_type3A_83 masked %reduce_sum3A_85 : vector<16xi32>, vector<16xi1> -> vector<16xi32>
        %reduce_sum3A_87 = vector.extract %reduce_sum3A_86[15] : i32 from vector<16xi32>
        %add3A_88 = arith.addi %scan3A_50, %reduce_sum3A_87 : i32
        %scan3A_89 = arith.constant 1 : i32
        %scan3A_90 = arith.addi %scan3A_48, %scan3A_89 : i32
        %mul3A_91 = arith.constant 16 : i32
        %mul3A_92 = arith.muli %scan3A_90, %mul3A_91 : i32
        %get3A_93 = arith.index_cast %mul3A_92 : i32 to index
        %get3A_94 = tpu.vector_load %arg12[%get3A_93] {strides = array<i32>} : memref<8192xf32, #tpu.memory_space<vmem>>, vector<16xf32>,
        %bitcast_convert_type3A_95 = tpu.bitcast %get3A_94 : vector<16xf32> -> vector<16xi32>
        %shift_right_arithmetic3A_96 = arith.constant 31 : i32
        %shift_right_arithmetic3A_97 = vector.broadcast %shift_right_arithmetic3A_96 : i32 to vector<16xi32>
        %shift_right_arithmetic3A_98 = arith.shrsi %bitcast_convert_type3A_95, %shift_right_arithmetic3A_97 : vector<16xi32>
        %and3A_99 = arith.constant 2147483647 : i32
        %and3A_100 = vector.broadcast %and3A_99 : i32 to vector<16xi32>
        %and3A_101 = arith.andi %shift_right_arithmetic3A_98, %and3A_100 : vector<16xi32>
        %xor3A_102 = arith.xori %bitcast_convert_type3A_95, %and3A_101 : vector<16xi32>
        %gt3A_103 = arith.cmpi sgt, %xor3A_102, %get3A_27 : vector<16xi32>
        %eq3A_104 = arith.cmpi eq, %xor3A_102, %get3A_27 : vector<16xi32>
        %convert_element_type3A_105 = arith.extui %eq3A_104 : vector<16xi1> to vector<16xi32>
        %cumsum3A_106 = arith.constant true
        %cumsum3A_107 = vector.broadcast %cumsum3A_106 : i1 to vector<16xi1>
        %cumsum3A_108 = tpu.scan <sum>, %convert_element_type3A_105 masked %cumsum3A_107 : vector<16xi32>, vector<16xi1> -> vector<16xi32>
        %add3A_109 = vector.broadcast %add3A_88 : i32 to vector<16xi32>
        %add3A_110 = arith.addi %cumsum3A_108, %add3A_109 : vector<16xi32>
        %le3A_111 = arith.cmpi sle, %add3A_110, %get3A_29 : vector<16xi32>
        %and3A_112 = arith.andi %eq3A_104, %le3A_111 : vector<16xi1>
        %or3A_113 = arith.ori %gt3A_103, %and3A_112 : vector<16xi1>
        %convert_element_type3A_114 = arith.extui %or3A_113 : vector<16xi1> to vector<16xi32>
        %cumsum3A_115 = arith.constant true
        %cumsum3A_116 = vector.broadcast %cumsum3A_115 : i1 to vector<16xi1>
        %cumsum3A_117 = tpu.scan <sum>, %convert_element_type3A_114 masked %cumsum3A_116 : vector<16xi32>, vector<16xi1> -> vector<16xi32>
        %sub3A_118 = arith.subi %cumsum3A_117, %convert_element_type3A_114 : vector<16xi32>
        %add3A_119 = vector.broadcast %add3A_82 : i32 to vector<16xi32>
        %add3A_120 = arith.addi %sub3A_118, %add3A_119 : vector<16xi32>
        %mul3A_121 = arith.constant 16 : i32
        %mul3A_122 = arith.muli %scan3A_90, %mul3A_121 : i32
        %mul3A_123 = arith.constant 8192 : i32
        %mul3A_124 = arith.muli %arg1, %mul3A_123 : i32
        %add3A_125 = arith.addi %mul3A_122, %mul3A_124 : i32
        %add3A_126 = vector.broadcast %add3A_125 : i32 to vector<16xi32>
        %add3A_127 = arith.addi %iota3A, %add3A_126 : vector<16xi32>
        tpu.vector_store_idx %arg15[%add3A_120], %xor3A_102 masked %or3A_113 : memref<512xi32, #tpu.memory_space<vmem>>[vector<16xi32>], vector<16xi32>, vector<16xi1>
        tpu.vector_store_idx %arg16[%add3A_120], %add3A_127 masked %or3A_113 : memref<512xi32, #tpu.memory_space<vmem>>[vector<16xi32>], vector<16xi32>, vector<16xi1>
        tpu.vector_store_idx %arg17[%add3A_120], %get3A_94 masked %or3A_113 : memref<512xf32, #tpu.memory_space<vmem>>[vector<16xi32>], vector<16xf32>, vector<16xi1>
        %reduce_sum3A_128 = arith.constant true
        %reduce_sum3A_129 = vector.broadcast %reduce_sum3A_128 : i1 to vector<16xi1>
        %reduce_sum3A_130 = tpu.scan <sum>, %convert_element_type3A_114 masked %reduce_sum3A_129 : vector<16xi32>, vector<16xi1> -> vector<16xi32>
        %reduce_sum3A_131 = vector.extract %reduce_sum3A_130[15] : i32 from vector<16xi32>
        %add3A_132 = arith.addi %add3A_82, %reduce_sum3A_131 : i32
        %convert_element_type3A_133 = arith.extui %eq3A_104 : vector<16xi1> to vector<16xi32>
        %reduce_sum3A_134 = arith.constant true
        %reduce_sum3A_135 = vector.broadcast %reduce_sum3A_134 : i1 to vector<16xi1>
        %reduce_sum3A_136 = tpu.scan <sum>, %convert_element_type3A_133 masked %reduce_sum3A_135 : vector<16xi32>, vector<16xi1> -> vector<16xi32>
        %reduce_sum3A_137 = vector.extract %reduce_sum3A_136[15] : i32 from vector<16xi32>
        %add3A_138 = arith.addi %add3A_88, %reduce_sum3A_137 : i32
        %scan3A_139 = arith.constant 2 : i32
        %scan3A_140 = arith.addi %scan3A_48, %scan3A_139 : i32
        %mul3A_141 = arith.constant 16 : i32
        %mul3A_142 = arith.muli %scan3A_140, %mul3A_141 : i32
        %get3A_143 = arith.index_cast %mul3A_142 : i32 to index
        %get3A_144 = tpu.vector_load %arg12[%get3A_143] {strides = array<i32>} : memref<8192xf32, #tpu.memory_space<vmem>>, vector<16xf32>,
        %bitcast_convert_type3A_145 = tpu.bitcast %get3A_144 : vector<16xf32> -> vector<16xi32>
        %shift_right_arithmetic3A_146 = arith.constant 31 : i32
        %shift_right_arithmetic3A_147 = vector.broadcast %shift_right_arithmetic3A_146 : i32 to vector<16xi32>
        %shift_right_arithmetic3A_148 = arith.shrsi %bitcast_convert_type3A_145, %shift_right_arithmetic3A_147 : vector<16xi32>
        %and3A_149 = arith.constant 2147483647 : i32
        %and3A_150 = vector.broadcast %and3A_149 : i32 to vector<16xi32>
        %and3A_151 = arith.andi %shift_right_arithmetic3A_148, %and3A_150 : vector<16xi32>
        %xor3A_152 = arith.xori %bitcast_convert_type3A_145, %and3A_151 : vector<16xi32>
        %gt3A_153 = arith.cmpi sgt, %xor3A_152, %get3A_27 : vector<16xi32>
        %eq3A_154 = arith.cmpi eq, %xor3A_152, %get3A_27 : vector<16xi32>
        %convert_element_type3A_155 = arith.extui %eq3A_154 : vector<16xi1> to vector<16xi32>
        %cumsum3A_156 = arith.constant true
        %cumsum3A_157 = vector.broadcast %cumsum3A_156 : i1 to vector<16xi1>
        %cumsum3A_158 = tpu.scan <sum>, %convert_element_type3A_155 masked %cumsum3A_157 : vector<16xi32>, vector<16xi1> -> vector<16xi32>
        %add3A_159 = vector.broadcast %add3A_138 : i32 to vector<16xi32>
        %add3A_160 = arith.addi %cumsum3A_158, %add3A_159 : vector<16xi32>
        %le3A_161 = arith.cmpi sle, %add3A_160, %get3A_29 : vector<16xi32>
        %and3A_162 = arith.andi %eq3A_154, %le3A_161 : vector<16xi1>
        %or3A_163 = arith.ori %gt3A_153, %and3A_162 : vector<16xi1>
        %convert_element_type3A_164 = arith.extui %or3A_163 : vector<16xi1> to vector<16xi32>
        %cumsum3A_165 = arith.constant true
        %cumsum3A_166 = vector.broadcast %cumsum3A_165 : i1 to vector<16xi1>
        %cumsum3A_167 = tpu.scan <sum>, %convert_element_type3A_164 masked %cumsum3A_166 : vector<16xi32>, vector<16xi1> -> vector<16xi32>
        %sub3A_168 = arith.subi %cumsum3A_167, %convert_element_type3A_164 : vector<16xi32>
        %add3A_169 = vector.broadcast %add3A_132 : i32 to vector<16xi32>
        %add3A_170 = arith.addi %sub3A_168, %add3A_169 : vector<16xi32>
        %mul3A_171 = arith.constant 16 : i32
        %mul3A_172 = arith.muli %scan3A_140, %mul3A_171 : i32
        %mul3A_173 = arith.constant 8192 : i32
        %mul3A_174 = arith.muli %arg1, %mul3A_173 : i32
        %add3A_175 = arith.addi %mul3A_172, %mul3A_174 : i32
        %add3A_176 = vector.broadcast %add3A_175 : i32 to vector<16xi32>
        %add3A_177 = arith.addi %iota3A, %add3A_176 : vector<16xi32>
        tpu.vector_store_idx %arg15[%add3A_170], %xor3A_152 masked %or3A_163 : memref<512xi32, #tpu.memory_space<vmem>>[vector<16xi32>], vector<16xi32>, vector<16xi1>
        tpu.vector_store_idx %arg16[%add3A_170], %add3A_177 masked %or3A_163 : memref<512xi32, #tpu.memory_space<vmem>>[vector<16xi32>], vector<16xi32>, vector<16xi1>
        tpu.vector_store_idx %arg17[%add3A_170], %get3A_144 masked %or3A_163 : memref<512xf32, #tpu.memory_space<vmem>>[vector<16xi32>], vector<16xf32>, vector<16xi1>
        %reduce_sum3A_178 = arith.constant true
        %reduce_sum3A_179 = vector.broadcast %reduce_sum3A_178 : i1 to vector<16xi1>
        %reduce_sum3A_180 = tpu.scan <sum>, %convert_element_type3A_164 masked %reduce_sum3A_179 : vector<16xi32>, vector<16xi1> -> vector<16xi32>
        %reduce_sum3A_181 = vector.extract %reduce_sum3A_180[15] : i32 from vector<16xi32>
        %add3A_182 = arith.addi %add3A_132, %reduce_sum3A_181 : i32
        %convert_element_type3A_183 = arith.extui %eq3A_154 : vector<16xi1> to vector<16xi32>
        %reduce_sum3A_184 = arith.constant true
        %reduce_sum3A_185 = vector.broadcast %reduce_sum3A_184 : i1 to vector<16xi1>
        %reduce_sum3A_186 = tpu.scan <sum>, %convert_element_type3A_183 masked %reduce_sum3A_185 : vector<16xi32>, vector<16xi1> -> vector<16xi32>
        %reduce_sum3A_187 = vector.extract %reduce_sum3A_186[15] : i32 from vector<16xi32>
        %add3A_188 = arith.addi %add3A_138, %reduce_sum3A_187 : i32
        %scan3A_189 = arith.constant 3 : i32
        %scan3A_190 = arith.addi %scan3A_48, %scan3A_189 : i32
        %mul3A_191 = arith.constant 16 : i32
        %mul3A_192 = arith.muli %scan3A_190, %mul3A_191 : i32
        %get3A_193 = arith.index_cast %mul3A_192 : i32 to index
        %get3A_194 = tpu.vector_load %arg12[%get3A_193] {strides = array<i32>} : memref<8192xf32, #tpu.memory_space<vmem>>, vector<16xf32>,
        %bitcast_convert_type3A_195 = tpu.bitcast %get3A_194 : vector<16xf32> -> vector<16xi32>
        %shift_right_arithmetic3A_196 = arith.constant 31 : i32
        %shift_right_arithmetic3A_197 = vector.broadcast %shift_right_arithmetic3A_196 : i32 to vector<16xi32>
        %shift_right_arithmetic3A_198 = arith.shrsi %bitcast_convert_type3A_195, %shift_right_arithmetic3A_197 : vector<16xi32>
        %and3A_199 = arith.constant 2147483647 : i32
        %and3A_200 = vector.broadcast %and3A_199 : i32 to vector<16xi32>
        %and3A_201 = arith.andi %shift_right_arithmetic3A_198, %and3A_200 : vector<16xi32>
        %xor3A_202 = arith.xori %bitcast_convert_type3A_195, %and3A_201 : vector<16xi32>
        %gt3A_203 = arith.cmpi sgt, %xor3A_202, %get3A_27 : vector<16xi32>
        %eq3A_204 = arith.cmpi eq, %xor3A_202, %get3A_27 : vector<16xi32>
        %convert_element_type3A_205 = arith.extui %eq3A_204 : vector<16xi1> to vector<16xi32>
        %cumsum3A_206 = arith.constant true
        %cumsum3A_207 = vector.broadcast %cumsum3A_206 : i1 to vector<16xi1>
        %cumsum3A_208 = tpu.scan <sum>, %convert_element_type3A_205 masked %cumsum3A_207 : vector<16xi32>, vector<16xi1> -> vector<16xi32>
        %add3A_209 = vector.broadcast %add3A_188 : i32 to vector<16xi32>
        %add3A_210 = arith.addi %cumsum3A_208, %add3A_209 : vector<16xi32>
        %le3A_211 = arith.cmpi sle, %add3A_210, %get3A_29 : vector<16xi32>
        %and3A_212 = arith.andi %eq3A_204, %le3A_211 : vector<16xi1>
        %or3A_213 = arith.ori %gt3A_203, %and3A_212 : vector<16xi1>
        %convert_element_type3A_214 = arith.extui %or3A_213 : vector<16xi1> to vector<16xi32>
        %cumsum3A_215 = arith.constant true
        %cumsum3A_216 = vector.broadcast %cumsum3A_215 : i1 to vector<16xi1>
        %cumsum3A_217 = tpu.scan <sum>, %convert_element_type3A_214 masked %cumsum3A_216 : vector<16xi32>, vector<16xi1> -> vector<16xi32>
        %sub3A_218 = arith.subi %cumsum3A_217, %convert_element_type3A_214 : vector<16xi32>
        %add3A_219 = vector.broadcast %add3A_182 : i32 to vector<16xi32>
        %add3A_220 = arith.addi %sub3A_218, %add3A_219 : vector<16xi32>
        %mul3A_221 = arith.constant 16 : i32
        %mul3A_222 = arith.muli %scan3A_190, %mul3A_221 : i32
        %mul3A_223 = arith.constant 8192 : i32
        %mul3A_224 = arith.muli %arg1, %mul3A_223 : i32
        %add3A_225 = arith.addi %mul3A_222, %mul3A_224 : i32
        %add3A_226 = vector.broadcast %add3A_225 : i32 to vector<16xi32>
        %add3A_227 = arith.addi %iota3A, %add3A_226 : vector<16xi32>
        tpu.vector_store_idx %arg15[%add3A_220], %xor3A_202 masked %or3A_213 : memref<512xi32, #tpu.memory_space<vmem>>[vector<16xi32>], vector<16xi32>, vector<16xi1>
        tpu.vector_store_idx %arg16[%add3A_220], %add3A_227 masked %or3A_213 : memref<512xi32, #tpu.memory_space<vmem>>[vector<16xi32>], vector<16xi32>, vector<16xi1>
        tpu.vector_store_idx %arg17[%add3A_220], %get3A_194 masked %or3A_213 : memref<512xf32, #tpu.memory_space<vmem>>[vector<16xi32>], vector<16xf32>, vector<16xi1>
        %reduce_sum3A_228 = arith.constant true
        %reduce_sum3A_229 = vector.broadcast %reduce_sum3A_228 : i1 to vector<16xi1>
        %reduce_sum3A_230 = tpu.scan <sum>, %convert_element_type3A_214 masked %reduce_sum3A_229 : vector<16xi32>, vector<16xi1> -> vector<16xi32>
        %reduce_sum3A_231 = vector.extract %reduce_sum3A_230[15] : i32 from vector<16xi32>
        %add3A_232 = arith.addi %add3A_182, %reduce_sum3A_231 : i32
        %convert_element_type3A_233 = arith.extui %eq3A_204 : vector<16xi1> to vector<16xi32>
        %reduce_sum3A_234 = arith.constant true
        %reduce_sum3A_235 = vector.broadcast %reduce_sum3A_234 : i1 to vector<16xi1>
        %reduce_sum3A_236 = tpu.scan <sum>, %convert_element_type3A_233 masked %reduce_sum3A_235 : vector<16xi32>, vector<16xi1> -> vector<16xi32>
        %reduce_sum3A_237 = vector.extract %reduce_sum3A_236[15] : i32 from vector<16xi32>
        %add3A_238 = arith.addi %add3A_188, %reduce_sum3A_237 : i32
        scf.yield %add3A_232, %add3A_238 : i32, i32
      }
      %scan3A_36 = arith.constant 512 : i32
      %scan3A_37 = arith.constant 0 : i32
      %scan3A_38 = arith.constant 0 : i32
      %scan3A_39 = arith.constant 512 : i32
      %scan3A_40 = arith.addi %scan3A_38, %scan3A_39 : i32
      %scan3A_41 = arith.constant 1 : i32
      %scan3A_42 = scf.for %scan3A_48 = %scan3A_38 to %scan3A_40 step %scan3A_41 iter_args(%scan3A_49 = %scan3A_37) -> (i32)  : i32 {
        %jit3A = arith.constant 16 : i32
        %div3A = arith.divsi %scan3A_48, %jit3A : i32
        %sign3A = arith.constant 0 : i32
        %sign3A_50 = arith.cmpi sgt, %scan3A_48, %sign3A : i32
        %sign3A_51 = arith.extui %sign3A_50 : i1 to i32
        %sign3A_52 = arith.constant 0 : i32
        %sign3A_53 = arith.cmpi slt, %scan3A_48, %sign3A_52 : i32
        %sign3A_54 = arith.extui %sign3A_53 : i1 to i32
        %sign3A_55 = arith.subi %sign3A_51, %sign3A_54 : i32
        %sign3A_56 = arith.constant 0 : i32
        %sign3A_57 = arith.cmpi sgt, %jit3A, %sign3A_56 : i32
        %sign3A_58 = arith.extui %sign3A_57 : i1 to i32
        %sign3A_59 = arith.constant 0 : i32
        %sign3A_60 = arith.cmpi slt, %jit3A, %sign3A_59 : i32
        %sign3A_61 = arith.extui %sign3A_60 : i1 to i32
        %sign3A_62 = arith.subi %sign3A_58, %sign3A_61 : i32
        %ne3A = arith.cmpi ne, %sign3A_55, %sign3A_62 : i32
        %rem3A = arith.remsi %scan3A_48, %jit3A : i32
        %ne3A_63 = arith.constant 0 : i32
        %ne3A_64 = arith.cmpi ne, %rem3A, %ne3A_63 : i32
        %and3A_65 = arith.andi %ne3A, %ne3A_64 : i1
        %sub3A = arith.constant 1 : i32
        %sub3A_66 = arith.subi %div3A, %sub3A : i32
        %select_n3A = arith.select %and3A_65, %sub3A_66, %div3A : i32
        %mul3A_67 = arith.constant 16 : i32
        %mul3A_68 = arith.muli %select_n3A, %mul3A_67 : i32
        %sub3A_69 = arith.subi %scan3A_48, %mul3A_68 : i32
        %get3A_70 = arith.index_cast %mul3A_68 : i32 to index
        %get3A_71 = tpu.vector_load %arg15[%get3A_70] {strides = array<i32>} : memref<512xi32, #tpu.memory_space<vmem>>, vector<16xi32>,
        %eq3A = vector.broadcast %sub3A_69 : i32 to vector<16xi32>
        %eq3A_72 = arith.cmpi eq, %iota3A, %eq3A : vector<16xi32>
        %jit3A_73 = arith.constant 0 : i32
        %broadcast_in_dim3A = vector.broadcast %jit3A_73 : i32 to vector<16xi32>
        %select_n3A_74 = arith.select %eq3A_72, %get3A_71, %broadcast_in_dim3A : vector<16xi1>, vector<16xi32>
        %reduce_sum3A = arith.constant true
        %reduce_sum3A_75 = vector.broadcast %reduce_sum3A : i1 to vector<16xi1>
        %reduce_sum3A_76 = tpu.scan <sum>, %select_n3A_74 masked %reduce_sum3A_75 : vector<16xi32>, vector<16xi1> -> vector<16xi32>
        %reduce_sum3A_77 = vector.extract %reduce_sum3A_76[15] : i32 from vector<16xi32>
        %broadcast_in_dim3A_78 = arith.constant 0 : i32
        %broadcast_in_dim3A_79 = vector.broadcast %broadcast_in_dim3A_78 : i32 to vector<16xi32>
        %scan3A_80 = arith.constant 0 : i32
        %scan3A_81 = arith.constant 32 : i32
        %scan3A_82 = arith.addi %scan3A_80, %scan3A_81 : i32
        %scan3A_83 = arith.constant 8 : i32
        %scan3A_84 = scf.for %scan3A_119 = %scan3A_80 to %scan3A_82 step %scan3A_83 iter_args(%scan3A_120 = %broadcast_in_dim3A_79) -> (vector<16xi32>)  : i32 {
          %mul3A_121 = arith.constant 16 : i32
          %mul3A_122 = arith.muli %scan3A_119, %mul3A_121 : i32
          %get3A_123 = arith.index_cast %mul3A_122 : i32 to index
          %get3A_124 = tpu.vector_load %arg15[%get3A_123] {strides = array<i32>} : memref<512xi32, #tpu.memory_space<vmem>>, vector<16xi32>,
          %mul3A_125 = arith.constant 16 : i32
          %mul3A_126 = arith.muli %scan3A_119, %mul3A_125 : i32
          %add3A_127 = vector.broadcast %mul3A_126 : i32 to vector<16xi32>
          %add3A_128 = arith.addi %iota3A, %add3A_127 : vector<16xi32>
          %gt3A = vector.broadcast %reduce_sum3A_77 : i32 to vector<16xi32>
          %gt3A_129 = arith.cmpi sgt, %get3A_124, %gt3A : vector<16xi32>
          %convert_element_type3A_130 = arith.extui %gt3A_129 : vector<16xi1> to vector<16xi32>
          %eq3A_131 = vector.broadcast %reduce_sum3A_77 : i32 to vector<16xi32>
          %eq3A_132 = arith.cmpi eq, %get3A_124, %eq3A_131 : vector<16xi32>
          %lt3A_133 = vector.broadcast %scan3A_48 : i32 to vector<16xi32>
          %lt3A_134 = arith.cmpi slt, %add3A_128, %lt3A_133 : vector<16xi32>
          %and3A_135 = arith.andi %eq3A_132, %lt3A_134 : vector<16xi1>
          %convert_element_type3A_136 = arith.extui %and3A_135 : vector<16xi1> to vector<16xi32>
          %add3A_137 = arith.addi %scan3A_120, %convert_element_type3A_130 : vector<16xi32>
          %add3A_138 = arith.addi %add3A_137, %convert_element_type3A_136 : vector<16xi32>
          %scan3A_139 = arith.constant 1 : i32
          %scan3A_140 = arith.addi %scan3A_119, %scan3A_139 : i32
          %mul3A_141 = arith.constant 16 : i32
          %mul3A_142 = arith.muli %scan3A_140, %mul3A_141 : i32
          %get3A_143 = arith.index_cast %mul3A_142 : i32 to index
          %get3A_144 = tpu.vector_load %arg15[%get3A_143] {strides = array<i32>} : memref<512xi32, #tpu.memory_space<vmem>>, vector<16xi32>,
          %mul3A_145 = arith.constant 16 : i32
          %mul3A_146 = arith.muli %scan3A_140, %mul3A_145 : i32
          %add3A_147 = vector.broadcast %mul3A_146 : i32 to vector<16xi32>
          %add3A_148 = arith.addi %iota3A, %add3A_147 : vector<16xi32>
          %gt3A_149 = vector.broadcast %reduce_sum3A_77 : i32 to vector<16xi32>
          %gt3A_150 = arith.cmpi sgt, %get3A_144, %gt3A_149 : vector<16xi32>
          %convert_element_type3A_151 = arith.extui %gt3A_150 : vector<16xi1> to vector<16xi32>
          %eq3A_152 = vector.broadcast %reduce_sum3A_77 : i32 to vector<16xi32>
          %eq3A_153 = arith.cmpi eq, %get3A_144, %eq3A_152 : vector<16xi32>
          %lt3A_154 = vector.broadcast %scan3A_48 : i32 to vector<16xi32>
          %lt3A_155 = arith.cmpi slt, %add3A_148, %lt3A_154 : vector<16xi32>
          %and3A_156 = arith.andi %eq3A_153, %lt3A_155 : vector<16xi1>
          %convert_element_type3A_157 = arith.extui %and3A_156 : vector<16xi1> to vector<16xi32>
          %add3A_158 = arith.addi %add3A_138, %convert_element_type3A_151 : vector<16xi32>
          %add3A_159 = arith.addi %add3A_158, %convert_element_type3A_157 : vector<16xi32>
          %scan3A_160 = arith.constant 2 : i32
          %scan3A_161 = arith.addi %scan3A_119, %scan3A_160 : i32
          %mul3A_162 = arith.constant 16 : i32
          %mul3A_163 = arith.muli %scan3A_161, %mul3A_162 : i32
          %get3A_164 = arith.index_cast %mul3A_163 : i32 to index
          %get3A_165 = tpu.vector_load %arg15[%get3A_164] {strides = array<i32>} : memref<512xi32, #tpu.memory_space<vmem>>, vector<16xi32>,
          %mul3A_166 = arith.constant 16 : i32
          %mul3A_167 = arith.muli %scan3A_161, %mul3A_166 : i32
          %add3A_168 = vector.broadcast %mul3A_167 : i32 to vector<16xi32>
          %add3A_169 = arith.addi %iota3A, %add3A_168 : vector<16xi32>
          %gt3A_170 = vector.broadcast %reduce_sum3A_77 : i32 to vector<16xi32>
          %gt3A_171 = arith.cmpi sgt, %get3A_165, %gt3A_170 : vector<16xi32>
          %convert_element_type3A_172 = arith.extui %gt3A_171 : vector<16xi1> to vector<16xi32>
          %eq3A_173 = vector.broadcast %reduce_sum3A_77 : i32 to vector<16xi32>
          %eq3A_174 = arith.cmpi eq, %get3A_165, %eq3A_173 : vector<16xi32>
          %lt3A_175 = vector.broadcast %scan3A_48 : i32 to vector<16xi32>
          %lt3A_176 = arith.cmpi slt, %add3A_169, %lt3A_175 : vector<16xi32>
          %and3A_177 = arith.andi %eq3A_174, %lt3A_176 : vector<16xi1>
          %convert_element_type3A_178 = arith.extui %and3A_177 : vector<16xi1> to vector<16xi32>
          %add3A_179 = arith.addi %add3A_159, %convert_element_type3A_172 : vector<16xi32>
          %add3A_180 = arith.addi %add3A_179, %convert_element_type3A_178 : vector<16xi32>
          %scan3A_181 = arith.constant 3 : i32
          %scan3A_182 = arith.addi %scan3A_119, %scan3A_181 : i32
          %mul3A_183 = arith.constant 16 : i32
          %mul3A_184 = arith.muli %scan3A_182, %mul3A_183 : i32
          %get3A_185 = arith.index_cast %mul3A_184 : i32 to index
          %get3A_186 = tpu.vector_load %arg15[%get3A_185] {strides = array<i32>} : memref<512xi32, #tpu.memory_space<vmem>>, vector<16xi32>,
          %mul3A_187 = arith.constant 16 : i32
          %mul3A_188 = arith.muli %scan3A_182, %mul3A_187 : i32
          %add3A_189 = vector.broadcast %mul3A_188 : i32 to vector<16xi32>
          %add3A_190 = arith.addi %iota3A, %add3A_189 : vector<16xi32>
          %gt3A_191 = vector.broadcast %reduce_sum3A_77 : i32 to vector<16xi32>
          %gt3A_192 = arith.cmpi sgt, %get3A_186, %gt3A_191 : vector<16xi32>
          %convert_element_type3A_193 = arith.extui %gt3A_192 : vector<16xi1> to vector<16xi32>
          %eq3A_194 = vector.broadcast %reduce_sum3A_77 : i32 to vector<16xi32>
          %eq3A_195 = arith.cmpi eq, %get3A_186, %eq3A_194 : vector<16xi32>
          %lt3A_196 = vector.broadcast %scan3A_48 : i32 to vector<16xi32>
          %lt3A_197 = arith.cmpi slt, %add3A_190, %lt3A_196 : vector<16xi32>
          %and3A_198 = arith.andi %eq3A_195, %lt3A_197 : vector<16xi1>
          %convert_element_type3A_199 = arith.extui %and3A_198 : vector<16xi1> to vector<16xi32>
          %add3A_200 = arith.addi %add3A_180, %convert_element_type3A_193 : vector<16xi32>
          %add3A_201 = arith.addi %add3A_200, %convert_element_type3A_199 : vector<16xi32>
          %scan3A_202 = arith.constant 4 : i32
          %scan3A_203 = arith.addi %scan3A_119, %scan3A_202 : i32
          %mul3A_204 = arith.constant 16 : i32
          %mul3A_205 = arith.muli %scan3A_203, %mul3A_204 : i32
          %get3A_206 = arith.index_cast %mul3A_205 : i32 to index
          %get3A_207 = tpu.vector_load %arg15[%get3A_206] {strides = array<i32>} : memref<512xi32, #tpu.memory_space<vmem>>, vector<16xi32>,
          %mul3A_208 = arith.constant 16 : i32
          %mul3A_209 = arith.muli %scan3A_203, %mul3A_208 : i32
          %add3A_210 = vector.broadcast %mul3A_209 : i32 to vector<16xi32>
          %add3A_211 = arith.addi %iota3A, %add3A_210 : vector<16xi32>
          %gt3A_212 = vector.broadcast %reduce_sum3A_77 : i32 to vector<16xi32>
          %gt3A_213 = arith.cmpi sgt, %get3A_207, %gt3A_212 : vector<16xi32>
          %convert_element_type3A_214 = arith.extui %gt3A_213 : vector<16xi1> to vector<16xi32>
          %eq3A_215 = vector.broadcast %reduce_sum3A_77 : i32 to vector<16xi32>
          %eq3A_216 = arith.cmpi eq, %get3A_207, %eq3A_215 : vector<16xi32>
          %lt3A_217 = vector.broadcast %scan3A_48 : i32 to vector<16xi32>
          %lt3A_218 = arith.cmpi slt, %add3A_211, %lt3A_217 : vector<16xi32>
          %and3A_219 = arith.andi %eq3A_216, %lt3A_218 : vector<16xi1>
          %convert_element_type3A_220 = arith.extui %and3A_219 : vector<16xi1> to vector<16xi32>
          %add3A_221 = arith.addi %add3A_201, %convert_element_type3A_214 : vector<16xi32>
          %add3A_222 = arith.addi %add3A_221, %convert_element_type3A_220 : vector<16xi32>
          %scan3A_223 = arith.constant 5 : i32
          %scan3A_224 = arith.addi %scan3A_119, %scan3A_223 : i32
          %mul3A_225 = arith.constant 16 : i32
          %mul3A_226 = arith.muli %scan3A_224, %mul3A_225 : i32
          %get3A_227 = arith.index_cast %mul3A_226 : i32 to index
          %get3A_228 = tpu.vector_load %arg15[%get3A_227] {strides = array<i32>} : memref<512xi32, #tpu.memory_space<vmem>>, vector<16xi32>,
          %mul3A_229 = arith.constant 16 : i32
          %mul3A_230 = arith.muli %scan3A_224, %mul3A_229 : i32
          %add3A_231 = vector.broadcast %mul3A_230 : i32 to vector<16xi32>
          %add3A_232 = arith.addi %iota3A, %add3A_231 : vector<16xi32>
          %gt3A_233 = vector.broadcast %reduce_sum3A_77 : i32 to vector<16xi32>
          %gt3A_234 = arith.cmpi sgt, %get3A_228, %gt3A_233 : vector<16xi32>
          %convert_element_type3A_235 = arith.extui %gt3A_234 : vector<16xi1> to vector<16xi32>
          %eq3A_236 = vector.broadcast %reduce_sum3A_77 : i32 to vector<16xi32>
          %eq3A_237 = arith.cmpi eq, %get3A_228, %eq3A_236 : vector<16xi32>
          %lt3A_238 = vector.broadcast %scan3A_48 : i32 to vector<16xi32>
          %lt3A_239 = arith.cmpi slt, %add3A_232, %lt3A_238 : vector<16xi32>
          %and3A_240 = arith.andi %eq3A_237, %lt3A_239 : vector<16xi1>
          %convert_element_type3A_241 = arith.extui %and3A_240 : vector<16xi1> to vector<16xi32>
          %add3A_242 = arith.addi %add3A_222, %convert_element_type3A_235 : vector<16xi32>
          %add3A_243 = arith.addi %add3A_242, %convert_element_type3A_241 : vector<16xi32>
          %scan3A_244 = arith.constant 6 : i32
          %scan3A_245 = arith.addi %scan3A_119, %scan3A_244 : i32
          %mul3A_246 = arith.constant 16 : i32
          %mul3A_247 = arith.muli %scan3A_245, %mul3A_246 : i32
          %get3A_248 = arith.index_cast %mul3A_247 : i32 to index
          %get3A_249 = tpu.vector_load %arg15[%get3A_248] {strides = array<i32>} : memref<512xi32, #tpu.memory_space<vmem>>, vector<16xi32>,
          %mul3A_250 = arith.constant 16 : i32
          %mul3A_251 = arith.muli %scan3A_245, %mul3A_250 : i32
          %add3A_252 = vector.broadcast %mul3A_251 : i32 to vector<16xi32>
          %add3A_253 = arith.addi %iota3A, %add3A_252 : vector<16xi32>
          %gt3A_254 = vector.broadcast %reduce_sum3A_77 : i32 to vector<16xi32>
          %gt3A_255 = arith.cmpi sgt, %get3A_249, %gt3A_254 : vector<16xi32>
          %convert_element_type3A_256 = arith.extui %gt3A_255 : vector<16xi1> to vector<16xi32>
          %eq3A_257 = vector.broadcast %reduce_sum3A_77 : i32 to vector<16xi32>
          %eq3A_258 = arith.cmpi eq, %get3A_249, %eq3A_257 : vector<16xi32>
          %lt3A_259 = vector.broadcast %scan3A_48 : i32 to vector<16xi32>
          %lt3A_260 = arith.cmpi slt, %add3A_253, %lt3A_259 : vector<16xi32>
          %and3A_261 = arith.andi %eq3A_258, %lt3A_260 : vector<16xi1>
          %convert_element_type3A_262 = arith.extui %and3A_261 : vector<16xi1> to vector<16xi32>
          %add3A_263 = arith.addi %add3A_243, %convert_element_type3A_256 : vector<16xi32>
          %add3A_264 = arith.addi %add3A_263, %convert_element_type3A_262 : vector<16xi32>
          %scan3A_265 = arith.constant 7 : i32
          %scan3A_266 = arith.addi %scan3A_119, %scan3A_265 : i32
          %mul3A_267 = arith.constant 16 : i32
          %mul3A_268 = arith.muli %scan3A_266, %mul3A_267 : i32
          %get3A_269 = arith.index_cast %mul3A_268 : i32 to index
          %get3A_270 = tpu.vector_load %arg15[%get3A_269] {strides = array<i32>} : memref<512xi32, #tpu.memory_space<vmem>>, vector<16xi32>,
          %mul3A_271 = arith.constant 16 : i32
          %mul3A_272 = arith.muli %scan3A_266, %mul3A_271 : i32
          %add3A_273 = vector.broadcast %mul3A_272 : i32 to vector<16xi32>
          %add3A_274 = arith.addi %iota3A, %add3A_273 : vector<16xi32>
          %gt3A_275 = vector.broadcast %reduce_sum3A_77 : i32 to vector<16xi32>
          %gt3A_276 = arith.cmpi sgt, %get3A_270, %gt3A_275 : vector<16xi32>
          %convert_element_type3A_277 = arith.extui %gt3A_276 : vector<16xi1> to vector<16xi32>
          %eq3A_278 = vector.broadcast %reduce_sum3A_77 : i32 to vector<16xi32>
          %eq3A_279 = arith.cmpi eq, %get3A_270, %eq3A_278 : vector<16xi32>
          %lt3A_280 = vector.broadcast %scan3A_48 : i32 to vector<16xi32>
          %lt3A_281 = arith.cmpi slt, %add3A_274, %lt3A_280 : vector<16xi32>
          %and3A_282 = arith.andi %eq3A_279, %lt3A_281 : vector<16xi1>
          %convert_element_type3A_283 = arith.extui %and3A_282 : vector<16xi1> to vector<16xi32>
          %add3A_284 = arith.addi %add3A_264, %convert_element_type3A_277 : vector<16xi32>
          %add3A_285 = arith.addi %add3A_284, %convert_element_type3A_283 : vector<16xi32>
          scf.yield %add3A_285 : vector<16xi32>
        }
        %scan3A_85 = arith.constant 32 : i32
        %reduce_sum3A_86 = arith.constant true
        %reduce_sum3A_87 = vector.broadcast %reduce_sum3A_86 : i1 to vector<16xi1>
        %reduce_sum3A_88 = tpu.scan <sum>, %scan3A_84 masked %reduce_sum3A_87 : vector<16xi32>, vector<16xi1> -> vector<16xi32>
        %reduce_sum3A_89 = vector.extract %reduce_sum3A_88[15] : i32 from vector<16xi32>
        %get3A_90 = arith.index_cast %mul3A_68 : i32 to index
        %get3A_91 = tpu.vector_load %arg16[%get3A_90] {strides = array<i32>} : memref<512xi32, #tpu.memory_space<vmem>>, vector<16xi32>,
        %eq3A_92 = vector.broadcast %sub3A_69 : i32 to vector<16xi32>
        %eq3A_93 = arith.cmpi eq, %iota3A, %eq3A_92 : vector<16xi32>
        %jit3A_94 = arith.constant 0 : i32
        %broadcast_in_dim3A_95 = vector.broadcast %jit3A_94 : i32 to vector<16xi32>
        %select_n3A_96 = arith.select %eq3A_93, %get3A_91, %broadcast_in_dim3A_95 : vector<16xi1>, vector<16xi32>
        %reduce_sum3A_97 = arith.constant true
        %reduce_sum3A_98 = vector.broadcast %reduce_sum3A_97 : i1 to vector<16xi1>
        %reduce_sum3A_99 = tpu.scan <sum>, %select_n3A_96 masked %reduce_sum3A_98 : vector<16xi32>, vector<16xi1> -> vector<16xi32>
        %reduce_sum3A_100 = vector.extract %reduce_sum3A_99[15] : i32 from vector<16xi32>
        %get3A_101 = arith.index_cast %mul3A_68 : i32 to index
        %get3A_102 = tpu.vector_load %arg17[%get3A_101] {strides = array<i32>} : memref<512xf32, #tpu.memory_space<vmem>>, vector<16xf32>,
        %eq3A_103 = vector.broadcast %sub3A_69 : i32 to vector<16xi32>
        %eq3A_104 = arith.cmpi eq, %iota3A, %eq3A_103 : vector<16xi32>
        %jit3A_105 = arith.constant 0.000000e+00 : f32
        %broadcast_in_dim3A_106 = vector.broadcast %jit3A_105 : f32 to vector<16xf32>
        %select_n3A_107 = arith.select %eq3A_104, %get3A_102, %broadcast_in_dim3A_106 : vector<16xi1>, vector<16xf32>
        %reduce_sum3A_108 = arith.constant true
        %reduce_sum3A_109 = vector.broadcast %reduce_sum3A_108 : i1 to vector<16xi1>
        %reduce_sum3A_110 = tpu.scan <sum>, %select_n3A_107 masked %reduce_sum3A_109 : vector<16xf32>, vector<16xi1> -> vector<16xf32>
        %reduce_sum3A_111 = vector.extract %reduce_sum3A_110[15] : f32 from vector<16xf32>
        %eq3A_112 = arith.constant 0 : i32
        %eq3A_113 = vector.broadcast %eq3A_112 : i32 to vector<16xi32>
        %eq3A_114 = arith.cmpi eq, %iota3A, %eq3A_113 : vector<16xi32>
        %broadcast_in_dim3A_115 = vector.broadcast %reduce_sum3A_89 : i32 to vector<16xi32>
        %broadcast_in_dim3A_116 = vector.broadcast %reduce_sum3A_100 : i32 to vector<16xi32>
        tpu.vector_store_idx %arg18[%broadcast_in_dim3A_115], %broadcast_in_dim3A_116 masked %eq3A_114 : memref<512xi32, #tpu.memory_space<vmem>>[vector<16xi32>], vector<16xi32>, vector<16xi1>
        %broadcast_in_dim3A_117 = vector.broadcast %reduce_sum3A_111 : f32 to vector<16xf32>
        tpu.vector_store_idx %arg19[%broadcast_in_dim3A_115], %broadcast_in_dim3A_117 masked %eq3A_114 : memref<512xf32, #tpu.memory_space<vmem>>[vector<16xi32>], vector<16xf32>, vector<16xi1>
        %scan3A_118 = arith.constant 0 : i32
        scf.yield %scan3A_118 : i32
      }
      %scan3A_43 = arith.constant 512 : i32
      %mul3A_44 = arith.constant 512 : i32
      %mul3A_45 = arith.muli %arg1, %mul3A_44 : i32
      "tpu.region"() ({
        %run_scoped3A = tpu.sem_alloc : memref<!tpu.dma_semaphore, #tpu.memory_space<semaphore_mem>>
        %dma_start3A_48 = arith.constant 0 : i32
        %dma_start3A_49 = tpu.memref_slice %arg18[%dma_start3A_48] : memref<512xi32, #tpu.memory_space<vmem>> -> memref<512xi32, #tpu.memory_space<vmem>>
        %dma_start3A_50 = tpu.memref_slice %arg8[%mul3A_45] : memref<2048xi32, #tpu.memory_space<hbm>> -> memref<512xi32, #tpu.memory_space<hbm>>
        %dma_start3A_51 = tpu.memref_slice %arg8[%mul3A_45] : memref<2048xi32, #tpu.memory_space<hbm>> -> memref<512xi32, #tpu.memory_space<hbm>>
        %dma_start3A_52 = arith.constant 0 : i32
        %dma_start3A_53 = tpu.memref_slice %arg18[%dma_start3A_52] : memref<512xi32, #tpu.memory_space<vmem>> -> memref<512xi32, #tpu.memory_space<vmem>>
        tpu.enqueue_dma source(%dma_start3A_53 : memref<512xi32, #tpu.memory_space<vmem>>) target(%dma_start3A_51 : memref<512xi32, #tpu.memory_space<hbm>>) target_semaphore(%run_scoped3A : memref<!tpu.dma_semaphore, #tpu.memory_space<semaphore_mem>>)
        %dma_wait3A_54 = arith.constant 0 : i32
        %dma_wait3A_55 = tpu.memref_slice %arg18[%dma_wait3A_54] : memref<512xi32, #tpu.memory_space<vmem>> -> memref<512xi32, #tpu.memory_space<vmem>>
        %dma_wait3A_56 = tpu.memref_slice %arg8[%mul3A_45] : memref<2048xi32, #tpu.memory_space<hbm>> -> memref<512xi32, #tpu.memory_space<hbm>>
        %dma_wait3A_57 = tpu.memref_slice %arg8[%mul3A_45] : memref<2048xi32, #tpu.memory_space<hbm>> -> memref<512xi32, #tpu.memory_space<hbm>>
        %dma_wait3A_58 = arith.constant 0 : i32
        %dma_wait3A_59 = tpu.memref_slice %arg18[%dma_wait3A_58] : memref<512xi32, #tpu.memory_space<vmem>> -> memref<512xi32, #tpu.memory_space<vmem>>
        tpu.wait_dma2 semaphore(%run_scoped3A : memref<!tpu.dma_semaphore, #tpu.memory_space<semaphore_mem>>) src(%dma_wait3A_59 : memref<512xi32, #tpu.memory_space<vmem>>) dst(%dma_wait3A_57 : memref<512xi32, #tpu.memory_space<hbm>>)
        tpu.yield
      }) : () -> ()
      %mul3A_46 = arith.constant 512 : i32
      %mul3A_47 = arith.muli %arg1, %mul3A_46 : i32
      "tpu.region"() ({
        %run_scoped3A = tpu.sem_alloc : memref<!tpu.dma_semaphore, #tpu.memory_space<semaphore_mem>>
        %dma_start3A_48 = arith.constant 0 : i32
        %dma_start3A_49 = tpu.memref_slice %arg19[%dma_start3A_48] : memref<512xf32, #tpu.memory_space<vmem>> -> memref<512xf32, #tpu.memory_space<vmem>>
        %dma_start3A_50 = tpu.memref_slice %arg6[%mul3A_47] : memref<2048xf32, #tpu.memory_space<hbm>> -> memref<512xf32, #tpu.memory_space<hbm>>
        %dma_start3A_51 = tpu.memref_slice %arg6[%mul3A_47] : memref<2048xf32, #tpu.memory_space<hbm>> -> memref<512xf32, #tpu.memory_space<hbm>>
        %dma_start3A_52 = arith.constant 0 : i32
        %dma_start3A_53 = tpu.memref_slice %arg19[%dma_start3A_52] : memref<512xf32, #tpu.memory_space<vmem>> -> memref<512xf32, #tpu.memory_space<vmem>>
        tpu.enqueue_dma source(%dma_start3A_53 : memref<512xf32, #tpu.memory_space<vmem>>) target(%dma_start3A_51 : memref<512xf32, #tpu.memory_space<hbm>>) target_semaphore(%run_scoped3A : memref<!tpu.dma_semaphore, #tpu.memory_space<semaphore_mem>>)
        %dma_wait3A_54 = arith.constant 0 : i32
        %dma_wait3A_55 = tpu.memref_slice %arg19[%dma_wait3A_54] : memref<512xf32, #tpu.memory_space<vmem>> -> memref<512xf32, #tpu.memory_space<vmem>>
        %dma_wait3A_56 = tpu.memref_slice %arg6[%mul3A_47] : memref<2048xf32, #tpu.memory_space<hbm>> -> memref<512xf32, #tpu.memory_space<hbm>>
        %dma_wait3A_57 = tpu.memref_slice %arg6[%mul3A_47] : memref<2048xf32, #tpu.memory_space<hbm>> -> memref<512xf32, #tpu.memory_space<hbm>>
        %dma_wait3A_58 = arith.constant 0 : i32
        %dma_wait3A_59 = tpu.memref_slice %arg19[%dma_wait3A_58] : memref<512xf32, #tpu.memory_space<vmem>> -> memref<512xf32, #tpu.memory_space<vmem>>
        tpu.wait_dma2 semaphore(%run_scoped3A : memref<!tpu.dma_semaphore, #tpu.memory_space<semaphore_mem>>) src(%dma_wait3A_59 : memref<512xf32, #tpu.memory_space<vmem>>) dst(%dma_wait3A_57 : memref<512xf32, #tpu.memory_space<hbm>>)
        tpu.yield
      }) : () -> ()
    } else {
    }
    %ge3A = arith.constant 4 : i32
    %ge3A_3 = arith.cmpi sge, %arg1, %ge3A : i32
    %lt3A_4 = arith.constant 8 : i32
    %lt3A_5 = arith.cmpi slt, %arg1, %lt3A_4 : i32
    %and3A = arith.andi %ge3A_3, %lt3A_5 : i1
    %convert_element_type3A_6 = arith.extui %and3A : i1 to i32
    %cond3A_7 = arith.constant 0 : i32
    %cond3A_8 = arith.cmpi ne, %convert_element_type3A_6, %cond3A_7 : i32
    scf.if %cond3A_8 {
      %sub3A = arith.constant 4 : i32
      %sub3A_27 = arith.subi %arg1, %sub3A : i32
      "tpu.region"() ({
        %run_scoped3A = tpu.sem_alloc : memref<!tpu.dma_semaphore, #tpu.memory_space<semaphore_mem>>
        %dma_start3A_49 = arith.constant 0 : i32
        %dma_start3A_50 = tpu.memref_slice %arg2[%arg1, %dma_start3A_49] : memref<8x8192xf32, #tpu.memory_space<hbm>> -> memref<1x8192xf32, #tpu.memory_space<hbm>>
        %dma_start3A_51 = tpu.memref_squeeze %dma_start3A_50 : memref<1x8192xf32, #tpu.memory_space<hbm>> -> memref<8192xf32, #tpu.memory_space<hbm>>
        %dma_start3A_52 = arith.constant 0 : i32
        %dma_start3A_53 = tpu.memref_slice %arg2[%arg1, %dma_start3A_52] : memref<8x8192xf32, #tpu.memory_space<hbm>> -> memref<1x8192xf32, #tpu.memory_space<hbm>>
        %dma_start3A_54 = tpu.memref_squeeze %dma_start3A_53 : memref<1x8192xf32, #tpu.memory_space<hbm>> -> memref<8192xf32, #tpu.memory_space<hbm>>
        tpu.enqueue_dma source(%dma_start3A_54 : memref<8192xf32, #tpu.memory_space<hbm>>) target(%arg12 : memref<8192xf32, #tpu.memory_space<vmem>>) target_semaphore(%run_scoped3A : memref<!tpu.dma_semaphore, #tpu.memory_space<semaphore_mem>>)
        %dma_wait3A_55 = arith.constant 0 : i32
        %dma_wait3A_56 = tpu.memref_slice %arg2[%arg1, %dma_wait3A_55] : memref<8x8192xf32, #tpu.memory_space<hbm>> -> memref<1x8192xf32, #tpu.memory_space<hbm>>
        %dma_wait3A_57 = tpu.memref_squeeze %dma_wait3A_56 : memref<1x8192xf32, #tpu.memory_space<hbm>> -> memref<8192xf32, #tpu.memory_space<hbm>>
        %dma_wait3A_58 = arith.constant 0 : i32
        %dma_wait3A_59 = tpu.memref_slice %arg2[%arg1, %dma_wait3A_58] : memref<8x8192xf32, #tpu.memory_space<hbm>> -> memref<1x8192xf32, #tpu.memory_space<hbm>>
        %dma_wait3A_60 = tpu.memref_squeeze %dma_wait3A_59 : memref<1x8192xf32, #tpu.memory_space<hbm>> -> memref<8192xf32, #tpu.memory_space<hbm>>
        tpu.wait_dma2 semaphore(%run_scoped3A : memref<!tpu.dma_semaphore, #tpu.memory_space<semaphore_mem>>) src(%dma_wait3A_60 : memref<8192xf32, #tpu.memory_space<hbm>>) dst(%arg12 : memref<8192xf32, #tpu.memory_space<vmem>>)
        tpu.yield
      }) : () -> ()
      "tpu.region"() ({
        %run_scoped3A = tpu.sem_alloc : memref<!tpu.dma_semaphore, #tpu.memory_space<semaphore_mem>>
        %dma_start3A_49 = arith.constant 0 : i32
        %dma_start3A_50 = tpu.memref_slice %arg3[%arg1, %dma_start3A_49] : memref<8x16xi32, #tpu.memory_space<hbm>> -> memref<1x16xi32, #tpu.memory_space<hbm>>
        %dma_start3A_51 = tpu.memref_squeeze %dma_start3A_50 : memref<1x16xi32, #tpu.memory_space<hbm>> -> memref<16xi32, #tpu.memory_space<hbm>>
        %dma_start3A_52 = arith.constant 0 : i32
        %dma_start3A_53 = tpu.memref_slice %arg3[%arg1, %dma_start3A_52] : memref<8x16xi32, #tpu.memory_space<hbm>> -> memref<1x16xi32, #tpu.memory_space<hbm>>
        %dma_start3A_54 = tpu.memref_squeeze %dma_start3A_53 : memref<1x16xi32, #tpu.memory_space<hbm>> -> memref<16xi32, #tpu.memory_space<hbm>>
        tpu.enqueue_dma source(%dma_start3A_54 : memref<16xi32, #tpu.memory_space<hbm>>) target(%arg13 : memref<16xi32, #tpu.memory_space<vmem>>) target_semaphore(%run_scoped3A : memref<!tpu.dma_semaphore, #tpu.memory_space<semaphore_mem>>)
        %dma_wait3A_55 = arith.constant 0 : i32
        %dma_wait3A_56 = tpu.memref_slice %arg3[%arg1, %dma_wait3A_55] : memref<8x16xi32, #tpu.memory_space<hbm>> -> memref<1x16xi32, #tpu.memory_space<hbm>>
        %dma_wait3A_57 = tpu.memref_squeeze %dma_wait3A_56 : memref<1x16xi32, #tpu.memory_space<hbm>> -> memref<16xi32, #tpu.memory_space<hbm>>
        %dma_wait3A_58 = arith.constant 0 : i32
        %dma_wait3A_59 = tpu.memref_slice %arg3[%arg1, %dma_wait3A_58] : memref<8x16xi32, #tpu.memory_space<hbm>> -> memref<1x16xi32, #tpu.memory_space<hbm>>
        %dma_wait3A_60 = tpu.memref_squeeze %dma_wait3A_59 : memref<1x16xi32, #tpu.memory_space<hbm>> -> memref<16xi32, #tpu.memory_space<hbm>>
        tpu.wait_dma2 semaphore(%run_scoped3A : memref<!tpu.dma_semaphore, #tpu.memory_space<semaphore_mem>>) src(%dma_wait3A_60 : memref<16xi32, #tpu.memory_space<hbm>>) dst(%arg13 : memref<16xi32, #tpu.memory_space<vmem>>)
        tpu.yield
      }) : () -> ()
      "tpu.region"() ({
        %run_scoped3A = tpu.sem_alloc : memref<!tpu.dma_semaphore, #tpu.memory_space<semaphore_mem>>
        %dma_start3A_49 = arith.constant 0 : i32
        %dma_start3A_50 = tpu.memref_slice %arg4[%arg1, %dma_start3A_49] : memref<8x16xi32, #tpu.memory_space<hbm>> -> memref<1x16xi32, #tpu.memory_space<hbm>>
        %dma_start3A_51 = tpu.memref_squeeze %dma_start3A_50 : memref<1x16xi32, #tpu.memory_space<hbm>> -> memref<16xi32, #tpu.memory_space<hbm>>
        %dma_start3A_52 = arith.constant 0 : i32
        %dma_start3A_53 = tpu.memref_slice %arg4[%arg1, %dma_start3A_52] : memref<8x16xi32, #tpu.memory_space<hbm>> -> memref<1x16xi32, #tpu.memory_space<hbm>>
        %dma_start3A_54 = tpu.memref_squeeze %dma_start3A_53 : memref<1x16xi32, #tpu.memory_space<hbm>> -> memref<16xi32, #tpu.memory_space<hbm>>
        tpu.enqueue_dma source(%dma_start3A_54 : memref<16xi32, #tpu.memory_space<hbm>>) target(%arg14 : memref<16xi32, #tpu.memory_space<vmem>>) target_semaphore(%run_scoped3A : memref<!tpu.dma_semaphore, #tpu.memory_space<semaphore_mem>>)
        %dma_wait3A_55 = arith.constant 0 : i32
        %dma_wait3A_56 = tpu.memref_slice %arg4[%arg1, %dma_wait3A_55] : memref<8x16xi32, #tpu.memory_space<hbm>> -> memref<1x16xi32, #tpu.memory_space<hbm>>
        %dma_wait3A_57 = tpu.memref_squeeze %dma_wait3A_56 : memref<1x16xi32, #tpu.memory_space<hbm>> -> memref<16xi32, #tpu.memory_space<hbm>>
        %dma_wait3A_58 = arith.constant 0 : i32
        %dma_wait3A_59 = tpu.memref_slice %arg4[%arg1, %dma_wait3A_58] : memref<8x16xi32, #tpu.memory_space<hbm>> -> memref<1x16xi32, #tpu.memory_space<hbm>>
        %dma_wait3A_60 = tpu.memref_squeeze %dma_wait3A_59 : memref<1x16xi32, #tpu.memory_space<hbm>> -> memref<16xi32, #tpu.memory_space<hbm>>
        tpu.wait_dma2 semaphore(%run_scoped3A : memref<!tpu.dma_semaphore, #tpu.memory_space<semaphore_mem>>) src(%dma_wait3A_60 : memref<16xi32, #tpu.memory_space<hbm>>) dst(%arg14 : memref<16xi32, #tpu.memory_space<vmem>>)
        tpu.yield
      }) : () -> ()
      %get3A = arith.constant 0 : index
      %get3A_28 = tpu.vector_load %arg13[%get3A] {strides = array<i32>} : memref<16xi32, #tpu.memory_space<vmem>>, vector<16xi32>,
      %get3A_29 = arith.constant 0 : index
      %get3A_30 = tpu.vector_load %arg14[%get3A_29] {strides = array<i32>} : memref<16xi32, #tpu.memory_space<vmem>>, vector<16xi32>,
      %scan3A = arith.constant 0 : i32
      %scan3A_31 = arith.constant 0 : i32
      %scan3A_32 = arith.constant 0 : i32
      %scan3A_33 = arith.constant 512 : i32
      %scan3A_34 = arith.addi %scan3A_32, %scan3A_33 : i32
      %scan3A_35 = arith.constant 4 : i32
      %scan3A_36:2 = scf.for %scan3A_49 = %scan3A_32 to %scan3A_34 step %scan3A_35 iter_args(%scan3A_50 = %scan3A, %scan3A_51 = %scan3A_31) -> (i32, i32)  : i32 {
        %mul3A_52 = arith.constant 16 : i32
        %mul3A_53 = arith.muli %scan3A_49, %mul3A_52 : i32
        %get3A_54 = arith.index_cast %mul3A_53 : i32 to index
        %get3A_55 = tpu.vector_load %arg12[%get3A_54] {strides = array<i32>} : memref<8192xf32, #tpu.memory_space<vmem>>, vector<16xf32>,
        %bitcast_convert_type3A = tpu.bitcast %get3A_55 : vector<16xf32> -> vector<16xi32>
        %shift_right_arithmetic3A = arith.constant 31 : i32
        %shift_right_arithmetic3A_56 = vector.broadcast %shift_right_arithmetic3A : i32 to vector<16xi32>
        %shift_right_arithmetic3A_57 = arith.shrsi %bitcast_convert_type3A, %shift_right_arithmetic3A_56 : vector<16xi32>
        %and3A_58 = arith.constant 2147483647 : i32
        %and3A_59 = vector.broadcast %and3A_58 : i32 to vector<16xi32>
        %and3A_60 = arith.andi %shift_right_arithmetic3A_57, %and3A_59 : vector<16xi32>
        %xor3A = arith.xori %bitcast_convert_type3A, %and3A_60 : vector<16xi32>
        %gt3A = arith.cmpi sgt, %xor3A, %get3A_28 : vector<16xi32>
        %eq3A = arith.cmpi eq, %xor3A, %get3A_28 : vector<16xi32>
        %convert_element_type3A_61 = arith.extui %eq3A : vector<16xi1> to vector<16xi32>
        %cumsum3A = arith.constant true
        %cumsum3A_62 = vector.broadcast %cumsum3A : i1 to vector<16xi1>
        %cumsum3A_63 = tpu.scan <sum>, %convert_element_type3A_61 masked %cumsum3A_62 : vector<16xi32>, vector<16xi1> -> vector<16xi32>
        %add3A_64 = vector.broadcast %scan3A_51 : i32 to vector<16xi32>
        %add3A_65 = arith.addi %cumsum3A_63, %add3A_64 : vector<16xi32>
        %le3A = arith.cmpi sle, %add3A_65, %get3A_30 : vector<16xi32>
        %and3A_66 = arith.andi %eq3A, %le3A : vector<16xi1>
        %or3A = arith.ori %gt3A, %and3A_66 : vector<16xi1>
        %convert_element_type3A_67 = arith.extui %or3A : vector<16xi1> to vector<16xi32>
        %cumsum3A_68 = arith.constant true
        %cumsum3A_69 = vector.broadcast %cumsum3A_68 : i1 to vector<16xi1>
        %cumsum3A_70 = tpu.scan <sum>, %convert_element_type3A_67 masked %cumsum3A_69 : vector<16xi32>, vector<16xi1> -> vector<16xi32>
        %sub3A_71 = arith.subi %cumsum3A_70, %convert_element_type3A_67 : vector<16xi32>
        %add3A_72 = vector.broadcast %scan3A_50 : i32 to vector<16xi32>
        %add3A_73 = arith.addi %sub3A_71, %add3A_72 : vector<16xi32>
        %mul3A_74 = arith.constant 16 : i32
        %mul3A_75 = arith.muli %scan3A_49, %mul3A_74 : i32
        %mul3A_76 = arith.constant 8192 : i32
        %mul3A_77 = arith.muli %sub3A_27, %mul3A_76 : i32
        %add3A_78 = arith.addi %mul3A_75, %mul3A_77 : i32
        %add3A_79 = vector.broadcast %add3A_78 : i32 to vector<16xi32>
        %add3A_80 = arith.addi %iota3A, %add3A_79 : vector<16xi32>
        tpu.vector_store_idx %arg15[%add3A_73], %xor3A masked %or3A : memref<512xi32, #tpu.memory_space<vmem>>[vector<16xi32>], vector<16xi32>, vector<16xi1>
        tpu.vector_store_idx %arg16[%add3A_73], %add3A_80 masked %or3A : memref<512xi32, #tpu.memory_space<vmem>>[vector<16xi32>], vector<16xi32>, vector<16xi1>
        tpu.vector_store_idx %arg17[%add3A_73], %get3A_55 masked %or3A : memref<512xf32, #tpu.memory_space<vmem>>[vector<16xi32>], vector<16xf32>, vector<16xi1>
        %reduce_sum3A = arith.constant true
        %reduce_sum3A_81 = vector.broadcast %reduce_sum3A : i1 to vector<16xi1>
        %reduce_sum3A_82 = tpu.scan <sum>, %convert_element_type3A_67 masked %reduce_sum3A_81 : vector<16xi32>, vector<16xi1> -> vector<16xi32>
        %reduce_sum3A_83 = vector.extract %reduce_sum3A_82[15] : i32 from vector<16xi32>
        %add3A_84 = arith.addi %scan3A_50, %reduce_sum3A_83 : i32
        %convert_element_type3A_85 = arith.extui %eq3A : vector<16xi1> to vector<16xi32>
        %reduce_sum3A_86 = arith.constant true
        %reduce_sum3A_87 = vector.broadcast %reduce_sum3A_86 : i1 to vector<16xi1>
        %reduce_sum3A_88 = tpu.scan <sum>, %convert_element_type3A_85 masked %reduce_sum3A_87 : vector<16xi32>, vector<16xi1> -> vector<16xi32>
        %reduce_sum3A_89 = vector.extract %reduce_sum3A_88[15] : i32 from vector<16xi32>
        %add3A_90 = arith.addi %scan3A_51, %reduce_sum3A_89 : i32
        %scan3A_91 = arith.constant 1 : i32
        %scan3A_92 = arith.addi %scan3A_49, %scan3A_91 : i32
        %mul3A_93 = arith.constant 16 : i32
        %mul3A_94 = arith.muli %scan3A_92, %mul3A_93 : i32
        %get3A_95 = arith.index_cast %mul3A_94 : i32 to index
        %get3A_96 = tpu.vector_load %arg12[%get3A_95] {strides = array<i32>} : memref<8192xf32, #tpu.memory_space<vmem>>, vector<16xf32>,
        %bitcast_convert_type3A_97 = tpu.bitcast %get3A_96 : vector<16xf32> -> vector<16xi32>
        %shift_right_arithmetic3A_98 = arith.constant 31 : i32
        %shift_right_arithmetic3A_99 = vector.broadcast %shift_right_arithmetic3A_98 : i32 to vector<16xi32>
        %shift_right_arithmetic3A_100 = arith.shrsi %bitcast_convert_type3A_97, %shift_right_arithmetic3A_99 : vector<16xi32>
        %and3A_101 = arith.constant 2147483647 : i32
        %and3A_102 = vector.broadcast %and3A_101 : i32 to vector<16xi32>
        %and3A_103 = arith.andi %shift_right_arithmetic3A_100, %and3A_102 : vector<16xi32>
        %xor3A_104 = arith.xori %bitcast_convert_type3A_97, %and3A_103 : vector<16xi32>
        %gt3A_105 = arith.cmpi sgt, %xor3A_104, %get3A_28 : vector<16xi32>
        %eq3A_106 = arith.cmpi eq, %xor3A_104, %get3A_28 : vector<16xi32>
        %convert_element_type3A_107 = arith.extui %eq3A_106 : vector<16xi1> to vector<16xi32>
        %cumsum3A_108 = arith.constant true
        %cumsum3A_109 = vector.broadcast %cumsum3A_108 : i1 to vector<16xi1>
        %cumsum3A_110 = tpu.scan <sum>, %convert_element_type3A_107 masked %cumsum3A_109 : vector<16xi32>, vector<16xi1> -> vector<16xi32>
        %add3A_111 = vector.broadcast %add3A_90 : i32 to vector<16xi32>
        %add3A_112 = arith.addi %cumsum3A_110, %add3A_111 : vector<16xi32>
        %le3A_113 = arith.cmpi sle, %add3A_112, %get3A_30 : vector<16xi32>
        %and3A_114 = arith.andi %eq3A_106, %le3A_113 : vector<16xi1>
        %or3A_115 = arith.ori %gt3A_105, %and3A_114 : vector<16xi1>
        %convert_element_type3A_116 = arith.extui %or3A_115 : vector<16xi1> to vector<16xi32>
        %cumsum3A_117 = arith.constant true
        %cumsum3A_118 = vector.broadcast %cumsum3A_117 : i1 to vector<16xi1>
        %cumsum3A_119 = tpu.scan <sum>, %convert_element_type3A_116 masked %cumsum3A_118 : vector<16xi32>, vector<16xi1> -> vector<16xi32>
        %sub3A_120 = arith.subi %cumsum3A_119, %convert_element_type3A_116 : vector<16xi32>
        %add3A_121 = vector.broadcast %add3A_84 : i32 to vector<16xi32>
        %add3A_122 = arith.addi %sub3A_120, %add3A_121 : vector<16xi32>
        %mul3A_123 = arith.constant 16 : i32
        %mul3A_124 = arith.muli %scan3A_92, %mul3A_123 : i32
        %mul3A_125 = arith.constant 8192 : i32
        %mul3A_126 = arith.muli %sub3A_27, %mul3A_125 : i32
        %add3A_127 = arith.addi %mul3A_124, %mul3A_126 : i32
        %add3A_128 = vector.broadcast %add3A_127 : i32 to vector<16xi32>
        %add3A_129 = arith.addi %iota3A, %add3A_128 : vector<16xi32>
        tpu.vector_store_idx %arg15[%add3A_122], %xor3A_104 masked %or3A_115 : memref<512xi32, #tpu.memory_space<vmem>>[vector<16xi32>], vector<16xi32>, vector<16xi1>
        tpu.vector_store_idx %arg16[%add3A_122], %add3A_129 masked %or3A_115 : memref<512xi32, #tpu.memory_space<vmem>>[vector<16xi32>], vector<16xi32>, vector<16xi1>
        tpu.vector_store_idx %arg17[%add3A_122], %get3A_96 masked %or3A_115 : memref<512xf32, #tpu.memory_space<vmem>>[vector<16xi32>], vector<16xf32>, vector<16xi1>
        %reduce_sum3A_130 = arith.constant true
        %reduce_sum3A_131 = vector.broadcast %reduce_sum3A_130 : i1 to vector<16xi1>
        %reduce_sum3A_132 = tpu.scan <sum>, %convert_element_type3A_116 masked %reduce_sum3A_131 : vector<16xi32>, vector<16xi1> -> vector<16xi32>
        %reduce_sum3A_133 = vector.extract %reduce_sum3A_132[15] : i32 from vector<16xi32>
        %add3A_134 = arith.addi %add3A_84, %reduce_sum3A_133 : i32
        %convert_element_type3A_135 = arith.extui %eq3A_106 : vector<16xi1> to vector<16xi32>
        %reduce_sum3A_136 = arith.constant true
        %reduce_sum3A_137 = vector.broadcast %reduce_sum3A_136 : i1 to vector<16xi1>
        %reduce_sum3A_138 = tpu.scan <sum>, %convert_element_type3A_135 masked %reduce_sum3A_137 : vector<16xi32>, vector<16xi1> -> vector<16xi32>
        %reduce_sum3A_139 = vector.extract %reduce_sum3A_138[15] : i32 from vector<16xi32>
        %add3A_140 = arith.addi %add3A_90, %reduce_sum3A_139 : i32
        %scan3A_141 = arith.constant 2 : i32
        %scan3A_142 = arith.addi %scan3A_49, %scan3A_141 : i32
        %mul3A_143 = arith.constant 16 : i32
        %mul3A_144 = arith.muli %scan3A_142, %mul3A_143 : i32
        %get3A_145 = arith.index_cast %mul3A_144 : i32 to index
        %get3A_146 = tpu.vector_load %arg12[%get3A_145] {strides = array<i32>} : memref<8192xf32, #tpu.memory_space<vmem>>, vector<16xf32>,
        %bitcast_convert_type3A_147 = tpu.bitcast %get3A_146 : vector<16xf32> -> vector<16xi32>
        %shift_right_arithmetic3A_148 = arith.constant 31 : i32
        %shift_right_arithmetic3A_149 = vector.broadcast %shift_right_arithmetic3A_148 : i32 to vector<16xi32>
        %shift_right_arithmetic3A_150 = arith.shrsi %bitcast_convert_type3A_147, %shift_right_arithmetic3A_149 : vector<16xi32>
        %and3A_151 = arith.constant 2147483647 : i32
        %and3A_152 = vector.broadcast %and3A_151 : i32 to vector<16xi32>
        %and3A_153 = arith.andi %shift_right_arithmetic3A_150, %and3A_152 : vector<16xi32>
        %xor3A_154 = arith.xori %bitcast_convert_type3A_147, %and3A_153 : vector<16xi32>
        %gt3A_155 = arith.cmpi sgt, %xor3A_154, %get3A_28 : vector<16xi32>
        %eq3A_156 = arith.cmpi eq, %xor3A_154, %get3A_28 : vector<16xi32>
        %convert_element_type3A_157 = arith.extui %eq3A_156 : vector<16xi1> to vector<16xi32>
        %cumsum3A_158 = arith.constant true
        %cumsum3A_159 = vector.broadcast %cumsum3A_158 : i1 to vector<16xi1>
        %cumsum3A_160 = tpu.scan <sum>, %convert_element_type3A_157 masked %cumsum3A_159 : vector<16xi32>, vector<16xi1> -> vector<16xi32>
        %add3A_161 = vector.broadcast %add3A_140 : i32 to vector<16xi32>
        %add3A_162 = arith.addi %cumsum3A_160, %add3A_161 : vector<16xi32>
        %le3A_163 = arith.cmpi sle, %add3A_162, %get3A_30 : vector<16xi32>
        %and3A_164 = arith.andi %eq3A_156, %le3A_163 : vector<16xi1>
        %or3A_165 = arith.ori %gt3A_155, %and3A_164 : vector<16xi1>
        %convert_element_type3A_166 = arith.extui %or3A_165 : vector<16xi1> to vector<16xi32>
        %cumsum3A_167 = arith.constant true
        %cumsum3A_168 = vector.broadcast %cumsum3A_167 : i1 to vector<16xi1>
        %cumsum3A_169 = tpu.scan <sum>, %convert_element_type3A_166 masked %cumsum3A_168 : vector<16xi32>, vector<16xi1> -> vector<16xi32>
        %sub3A_170 = arith.subi %cumsum3A_169, %convert_element_type3A_166 : vector<16xi32>
        %add3A_171 = vector.broadcast %add3A_134 : i32 to vector<16xi32>
        %add3A_172 = arith.addi %sub3A_170, %add3A_171 : vector<16xi32>
        %mul3A_173 = arith.constant 16 : i32
        %mul3A_174 = arith.muli %scan3A_142, %mul3A_173 : i32
        %mul3A_175 = arith.constant 8192 : i32
        %mul3A_176 = arith.muli %sub3A_27, %mul3A_175 : i32
        %add3A_177 = arith.addi %mul3A_174, %mul3A_176 : i32
        %add3A_178 = vector.broadcast %add3A_177 : i32 to vector<16xi32>
        %add3A_179 = arith.addi %iota3A, %add3A_178 : vector<16xi32>
        tpu.vector_store_idx %arg15[%add3A_172], %xor3A_154 masked %or3A_165 : memref<512xi32, #tpu.memory_space<vmem>>[vector<16xi32>], vector<16xi32>, vector<16xi1>
        tpu.vector_store_idx %arg16[%add3A_172], %add3A_179 masked %or3A_165 : memref<512xi32, #tpu.memory_space<vmem>>[vector<16xi32>], vector<16xi32>, vector<16xi1>
        tpu.vector_store_idx %arg17[%add3A_172], %get3A_146 masked %or3A_165 : memref<512xf32, #tpu.memory_space<vmem>>[vector<16xi32>], vector<16xf32>, vector<16xi1>
        %reduce_sum3A_180 = arith.constant true
        %reduce_sum3A_181 = vector.broadcast %reduce_sum3A_180 : i1 to vector<16xi1>
        %reduce_sum3A_182 = tpu.scan <sum>, %convert_element_type3A_166 masked %reduce_sum3A_181 : vector<16xi32>, vector<16xi1> -> vector<16xi32>
        %reduce_sum3A_183 = vector.extract %reduce_sum3A_182[15] : i32 from vector<16xi32>
        %add3A_184 = arith.addi %add3A_134, %reduce_sum3A_183 : i32
        %convert_element_type3A_185 = arith.extui %eq3A_156 : vector<16xi1> to vector<16xi32>
        %reduce_sum3A_186 = arith.constant true
        %reduce_sum3A_187 = vector.broadcast %reduce_sum3A_186 : i1 to vector<16xi1>
        %reduce_sum3A_188 = tpu.scan <sum>, %convert_element_type3A_185 masked %reduce_sum3A_187 : vector<16xi32>, vector<16xi1> -> vector<16xi32>
        %reduce_sum3A_189 = vector.extract %reduce_sum3A_188[15] : i32 from vector<16xi32>
        %add3A_190 = arith.addi %add3A_140, %reduce_sum3A_189 : i32
        %scan3A_191 = arith.constant 3 : i32
        %scan3A_192 = arith.addi %scan3A_49, %scan3A_191 : i32
        %mul3A_193 = arith.constant 16 : i32
        %mul3A_194 = arith.muli %scan3A_192, %mul3A_193 : i32
        %get3A_195 = arith.index_cast %mul3A_194 : i32 to index
        %get3A_196 = tpu.vector_load %arg12[%get3A_195] {strides = array<i32>} : memref<8192xf32, #tpu.memory_space<vmem>>, vector<16xf32>,
        %bitcast_convert_type3A_197 = tpu.bitcast %get3A_196 : vector<16xf32> -> vector<16xi32>
        %shift_right_arithmetic3A_198 = arith.constant 31 : i32
        %shift_right_arithmetic3A_199 = vector.broadcast %shift_right_arithmetic3A_198 : i32 to vector<16xi32>
        %shift_right_arithmetic3A_200 = arith.shrsi %bitcast_convert_type3A_197, %shift_right_arithmetic3A_199 : vector<16xi32>
        %and3A_201 = arith.constant 2147483647 : i32
        %and3A_202 = vector.broadcast %and3A_201 : i32 to vector<16xi32>
        %and3A_203 = arith.andi %shift_right_arithmetic3A_200, %and3A_202 : vector<16xi32>
        %xor3A_204 = arith.xori %bitcast_convert_type3A_197, %and3A_203 : vector<16xi32>
        %gt3A_205 = arith.cmpi sgt, %xor3A_204, %get3A_28 : vector<16xi32>
        %eq3A_206 = arith.cmpi eq, %xor3A_204, %get3A_28 : vector<16xi32>
        %convert_element_type3A_207 = arith.extui %eq3A_206 : vector<16xi1> to vector<16xi32>
        %cumsum3A_208 = arith.constant true
        %cumsum3A_209 = vector.broadcast %cumsum3A_208 : i1 to vector<16xi1>
        %cumsum3A_210 = tpu.scan <sum>, %convert_element_type3A_207 masked %cumsum3A_209 : vector<16xi32>, vector<16xi1> -> vector<16xi32>
        %add3A_211 = vector.broadcast %add3A_190 : i32 to vector<16xi32>
        %add3A_212 = arith.addi %cumsum3A_210, %add3A_211 : vector<16xi32>
        %le3A_213 = arith.cmpi sle, %add3A_212, %get3A_30 : vector<16xi32>
        %and3A_214 = arith.andi %eq3A_206, %le3A_213 : vector<16xi1>
        %or3A_215 = arith.ori %gt3A_205, %and3A_214 : vector<16xi1>
        %convert_element_type3A_216 = arith.extui %or3A_215 : vector<16xi1> to vector<16xi32>
        %cumsum3A_217 = arith.constant true
        %cumsum3A_218 = vector.broadcast %cumsum3A_217 : i1 to vector<16xi1>
        %cumsum3A_219 = tpu.scan <sum>, %convert_element_type3A_216 masked %cumsum3A_218 : vector<16xi32>, vector<16xi1> -> vector<16xi32>
        %sub3A_220 = arith.subi %cumsum3A_219, %convert_element_type3A_216 : vector<16xi32>
        %add3A_221 = vector.broadcast %add3A_184 : i32 to vector<16xi32>
        %add3A_222 = arith.addi %sub3A_220, %add3A_221 : vector<16xi32>
        %mul3A_223 = arith.constant 16 : i32
        %mul3A_224 = arith.muli %scan3A_192, %mul3A_223 : i32
        %mul3A_225 = arith.constant 8192 : i32
        %mul3A_226 = arith.muli %sub3A_27, %mul3A_225 : i32
        %add3A_227 = arith.addi %mul3A_224, %mul3A_226 : i32
        %add3A_228 = vector.broadcast %add3A_227 : i32 to vector<16xi32>
        %add3A_229 = arith.addi %iota3A, %add3A_228 : vector<16xi32>
        tpu.vector_store_idx %arg15[%add3A_222], %xor3A_204 masked %or3A_215 : memref<512xi32, #tpu.memory_space<vmem>>[vector<16xi32>], vector<16xi32>, vector<16xi1>
        tpu.vector_store_idx %arg16[%add3A_222], %add3A_229 masked %or3A_215 : memref<512xi32, #tpu.memory_space<vmem>>[vector<16xi32>], vector<16xi32>, vector<16xi1>
        tpu.vector_store_idx %arg17[%add3A_222], %get3A_196 masked %or3A_215 : memref<512xf32, #tpu.memory_space<vmem>>[vector<16xi32>], vector<16xf32>, vector<16xi1>
        %reduce_sum3A_230 = arith.constant true
        %reduce_sum3A_231 = vector.broadcast %reduce_sum3A_230 : i1 to vector<16xi1>
        %reduce_sum3A_232 = tpu.scan <sum>, %convert_element_type3A_216 masked %reduce_sum3A_231 : vector<16xi32>, vector<16xi1> -> vector<16xi32>
        %reduce_sum3A_233 = vector.extract %reduce_sum3A_232[15] : i32 from vector<16xi32>
        %add3A_234 = arith.addi %add3A_184, %reduce_sum3A_233 : i32
        %convert_element_type3A_235 = arith.extui %eq3A_206 : vector<16xi1> to vector<16xi32>
        %reduce_sum3A_236 = arith.constant true
        %reduce_sum3A_237 = vector.broadcast %reduce_sum3A_236 : i1 to vector<16xi1>
        %reduce_sum3A_238 = tpu.scan <sum>, %convert_element_type3A_235 masked %reduce_sum3A_237 : vector<16xi32>, vector<16xi1> -> vector<16xi32>
        %reduce_sum3A_239 = vector.extract %reduce_sum3A_238[15] : i32 from vector<16xi32>
        %add3A_240 = arith.addi %add3A_190, %reduce_sum3A_239 : i32
        scf.yield %add3A_234, %add3A_240 : i32, i32
      }
      %scan3A_37 = arith.constant 512 : i32
      %scan3A_38 = arith.constant 0 : i32
      %scan3A_39 = arith.constant 0 : i32
      %scan3A_40 = arith.constant 256 : i32
      %scan3A_41 = arith.addi %scan3A_39, %scan3A_40 : i32
      %scan3A_42 = arith.constant 1 : i32
      %scan3A_43 = scf.for %scan3A_49 = %scan3A_39 to %scan3A_41 step %scan3A_42 iter_args(%scan3A_50 = %scan3A_38) -> (i32)  : i32 {
        %jit3A = arith.constant 16 : i32
        %div3A = arith.divsi %scan3A_49, %jit3A : i32
        %sign3A = arith.constant 0 : i32
        %sign3A_51 = arith.cmpi sgt, %scan3A_49, %sign3A : i32
        %sign3A_52 = arith.extui %sign3A_51 : i1 to i32
        %sign3A_53 = arith.constant 0 : i32
        %sign3A_54 = arith.cmpi slt, %scan3A_49, %sign3A_53 : i32
        %sign3A_55 = arith.extui %sign3A_54 : i1 to i32
        %sign3A_56 = arith.subi %sign3A_52, %sign3A_55 : i32
        %sign3A_57 = arith.constant 0 : i32
        %sign3A_58 = arith.cmpi sgt, %jit3A, %sign3A_57 : i32
        %sign3A_59 = arith.extui %sign3A_58 : i1 to i32
        %sign3A_60 = arith.constant 0 : i32
        %sign3A_61 = arith.cmpi slt, %jit3A, %sign3A_60 : i32
        %sign3A_62 = arith.extui %sign3A_61 : i1 to i32
        %sign3A_63 = arith.subi %sign3A_59, %sign3A_62 : i32
        %ne3A = arith.cmpi ne, %sign3A_56, %sign3A_63 : i32
        %rem3A = arith.remsi %scan3A_49, %jit3A : i32
        %ne3A_64 = arith.constant 0 : i32
        %ne3A_65 = arith.cmpi ne, %rem3A, %ne3A_64 : i32
        %and3A_66 = arith.andi %ne3A, %ne3A_65 : i1
        %sub3A_67 = arith.constant 1 : i32
        %sub3A_68 = arith.subi %div3A, %sub3A_67 : i32
        %select_n3A = arith.select %and3A_66, %sub3A_68, %div3A : i32
        %mul3A_69 = arith.constant 16 : i32
        %mul3A_70 = arith.muli %select_n3A, %mul3A_69 : i32
        %sub3A_71 = arith.subi %scan3A_49, %mul3A_70 : i32
        %get3A_72 = arith.index_cast %mul3A_70 : i32 to index
        %get3A_73 = tpu.vector_load %arg15[%get3A_72] {strides = array<i32>} : memref<512xi32, #tpu.memory_space<vmem>>, vector<16xi32>,
        %eq3A = vector.broadcast %sub3A_71 : i32 to vector<16xi32>
        %eq3A_74 = arith.cmpi eq, %iota3A, %eq3A : vector<16xi32>
        %jit3A_75 = arith.constant 0 : i32
        %broadcast_in_dim3A = vector.broadcast %jit3A_75 : i32 to vector<16xi32>
        %select_n3A_76 = arith.select %eq3A_74, %get3A_73, %broadcast_in_dim3A : vector<16xi1>, vector<16xi32>
        %reduce_sum3A = arith.constant true
        %reduce_sum3A_77 = vector.broadcast %reduce_sum3A : i1 to vector<16xi1>
        %reduce_sum3A_78 = tpu.scan <sum>, %select_n3A_76 masked %reduce_sum3A_77 : vector<16xi32>, vector<16xi1> -> vector<16xi32>
        %reduce_sum3A_79 = vector.extract %reduce_sum3A_78[15] : i32 from vector<16xi32>
        %broadcast_in_dim3A_80 = arith.constant 0 : i32
        %broadcast_in_dim3A_81 = vector.broadcast %broadcast_in_dim3A_80 : i32 to vector<16xi32>
        %scan3A_82 = arith.constant 0 : i32
        %scan3A_83 = arith.constant 16 : i32
        %scan3A_84 = arith.addi %scan3A_82, %scan3A_83 : i32
        %scan3A_85 = arith.constant 8 : i32
        %scan3A_86 = scf.for %scan3A_121 = %scan3A_82 to %scan3A_84 step %scan3A_85 iter_args(%scan3A_122 = %broadcast_in_dim3A_81) -> (vector<16xi32>)  : i32 {
          %mul3A_123 = arith.constant 16 : i32
          %mul3A_124 = arith.muli %scan3A_121, %mul3A_123 : i32
          %get3A_125 = arith.index_cast %mul3A_124 : i32 to index
          %get3A_126 = tpu.vector_load %arg15[%get3A_125] {strides = array<i32>} : memref<512xi32, #tpu.memory_space<vmem>>, vector<16xi32>,
          %mul3A_127 = arith.constant 16 : i32
          %mul3A_128 = arith.muli %scan3A_121, %mul3A_127 : i32
          %add3A_129 = vector.broadcast %mul3A_128 : i32 to vector<16xi32>
          %add3A_130 = arith.addi %iota3A, %add3A_129 : vector<16xi32>
          %gt3A = vector.broadcast %reduce_sum3A_79 : i32 to vector<16xi32>
          %gt3A_131 = arith.cmpi sgt, %get3A_126, %gt3A : vector<16xi32>
          %convert_element_type3A_132 = arith.extui %gt3A_131 : vector<16xi1> to vector<16xi32>
          %eq3A_133 = vector.broadcast %reduce_sum3A_79 : i32 to vector<16xi32>
          %eq3A_134 = arith.cmpi eq, %get3A_126, %eq3A_133 : vector<16xi32>
          %lt3A_135 = vector.broadcast %scan3A_49 : i32 to vector<16xi32>
          %lt3A_136 = arith.cmpi slt, %add3A_130, %lt3A_135 : vector<16xi32>
          %and3A_137 = arith.andi %eq3A_134, %lt3A_136 : vector<16xi1>
          %convert_element_type3A_138 = arith.extui %and3A_137 : vector<16xi1> to vector<16xi32>
          %add3A_139 = arith.addi %scan3A_122, %convert_element_type3A_132 : vector<16xi32>
          %add3A_140 = arith.addi %add3A_139, %convert_element_type3A_138 : vector<16xi32>
          %scan3A_141 = arith.constant 1 : i32
          %scan3A_142 = arith.addi %scan3A_121, %scan3A_141 : i32
          %mul3A_143 = arith.constant 16 : i32
          %mul3A_144 = arith.muli %scan3A_142, %mul3A_143 : i32
          %get3A_145 = arith.index_cast %mul3A_144 : i32 to index
          %get3A_146 = tpu.vector_load %arg15[%get3A_145] {strides = array<i32>} : memref<512xi32, #tpu.memory_space<vmem>>, vector<16xi32>,
          %mul3A_147 = arith.constant 16 : i32
          %mul3A_148 = arith.muli %scan3A_142, %mul3A_147 : i32
          %add3A_149 = vector.broadcast %mul3A_148 : i32 to vector<16xi32>
          %add3A_150 = arith.addi %iota3A, %add3A_149 : vector<16xi32>
          %gt3A_151 = vector.broadcast %reduce_sum3A_79 : i32 to vector<16xi32>
          %gt3A_152 = arith.cmpi sgt, %get3A_146, %gt3A_151 : vector<16xi32>
          %convert_element_type3A_153 = arith.extui %gt3A_152 : vector<16xi1> to vector<16xi32>
          %eq3A_154 = vector.broadcast %reduce_sum3A_79 : i32 to vector<16xi32>
          %eq3A_155 = arith.cmpi eq, %get3A_146, %eq3A_154 : vector<16xi32>
          %lt3A_156 = vector.broadcast %scan3A_49 : i32 to vector<16xi32>
          %lt3A_157 = arith.cmpi slt, %add3A_150, %lt3A_156 : vector<16xi32>
          %and3A_158 = arith.andi %eq3A_155, %lt3A_157 : vector<16xi1>
          %convert_element_type3A_159 = arith.extui %and3A_158 : vector<16xi1> to vector<16xi32>
          %add3A_160 = arith.addi %add3A_140, %convert_element_type3A_153 : vector<16xi32>
          %add3A_161 = arith.addi %add3A_160, %convert_element_type3A_159 : vector<16xi32>
          %scan3A_162 = arith.constant 2 : i32
          %scan3A_163 = arith.addi %scan3A_121, %scan3A_162 : i32
          %mul3A_164 = arith.constant 16 : i32
          %mul3A_165 = arith.muli %scan3A_163, %mul3A_164 : i32
          %get3A_166 = arith.index_cast %mul3A_165 : i32 to index
          %get3A_167 = tpu.vector_load %arg15[%get3A_166] {strides = array<i32>} : memref<512xi32, #tpu.memory_space<vmem>>, vector<16xi32>,
          %mul3A_168 = arith.constant 16 : i32
          %mul3A_169 = arith.muli %scan3A_163, %mul3A_168 : i32
          %add3A_170 = vector.broadcast %mul3A_169 : i32 to vector<16xi32>
          %add3A_171 = arith.addi %iota3A, %add3A_170 : vector<16xi32>
          %gt3A_172 = vector.broadcast %reduce_sum3A_79 : i32 to vector<16xi32>
          %gt3A_173 = arith.cmpi sgt, %get3A_167, %gt3A_172 : vector<16xi32>
          %convert_element_type3A_174 = arith.extui %gt3A_173 : vector<16xi1> to vector<16xi32>
          %eq3A_175 = vector.broadcast %reduce_sum3A_79 : i32 to vector<16xi32>
          %eq3A_176 = arith.cmpi eq, %get3A_167, %eq3A_175 : vector<16xi32>
          %lt3A_177 = vector.broadcast %scan3A_49 : i32 to vector<16xi32>
          %lt3A_178 = arith.cmpi slt, %add3A_171, %lt3A_177 : vector<16xi32>
          %and3A_179 = arith.andi %eq3A_176, %lt3A_178 : vector<16xi1>
          %convert_element_type3A_180 = arith.extui %and3A_179 : vector<16xi1> to vector<16xi32>
          %add3A_181 = arith.addi %add3A_161, %convert_element_type3A_174 : vector<16xi32>
          %add3A_182 = arith.addi %add3A_181, %convert_element_type3A_180 : vector<16xi32>
          %scan3A_183 = arith.constant 3 : i32
          %scan3A_184 = arith.addi %scan3A_121, %scan3A_183 : i32
          %mul3A_185 = arith.constant 16 : i32
          %mul3A_186 = arith.muli %scan3A_184, %mul3A_185 : i32
          %get3A_187 = arith.index_cast %mul3A_186 : i32 to index
          %get3A_188 = tpu.vector_load %arg15[%get3A_187] {strides = array<i32>} : memref<512xi32, #tpu.memory_space<vmem>>, vector<16xi32>,
          %mul3A_189 = arith.constant 16 : i32
          %mul3A_190 = arith.muli %scan3A_184, %mul3A_189 : i32
          %add3A_191 = vector.broadcast %mul3A_190 : i32 to vector<16xi32>
          %add3A_192 = arith.addi %iota3A, %add3A_191 : vector<16xi32>
          %gt3A_193 = vector.broadcast %reduce_sum3A_79 : i32 to vector<16xi32>
          %gt3A_194 = arith.cmpi sgt, %get3A_188, %gt3A_193 : vector<16xi32>
          %convert_element_type3A_195 = arith.extui %gt3A_194 : vector<16xi1> to vector<16xi32>
          %eq3A_196 = vector.broadcast %reduce_sum3A_79 : i32 to vector<16xi32>
          %eq3A_197 = arith.cmpi eq, %get3A_188, %eq3A_196 : vector<16xi32>
          %lt3A_198 = vector.broadcast %scan3A_49 : i32 to vector<16xi32>
          %lt3A_199 = arith.cmpi slt, %add3A_192, %lt3A_198 : vector<16xi32>
          %and3A_200 = arith.andi %eq3A_197, %lt3A_199 : vector<16xi1>
          %convert_element_type3A_201 = arith.extui %and3A_200 : vector<16xi1> to vector<16xi32>
          %add3A_202 = arith.addi %add3A_182, %convert_element_type3A_195 : vector<16xi32>
          %add3A_203 = arith.addi %add3A_202, %convert_element_type3A_201 : vector<16xi32>
          %scan3A_204 = arith.constant 4 : i32
          %scan3A_205 = arith.addi %scan3A_121, %scan3A_204 : i32
          %mul3A_206 = arith.constant 16 : i32
          %mul3A_207 = arith.muli %scan3A_205, %mul3A_206 : i32
          %get3A_208 = arith.index_cast %mul3A_207 : i32 to index
          %get3A_209 = tpu.vector_load %arg15[%get3A_208] {strides = array<i32>} : memref<512xi32, #tpu.memory_space<vmem>>, vector<16xi32>,
          %mul3A_210 = arith.constant 16 : i32
          %mul3A_211 = arith.muli %scan3A_205, %mul3A_210 : i32
          %add3A_212 = vector.broadcast %mul3A_211 : i32 to vector<16xi32>
          %add3A_213 = arith.addi %iota3A, %add3A_212 : vector<16xi32>
          %gt3A_214 = vector.broadcast %reduce_sum3A_79 : i32 to vector<16xi32>
          %gt3A_215 = arith.cmpi sgt, %get3A_209, %gt3A_214 : vector<16xi32>
          %convert_element_type3A_216 = arith.extui %gt3A_215 : vector<16xi1> to vector<16xi32>
          %eq3A_217 = vector.broadcast %reduce_sum3A_79 : i32 to vector<16xi32>
          %eq3A_218 = arith.cmpi eq, %get3A_209, %eq3A_217 : vector<16xi32>
          %lt3A_219 = vector.broadcast %scan3A_49 : i32 to vector<16xi32>
          %lt3A_220 = arith.cmpi slt, %add3A_213, %lt3A_219 : vector<16xi32>
          %and3A_221 = arith.andi %eq3A_218, %lt3A_220 : vector<16xi1>
          %convert_element_type3A_222 = arith.extui %and3A_221 : vector<16xi1> to vector<16xi32>
          %add3A_223 = arith.addi %add3A_203, %convert_element_type3A_216 : vector<16xi32>
          %add3A_224 = arith.addi %add3A_223, %convert_element_type3A_222 : vector<16xi32>
          %scan3A_225 = arith.constant 5 : i32
          %scan3A_226 = arith.addi %scan3A_121, %scan3A_225 : i32
          %mul3A_227 = arith.constant 16 : i32
          %mul3A_228 = arith.muli %scan3A_226, %mul3A_227 : i32
          %get3A_229 = arith.index_cast %mul3A_228 : i32 to index
          %get3A_230 = tpu.vector_load %arg15[%get3A_229] {strides = array<i32>} : memref<512xi32, #tpu.memory_space<vmem>>, vector<16xi32>,
          %mul3A_231 = arith.constant 16 : i32
          %mul3A_232 = arith.muli %scan3A_226, %mul3A_231 : i32
          %add3A_233 = vector.broadcast %mul3A_232 : i32 to vector<16xi32>
          %add3A_234 = arith.addi %iota3A, %add3A_233 : vector<16xi32>
          %gt3A_235 = vector.broadcast %reduce_sum3A_79 : i32 to vector<16xi32>
          %gt3A_236 = arith.cmpi sgt, %get3A_230, %gt3A_235 : vector<16xi32>
          %convert_element_type3A_237 = arith.extui %gt3A_236 : vector<16xi1> to vector<16xi32>
          %eq3A_238 = vector.broadcast %reduce_sum3A_79 : i32 to vector<16xi32>
          %eq3A_239 = arith.cmpi eq, %get3A_230, %eq3A_238 : vector<16xi32>
          %lt3A_240 = vector.broadcast %scan3A_49 : i32 to vector<16xi32>
          %lt3A_241 = arith.cmpi slt, %add3A_234, %lt3A_240 : vector<16xi32>
          %and3A_242 = arith.andi %eq3A_239, %lt3A_241 : vector<16xi1>
          %convert_element_type3A_243 = arith.extui %and3A_242 : vector<16xi1> to vector<16xi32>
          %add3A_244 = arith.addi %add3A_224, %convert_element_type3A_237 : vector<16xi32>
          %add3A_245 = arith.addi %add3A_244, %convert_element_type3A_243 : vector<16xi32>
          %scan3A_246 = arith.constant 6 : i32
          %scan3A_247 = arith.addi %scan3A_121, %scan3A_246 : i32
          %mul3A_248 = arith.constant 16 : i32
          %mul3A_249 = arith.muli %scan3A_247, %mul3A_248 : i32
          %get3A_250 = arith.index_cast %mul3A_249 : i32 to index
          %get3A_251 = tpu.vector_load %arg15[%get3A_250] {strides = array<i32>} : memref<512xi32, #tpu.memory_space<vmem>>, vector<16xi32>,
          %mul3A_252 = arith.constant 16 : i32
          %mul3A_253 = arith.muli %scan3A_247, %mul3A_252 : i32
          %add3A_254 = vector.broadcast %mul3A_253 : i32 to vector<16xi32>
          %add3A_255 = arith.addi %iota3A, %add3A_254 : vector<16xi32>
          %gt3A_256 = vector.broadcast %reduce_sum3A_79 : i32 to vector<16xi32>
          %gt3A_257 = arith.cmpi sgt, %get3A_251, %gt3A_256 : vector<16xi32>
          %convert_element_type3A_258 = arith.extui %gt3A_257 : vector<16xi1> to vector<16xi32>
          %eq3A_259 = vector.broadcast %reduce_sum3A_79 : i32 to vector<16xi32>
          %eq3A_260 = arith.cmpi eq, %get3A_251, %eq3A_259 : vector<16xi32>
          %lt3A_261 = vector.broadcast %scan3A_49 : i32 to vector<16xi32>
          %lt3A_262 = arith.cmpi slt, %add3A_255, %lt3A_261 : vector<16xi32>
          %and3A_263 = arith.andi %eq3A_260, %lt3A_262 : vector<16xi1>
          %convert_element_type3A_264 = arith.extui %and3A_263 : vector<16xi1> to vector<16xi32>
          %add3A_265 = arith.addi %add3A_245, %convert_element_type3A_258 : vector<16xi32>
          %add3A_266 = arith.addi %add3A_265, %convert_element_type3A_264 : vector<16xi32>
          %scan3A_267 = arith.constant 7 : i32
          %scan3A_268 = arith.addi %scan3A_121, %scan3A_267 : i32
          %mul3A_269 = arith.constant 16 : i32
          %mul3A_270 = arith.muli %scan3A_268, %mul3A_269 : i32
          %get3A_271 = arith.index_cast %mul3A_270 : i32 to index
          %get3A_272 = tpu.vector_load %arg15[%get3A_271] {strides = array<i32>} : memref<512xi32, #tpu.memory_space<vmem>>, vector<16xi32>,
          %mul3A_273 = arith.constant 16 : i32
          %mul3A_274 = arith.muli %scan3A_268, %mul3A_273 : i32
          %add3A_275 = vector.broadcast %mul3A_274 : i32 to vector<16xi32>
          %add3A_276 = arith.addi %iota3A, %add3A_275 : vector<16xi32>
          %gt3A_277 = vector.broadcast %reduce_sum3A_79 : i32 to vector<16xi32>
          %gt3A_278 = arith.cmpi sgt, %get3A_272, %gt3A_277 : vector<16xi32>
          %convert_element_type3A_279 = arith.extui %gt3A_278 : vector<16xi1> to vector<16xi32>
          %eq3A_280 = vector.broadcast %reduce_sum3A_79 : i32 to vector<16xi32>
          %eq3A_281 = arith.cmpi eq, %get3A_272, %eq3A_280 : vector<16xi32>
          %lt3A_282 = vector.broadcast %scan3A_49 : i32 to vector<16xi32>
          %lt3A_283 = arith.cmpi slt, %add3A_276, %lt3A_282 : vector<16xi32>
          %and3A_284 = arith.andi %eq3A_281, %lt3A_283 : vector<16xi1>
          %convert_element_type3A_285 = arith.extui %and3A_284 : vector<16xi1> to vector<16xi32>
          %add3A_286 = arith.addi %add3A_266, %convert_element_type3A_279 : vector<16xi32>
          %add3A_287 = arith.addi %add3A_286, %convert_element_type3A_285 : vector<16xi32>
          scf.yield %add3A_287 : vector<16xi32>
        }
        %scan3A_87 = arith.constant 16 : i32
        %reduce_sum3A_88 = arith.constant true
        %reduce_sum3A_89 = vector.broadcast %reduce_sum3A_88 : i1 to vector<16xi1>
        %reduce_sum3A_90 = tpu.scan <sum>, %scan3A_86 masked %reduce_sum3A_89 : vector<16xi32>, vector<16xi1> -> vector<16xi32>
        %reduce_sum3A_91 = vector.extract %reduce_sum3A_90[15] : i32 from vector<16xi32>
        %get3A_92 = arith.index_cast %mul3A_70 : i32 to index
        %get3A_93 = tpu.vector_load %arg16[%get3A_92] {strides = array<i32>} : memref<512xi32, #tpu.memory_space<vmem>>, vector<16xi32>,
        %eq3A_94 = vector.broadcast %sub3A_71 : i32 to vector<16xi32>
        %eq3A_95 = arith.cmpi eq, %iota3A, %eq3A_94 : vector<16xi32>
        %jit3A_96 = arith.constant 0 : i32
        %broadcast_in_dim3A_97 = vector.broadcast %jit3A_96 : i32 to vector<16xi32>
        %select_n3A_98 = arith.select %eq3A_95, %get3A_93, %broadcast_in_dim3A_97 : vector<16xi1>, vector<16xi32>
        %reduce_sum3A_99 = arith.constant true
        %reduce_sum3A_100 = vector.broadcast %reduce_sum3A_99 : i1 to vector<16xi1>
        %reduce_sum3A_101 = tpu.scan <sum>, %select_n3A_98 masked %reduce_sum3A_100 : vector<16xi32>, vector<16xi1> -> vector<16xi32>
        %reduce_sum3A_102 = vector.extract %reduce_sum3A_101[15] : i32 from vector<16xi32>
        %get3A_103 = arith.index_cast %mul3A_70 : i32 to index
        %get3A_104 = tpu.vector_load %arg17[%get3A_103] {strides = array<i32>} : memref<512xf32, #tpu.memory_space<vmem>>, vector<16xf32>,
        %eq3A_105 = vector.broadcast %sub3A_71 : i32 to vector<16xi32>
        %eq3A_106 = arith.cmpi eq, %iota3A, %eq3A_105 : vector<16xi32>
        %jit3A_107 = arith.constant 0.000000e+00 : f32
        %broadcast_in_dim3A_108 = vector.broadcast %jit3A_107 : f32 to vector<16xf32>
        %select_n3A_109 = arith.select %eq3A_106, %get3A_104, %broadcast_in_dim3A_108 : vector<16xi1>, vector<16xf32>
        %reduce_sum3A_110 = arith.constant true
        %reduce_sum3A_111 = vector.broadcast %reduce_sum3A_110 : i1 to vector<16xi1>
        %reduce_sum3A_112 = tpu.scan <sum>, %select_n3A_109 masked %reduce_sum3A_111 : vector<16xf32>, vector<16xi1> -> vector<16xf32>
        %reduce_sum3A_113 = vector.extract %reduce_sum3A_112[15] : f32 from vector<16xf32>
        %eq3A_114 = arith.constant 0 : i32
        %eq3A_115 = vector.broadcast %eq3A_114 : i32 to vector<16xi32>
        %eq3A_116 = arith.cmpi eq, %iota3A, %eq3A_115 : vector<16xi32>
        %broadcast_in_dim3A_117 = vector.broadcast %reduce_sum3A_91 : i32 to vector<16xi32>
        %broadcast_in_dim3A_118 = vector.broadcast %reduce_sum3A_102 : i32 to vector<16xi32>
        tpu.vector_store_idx %arg18[%broadcast_in_dim3A_117], %broadcast_in_dim3A_118 masked %eq3A_116 : memref<512xi32, #tpu.memory_space<vmem>>[vector<16xi32>], vector<16xi32>, vector<16xi1>
        %broadcast_in_dim3A_119 = vector.broadcast %reduce_sum3A_113 : f32 to vector<16xf32>
        tpu.vector_store_idx %arg19[%broadcast_in_dim3A_117], %broadcast_in_dim3A_119 masked %eq3A_116 : memref<512xf32, #tpu.memory_space<vmem>>[vector<16xi32>], vector<16xf32>, vector<16xi1>
        %scan3A_120 = arith.constant 0 : i32
        scf.yield %scan3A_120 : i32
      }
      %scan3A_44 = arith.constant 256 : i32
      %mul3A_45 = arith.constant 256 : i32
      %mul3A_46 = arith.muli %sub3A_27, %mul3A_45 : i32
      "tpu.region"() ({
        %run_scoped3A = tpu.sem_alloc : memref<!tpu.dma_semaphore, #tpu.memory_space<semaphore_mem>>
        %dma_start3A_49 = arith.constant 0 : i32
        %dma_start3A_50 = tpu.memref_slice %arg18[%dma_start3A_49] : memref<512xi32, #tpu.memory_space<vmem>> -> memref<256xi32, #tpu.memory_space<vmem>>
        %dma_start3A_51 = tpu.memref_slice %arg9[%mul3A_46] : memref<1024xi32, #tpu.memory_space<hbm>> -> memref<256xi32, #tpu.memory_space<hbm>>
        %dma_start3A_52 = tpu.memref_slice %arg9[%mul3A_46] : memref<1024xi32, #tpu.memory_space<hbm>> -> memref<256xi32, #tpu.memory_space<hbm>>
        %dma_start3A_53 = arith.constant 0 : i32
        %dma_start3A_54 = tpu.memref_slice %arg18[%dma_start3A_53] : memref<512xi32, #tpu.memory_space<vmem>> -> memref<256xi32, #tpu.memory_space<vmem>>
        tpu.enqueue_dma source(%dma_start3A_54 : memref<256xi32, #tpu.memory_space<vmem>>) target(%dma_start3A_52 : memref<256xi32, #tpu.memory_space<hbm>>) target_semaphore(%run_scoped3A : memref<!tpu.dma_semaphore, #tpu.memory_space<semaphore_mem>>)
        %dma_wait3A_55 = arith.constant 0 : i32
        %dma_wait3A_56 = tpu.memref_slice %arg18[%dma_wait3A_55] : memref<512xi32, #tpu.memory_space<vmem>> -> memref<256xi32, #tpu.memory_space<vmem>>
        %dma_wait3A_57 = tpu.memref_slice %arg9[%mul3A_46] : memref<1024xi32, #tpu.memory_space<hbm>> -> memref<256xi32, #tpu.memory_space<hbm>>
        %dma_wait3A_58 = tpu.memref_slice %arg9[%mul3A_46] : memref<1024xi32, #tpu.memory_space<hbm>> -> memref<256xi32, #tpu.memory_space<hbm>>
        %dma_wait3A_59 = arith.constant 0 : i32
        %dma_wait3A_60 = tpu.memref_slice %arg18[%dma_wait3A_59] : memref<512xi32, #tpu.memory_space<vmem>> -> memref<256xi32, #tpu.memory_space<vmem>>
        tpu.wait_dma2 semaphore(%run_scoped3A : memref<!tpu.dma_semaphore, #tpu.memory_space<semaphore_mem>>) src(%dma_wait3A_60 : memref<256xi32, #tpu.memory_space<vmem>>) dst(%dma_wait3A_58 : memref<256xi32, #tpu.memory_space<hbm>>)
        tpu.yield
      }) : () -> ()
      %mul3A_47 = arith.constant 256 : i32
      %mul3A_48 = arith.muli %sub3A_27, %mul3A_47 : i32
      "tpu.region"() ({
        %run_scoped3A = tpu.sem_alloc : memref<!tpu.dma_semaphore, #tpu.memory_space<semaphore_mem>>
        %dma_start3A_49 = arith.constant 0 : i32
        %dma_start3A_50 = tpu.memref_slice %arg19[%dma_start3A_49] : memref<512xf32, #tpu.memory_space<vmem>> -> memref<256xf32, #tpu.memory_space<vmem>>
        %dma_start3A_51 = tpu.memref_slice %arg7[%mul3A_48] : memref<1024xf32, #tpu.memory_space<hbm>> -> memref<256xf32, #tpu.memory_space<hbm>>
        %dma_start3A_52 = tpu.memref_slice %arg7[%mul3A_48] : memref<1024xf32, #tpu.memory_space<hbm>> -> memref<256xf32, #tpu.memory_space<hbm>>
        %dma_start3A_53 = arith.constant 0 : i32
        %dma_start3A_54 = tpu.memref_slice %arg19[%dma_start3A_53] : memref<512xf32, #tpu.memory_space<vmem>> -> memref<256xf32, #tpu.memory_space<vmem>>
        tpu.enqueue_dma source(%dma_start3A_54 : memref<256xf32, #tpu.memory_space<vmem>>) target(%dma_start3A_52 : memref<256xf32, #tpu.memory_space<hbm>>) target_semaphore(%run_scoped3A : memref<!tpu.dma_semaphore, #tpu.memory_space<semaphore_mem>>)
        %dma_wait3A_55 = arith.constant 0 : i32
        %dma_wait3A_56 = tpu.memref_slice %arg19[%dma_wait3A_55] : memref<512xf32, #tpu.memory_space<vmem>> -> memref<256xf32, #tpu.memory_space<vmem>>
        %dma_wait3A_57 = tpu.memref_slice %arg7[%mul3A_48] : memref<1024xf32, #tpu.memory_space<hbm>> -> memref<256xf32, #tpu.memory_space<hbm>>
        %dma_wait3A_58 = tpu.memref_slice %arg7[%mul3A_48] : memref<1024xf32, #tpu.memory_space<hbm>> -> memref<256xf32, #tpu.memory_space<hbm>>
        %dma_wait3A_59 = arith.constant 0 : i32
        %dma_wait3A_60 = tpu.memref_slice %arg19[%dma_wait3A_59] : memref<512xf32, #tpu.memory_space<vmem>> -> memref<256xf32, #tpu.memory_space<vmem>>
        tpu.wait_dma2 semaphore(%run_scoped3A : memref<!tpu.dma_semaphore, #tpu.memory_space<semaphore_mem>>) src(%dma_wait3A_60 : memref<256xf32, #tpu.memory_space<vmem>>) dst(%dma_wait3A_58 : memref<256xf32, #tpu.memory_space<hbm>>)
        tpu.yield
      }) : () -> ()
    } else {
    }
    %barrier3A = arith.constant 0 : index
    tpu.barrier barrier_id(%barrier3A)
    %mul3A_9 = arith.constant 64 : i32
    %mul3A_10 = arith.muli %add3A, %mul3A_9 : i32
    "tpu.region"() ({
      %run_scoped3A = tpu.sem_alloc : memref<!tpu.dma_semaphore, #tpu.memory_space<semaphore_mem>>
      %dma_start3A_27 = tpu.memref_slice %arg8[%mul3A_10] : memref<2048xi32, #tpu.memory_space<hbm>> -> memref<64xi32, #tpu.memory_space<hbm>>
      %dma_start3A_28 = tpu.memref_slice %arg8[%mul3A_10] : memref<2048xi32, #tpu.memory_space<hbm>> -> memref<64xi32, #tpu.memory_space<hbm>>
      tpu.enqueue_dma source(%dma_start3A_28 : memref<64xi32, #tpu.memory_space<hbm>>) target(%arg20 : memref<64xi32, #tpu.memory_space<vmem>>) target_semaphore(%run_scoped3A : memref<!tpu.dma_semaphore, #tpu.memory_space<semaphore_mem>>)
      %dma_wait3A_29 = tpu.memref_slice %arg8[%mul3A_10] : memref<2048xi32, #tpu.memory_space<hbm>> -> memref<64xi32, #tpu.memory_space<hbm>>
      %dma_wait3A_30 = tpu.memref_slice %arg8[%mul3A_10] : memref<2048xi32, #tpu.memory_space<hbm>> -> memref<64xi32, #tpu.memory_space<hbm>>
      tpu.wait_dma2 semaphore(%run_scoped3A : memref<!tpu.dma_semaphore, #tpu.memory_space<semaphore_mem>>) src(%dma_wait3A_30 : memref<64xi32, #tpu.memory_space<hbm>>) dst(%arg20 : memref<64xi32, #tpu.memory_space<vmem>>)
      tpu.yield
    }) : () -> ()
    %mul3A_11 = arith.constant 32 : i32
    %mul3A_12 = arith.muli %add3A, %mul3A_11 : i32
    "tpu.region"() ({
      %run_scoped3A = tpu.sem_alloc : memref<!tpu.dma_semaphore, #tpu.memory_space<semaphore_mem>>
      %dma_start3A_27 = tpu.memref_slice %arg9[%mul3A_12] : memref<1024xi32, #tpu.memory_space<hbm>> -> memref<32xi32, #tpu.memory_space<hbm>>
      %dma_start3A_28 = tpu.memref_slice %arg9[%mul3A_12] : memref<1024xi32, #tpu.memory_space<hbm>> -> memref<32xi32, #tpu.memory_space<hbm>>
      tpu.enqueue_dma source(%dma_start3A_28 : memref<32xi32, #tpu.memory_space<hbm>>) target(%arg21 : memref<32xi32, #tpu.memory_space<vmem>>) target_semaphore(%run_scoped3A : memref<!tpu.dma_semaphore, #tpu.memory_space<semaphore_mem>>)
      %dma_wait3A_29 = tpu.memref_slice %arg9[%mul3A_12] : memref<1024xi32, #tpu.memory_space<hbm>> -> memref<32xi32, #tpu.memory_space<hbm>>
      %dma_wait3A_30 = tpu.memref_slice %arg9[%mul3A_12] : memref<1024xi32, #tpu.memory_space<hbm>> -> memref<32xi32, #tpu.memory_space<hbm>>
      tpu.wait_dma2 semaphore(%run_scoped3A : memref<!tpu.dma_semaphore, #tpu.memory_space<semaphore_mem>>) src(%dma_wait3A_30 : memref<32xi32, #tpu.memory_space<hbm>>) dst(%arg21 : memref<32xi32, #tpu.memory_space<vmem>>)
      tpu.yield
    }) : () -> ()
    %dma_start3A = arith.constant 0 : i32
    %dma_start3A_13 = arith.constant 0 : i32
    %dma_start3A_14 = tpu.memref_slice %arg5[%dma_start3A, %dma_start3A_13] : memref<32768x768xf32, #tpu.memory_space<hbm>> -> memref<32768x768xf32, #tpu.memory_space<hbm>>
    tpu.enqueue_indirect_dma source(%dma_start3A_14 : memref<32768x768xf32, #tpu.memory_space<hbm>>) target(%arg22 : memref<64x768xf32, #tpu.memory_space<vmem>>) offsets(%arg20 : memref<64xi32, #tpu.memory_space<vmem>>) semaphore(%arg24 : memref<!tpu.dma_semaphore, #tpu.memory_space<semaphore_mem>>)
    %dma_start3A_15 = arith.constant 0 : i32
    %dma_start3A_16 = arith.constant 0 : i32
    %dma_start3A_17 = tpu.memref_slice %arg5[%dma_start3A_15, %dma_start3A_16] : memref<32768x768xf32, #tpu.memory_space<hbm>> -> memref<32768x768xf32, #tpu.memory_space<hbm>>
    tpu.enqueue_indirect_dma source(%dma_start3A_17 : memref<32768x768xf32, #tpu.memory_space<hbm>>) target(%arg23 : memref<32x768xf32, #tpu.memory_space<vmem>>) offsets(%arg21 : memref<32xi32, #tpu.memory_space<vmem>>) semaphore(%arg24 : memref<!tpu.dma_semaphore, #tpu.memory_space<semaphore_mem>>)
    %dma_wait3A = arith.constant 0 : i32
    %dma_wait3A_18 = arith.constant 0 : i32
    %dma_wait3A_19 = tpu.memref_slice %arg5[%dma_wait3A, %dma_wait3A_18] : memref<32768x768xf32, #tpu.memory_space<hbm>> -> memref<32768x768xf32, #tpu.memory_space<hbm>>
    tpu.wait_indirect_dma semaphore(%arg24 : memref<!tpu.dma_semaphore, #tpu.memory_space<semaphore_mem>>) src(%dma_wait3A_19 : memref<32768x768xf32, #tpu.memory_space<hbm>>) dst(%arg22 : memref<64x768xf32, #tpu.memory_space<vmem>>)
    %mul3A_20 = arith.constant 64 : i32
    %mul3A_21 = arith.muli %add3A, %mul3A_20 : i32
    "tpu.region"() ({
      %run_scoped3A = tpu.sem_alloc : memref<!tpu.dma_semaphore, #tpu.memory_space<semaphore_mem>>
      %dma_start3A_27 = arith.constant 0 : i32
      %dma_start3A_28 = tpu.memref_slice %arg10[%mul3A_21, %dma_start3A_27] : memref<2048x768xf32, #tpu.memory_space<hbm>> -> memref<64x768xf32, #tpu.memory_space<hbm>>
      %dma_start3A_29 = arith.constant 0 : i32
      %dma_start3A_30 = tpu.memref_slice %arg10[%mul3A_21, %dma_start3A_29] : memref<2048x768xf32, #tpu.memory_space<hbm>> -> memref<64x768xf32, #tpu.memory_space<hbm>>
      tpu.enqueue_dma source(%arg22 : memref<64x768xf32, #tpu.memory_space<vmem>>) target(%dma_start3A_30 : memref<64x768xf32, #tpu.memory_space<hbm>>) target_semaphore(%run_scoped3A : memref<!tpu.dma_semaphore, #tpu.memory_space<semaphore_mem>>)
      %dma_wait3A_31 = arith.constant 0 : i32
      %dma_wait3A_32 = tpu.memref_slice %arg10[%mul3A_21, %dma_wait3A_31] : memref<2048x768xf32, #tpu.memory_space<hbm>> -> memref<64x768xf32, #tpu.memory_space<hbm>>
      %dma_wait3A_33 = arith.constant 0 : i32
      %dma_wait3A_34 = tpu.memref_slice %arg10[%mul3A_21, %dma_wait3A_33] : memref<2048x768xf32, #tpu.memory_space<hbm>> -> memref<64x768xf32, #tpu.memory_space<hbm>>
      tpu.wait_dma2 semaphore(%run_scoped3A : memref<!tpu.dma_semaphore, #tpu.memory_space<semaphore_mem>>) src(%arg22 : memref<64x768xf32, #tpu.memory_space<vmem>>) dst(%dma_wait3A_34 : memref<64x768xf32, #tpu.memory_space<hbm>>)
      tpu.yield
    }) : () -> ()
    %dma_wait3A_22 = arith.constant 0 : i32
    %dma_wait3A_23 = arith.constant 0 : i32
    %dma_wait3A_24 = tpu.memref_slice %arg5[%dma_wait3A_22, %dma_wait3A_23] : memref<32768x768xf32, #tpu.memory_space<hbm>> -> memref<32768x768xf32, #tpu.memory_space<hbm>>
    tpu.wait_indirect_dma semaphore(%arg24 : memref<!tpu.dma_semaphore, #tpu.memory_space<semaphore_mem>>) src(%dma_wait3A_24 : memref<32768x768xf32, #tpu.memory_space<hbm>>) dst(%arg23 : memref<32x768xf32, #tpu.memory_space<vmem>>)
    %mul3A_25 = arith.constant 32 : i32
    %mul3A_26 = arith.muli %add3A, %mul3A_25 : i32
    "tpu.region"() ({
      %run_scoped3A = tpu.sem_alloc : memref<!tpu.dma_semaphore, #tpu.memory_space<semaphore_mem>>
      %dma_start3A_27 = arith.constant 0 : i32
      %dma_start3A_28 = tpu.memref_slice %arg11[%mul3A_26, %dma_start3A_27] : memref<1024x768xf32, #tpu.memory_space<hbm>> -> memref<32x768xf32, #tpu.memory_space<hbm>>
      %dma_start3A_29 = arith.constant 0 : i32
      %dma_start3A_30 = tpu.memref_slice %arg11[%mul3A_26, %dma_start3A_29] : memref<1024x768xf32, #tpu.memory_space<hbm>> -> memref<32x768xf32, #tpu.memory_space<hbm>>
      tpu.enqueue_dma source(%arg23 : memref<32x768xf32, #tpu.memory_space<vmem>>) target(%dma_start3A_30 : memref<32x768xf32, #tpu.memory_space<hbm>>) target_semaphore(%run_scoped3A : memref<!tpu.dma_semaphore, #tpu.memory_space<semaphore_mem>>)
      %dma_wait3A_31 = arith.constant 0 : i32
      %dma_wait3A_32 = tpu.memref_slice %arg11[%mul3A_26, %dma_wait3A_31] : memref<1024x768xf32, #tpu.memory_space<hbm>> -> memref<32x768xf32, #tpu.memory_space<hbm>>
      %dma_wait3A_33 = arith.constant 0 : i32
      %dma_wait3A_34 = tpu.memref_slice %arg11[%mul3A_26, %dma_wait3A_33] : memref<1024x768xf32, #tpu.memory_space<hbm>> -> memref<32x768xf32, #tpu.memory_space<hbm>>
      tpu.wait_dma2 semaphore(%run_scoped3A : memref<!tpu.dma_semaphore, #tpu.memory_space<semaphore_mem>>) src(%arg23 : memref<32x768xf32, #tpu.memory_space<vmem>>) dst(%dma_wait3A_34 : memref<32x768xf32, #tpu.memory_space<hbm>>)
      tpu.yield
    }) : () -> ()
    return
  }
}

module attributes {stable_mosaic.version = 14 : i64} {
  func.func @_score_body(%arg0: i32, %arg1: i32, %arg2: memref<1x2048x768xf32, #tpu.memory_space<vmem>>, %arg3: memref<1x1x64xf32, #tpu.memory_space<vmem>>, %arg4: memref<1x1x64xf32, #tpu.memory_space<vmem>>, %arg5: memref<832x1xf32, #tpu.memory_space<vmem>>, %arg6: memref<832x1xf32, #tpu.memory_space<vmem>>, %arg7: memref<1xf32, #tpu.memory_space<vmem>>, %arg8: memref<1xf32, #tpu.memory_space<vmem>>, %arg9: memref<1x1x2048xf32, #tpu.memory_space<vmem>>, %arg10: memref<1x1x2048xf32, #tpu.memory_space<vmem>>) attributes {dimension_semantics = [#tpu.dimension_semantics<arbitrary>, #tpu.dimension_semantics<arbitrary>], iteration_bounds = array<i64: 4, 4>, scalar_prefetch = 0 : i64, scratch_operands = 0 : i64, tpu.core_type = #tpu.core_type<tc>, window_params = [{transform_indices = @transform_0, window_bounds = array<i64: 1, 2048, 768>}, {transform_indices = @transform_1, window_bounds = array<i64: 1, 1, 64>}, {transform_indices = @transform_2, window_bounds = array<i64: 1, 1, 64>}, {pipeline_mode = #tpu.pipeline_mode<synchronous>, transform_indices = @transform_3, window_bounds = array<i64: 832, 1>}, {pipeline_mode = #tpu.pipeline_mode<synchronous>, transform_indices = @transform_4, window_bounds = array<i64: 832, 1>}, {pipeline_mode = #tpu.pipeline_mode<synchronous>, transform_indices = @transform_5, window_bounds = array<i64: 1>}, {pipeline_mode = #tpu.pipeline_mode<synchronous>, transform_indices = @transform_6, window_bounds = array<i64: 1>}, {transform_indices = @transform_7, window_bounds = array<i64: 1, 1, 2048>}, {transform_indices = @transform_8, window_bounds = array<i64: 1, 1, 2048>}]} {
    %get3A = arith.constant 0 : index
    %get3A_0 = arith.constant 0 : index
    %get3A_1 = arith.constant 0 : index
    %get3A_2 = vector.load %arg2[%get3A, %get3A_0, %get3A_1] : memref<1x2048x768xf32, #tpu.memory_space<vmem>>, vector<1x2048x768xf32>
    %get3A_3 = vector.shape_cast %get3A_2 : vector<1x2048x768xf32> to vector<2048x768xf32>
    %get3A_4 = arith.constant 0 : index
    %get3A_5 = arith.constant 0 : index
    %get3A_6 = arith.constant 0 : index
    %get3A_7 = vector.load %arg3[%get3A_4, %get3A_5, %get3A_6] : memref<1x1x64xf32, #tpu.memory_space<vmem>>, vector<1x1x64xf32>
    %get3A_8 = vector.shape_cast %get3A_7 : vector<1x1x64xf32> to vector<1x64xf32>
    %broadcast_in_dim3A = vector.shape_cast %get3A_8 : vector<1x64xf32> to vector<1x64xf32>
    %broadcast_in_dim3A_9 = vector.broadcast %broadcast_in_dim3A : vector<1x64xf32> to vector<2048x64xf32>
    %get3A_10 = arith.constant 0 : index
    %get3A_11 = arith.constant 0 : index
    %get3A_12 = arith.constant 0 : index
    %get3A_13 = vector.load %arg4[%get3A_10, %get3A_11, %get3A_12] : memref<1x1x64xf32, #tpu.memory_space<vmem>>, vector<1x1x64xf32>
    %get3A_14 = vector.shape_cast %get3A_13 : vector<1x1x64xf32> to vector<1x64xf32>
    %broadcast_in_dim3A_15 = vector.shape_cast %get3A_14 : vector<1x64xf32> to vector<1x64xf32>
    %broadcast_in_dim3A_16 = vector.broadcast %broadcast_in_dim3A_15 : vector<1x64xf32> to vector<2048x64xf32>
    %concatenate3A = tpu.concatenate %get3A_3, %broadcast_in_dim3A_9 in 1 : vector<2048x768xf32>, vector<2048x64xf32> -> vector<2048x832xf32>
    %concatenate3A_17 = tpu.concatenate %get3A_3, %broadcast_in_dim3A_16 in 1 : vector<2048x768xf32>, vector<2048x64xf32> -> vector<2048x832xf32>
    %get3A_18 = arith.constant 0 : index
    %get3A_19 = arith.constant 0 : index
    %get3A_20 = vector.load %arg5[%get3A_18, %get3A_19] : memref<832x1xf32, #tpu.memory_space<vmem>>, vector<832x1xf32>
    %dot_general3A = arith.constant dense<0.000000e+00> : vector<2048x1xf32>
    %dot_general3A_21 = tpu.matmul %concatenate3A, %get3A_20, %dot_general3A {dimension_numbers = #tpu.dot_dimension_numbers<[1], [0], [0], [1], [0, 0, 1, 1], [], []>, transpose_lhs_hint = false} : vector<2048x832xf32>, vector<832x1xf32>, vector<2048x1xf32> -> vector<2048x1xf32>
    %get3A_22 = arith.constant 0 : index
    %get3A_23 = vector.load %arg7[%get3A_22] : memref<1xf32, #tpu.memory_space<vmem>>, vector<1xf32>
    %broadcast_in_dim3A_24 = vector.shape_cast %get3A_23 : vector<1xf32> to vector<1x1xf32>
    %add3A = vector.broadcast %broadcast_in_dim3A_24 : vector<1x1xf32> to vector<2048x1xf32>
    %add3A_25 = arith.addf %dot_general3A_21, %add3A : vector<2048x1xf32>
    %get3A_26 = arith.constant 0 : index
    %get3A_27 = arith.constant 0 : index
    %get3A_28 = vector.load %arg6[%get3A_26, %get3A_27] : memref<832x1xf32, #tpu.memory_space<vmem>>, vector<832x1xf32>
    %dot_general3A_29 = arith.constant dense<0.000000e+00> : vector<2048x1xf32>
    %dot_general3A_30 = tpu.matmul %concatenate3A_17, %get3A_28, %dot_general3A_29 {dimension_numbers = #tpu.dot_dimension_numbers<[1], [0], [0], [1], [0, 0, 1, 1], [], []>, transpose_lhs_hint = false} : vector<2048x832xf32>, vector<832x1xf32>, vector<2048x1xf32> -> vector<2048x1xf32>
    %get3A_31 = arith.constant 0 : index
    %get3A_32 = vector.load %arg8[%get3A_31] : memref<1xf32, #tpu.memory_space<vmem>>, vector<1xf32>
    %broadcast_in_dim3A_33 = vector.shape_cast %get3A_32 : vector<1xf32> to vector<1x1xf32>
    %add3A_34 = vector.broadcast %broadcast_in_dim3A_33 : vector<1x1xf32> to vector<2048x1xf32>
    %add3A_35 = arith.addf %dot_general3A_30, %add3A_34 : vector<2048x1xf32>
    %squeeze3A = vector.shape_cast %add3A_25 : vector<2048x1xf32> to vector<2048xf32>
    %swap3A = arith.constant 0 : index
    %swap3A_36 = arith.constant 0 : index
    %swap3A_37 = arith.constant 0 : index
    %swap3A_38 = vector.load %arg9[%swap3A, %swap3A_36, %swap3A_37] : memref<1x1x2048xf32, #tpu.memory_space<vmem>>, vector<1x1x2048xf32>
    %swap3A_39 = vector.shape_cast %swap3A_38 : vector<1x1x2048xf32> to vector<2048xf32>
    %swap3A_40 = vector.shape_cast %squeeze3A : vector<2048xf32> to vector<1x1x2048xf32>
    tpu.vector_store %arg9[%swap3A, %swap3A_36, %swap3A_37], %swap3A_40 {strides = array<i32>} : memref<1x1x2048xf32, #tpu.memory_space<vmem>>, vector<1x1x2048xf32>,
    %squeeze3A_41 = vector.shape_cast %add3A_35 : vector<2048x1xf32> to vector<2048xf32>
    %swap3A_42 = arith.constant 0 : index
    %swap3A_43 = arith.constant 0 : index
    %swap3A_44 = arith.constant 0 : index
    %swap3A_45 = vector.load %arg10[%swap3A_42, %swap3A_43, %swap3A_44] : memref<1x1x2048xf32, #tpu.memory_space<vmem>>, vector<1x1x2048xf32>
    %swap3A_46 = vector.shape_cast %swap3A_45 : vector<1x1x2048xf32> to vector<2048xf32>
    %swap3A_47 = vector.shape_cast %squeeze3A_41 : vector<2048xf32> to vector<1x1x2048xf32>
    tpu.vector_store %arg10[%swap3A_42, %swap3A_43, %swap3A_44], %swap3A_47 {strides = array<i32>} : memref<1x1x2048xf32, #tpu.memory_space<vmem>>, vector<1x1x2048xf32>,
    return
  }
  func.func @transform_0(%arg0: i32, %arg1: i32) -> (i32, i32, i32) {
    %c0_i32 = arith.constant 0 : i32
    %c0_i32_0 = arith.constant 0 : i32
    return %arg0, %arg1, %c0_i32 : i32, i32, i32
  }
  func.func @transform_1(%arg0: i32, %arg1: i32) -> (i32, i32, i32) {
    %c0_i32 = arith.constant 0 : i32
    %c0_i32_0 = arith.constant 0 : i32
    %c0_i32_1 = arith.constant 0 : i32
    return %arg0, %c0_i32, %c0_i32_0 : i32, i32, i32
  }
  func.func @transform_2(%arg0: i32, %arg1: i32) -> (i32, i32, i32) {
    %c0_i32 = arith.constant 0 : i32
    %c0_i32_0 = arith.constant 0 : i32
    %c0_i32_1 = arith.constant 0 : i32
    return %arg0, %c0_i32, %c0_i32_0 : i32, i32, i32
  }
  func.func @transform_3(%arg0: i32, %arg1: i32) -> (i32, i32) {
    %c0_i32 = arith.constant 0 : i32
    %c0_i32_0 = arith.constant 0 : i32
    %c0_i32_1 = arith.constant 0 : i32
    return %c0_i32, %c0_i32_0 : i32, i32
  }
  func.func @transform_4(%arg0: i32, %arg1: i32) -> (i32, i32) {
    %c0_i32 = arith.constant 0 : i32
    %c0_i32_0 = arith.constant 0 : i32
    %c0_i32_1 = arith.constant 0 : i32
    return %c0_i32, %c0_i32_0 : i32, i32
  }
  func.func @transform_5(%arg0: i32, %arg1: i32) -> i32 {
    %c0_i32 = arith.constant 0 : i32
    %c0_i32_0 = arith.constant 0 : i32
    return %c0_i32 : i32
  }
  func.func @transform_6(%arg0: i32, %arg1: i32) -> i32 {
    %c0_i32 = arith.constant 0 : i32
    %c0_i32_0 = arith.constant 0 : i32
    return %c0_i32 : i32
  }
  func.func @transform_7(%arg0: i32, %arg1: i32) -> (i32, i32, i32) {
    %c0_i32 = arith.constant 0 : i32
    %c0_i32_0 = arith.constant 0 : i32
    return %arg0, %c0_i32, %arg1 : i32, i32, i32
  }
  func.func @transform_8(%arg0: i32, %arg1: i32) -> (i32, i32, i32) {
    %c0_i32 = arith.constant 0 : i32
    %c0_i32_0 = arith.constant 0 : i32
    return %arg0, %c0_i32, %arg1 : i32, i32, i32
  }
}

module attributes {stable_mosaic.version = 14 : i64} {
  func.func @_thresh_body(%arg0: memref<4x1x8192xf32, #tpu.memory_space<vmem>>, %arg1: memref<4x1x8192xf32, #tpu.memory_space<vmem>>, %arg2: memref<8x16xi32, #tpu.memory_space<vmem>>, %arg3: memref<8x16xi32, #tpu.memory_space<vmem>>) attributes {dimension_semantics = [], scalar_prefetch = 0 : i64, scratch_operands = 0 : i64, tpu.core_type = #tpu.core_type<tc>} {
    %get3A = arith.constant 0 : index
    %get3A_0 = arith.constant 0 : index
    %get3A_1 = arith.constant 0 : index
    %get3A_2 = vector.load %arg0[%get3A, %get3A_0, %get3A_1] : memref<4x1x8192xf32, #tpu.memory_space<vmem>>, vector<4x1x8192xf32>
    %get3A_3 = vector.shape_cast %get3A_2 : vector<4x1x8192xf32> to vector<4x8192xf32>
    %bitcast_convert_type3A = tpu.bitcast %get3A_3 : vector<4x8192xf32> -> vector<4x8192xi32>
    %ge3A = arith.constant 0.000000e+00 : f32
    %ge3A_4 = vector.broadcast %ge3A : f32 to vector<4x8192xf32>
    %ge3A_5 = arith.cmpf oge, %get3A_3, %ge3A_4 : vector<4x8192xf32>
    %or3A = arith.constant -2147483648 : i32
    %or3A_6 = vector.broadcast %or3A : i32 to vector<4x8192xi32>
    %or3A_7 = arith.ori %bitcast_convert_type3A, %or3A_6 : vector<4x8192xi32>
    %not3A = arith.constant dense<-1> : vector<4x8192xi32>
    %not3A_8 = arith.xori %bitcast_convert_type3A, %not3A : vector<4x8192xi32>
    %select_n3A = arith.select %ge3A_5, %or3A_7, %not3A_8 : vector<4x8192xi1>, vector<4x8192xi32>
    %broadcast_in_dim3A = arith.constant 0 : i32
    %broadcast_in_dim3A_9 = vector.broadcast %broadcast_in_dim3A : i32 to vector<4x1xi32>
    %or3A_10 = arith.constant -2147483648 : i32
    %or3A_11 = vector.broadcast %or3A_10 : i32 to vector<4x1xi32>
    %or3A_12 = arith.ori %broadcast_in_dim3A_9, %or3A_11 : vector<4x1xi32>
    %ge3A_13 = vector.broadcast %or3A_12 : vector<4x1xi32> to vector<4x8192xi32>
    %ge3A_14 = arith.cmpi uge, %select_n3A, %ge3A_13 : vector<4x8192xi32>
    %convert_element_type3A = arith.extui %ge3A_14 : vector<4x8192xi1> to vector<4x8192xi32>
    %reduce_sum3A = arith.constant dense<0> : vector<4xi32>
    %reduce_sum3A_15 = vector.multi_reduction <add>, %convert_element_type3A, %reduce_sum3A [1] : vector<4x8192xi32> to vector<4xi32>
    %broadcast_in_dim3A_16 = vector.shape_cast %reduce_sum3A_15 : vector<4xi32> to vector<4x1xi32>
    %ge3A_17 = arith.constant 512 : i32
    %ge3A_18 = vector.broadcast %ge3A_17 : i32 to vector<4x1xi32>
    %ge3A_19 = arith.cmpi sge, %broadcast_in_dim3A_16, %ge3A_18 : vector<4x1xi32>
    %select_n3A_20 = arith.select %ge3A_19, %or3A_12, %broadcast_in_dim3A_9 : vector<4x1xi1>, vector<4x1xi32>
    %or3A_21 = arith.constant 1073741824 : i32
    %or3A_22 = vector.broadcast %or3A_21 : i32 to vector<4x1xi32>
    %or3A_23 = arith.ori %select_n3A_20, %or3A_22 : vector<4x1xi32>
    %ge3A_24 = vector.broadcast %or3A_23 : vector<4x1xi32> to vector<4x8192xi32>
    %ge3A_25 = arith.cmpi uge, %select_n3A, %ge3A_24 : vector<4x8192xi32>
    %convert_element_type3A_26 = arith.extui %ge3A_25 : vector<4x8192xi1> to vector<4x8192xi32>
    %reduce_sum3A_27 = arith.constant dense<0> : vector<4xi32>
    %reduce_sum3A_28 = vector.multi_reduction <add>, %convert_element_type3A_26, %reduce_sum3A_27 [1] : vector<4x8192xi32> to vector<4xi32>
    %broadcast_in_dim3A_29 = vector.shape_cast %reduce_sum3A_28 : vector<4xi32> to vector<4x1xi32>
    %ge3A_30 = arith.constant 512 : i32
    %ge3A_31 = vector.broadcast %ge3A_30 : i32 to vector<4x1xi32>
    %ge3A_32 = arith.cmpi sge, %broadcast_in_dim3A_29, %ge3A_31 : vector<4x1xi32>
    %select_n3A_33 = arith.select %ge3A_32, %or3A_23, %select_n3A_20 : vector<4x1xi1>, vector<4x1xi32>
    %or3A_34 = arith.constant 536870912 : i32
    %or3A_35 = vector.broadcast %or3A_34 : i32 to vector<4x1xi32>
    %or3A_36 = arith.ori %select_n3A_33, %or3A_35 : vector<4x1xi32>
    %ge3A_37 = vector.broadcast %or3A_36 : vector<4x1xi32> to vector<4x8192xi32>
    %ge3A_38 = arith.cmpi uge, %select_n3A, %ge3A_37 : vector<4x8192xi32>
    %convert_element_type3A_39 = arith.extui %ge3A_38 : vector<4x8192xi1> to vector<4x8192xi32>
    %reduce_sum3A_40 = arith.constant dense<0> : vector<4xi32>
    %reduce_sum3A_41 = vector.multi_reduction <add>, %convert_element_type3A_39, %reduce_sum3A_40 [1] : vector<4x8192xi32> to vector<4xi32>
    %broadcast_in_dim3A_42 = vector.shape_cast %reduce_sum3A_41 : vector<4xi32> to vector<4x1xi32>
    %ge3A_43 = arith.constant 512 : i32
    %ge3A_44 = vector.broadcast %ge3A_43 : i32 to vector<4x1xi32>
    %ge3A_45 = arith.cmpi sge, %broadcast_in_dim3A_42, %ge3A_44 : vector<4x1xi32>
    %select_n3A_46 = arith.select %ge3A_45, %or3A_36, %select_n3A_33 : vector<4x1xi1>, vector<4x1xi32>
    %or3A_47 = arith.constant 268435456 : i32
    %or3A_48 = vector.broadcast %or3A_47 : i32 to vector<4x1xi32>
    %or3A_49 = arith.ori %select_n3A_46, %or3A_48 : vector<4x1xi32>
    %ge3A_50 = vector.broadcast %or3A_49 : vector<4x1xi32> to vector<4x8192xi32>
    %ge3A_51 = arith.cmpi uge, %select_n3A, %ge3A_50 : vector<4x8192xi32>
    %convert_element_type3A_52 = arith.extui %ge3A_51 : vector<4x8192xi1> to vector<4x8192xi32>
    %reduce_sum3A_53 = arith.constant dense<0> : vector<4xi32>
    %reduce_sum3A_54 = vector.multi_reduction <add>, %convert_element_type3A_52, %reduce_sum3A_53 [1] : vector<4x8192xi32> to vector<4xi32>
    %broadcast_in_dim3A_55 = vector.shape_cast %reduce_sum3A_54 : vector<4xi32> to vector<4x1xi32>
    %ge3A_56 = arith.constant 512 : i32
    %ge3A_57 = vector.broadcast %ge3A_56 : i32 to vector<4x1xi32>
    %ge3A_58 = arith.cmpi sge, %broadcast_in_dim3A_55, %ge3A_57 : vector<4x1xi32>
    %select_n3A_59 = arith.select %ge3A_58, %or3A_49, %select_n3A_46 : vector<4x1xi1>, vector<4x1xi32>
    %or3A_60 = arith.constant 134217728 : i32
    %or3A_61 = vector.broadcast %or3A_60 : i32 to vector<4x1xi32>
    %or3A_62 = arith.ori %select_n3A_59, %or3A_61 : vector<4x1xi32>
    %ge3A_63 = vector.broadcast %or3A_62 : vector<4x1xi32> to vector<4x8192xi32>
    %ge3A_64 = arith.cmpi uge, %select_n3A, %ge3A_63 : vector<4x8192xi32>
    %convert_element_type3A_65 = arith.extui %ge3A_64 : vector<4x8192xi1> to vector<4x8192xi32>
    %reduce_sum3A_66 = arith.constant dense<0> : vector<4xi32>
    %reduce_sum3A_67 = vector.multi_reduction <add>, %convert_element_type3A_65, %reduce_sum3A_66 [1] : vector<4x8192xi32> to vector<4xi32>
    %broadcast_in_dim3A_68 = vector.shape_cast %reduce_sum3A_67 : vector<4xi32> to vector<4x1xi32>
    %ge3A_69 = arith.constant 512 : i32
    %ge3A_70 = vector.broadcast %ge3A_69 : i32 to vector<4x1xi32>
    %ge3A_71 = arith.cmpi sge, %broadcast_in_dim3A_68, %ge3A_70 : vector<4x1xi32>
    %select_n3A_72 = arith.select %ge3A_71, %or3A_62, %select_n3A_59 : vector<4x1xi1>, vector<4x1xi32>
    %or3A_73 = arith.constant 67108864 : i32
    %or3A_74 = vector.broadcast %or3A_73 : i32 to vector<4x1xi32>
    %or3A_75 = arith.ori %select_n3A_72, %or3A_74 : vector<4x1xi32>
    %ge3A_76 = vector.broadcast %or3A_75 : vector<4x1xi32> to vector<4x8192xi32>
    %ge3A_77 = arith.cmpi uge, %select_n3A, %ge3A_76 : vector<4x8192xi32>
    %convert_element_type3A_78 = arith.extui %ge3A_77 : vector<4x8192xi1> to vector<4x8192xi32>
    %reduce_sum3A_79 = arith.constant dense<0> : vector<4xi32>
    %reduce_sum3A_80 = vector.multi_reduction <add>, %convert_element_type3A_78, %reduce_sum3A_79 [1] : vector<4x8192xi32> to vector<4xi32>
    %broadcast_in_dim3A_81 = vector.shape_cast %reduce_sum3A_80 : vector<4xi32> to vector<4x1xi32>
    %ge3A_82 = arith.constant 512 : i32
    %ge3A_83 = vector.broadcast %ge3A_82 : i32 to vector<4x1xi32>
    %ge3A_84 = arith.cmpi sge, %broadcast_in_dim3A_81, %ge3A_83 : vector<4x1xi32>
    %select_n3A_85 = arith.select %ge3A_84, %or3A_75, %select_n3A_72 : vector<4x1xi1>, vector<4x1xi32>
    %or3A_86 = arith.constant 33554432 : i32
    %or3A_87 = vector.broadcast %or3A_86 : i32 to vector<4x1xi32>
    %or3A_88 = arith.ori %select_n3A_85, %or3A_87 : vector<4x1xi32>
    %ge3A_89 = vector.broadcast %or3A_88 : vector<4x1xi32> to vector<4x8192xi32>
    %ge3A_90 = arith.cmpi uge, %select_n3A, %ge3A_89 : vector<4x8192xi32>
    %convert_element_type3A_91 = arith.extui %ge3A_90 : vector<4x8192xi1> to vector<4x8192xi32>
    %reduce_sum3A_92 = arith.constant dense<0> : vector<4xi32>
    %reduce_sum3A_93 = vector.multi_reduction <add>, %convert_element_type3A_91, %reduce_sum3A_92 [1] : vector<4x8192xi32> to vector<4xi32>
    %broadcast_in_dim3A_94 = vector.shape_cast %reduce_sum3A_93 : vector<4xi32> to vector<4x1xi32>
    %ge3A_95 = arith.constant 512 : i32
    %ge3A_96 = vector.broadcast %ge3A_95 : i32 to vector<4x1xi32>
    %ge3A_97 = arith.cmpi sge, %broadcast_in_dim3A_94, %ge3A_96 : vector<4x1xi32>
    %select_n3A_98 = arith.select %ge3A_97, %or3A_88, %select_n3A_85 : vector<4x1xi1>, vector<4x1xi32>
    %or3A_99 = arith.constant 16777216 : i32
    %or3A_100 = vector.broadcast %or3A_99 : i32 to vector<4x1xi32>
    %or3A_101 = arith.ori %select_n3A_98, %or3A_100 : vector<4x1xi32>
    %ge3A_102 = vector.broadcast %or3A_101 : vector<4x1xi32> to vector<4x8192xi32>
    %ge3A_103 = arith.cmpi uge, %select_n3A, %ge3A_102 : vector<4x8192xi32>
    %convert_element_type3A_104 = arith.extui %ge3A_103 : vector<4x8192xi1> to vector<4x8192xi32>
    %reduce_sum3A_105 = arith.constant dense<0> : vector<4xi32>
    %reduce_sum3A_106 = vector.multi_reduction <add>, %convert_element_type3A_104, %reduce_sum3A_105 [1] : vector<4x8192xi32> to vector<4xi32>
    %broadcast_in_dim3A_107 = vector.shape_cast %reduce_sum3A_106 : vector<4xi32> to vector<4x1xi32>
    %ge3A_108 = arith.constant 512 : i32
    %ge3A_109 = vector.broadcast %ge3A_108 : i32 to vector<4x1xi32>
    %ge3A_110 = arith.cmpi sge, %broadcast_in_dim3A_107, %ge3A_109 : vector<4x1xi32>
    %select_n3A_111 = arith.select %ge3A_110, %or3A_101, %select_n3A_98 : vector<4x1xi1>, vector<4x1xi32>
    %or3A_112 = arith.constant 8388608 : i32
    %or3A_113 = vector.broadcast %or3A_112 : i32 to vector<4x1xi32>
    %or3A_114 = arith.ori %select_n3A_111, %or3A_113 : vector<4x1xi32>
    %ge3A_115 = vector.broadcast %or3A_114 : vector<4x1xi32> to vector<4x8192xi32>
    %ge3A_116 = arith.cmpi uge, %select_n3A, %ge3A_115 : vector<4x8192xi32>
    %convert_element_type3A_117 = arith.extui %ge3A_116 : vector<4x8192xi1> to vector<4x8192xi32>
    %reduce_sum3A_118 = arith.constant dense<0> : vector<4xi32>
    %reduce_sum3A_119 = vector.multi_reduction <add>, %convert_element_type3A_117, %reduce_sum3A_118 [1] : vector<4x8192xi32> to vector<4xi32>
    %broadcast_in_dim3A_120 = vector.shape_cast %reduce_sum3A_119 : vector<4xi32> to vector<4x1xi32>
    %ge3A_121 = arith.constant 512 : i32
    %ge3A_122 = vector.broadcast %ge3A_121 : i32 to vector<4x1xi32>
    %ge3A_123 = arith.cmpi sge, %broadcast_in_dim3A_120, %ge3A_122 : vector<4x1xi32>
    %select_n3A_124 = arith.select %ge3A_123, %or3A_114, %select_n3A_111 : vector<4x1xi1>, vector<4x1xi32>
    %or3A_125 = arith.constant 4194304 : i32
    %or3A_126 = vector.broadcast %or3A_125 : i32 to vector<4x1xi32>
    %or3A_127 = arith.ori %select_n3A_124, %or3A_126 : vector<4x1xi32>
    %ge3A_128 = vector.broadcast %or3A_127 : vector<4x1xi32> to vector<4x8192xi32>
    %ge3A_129 = arith.cmpi uge, %select_n3A, %ge3A_128 : vector<4x8192xi32>
    %convert_element_type3A_130 = arith.extui %ge3A_129 : vector<4x8192xi1> to vector<4x8192xi32>
    %reduce_sum3A_131 = arith.constant dense<0> : vector<4xi32>
    %reduce_sum3A_132 = vector.multi_reduction <add>, %convert_element_type3A_130, %reduce_sum3A_131 [1] : vector<4x8192xi32> to vector<4xi32>
    %broadcast_in_dim3A_133 = vector.shape_cast %reduce_sum3A_132 : vector<4xi32> to vector<4x1xi32>
    %ge3A_134 = arith.constant 512 : i32
    %ge3A_135 = vector.broadcast %ge3A_134 : i32 to vector<4x1xi32>
    %ge3A_136 = arith.cmpi sge, %broadcast_in_dim3A_133, %ge3A_135 : vector<4x1xi32>
    %select_n3A_137 = arith.select %ge3A_136, %or3A_127, %select_n3A_124 : vector<4x1xi1>, vector<4x1xi32>
    %or3A_138 = arith.constant 2097152 : i32
    %or3A_139 = vector.broadcast %or3A_138 : i32 to vector<4x1xi32>
    %or3A_140 = arith.ori %select_n3A_137, %or3A_139 : vector<4x1xi32>
    %ge3A_141 = vector.broadcast %or3A_140 : vector<4x1xi32> to vector<4x8192xi32>
    %ge3A_142 = arith.cmpi uge, %select_n3A, %ge3A_141 : vector<4x8192xi32>
    %convert_element_type3A_143 = arith.extui %ge3A_142 : vector<4x8192xi1> to vector<4x8192xi32>
    %reduce_sum3A_144 = arith.constant dense<0> : vector<4xi32>
    %reduce_sum3A_145 = vector.multi_reduction <add>, %convert_element_type3A_143, %reduce_sum3A_144 [1] : vector<4x8192xi32> to vector<4xi32>
    %broadcast_in_dim3A_146 = vector.shape_cast %reduce_sum3A_145 : vector<4xi32> to vector<4x1xi32>
    %ge3A_147 = arith.constant 512 : i32
    %ge3A_148 = vector.broadcast %ge3A_147 : i32 to vector<4x1xi32>
    %ge3A_149 = arith.cmpi sge, %broadcast_in_dim3A_146, %ge3A_148 : vector<4x1xi32>
    %select_n3A_150 = arith.select %ge3A_149, %or3A_140, %select_n3A_137 : vector<4x1xi1>, vector<4x1xi32>
    %or3A_151 = arith.constant 1048576 : i32
    %or3A_152 = vector.broadcast %or3A_151 : i32 to vector<4x1xi32>
    %or3A_153 = arith.ori %select_n3A_150, %or3A_152 : vector<4x1xi32>
    %ge3A_154 = vector.broadcast %or3A_153 : vector<4x1xi32> to vector<4x8192xi32>
    %ge3A_155 = arith.cmpi uge, %select_n3A, %ge3A_154 : vector<4x8192xi32>
    %convert_element_type3A_156 = arith.extui %ge3A_155 : vector<4x8192xi1> to vector<4x8192xi32>
    %reduce_sum3A_157 = arith.constant dense<0> : vector<4xi32>
    %reduce_sum3A_158 = vector.multi_reduction <add>, %convert_element_type3A_156, %reduce_sum3A_157 [1] : vector<4x8192xi32> to vector<4xi32>
    %broadcast_in_dim3A_159 = vector.shape_cast %reduce_sum3A_158 : vector<4xi32> to vector<4x1xi32>
    %ge3A_160 = arith.constant 512 : i32
    %ge3A_161 = vector.broadcast %ge3A_160 : i32 to vector<4x1xi32>
    %ge3A_162 = arith.cmpi sge, %broadcast_in_dim3A_159, %ge3A_161 : vector<4x1xi32>
    %select_n3A_163 = arith.select %ge3A_162, %or3A_153, %select_n3A_150 : vector<4x1xi1>, vector<4x1xi32>
    %or3A_164 = arith.constant 524288 : i32
    %or3A_165 = vector.broadcast %or3A_164 : i32 to vector<4x1xi32>
    %or3A_166 = arith.ori %select_n3A_163, %or3A_165 : vector<4x1xi32>
    %ge3A_167 = vector.broadcast %or3A_166 : vector<4x1xi32> to vector<4x8192xi32>
    %ge3A_168 = arith.cmpi uge, %select_n3A, %ge3A_167 : vector<4x8192xi32>
    %convert_element_type3A_169 = arith.extui %ge3A_168 : vector<4x8192xi1> to vector<4x8192xi32>
    %reduce_sum3A_170 = arith.constant dense<0> : vector<4xi32>
    %reduce_sum3A_171 = vector.multi_reduction <add>, %convert_element_type3A_169, %reduce_sum3A_170 [1] : vector<4x8192xi32> to vector<4xi32>
    %broadcast_in_dim3A_172 = vector.shape_cast %reduce_sum3A_171 : vector<4xi32> to vector<4x1xi32>
    %ge3A_173 = arith.constant 512 : i32
    %ge3A_174 = vector.broadcast %ge3A_173 : i32 to vector<4x1xi32>
    %ge3A_175 = arith.cmpi sge, %broadcast_in_dim3A_172, %ge3A_174 : vector<4x1xi32>
    %select_n3A_176 = arith.select %ge3A_175, %or3A_166, %select_n3A_163 : vector<4x1xi1>, vector<4x1xi32>
    %or3A_177 = arith.constant 262144 : i32
    %or3A_178 = vector.broadcast %or3A_177 : i32 to vector<4x1xi32>
    %or3A_179 = arith.ori %select_n3A_176, %or3A_178 : vector<4x1xi32>
    %ge3A_180 = vector.broadcast %or3A_179 : vector<4x1xi32> to vector<4x8192xi32>
    %ge3A_181 = arith.cmpi uge, %select_n3A, %ge3A_180 : vector<4x8192xi32>
    %convert_element_type3A_182 = arith.extui %ge3A_181 : vector<4x8192xi1> to vector<4x8192xi32>
    %reduce_sum3A_183 = arith.constant dense<0> : vector<4xi32>
    %reduce_sum3A_184 = vector.multi_reduction <add>, %convert_element_type3A_182, %reduce_sum3A_183 [1] : vector<4x8192xi32> to vector<4xi32>
    %broadcast_in_dim3A_185 = vector.shape_cast %reduce_sum3A_184 : vector<4xi32> to vector<4x1xi32>
    %ge3A_186 = arith.constant 512 : i32
    %ge3A_187 = vector.broadcast %ge3A_186 : i32 to vector<4x1xi32>
    %ge3A_188 = arith.cmpi sge, %broadcast_in_dim3A_185, %ge3A_187 : vector<4x1xi32>
    %select_n3A_189 = arith.select %ge3A_188, %or3A_179, %select_n3A_176 : vector<4x1xi1>, vector<4x1xi32>
    %or3A_190 = arith.constant 131072 : i32
    %or3A_191 = vector.broadcast %or3A_190 : i32 to vector<4x1xi32>
    %or3A_192 = arith.ori %select_n3A_189, %or3A_191 : vector<4x1xi32>
    %ge3A_193 = vector.broadcast %or3A_192 : vector<4x1xi32> to vector<4x8192xi32>
    %ge3A_194 = arith.cmpi uge, %select_n3A, %ge3A_193 : vector<4x8192xi32>
    %convert_element_type3A_195 = arith.extui %ge3A_194 : vector<4x8192xi1> to vector<4x8192xi32>
    %reduce_sum3A_196 = arith.constant dense<0> : vector<4xi32>
    %reduce_sum3A_197 = vector.multi_reduction <add>, %convert_element_type3A_195, %reduce_sum3A_196 [1] : vector<4x8192xi32> to vector<4xi32>
    %broadcast_in_dim3A_198 = vector.shape_cast %reduce_sum3A_197 : vector<4xi32> to vector<4x1xi32>
    %ge3A_199 = arith.constant 512 : i32
    %ge3A_200 = vector.broadcast %ge3A_199 : i32 to vector<4x1xi32>
    %ge3A_201 = arith.cmpi sge, %broadcast_in_dim3A_198, %ge3A_200 : vector<4x1xi32>
    %select_n3A_202 = arith.select %ge3A_201, %or3A_192, %select_n3A_189 : vector<4x1xi1>, vector<4x1xi32>
    %or3A_203 = arith.constant 65536 : i32
    %or3A_204 = vector.broadcast %or3A_203 : i32 to vector<4x1xi32>
    %or3A_205 = arith.ori %select_n3A_202, %or3A_204 : vector<4x1xi32>
    %ge3A_206 = vector.broadcast %or3A_205 : vector<4x1xi32> to vector<4x8192xi32>
    %ge3A_207 = arith.cmpi uge, %select_n3A, %ge3A_206 : vector<4x8192xi32>
    %convert_element_type3A_208 = arith.extui %ge3A_207 : vector<4x8192xi1> to vector<4x8192xi32>
    %reduce_sum3A_209 = arith.constant dense<0> : vector<4xi32>
    %reduce_sum3A_210 = vector.multi_reduction <add>, %convert_element_type3A_208, %reduce_sum3A_209 [1] : vector<4x8192xi32> to vector<4xi32>
    %broadcast_in_dim3A_211 = vector.shape_cast %reduce_sum3A_210 : vector<4xi32> to vector<4x1xi32>
    %ge3A_212 = arith.constant 512 : i32
    %ge3A_213 = vector.broadcast %ge3A_212 : i32 to vector<4x1xi32>
    %ge3A_214 = arith.cmpi sge, %broadcast_in_dim3A_211, %ge3A_213 : vector<4x1xi32>
    %select_n3A_215 = arith.select %ge3A_214, %or3A_205, %select_n3A_202 : vector<4x1xi1>, vector<4x1xi32>
    %or3A_216 = arith.constant 32768 : i32
    %or3A_217 = vector.broadcast %or3A_216 : i32 to vector<4x1xi32>
    %or3A_218 = arith.ori %select_n3A_215, %or3A_217 : vector<4x1xi32>
    %ge3A_219 = vector.broadcast %or3A_218 : vector<4x1xi32> to vector<4x8192xi32>
    %ge3A_220 = arith.cmpi uge, %select_n3A, %ge3A_219 : vector<4x8192xi32>
    %convert_element_type3A_221 = arith.extui %ge3A_220 : vector<4x8192xi1> to vector<4x8192xi32>
    %reduce_sum3A_222 = arith.constant dense<0> : vector<4xi32>
    %reduce_sum3A_223 = vector.multi_reduction <add>, %convert_element_type3A_221, %reduce_sum3A_222 [1] : vector<4x8192xi32> to vector<4xi32>
    %broadcast_in_dim3A_224 = vector.shape_cast %reduce_sum3A_223 : vector<4xi32> to vector<4x1xi32>
    %ge3A_225 = arith.constant 512 : i32
    %ge3A_226 = vector.broadcast %ge3A_225 : i32 to vector<4x1xi32>
    %ge3A_227 = arith.cmpi sge, %broadcast_in_dim3A_224, %ge3A_226 : vector<4x1xi32>
    %select_n3A_228 = arith.select %ge3A_227, %or3A_218, %select_n3A_215 : vector<4x1xi1>, vector<4x1xi32>
    %or3A_229 = arith.constant 16384 : i32
    %or3A_230 = vector.broadcast %or3A_229 : i32 to vector<4x1xi32>
    %or3A_231 = arith.ori %select_n3A_228, %or3A_230 : vector<4x1xi32>
    %ge3A_232 = vector.broadcast %or3A_231 : vector<4x1xi32> to vector<4x8192xi32>
    %ge3A_233 = arith.cmpi uge, %select_n3A, %ge3A_232 : vector<4x8192xi32>
    %convert_element_type3A_234 = arith.extui %ge3A_233 : vector<4x8192xi1> to vector<4x8192xi32>
    %reduce_sum3A_235 = arith.constant dense<0> : vector<4xi32>
    %reduce_sum3A_236 = vector.multi_reduction <add>, %convert_element_type3A_234, %reduce_sum3A_235 [1] : vector<4x8192xi32> to vector<4xi32>
    %broadcast_in_dim3A_237 = vector.shape_cast %reduce_sum3A_236 : vector<4xi32> to vector<4x1xi32>
    %ge3A_238 = arith.constant 512 : i32
    %ge3A_239 = vector.broadcast %ge3A_238 : i32 to vector<4x1xi32>
    %ge3A_240 = arith.cmpi sge, %broadcast_in_dim3A_237, %ge3A_239 : vector<4x1xi32>
    %select_n3A_241 = arith.select %ge3A_240, %or3A_231, %select_n3A_228 : vector<4x1xi1>, vector<4x1xi32>
    %or3A_242 = arith.constant 8192 : i32
    %or3A_243 = vector.broadcast %or3A_242 : i32 to vector<4x1xi32>
    %or3A_244 = arith.ori %select_n3A_241, %or3A_243 : vector<4x1xi32>
    %ge3A_245 = vector.broadcast %or3A_244 : vector<4x1xi32> to vector<4x8192xi32>
    %ge3A_246 = arith.cmpi uge, %select_n3A, %ge3A_245 : vector<4x8192xi32>
    %convert_element_type3A_247 = arith.extui %ge3A_246 : vector<4x8192xi1> to vector<4x8192xi32>
    %reduce_sum3A_248 = arith.constant dense<0> : vector<4xi32>
    %reduce_sum3A_249 = vector.multi_reduction <add>, %convert_element_type3A_247, %reduce_sum3A_248 [1] : vector<4x8192xi32> to vector<4xi32>
    %broadcast_in_dim3A_250 = vector.shape_cast %reduce_sum3A_249 : vector<4xi32> to vector<4x1xi32>
    %ge3A_251 = arith.constant 512 : i32
    %ge3A_252 = vector.broadcast %ge3A_251 : i32 to vector<4x1xi32>
    %ge3A_253 = arith.cmpi sge, %broadcast_in_dim3A_250, %ge3A_252 : vector<4x1xi32>
    %select_n3A_254 = arith.select %ge3A_253, %or3A_244, %select_n3A_241 : vector<4x1xi1>, vector<4x1xi32>
    %or3A_255 = arith.constant 4096 : i32
    %or3A_256 = vector.broadcast %or3A_255 : i32 to vector<4x1xi32>
    %or3A_257 = arith.ori %select_n3A_254, %or3A_256 : vector<4x1xi32>
    %ge3A_258 = vector.broadcast %or3A_257 : vector<4x1xi32> to vector<4x8192xi32>
    %ge3A_259 = arith.cmpi uge, %select_n3A, %ge3A_258 : vector<4x8192xi32>
    %convert_element_type3A_260 = arith.extui %ge3A_259 : vector<4x8192xi1> to vector<4x8192xi32>
    %reduce_sum3A_261 = arith.constant dense<0> : vector<4xi32>
    %reduce_sum3A_262 = vector.multi_reduction <add>, %convert_element_type3A_260, %reduce_sum3A_261 [1] : vector<4x8192xi32> to vector<4xi32>
    %broadcast_in_dim3A_263 = vector.shape_cast %reduce_sum3A_262 : vector<4xi32> to vector<4x1xi32>
    %ge3A_264 = arith.constant 512 : i32
    %ge3A_265 = vector.broadcast %ge3A_264 : i32 to vector<4x1xi32>
    %ge3A_266 = arith.cmpi sge, %broadcast_in_dim3A_263, %ge3A_265 : vector<4x1xi32>
    %select_n3A_267 = arith.select %ge3A_266, %or3A_257, %select_n3A_254 : vector<4x1xi1>, vector<4x1xi32>
    %or3A_268 = arith.constant 2048 : i32
    %or3A_269 = vector.broadcast %or3A_268 : i32 to vector<4x1xi32>
    %or3A_270 = arith.ori %select_n3A_267, %or3A_269 : vector<4x1xi32>
    %ge3A_271 = vector.broadcast %or3A_270 : vector<4x1xi32> to vector<4x8192xi32>
    %ge3A_272 = arith.cmpi uge, %select_n3A, %ge3A_271 : vector<4x8192xi32>
    %convert_element_type3A_273 = arith.extui %ge3A_272 : vector<4x8192xi1> to vector<4x8192xi32>
    %reduce_sum3A_274 = arith.constant dense<0> : vector<4xi32>
    %reduce_sum3A_275 = vector.multi_reduction <add>, %convert_element_type3A_273, %reduce_sum3A_274 [1] : vector<4x8192xi32> to vector<4xi32>
    %broadcast_in_dim3A_276 = vector.shape_cast %reduce_sum3A_275 : vector<4xi32> to vector<4x1xi32>
    %ge3A_277 = arith.constant 512 : i32
    %ge3A_278 = vector.broadcast %ge3A_277 : i32 to vector<4x1xi32>
    %ge3A_279 = arith.cmpi sge, %broadcast_in_dim3A_276, %ge3A_278 : vector<4x1xi32>
    %select_n3A_280 = arith.select %ge3A_279, %or3A_270, %select_n3A_267 : vector<4x1xi1>, vector<4x1xi32>
    %or3A_281 = arith.constant 1024 : i32
    %or3A_282 = vector.broadcast %or3A_281 : i32 to vector<4x1xi32>
    %or3A_283 = arith.ori %select_n3A_280, %or3A_282 : vector<4x1xi32>
    %ge3A_284 = vector.broadcast %or3A_283 : vector<4x1xi32> to vector<4x8192xi32>
    %ge3A_285 = arith.cmpi uge, %select_n3A, %ge3A_284 : vector<4x8192xi32>
    %convert_element_type3A_286 = arith.extui %ge3A_285 : vector<4x8192xi1> to vector<4x8192xi32>
    %reduce_sum3A_287 = arith.constant dense<0> : vector<4xi32>
    %reduce_sum3A_288 = vector.multi_reduction <add>, %convert_element_type3A_286, %reduce_sum3A_287 [1] : vector<4x8192xi32> to vector<4xi32>
    %broadcast_in_dim3A_289 = vector.shape_cast %reduce_sum3A_288 : vector<4xi32> to vector<4x1xi32>
    %ge3A_290 = arith.constant 512 : i32
    %ge3A_291 = vector.broadcast %ge3A_290 : i32 to vector<4x1xi32>
    %ge3A_292 = arith.cmpi sge, %broadcast_in_dim3A_289, %ge3A_291 : vector<4x1xi32>
    %select_n3A_293 = arith.select %ge3A_292, %or3A_283, %select_n3A_280 : vector<4x1xi1>, vector<4x1xi32>
    %or3A_294 = arith.constant 512 : i32
    %or3A_295 = vector.broadcast %or3A_294 : i32 to vector<4x1xi32>
    %or3A_296 = arith.ori %select_n3A_293, %or3A_295 : vector<4x1xi32>
    %ge3A_297 = vector.broadcast %or3A_296 : vector<4x1xi32> to vector<4x8192xi32>
    %ge3A_298 = arith.cmpi uge, %select_n3A, %ge3A_297 : vector<4x8192xi32>
    %convert_element_type3A_299 = arith.extui %ge3A_298 : vector<4x8192xi1> to vector<4x8192xi32>
    %reduce_sum3A_300 = arith.constant dense<0> : vector<4xi32>
    %reduce_sum3A_301 = vector.multi_reduction <add>, %convert_element_type3A_299, %reduce_sum3A_300 [1] : vector<4x8192xi32> to vector<4xi32>
    %broadcast_in_dim3A_302 = vector.shape_cast %reduce_sum3A_301 : vector<4xi32> to vector<4x1xi32>
    %ge3A_303 = arith.constant 512 : i32
    %ge3A_304 = vector.broadcast %ge3A_303 : i32 to vector<4x1xi32>
    %ge3A_305 = arith.cmpi sge, %broadcast_in_dim3A_302, %ge3A_304 : vector<4x1xi32>
    %select_n3A_306 = arith.select %ge3A_305, %or3A_296, %select_n3A_293 : vector<4x1xi1>, vector<4x1xi32>
    %or3A_307 = arith.constant 256 : i32
    %or3A_308 = vector.broadcast %or3A_307 : i32 to vector<4x1xi32>
    %or3A_309 = arith.ori %select_n3A_306, %or3A_308 : vector<4x1xi32>
    %ge3A_310 = vector.broadcast %or3A_309 : vector<4x1xi32> to vector<4x8192xi32>
    %ge3A_311 = arith.cmpi uge, %select_n3A, %ge3A_310 : vector<4x8192xi32>
    %convert_element_type3A_312 = arith.extui %ge3A_311 : vector<4x8192xi1> to vector<4x8192xi32>
    %reduce_sum3A_313 = arith.constant dense<0> : vector<4xi32>
    %reduce_sum3A_314 = vector.multi_reduction <add>, %convert_element_type3A_312, %reduce_sum3A_313 [1] : vector<4x8192xi32> to vector<4xi32>
    %broadcast_in_dim3A_315 = vector.shape_cast %reduce_sum3A_314 : vector<4xi32> to vector<4x1xi32>
    %ge3A_316 = arith.constant 512 : i32
    %ge3A_317 = vector.broadcast %ge3A_316 : i32 to vector<4x1xi32>
    %ge3A_318 = arith.cmpi sge, %broadcast_in_dim3A_315, %ge3A_317 : vector<4x1xi32>
    %select_n3A_319 = arith.select %ge3A_318, %or3A_309, %select_n3A_306 : vector<4x1xi1>, vector<4x1xi32>
    %or3A_320 = arith.constant 128 : i32
    %or3A_321 = vector.broadcast %or3A_320 : i32 to vector<4x1xi32>
    %or3A_322 = arith.ori %select_n3A_319, %or3A_321 : vector<4x1xi32>
    %ge3A_323 = vector.broadcast %or3A_322 : vector<4x1xi32> to vector<4x8192xi32>
    %ge3A_324 = arith.cmpi uge, %select_n3A, %ge3A_323 : vector<4x8192xi32>
    %convert_element_type3A_325 = arith.extui %ge3A_324 : vector<4x8192xi1> to vector<4x8192xi32>
    %reduce_sum3A_326 = arith.constant dense<0> : vector<4xi32>
    %reduce_sum3A_327 = vector.multi_reduction <add>, %convert_element_type3A_325, %reduce_sum3A_326 [1] : vector<4x8192xi32> to vector<4xi32>
    %broadcast_in_dim3A_328 = vector.shape_cast %reduce_sum3A_327 : vector<4xi32> to vector<4x1xi32>
    %ge3A_329 = arith.constant 512 : i32
    %ge3A_330 = vector.broadcast %ge3A_329 : i32 to vector<4x1xi32>
    %ge3A_331 = arith.cmpi sge, %broadcast_in_dim3A_328, %ge3A_330 : vector<4x1xi32>
    %select_n3A_332 = arith.select %ge3A_331, %or3A_322, %select_n3A_319 : vector<4x1xi1>, vector<4x1xi32>
    %or3A_333 = arith.constant 64 : i32
    %or3A_334 = vector.broadcast %or3A_333 : i32 to vector<4x1xi32>
    %or3A_335 = arith.ori %select_n3A_332, %or3A_334 : vector<4x1xi32>
    %ge3A_336 = vector.broadcast %or3A_335 : vector<4x1xi32> to vector<4x8192xi32>
    %ge3A_337 = arith.cmpi uge, %select_n3A, %ge3A_336 : vector<4x8192xi32>
    %convert_element_type3A_338 = arith.extui %ge3A_337 : vector<4x8192xi1> to vector<4x8192xi32>
    %reduce_sum3A_339 = arith.constant dense<0> : vector<4xi32>
    %reduce_sum3A_340 = vector.multi_reduction <add>, %convert_element_type3A_338, %reduce_sum3A_339 [1] : vector<4x8192xi32> to vector<4xi32>
    %broadcast_in_dim3A_341 = vector.shape_cast %reduce_sum3A_340 : vector<4xi32> to vector<4x1xi32>
    %ge3A_342 = arith.constant 512 : i32
    %ge3A_343 = vector.broadcast %ge3A_342 : i32 to vector<4x1xi32>
    %ge3A_344 = arith.cmpi sge, %broadcast_in_dim3A_341, %ge3A_343 : vector<4x1xi32>
    %select_n3A_345 = arith.select %ge3A_344, %or3A_335, %select_n3A_332 : vector<4x1xi1>, vector<4x1xi32>
    %or3A_346 = arith.constant 32 : i32
    %or3A_347 = vector.broadcast %or3A_346 : i32 to vector<4x1xi32>
    %or3A_348 = arith.ori %select_n3A_345, %or3A_347 : vector<4x1xi32>
    %ge3A_349 = vector.broadcast %or3A_348 : vector<4x1xi32> to vector<4x8192xi32>
    %ge3A_350 = arith.cmpi uge, %select_n3A, %ge3A_349 : vector<4x8192xi32>
    %convert_element_type3A_351 = arith.extui %ge3A_350 : vector<4x8192xi1> to vector<4x8192xi32>
    %reduce_sum3A_352 = arith.constant dense<0> : vector<4xi32>
    %reduce_sum3A_353 = vector.multi_reduction <add>, %convert_element_type3A_351, %reduce_sum3A_352 [1] : vector<4x8192xi32> to vector<4xi32>
    %broadcast_in_dim3A_354 = vector.shape_cast %reduce_sum3A_353 : vector<4xi32> to vector<4x1xi32>
    %ge3A_355 = arith.constant 512 : i32
    %ge3A_356 = vector.broadcast %ge3A_355 : i32 to vector<4x1xi32>
    %ge3A_357 = arith.cmpi sge, %broadcast_in_dim3A_354, %ge3A_356 : vector<4x1xi32>
    %select_n3A_358 = arith.select %ge3A_357, %or3A_348, %select_n3A_345 : vector<4x1xi1>, vector<4x1xi32>
    %or3A_359 = arith.constant 16 : i32
    %or3A_360 = vector.broadcast %or3A_359 : i32 to vector<4x1xi32>
    %or3A_361 = arith.ori %select_n3A_358, %or3A_360 : vector<4x1xi32>
    %ge3A_362 = vector.broadcast %or3A_361 : vector<4x1xi32> to vector<4x8192xi32>
    %ge3A_363 = arith.cmpi uge, %select_n3A, %ge3A_362 : vector<4x8192xi32>
    %convert_element_type3A_364 = arith.extui %ge3A_363 : vector<4x8192xi1> to vector<4x8192xi32>
    %reduce_sum3A_365 = arith.constant dense<0> : vector<4xi32>
    %reduce_sum3A_366 = vector.multi_reduction <add>, %convert_element_type3A_364, %reduce_sum3A_365 [1] : vector<4x8192xi32> to vector<4xi32>
    %broadcast_in_dim3A_367 = vector.shape_cast %reduce_sum3A_366 : vector<4xi32> to vector<4x1xi32>
    %ge3A_368 = arith.constant 512 : i32
    %ge3A_369 = vector.broadcast %ge3A_368 : i32 to vector<4x1xi32>
    %ge3A_370 = arith.cmpi sge, %broadcast_in_dim3A_367, %ge3A_369 : vector<4x1xi32>
    %select_n3A_371 = arith.select %ge3A_370, %or3A_361, %select_n3A_358 : vector<4x1xi1>, vector<4x1xi32>
    %or3A_372 = arith.constant 8 : i32
    %or3A_373 = vector.broadcast %or3A_372 : i32 to vector<4x1xi32>
    %or3A_374 = arith.ori %select_n3A_371, %or3A_373 : vector<4x1xi32>
    %ge3A_375 = vector.broadcast %or3A_374 : vector<4x1xi32> to vector<4x8192xi32>
    %ge3A_376 = arith.cmpi uge, %select_n3A, %ge3A_375 : vector<4x8192xi32>
    %convert_element_type3A_377 = arith.extui %ge3A_376 : vector<4x8192xi1> to vector<4x8192xi32>
    %reduce_sum3A_378 = arith.constant dense<0> : vector<4xi32>
    %reduce_sum3A_379 = vector.multi_reduction <add>, %convert_element_type3A_377, %reduce_sum3A_378 [1] : vector<4x8192xi32> to vector<4xi32>
    %broadcast_in_dim3A_380 = vector.shape_cast %reduce_sum3A_379 : vector<4xi32> to vector<4x1xi32>
    %ge3A_381 = arith.constant 512 : i32
    %ge3A_382 = vector.broadcast %ge3A_381 : i32 to vector<4x1xi32>
    %ge3A_383 = arith.cmpi sge, %broadcast_in_dim3A_380, %ge3A_382 : vector<4x1xi32>
    %select_n3A_384 = arith.select %ge3A_383, %or3A_374, %select_n3A_371 : vector<4x1xi1>, vector<4x1xi32>
    %or3A_385 = arith.constant 4 : i32
    %or3A_386 = vector.broadcast %or3A_385 : i32 to vector<4x1xi32>
    %or3A_387 = arith.ori %select_n3A_384, %or3A_386 : vector<4x1xi32>
    %ge3A_388 = vector.broadcast %or3A_387 : vector<4x1xi32> to vector<4x8192xi32>
    %ge3A_389 = arith.cmpi uge, %select_n3A, %ge3A_388 : vector<4x8192xi32>
    %convert_element_type3A_390 = arith.extui %ge3A_389 : vector<4x8192xi1> to vector<4x8192xi32>
    %reduce_sum3A_391 = arith.constant dense<0> : vector<4xi32>
    %reduce_sum3A_392 = vector.multi_reduction <add>, %convert_element_type3A_390, %reduce_sum3A_391 [1] : vector<4x8192xi32> to vector<4xi32>
    %broadcast_in_dim3A_393 = vector.shape_cast %reduce_sum3A_392 : vector<4xi32> to vector<4x1xi32>
    %ge3A_394 = arith.constant 512 : i32
    %ge3A_395 = vector.broadcast %ge3A_394 : i32 to vector<4x1xi32>
    %ge3A_396 = arith.cmpi sge, %broadcast_in_dim3A_393, %ge3A_395 : vector<4x1xi32>
    %select_n3A_397 = arith.select %ge3A_396, %or3A_387, %select_n3A_384 : vector<4x1xi1>, vector<4x1xi32>
    %or3A_398 = arith.constant 2 : i32
    %or3A_399 = vector.broadcast %or3A_398 : i32 to vector<4x1xi32>
    %or3A_400 = arith.ori %select_n3A_397, %or3A_399 : vector<4x1xi32>
    %ge3A_401 = vector.broadcast %or3A_400 : vector<4x1xi32> to vector<4x8192xi32>
    %ge3A_402 = arith.cmpi uge, %select_n3A, %ge3A_401 : vector<4x8192xi32>
    %convert_element_type3A_403 = arith.extui %ge3A_402 : vector<4x8192xi1> to vector<4x8192xi32>
    %reduce_sum3A_404 = arith.constant dense<0> : vector<4xi32>
    %reduce_sum3A_405 = vector.multi_reduction <add>, %convert_element_type3A_403, %reduce_sum3A_404 [1] : vector<4x8192xi32> to vector<4xi32>
    %broadcast_in_dim3A_406 = vector.shape_cast %reduce_sum3A_405 : vector<4xi32> to vector<4x1xi32>
    %ge3A_407 = arith.constant 512 : i32
    %ge3A_408 = vector.broadcast %ge3A_407 : i32 to vector<4x1xi32>
    %ge3A_409 = arith.cmpi sge, %broadcast_in_dim3A_406, %ge3A_408 : vector<4x1xi32>
    %select_n3A_410 = arith.select %ge3A_409, %or3A_400, %select_n3A_397 : vector<4x1xi1>, vector<4x1xi32>
    %or3A_411 = arith.constant 1 : i32
    %or3A_412 = vector.broadcast %or3A_411 : i32 to vector<4x1xi32>
    %or3A_413 = arith.ori %select_n3A_410, %or3A_412 : vector<4x1xi32>
    %ge3A_414 = vector.broadcast %or3A_413 : vector<4x1xi32> to vector<4x8192xi32>
    %ge3A_415 = arith.cmpi uge, %select_n3A, %ge3A_414 : vector<4x8192xi32>
    %convert_element_type3A_416 = arith.extui %ge3A_415 : vector<4x8192xi1> to vector<4x8192xi32>
    %reduce_sum3A_417 = arith.constant dense<0> : vector<4xi32>
    %reduce_sum3A_418 = vector.multi_reduction <add>, %convert_element_type3A_416, %reduce_sum3A_417 [1] : vector<4x8192xi32> to vector<4xi32>
    %broadcast_in_dim3A_419 = vector.shape_cast %reduce_sum3A_418 : vector<4xi32> to vector<4x1xi32>
    %ge3A_420 = arith.constant 512 : i32
    %ge3A_421 = vector.broadcast %ge3A_420 : i32 to vector<4x1xi32>
    %ge3A_422 = arith.cmpi sge, %broadcast_in_dim3A_419, %ge3A_421 : vector<4x1xi32>
    %select_n3A_423 = arith.select %ge3A_422, %or3A_413, %select_n3A_410 : vector<4x1xi1>, vector<4x1xi32>
    %gt3A = vector.broadcast %select_n3A_423 : vector<4x1xi32> to vector<4x8192xi32>
    %gt3A_424 = arith.cmpi ugt, %select_n3A, %gt3A : vector<4x8192xi32>
    %convert_element_type3A_425 = arith.extui %gt3A_424 : vector<4x8192xi1> to vector<4x8192xi32>
    %reduce_sum3A_426 = arith.constant dense<0> : vector<4xi32>
    %reduce_sum3A_427 = vector.multi_reduction <add>, %convert_element_type3A_425, %reduce_sum3A_426 [1] : vector<4x8192xi32> to vector<4xi32>
    %broadcast_in_dim3A_428 = vector.shape_cast %reduce_sum3A_427 : vector<4xi32> to vector<4x1xi32>
    %xor3A = arith.constant -2147483648 : i32
    %xor3A_429 = vector.broadcast %xor3A : i32 to vector<4x1xi32>
    %xor3A_430 = arith.xori %select_n3A_423, %xor3A_429 : vector<4x1xi32>
    %bitcast_convert_type3A_431 = tpu.bitcast %xor3A_430 : vector<4x1xi32> -> vector<4x1xi32>
    %sub3A = arith.constant 512 : i32
    %sub3A_432 = vector.broadcast %sub3A : i32 to vector<4x1xi32>
    %sub3A_433 = arith.subi %sub3A_432, %broadcast_in_dim3A_428 : vector<4x1xi32>
    %get3A_434 = arith.constant 0 : index
    %get3A_435 = arith.constant 0 : index
    %get3A_436 = arith.constant 0 : index
    %get3A_437 = vector.load %arg1[%get3A_434, %get3A_435, %get3A_436] : memref<4x1x8192xf32, #tpu.memory_space<vmem>>, vector<4x1x8192xf32>
    %get3A_438 = vector.shape_cast %get3A_437 : vector<4x1x8192xf32> to vector<4x8192xf32>
    %bitcast_convert_type3A_439 = tpu.bitcast %get3A_438 : vector<4x8192xf32> -> vector<4x8192xi32>
    %ge3A_440 = arith.constant 0.000000e+00 : f32
    %ge3A_441 = vector.broadcast %ge3A_440 : f32 to vector<4x8192xf32>
    %ge3A_442 = arith.cmpf oge, %get3A_438, %ge3A_441 : vector<4x8192xf32>
    %or3A_443 = arith.constant -2147483648 : i32
    %or3A_444 = vector.broadcast %or3A_443 : i32 to vector<4x8192xi32>
    %or3A_445 = arith.ori %bitcast_convert_type3A_439, %or3A_444 : vector<4x8192xi32>
    %not3A_446 = arith.constant dense<-1> : vector<4x8192xi32>
    %not3A_447 = arith.xori %bitcast_convert_type3A_439, %not3A_446 : vector<4x8192xi32>
    %select_n3A_448 = arith.select %ge3A_442, %or3A_445, %not3A_447 : vector<4x8192xi1>, vector<4x8192xi32>
    %broadcast_in_dim3A_449 = arith.constant 0 : i32
    %broadcast_in_dim3A_450 = vector.broadcast %broadcast_in_dim3A_449 : i32 to vector<4x1xi32>
    %or3A_451 = arith.constant -2147483648 : i32
    %or3A_452 = vector.broadcast %or3A_451 : i32 to vector<4x1xi32>
    %or3A_453 = arith.ori %broadcast_in_dim3A_450, %or3A_452 : vector<4x1xi32>
    %ge3A_454 = vector.broadcast %or3A_453 : vector<4x1xi32> to vector<4x8192xi32>
    %ge3A_455 = arith.cmpi uge, %select_n3A_448, %ge3A_454 : vector<4x8192xi32>
    %convert_element_type3A_456 = arith.extui %ge3A_455 : vector<4x8192xi1> to vector<4x8192xi32>
    %reduce_sum3A_457 = arith.constant dense<0> : vector<4xi32>
    %reduce_sum3A_458 = vector.multi_reduction <add>, %convert_element_type3A_456, %reduce_sum3A_457 [1] : vector<4x8192xi32> to vector<4xi32>
    %broadcast_in_dim3A_459 = vector.shape_cast %reduce_sum3A_458 : vector<4xi32> to vector<4x1xi32>
    %ge3A_460 = arith.constant 256 : i32
    %ge3A_461 = vector.broadcast %ge3A_460 : i32 to vector<4x1xi32>
    %ge3A_462 = arith.cmpi sge, %broadcast_in_dim3A_459, %ge3A_461 : vector<4x1xi32>
    %select_n3A_463 = arith.select %ge3A_462, %or3A_453, %broadcast_in_dim3A_450 : vector<4x1xi1>, vector<4x1xi32>
    %or3A_464 = arith.constant 1073741824 : i32
    %or3A_465 = vector.broadcast %or3A_464 : i32 to vector<4x1xi32>
    %or3A_466 = arith.ori %select_n3A_463, %or3A_465 : vector<4x1xi32>
    %ge3A_467 = vector.broadcast %or3A_466 : vector<4x1xi32> to vector<4x8192xi32>
    %ge3A_468 = arith.cmpi uge, %select_n3A_448, %ge3A_467 : vector<4x8192xi32>
    %convert_element_type3A_469 = arith.extui %ge3A_468 : vector<4x8192xi1> to vector<4x8192xi32>
    %reduce_sum3A_470 = arith.constant dense<0> : vector<4xi32>
    %reduce_sum3A_471 = vector.multi_reduction <add>, %convert_element_type3A_469, %reduce_sum3A_470 [1] : vector<4x8192xi32> to vector<4xi32>
    %broadcast_in_dim3A_472 = vector.shape_cast %reduce_sum3A_471 : vector<4xi32> to vector<4x1xi32>
    %ge3A_473 = arith.constant 256 : i32
    %ge3A_474 = vector.broadcast %ge3A_473 : i32 to vector<4x1xi32>
    %ge3A_475 = arith.cmpi sge, %broadcast_in_dim3A_472, %ge3A_474 : vector<4x1xi32>
    %select_n3A_476 = arith.select %ge3A_475, %or3A_466, %select_n3A_463 : vector<4x1xi1>, vector<4x1xi32>
    %or3A_477 = arith.constant 536870912 : i32
    %or3A_478 = vector.broadcast %or3A_477 : i32 to vector<4x1xi32>
    %or3A_479 = arith.ori %select_n3A_476, %or3A_478 : vector<4x1xi32>
    %ge3A_480 = vector.broadcast %or3A_479 : vector<4x1xi32> to vector<4x8192xi32>
    %ge3A_481 = arith.cmpi uge, %select_n3A_448, %ge3A_480 : vector<4x8192xi32>
    %convert_element_type3A_482 = arith.extui %ge3A_481 : vector<4x8192xi1> to vector<4x8192xi32>
    %reduce_sum3A_483 = arith.constant dense<0> : vector<4xi32>
    %reduce_sum3A_484 = vector.multi_reduction <add>, %convert_element_type3A_482, %reduce_sum3A_483 [1] : vector<4x8192xi32> to vector<4xi32>
    %broadcast_in_dim3A_485 = vector.shape_cast %reduce_sum3A_484 : vector<4xi32> to vector<4x1xi32>
    %ge3A_486 = arith.constant 256 : i32
    %ge3A_487 = vector.broadcast %ge3A_486 : i32 to vector<4x1xi32>
    %ge3A_488 = arith.cmpi sge, %broadcast_in_dim3A_485, %ge3A_487 : vector<4x1xi32>
    %select_n3A_489 = arith.select %ge3A_488, %or3A_479, %select_n3A_476 : vector<4x1xi1>, vector<4x1xi32>
    %or3A_490 = arith.constant 268435456 : i32
    %or3A_491 = vector.broadcast %or3A_490 : i32 to vector<4x1xi32>
    %or3A_492 = arith.ori %select_n3A_489, %or3A_491 : vector<4x1xi32>
    %ge3A_493 = vector.broadcast %or3A_492 : vector<4x1xi32> to vector<4x8192xi32>
    %ge3A_494 = arith.cmpi uge, %select_n3A_448, %ge3A_493 : vector<4x8192xi32>
    %convert_element_type3A_495 = arith.extui %ge3A_494 : vector<4x8192xi1> to vector<4x8192xi32>
    %reduce_sum3A_496 = arith.constant dense<0> : vector<4xi32>
    %reduce_sum3A_497 = vector.multi_reduction <add>, %convert_element_type3A_495, %reduce_sum3A_496 [1] : vector<4x8192xi32> to vector<4xi32>
    %broadcast_in_dim3A_498 = vector.shape_cast %reduce_sum3A_497 : vector<4xi32> to vector<4x1xi32>
    %ge3A_499 = arith.constant 256 : i32
    %ge3A_500 = vector.broadcast %ge3A_499 : i32 to vector<4x1xi32>
    %ge3A_501 = arith.cmpi sge, %broadcast_in_dim3A_498, %ge3A_500 : vector<4x1xi32>
    %select_n3A_502 = arith.select %ge3A_501, %or3A_492, %select_n3A_489 : vector<4x1xi1>, vector<4x1xi32>
    %or3A_503 = arith.constant 134217728 : i32
    %or3A_504 = vector.broadcast %or3A_503 : i32 to vector<4x1xi32>
    %or3A_505 = arith.ori %select_n3A_502, %or3A_504 : vector<4x1xi32>
    %ge3A_506 = vector.broadcast %or3A_505 : vector<4x1xi32> to vector<4x8192xi32>
    %ge3A_507 = arith.cmpi uge, %select_n3A_448, %ge3A_506 : vector<4x8192xi32>
    %convert_element_type3A_508 = arith.extui %ge3A_507 : vector<4x8192xi1> to vector<4x8192xi32>
    %reduce_sum3A_509 = arith.constant dense<0> : vector<4xi32>
    %reduce_sum3A_510 = vector.multi_reduction <add>, %convert_element_type3A_508, %reduce_sum3A_509 [1] : vector<4x8192xi32> to vector<4xi32>
    %broadcast_in_dim3A_511 = vector.shape_cast %reduce_sum3A_510 : vector<4xi32> to vector<4x1xi32>
    %ge3A_512 = arith.constant 256 : i32
    %ge3A_513 = vector.broadcast %ge3A_512 : i32 to vector<4x1xi32>
    %ge3A_514 = arith.cmpi sge, %broadcast_in_dim3A_511, %ge3A_513 : vector<4x1xi32>
    %select_n3A_515 = arith.select %ge3A_514, %or3A_505, %select_n3A_502 : vector<4x1xi1>, vector<4x1xi32>
    %or3A_516 = arith.constant 67108864 : i32
    %or3A_517 = vector.broadcast %or3A_516 : i32 to vector<4x1xi32>
    %or3A_518 = arith.ori %select_n3A_515, %or3A_517 : vector<4x1xi32>
    %ge3A_519 = vector.broadcast %or3A_518 : vector<4x1xi32> to vector<4x8192xi32>
    %ge3A_520 = arith.cmpi uge, %select_n3A_448, %ge3A_519 : vector<4x8192xi32>
    %convert_element_type3A_521 = arith.extui %ge3A_520 : vector<4x8192xi1> to vector<4x8192xi32>
    %reduce_sum3A_522 = arith.constant dense<0> : vector<4xi32>
    %reduce_sum3A_523 = vector.multi_reduction <add>, %convert_element_type3A_521, %reduce_sum3A_522 [1] : vector<4x8192xi32> to vector<4xi32>
    %broadcast_in_dim3A_524 = vector.shape_cast %reduce_sum3A_523 : vector<4xi32> to vector<4x1xi32>
    %ge3A_525 = arith.constant 256 : i32
    %ge3A_526 = vector.broadcast %ge3A_525 : i32 to vector<4x1xi32>
    %ge3A_527 = arith.cmpi sge, %broadcast_in_dim3A_524, %ge3A_526 : vector<4x1xi32>
    %select_n3A_528 = arith.select %ge3A_527, %or3A_518, %select_n3A_515 : vector<4x1xi1>, vector<4x1xi32>
    %or3A_529 = arith.constant 33554432 : i32
    %or3A_530 = vector.broadcast %or3A_529 : i32 to vector<4x1xi32>
    %or3A_531 = arith.ori %select_n3A_528, %or3A_530 : vector<4x1xi32>
    %ge3A_532 = vector.broadcast %or3A_531 : vector<4x1xi32> to vector<4x8192xi32>
    %ge3A_533 = arith.cmpi uge, %select_n3A_448, %ge3A_532 : vector<4x8192xi32>
    %convert_element_type3A_534 = arith.extui %ge3A_533 : vector<4x8192xi1> to vector<4x8192xi32>
    %reduce_sum3A_535 = arith.constant dense<0> : vector<4xi32>
    %reduce_sum3A_536 = vector.multi_reduction <add>, %convert_element_type3A_534, %reduce_sum3A_535 [1] : vector<4x8192xi32> to vector<4xi32>
    %broadcast_in_dim3A_537 = vector.shape_cast %reduce_sum3A_536 : vector<4xi32> to vector<4x1xi32>
    %ge3A_538 = arith.constant 256 : i32
    %ge3A_539 = vector.broadcast %ge3A_538 : i32 to vector<4x1xi32>
    %ge3A_540 = arith.cmpi sge, %broadcast_in_dim3A_537, %ge3A_539 : vector<4x1xi32>
    %select_n3A_541 = arith.select %ge3A_540, %or3A_531, %select_n3A_528 : vector<4x1xi1>, vector<4x1xi32>
    %or3A_542 = arith.constant 16777216 : i32
    %or3A_543 = vector.broadcast %or3A_542 : i32 to vector<4x1xi32>
    %or3A_544 = arith.ori %select_n3A_541, %or3A_543 : vector<4x1xi32>
    %ge3A_545 = vector.broadcast %or3A_544 : vector<4x1xi32> to vector<4x8192xi32>
    %ge3A_546 = arith.cmpi uge, %select_n3A_448, %ge3A_545 : vector<4x8192xi32>
    %convert_element_type3A_547 = arith.extui %ge3A_546 : vector<4x8192xi1> to vector<4x8192xi32>
    %reduce_sum3A_548 = arith.constant dense<0> : vector<4xi32>
    %reduce_sum3A_549 = vector.multi_reduction <add>, %convert_element_type3A_547, %reduce_sum3A_548 [1] : vector<4x8192xi32> to vector<4xi32>
    %broadcast_in_dim3A_550 = vector.shape_cast %reduce_sum3A_549 : vector<4xi32> to vector<4x1xi32>
    %ge3A_551 = arith.constant 256 : i32
    %ge3A_552 = vector.broadcast %ge3A_551 : i32 to vector<4x1xi32>
    %ge3A_553 = arith.cmpi sge, %broadcast_in_dim3A_550, %ge3A_552 : vector<4x1xi32>
    %select_n3A_554 = arith.select %ge3A_553, %or3A_544, %select_n3A_541 : vector<4x1xi1>, vector<4x1xi32>
    %or3A_555 = arith.constant 8388608 : i32
    %or3A_556 = vector.broadcast %or3A_555 : i32 to vector<4x1xi32>
    %or3A_557 = arith.ori %select_n3A_554, %or3A_556 : vector<4x1xi32>
    %ge3A_558 = vector.broadcast %or3A_557 : vector<4x1xi32> to vector<4x8192xi32>
    %ge3A_559 = arith.cmpi uge, %select_n3A_448, %ge3A_558 : vector<4x8192xi32>
    %convert_element_type3A_560 = arith.extui %ge3A_559 : vector<4x8192xi1> to vector<4x8192xi32>
    %reduce_sum3A_561 = arith.constant dense<0> : vector<4xi32>
    %reduce_sum3A_562 = vector.multi_reduction <add>, %convert_element_type3A_560, %reduce_sum3A_561 [1] : vector<4x8192xi32> to vector<4xi32>
    %broadcast_in_dim3A_563 = vector.shape_cast %reduce_sum3A_562 : vector<4xi32> to vector<4x1xi32>
    %ge3A_564 = arith.constant 256 : i32
    %ge3A_565 = vector.broadcast %ge3A_564 : i32 to vector<4x1xi32>
    %ge3A_566 = arith.cmpi sge, %broadcast_in_dim3A_563, %ge3A_565 : vector<4x1xi32>
    %select_n3A_567 = arith.select %ge3A_566, %or3A_557, %select_n3A_554 : vector<4x1xi1>, vector<4x1xi32>
    %or3A_568 = arith.constant 4194304 : i32
    %or3A_569 = vector.broadcast %or3A_568 : i32 to vector<4x1xi32>
    %or3A_570 = arith.ori %select_n3A_567, %or3A_569 : vector<4x1xi32>
    %ge3A_571 = vector.broadcast %or3A_570 : vector<4x1xi32> to vector<4x8192xi32>
    %ge3A_572 = arith.cmpi uge, %select_n3A_448, %ge3A_571 : vector<4x8192xi32>
    %convert_element_type3A_573 = arith.extui %ge3A_572 : vector<4x8192xi1> to vector<4x8192xi32>
    %reduce_sum3A_574 = arith.constant dense<0> : vector<4xi32>
    %reduce_sum3A_575 = vector.multi_reduction <add>, %convert_element_type3A_573, %reduce_sum3A_574 [1] : vector<4x8192xi32> to vector<4xi32>
    %broadcast_in_dim3A_576 = vector.shape_cast %reduce_sum3A_575 : vector<4xi32> to vector<4x1xi32>
    %ge3A_577 = arith.constant 256 : i32
    %ge3A_578 = vector.broadcast %ge3A_577 : i32 to vector<4x1xi32>
    %ge3A_579 = arith.cmpi sge, %broadcast_in_dim3A_576, %ge3A_578 : vector<4x1xi32>
    %select_n3A_580 = arith.select %ge3A_579, %or3A_570, %select_n3A_567 : vector<4x1xi1>, vector<4x1xi32>
    %or3A_581 = arith.constant 2097152 : i32
    %or3A_582 = vector.broadcast %or3A_581 : i32 to vector<4x1xi32>
    %or3A_583 = arith.ori %select_n3A_580, %or3A_582 : vector<4x1xi32>
    %ge3A_584 = vector.broadcast %or3A_583 : vector<4x1xi32> to vector<4x8192xi32>
    %ge3A_585 = arith.cmpi uge, %select_n3A_448, %ge3A_584 : vector<4x8192xi32>
    %convert_element_type3A_586 = arith.extui %ge3A_585 : vector<4x8192xi1> to vector<4x8192xi32>
    %reduce_sum3A_587 = arith.constant dense<0> : vector<4xi32>
    %reduce_sum3A_588 = vector.multi_reduction <add>, %convert_element_type3A_586, %reduce_sum3A_587 [1] : vector<4x8192xi32> to vector<4xi32>
    %broadcast_in_dim3A_589 = vector.shape_cast %reduce_sum3A_588 : vector<4xi32> to vector<4x1xi32>
    %ge3A_590 = arith.constant 256 : i32
    %ge3A_591 = vector.broadcast %ge3A_590 : i32 to vector<4x1xi32>
    %ge3A_592 = arith.cmpi sge, %broadcast_in_dim3A_589, %ge3A_591 : vector<4x1xi32>
    %select_n3A_593 = arith.select %ge3A_592, %or3A_583, %select_n3A_580 : vector<4x1xi1>, vector<4x1xi32>
    %or3A_594 = arith.constant 1048576 : i32
    %or3A_595 = vector.broadcast %or3A_594 : i32 to vector<4x1xi32>
    %or3A_596 = arith.ori %select_n3A_593, %or3A_595 : vector<4x1xi32>
    %ge3A_597 = vector.broadcast %or3A_596 : vector<4x1xi32> to vector<4x8192xi32>
    %ge3A_598 = arith.cmpi uge, %select_n3A_448, %ge3A_597 : vector<4x8192xi32>
    %convert_element_type3A_599 = arith.extui %ge3A_598 : vector<4x8192xi1> to vector<4x8192xi32>
    %reduce_sum3A_600 = arith.constant dense<0> : vector<4xi32>
    %reduce_sum3A_601 = vector.multi_reduction <add>, %convert_element_type3A_599, %reduce_sum3A_600 [1] : vector<4x8192xi32> to vector<4xi32>
    %broadcast_in_dim3A_602 = vector.shape_cast %reduce_sum3A_601 : vector<4xi32> to vector<4x1xi32>
    %ge3A_603 = arith.constant 256 : i32
    %ge3A_604 = vector.broadcast %ge3A_603 : i32 to vector<4x1xi32>
    %ge3A_605 = arith.cmpi sge, %broadcast_in_dim3A_602, %ge3A_604 : vector<4x1xi32>
    %select_n3A_606 = arith.select %ge3A_605, %or3A_596, %select_n3A_593 : vector<4x1xi1>, vector<4x1xi32>
    %or3A_607 = arith.constant 524288 : i32
    %or3A_608 = vector.broadcast %or3A_607 : i32 to vector<4x1xi32>
    %or3A_609 = arith.ori %select_n3A_606, %or3A_608 : vector<4x1xi32>
    %ge3A_610 = vector.broadcast %or3A_609 : vector<4x1xi32> to vector<4x8192xi32>
    %ge3A_611 = arith.cmpi uge, %select_n3A_448, %ge3A_610 : vector<4x8192xi32>
    %convert_element_type3A_612 = arith.extui %ge3A_611 : vector<4x8192xi1> to vector<4x8192xi32>
    %reduce_sum3A_613 = arith.constant dense<0> : vector<4xi32>
    %reduce_sum3A_614 = vector.multi_reduction <add>, %convert_element_type3A_612, %reduce_sum3A_613 [1] : vector<4x8192xi32> to vector<4xi32>
    %broadcast_in_dim3A_615 = vector.shape_cast %reduce_sum3A_614 : vector<4xi32> to vector<4x1xi32>
    %ge3A_616 = arith.constant 256 : i32
    %ge3A_617 = vector.broadcast %ge3A_616 : i32 to vector<4x1xi32>
    %ge3A_618 = arith.cmpi sge, %broadcast_in_dim3A_615, %ge3A_617 : vector<4x1xi32>
    %select_n3A_619 = arith.select %ge3A_618, %or3A_609, %select_n3A_606 : vector<4x1xi1>, vector<4x1xi32>
    %or3A_620 = arith.constant 262144 : i32
    %or3A_621 = vector.broadcast %or3A_620 : i32 to vector<4x1xi32>
    %or3A_622 = arith.ori %select_n3A_619, %or3A_621 : vector<4x1xi32>
    %ge3A_623 = vector.broadcast %or3A_622 : vector<4x1xi32> to vector<4x8192xi32>
    %ge3A_624 = arith.cmpi uge, %select_n3A_448, %ge3A_623 : vector<4x8192xi32>
    %convert_element_type3A_625 = arith.extui %ge3A_624 : vector<4x8192xi1> to vector<4x8192xi32>
    %reduce_sum3A_626 = arith.constant dense<0> : vector<4xi32>
    %reduce_sum3A_627 = vector.multi_reduction <add>, %convert_element_type3A_625, %reduce_sum3A_626 [1] : vector<4x8192xi32> to vector<4xi32>
    %broadcast_in_dim3A_628 = vector.shape_cast %reduce_sum3A_627 : vector<4xi32> to vector<4x1xi32>
    %ge3A_629 = arith.constant 256 : i32
    %ge3A_630 = vector.broadcast %ge3A_629 : i32 to vector<4x1xi32>
    %ge3A_631 = arith.cmpi sge, %broadcast_in_dim3A_628, %ge3A_630 : vector<4x1xi32>
    %select_n3A_632 = arith.select %ge3A_631, %or3A_622, %select_n3A_619 : vector<4x1xi1>, vector<4x1xi32>
    %or3A_633 = arith.constant 131072 : i32
    %or3A_634 = vector.broadcast %or3A_633 : i32 to vector<4x1xi32>
    %or3A_635 = arith.ori %select_n3A_632, %or3A_634 : vector<4x1xi32>
    %ge3A_636 = vector.broadcast %or3A_635 : vector<4x1xi32> to vector<4x8192xi32>
    %ge3A_637 = arith.cmpi uge, %select_n3A_448, %ge3A_636 : vector<4x8192xi32>
    %convert_element_type3A_638 = arith.extui %ge3A_637 : vector<4x8192xi1> to vector<4x8192xi32>
    %reduce_sum3A_639 = arith.constant dense<0> : vector<4xi32>
    %reduce_sum3A_640 = vector.multi_reduction <add>, %convert_element_type3A_638, %reduce_sum3A_639 [1] : vector<4x8192xi32> to vector<4xi32>
    %broadcast_in_dim3A_641 = vector.shape_cast %reduce_sum3A_640 : vector<4xi32> to vector<4x1xi32>
    %ge3A_642 = arith.constant 256 : i32
    %ge3A_643 = vector.broadcast %ge3A_642 : i32 to vector<4x1xi32>
    %ge3A_644 = arith.cmpi sge, %broadcast_in_dim3A_641, %ge3A_643 : vector<4x1xi32>
    %select_n3A_645 = arith.select %ge3A_644, %or3A_635, %select_n3A_632 : vector<4x1xi1>, vector<4x1xi32>
    %or3A_646 = arith.constant 65536 : i32
    %or3A_647 = vector.broadcast %or3A_646 : i32 to vector<4x1xi32>
    %or3A_648 = arith.ori %select_n3A_645, %or3A_647 : vector<4x1xi32>
    %ge3A_649 = vector.broadcast %or3A_648 : vector<4x1xi32> to vector<4x8192xi32>
    %ge3A_650 = arith.cmpi uge, %select_n3A_448, %ge3A_649 : vector<4x8192xi32>
    %convert_element_type3A_651 = arith.extui %ge3A_650 : vector<4x8192xi1> to vector<4x8192xi32>
    %reduce_sum3A_652 = arith.constant dense<0> : vector<4xi32>
    %reduce_sum3A_653 = vector.multi_reduction <add>, %convert_element_type3A_651, %reduce_sum3A_652 [1] : vector<4x8192xi32> to vector<4xi32>
    %broadcast_in_dim3A_654 = vector.shape_cast %reduce_sum3A_653 : vector<4xi32> to vector<4x1xi32>
    %ge3A_655 = arith.constant 256 : i32
    %ge3A_656 = vector.broadcast %ge3A_655 : i32 to vector<4x1xi32>
    %ge3A_657 = arith.cmpi sge, %broadcast_in_dim3A_654, %ge3A_656 : vector<4x1xi32>
    %select_n3A_658 = arith.select %ge3A_657, %or3A_648, %select_n3A_645 : vector<4x1xi1>, vector<4x1xi32>
    %or3A_659 = arith.constant 32768 : i32
    %or3A_660 = vector.broadcast %or3A_659 : i32 to vector<4x1xi32>
    %or3A_661 = arith.ori %select_n3A_658, %or3A_660 : vector<4x1xi32>
    %ge3A_662 = vector.broadcast %or3A_661 : vector<4x1xi32> to vector<4x8192xi32>
    %ge3A_663 = arith.cmpi uge, %select_n3A_448, %ge3A_662 : vector<4x8192xi32>
    %convert_element_type3A_664 = arith.extui %ge3A_663 : vector<4x8192xi1> to vector<4x8192xi32>
    %reduce_sum3A_665 = arith.constant dense<0> : vector<4xi32>
    %reduce_sum3A_666 = vector.multi_reduction <add>, %convert_element_type3A_664, %reduce_sum3A_665 [1] : vector<4x8192xi32> to vector<4xi32>
    %broadcast_in_dim3A_667 = vector.shape_cast %reduce_sum3A_666 : vector<4xi32> to vector<4x1xi32>
    %ge3A_668 = arith.constant 256 : i32
    %ge3A_669 = vector.broadcast %ge3A_668 : i32 to vector<4x1xi32>
    %ge3A_670 = arith.cmpi sge, %broadcast_in_dim3A_667, %ge3A_669 : vector<4x1xi32>
    %select_n3A_671 = arith.select %ge3A_670, %or3A_661, %select_n3A_658 : vector<4x1xi1>, vector<4x1xi32>
    %or3A_672 = arith.constant 16384 : i32
    %or3A_673 = vector.broadcast %or3A_672 : i32 to vector<4x1xi32>
    %or3A_674 = arith.ori %select_n3A_671, %or3A_673 : vector<4x1xi32>
    %ge3A_675 = vector.broadcast %or3A_674 : vector<4x1xi32> to vector<4x8192xi32>
    %ge3A_676 = arith.cmpi uge, %select_n3A_448, %ge3A_675 : vector<4x8192xi32>
    %convert_element_type3A_677 = arith.extui %ge3A_676 : vector<4x8192xi1> to vector<4x8192xi32>
    %reduce_sum3A_678 = arith.constant dense<0> : vector<4xi32>
    %reduce_sum3A_679 = vector.multi_reduction <add>, %convert_element_type3A_677, %reduce_sum3A_678 [1] : vector<4x8192xi32> to vector<4xi32>
    %broadcast_in_dim3A_680 = vector.shape_cast %reduce_sum3A_679 : vector<4xi32> to vector<4x1xi32>
    %ge3A_681 = arith.constant 256 : i32
    %ge3A_682 = vector.broadcast %ge3A_681 : i32 to vector<4x1xi32>
    %ge3A_683 = arith.cmpi sge, %broadcast_in_dim3A_680, %ge3A_682 : vector<4x1xi32>
    %select_n3A_684 = arith.select %ge3A_683, %or3A_674, %select_n3A_671 : vector<4x1xi1>, vector<4x1xi32>
    %or3A_685 = arith.constant 8192 : i32
    %or3A_686 = vector.broadcast %or3A_685 : i32 to vector<4x1xi32>
    %or3A_687 = arith.ori %select_n3A_684, %or3A_686 : vector<4x1xi32>
    %ge3A_688 = vector.broadcast %or3A_687 : vector<4x1xi32> to vector<4x8192xi32>
    %ge3A_689 = arith.cmpi uge, %select_n3A_448, %ge3A_688 : vector<4x8192xi32>
    %convert_element_type3A_690 = arith.extui %ge3A_689 : vector<4x8192xi1> to vector<4x8192xi32>
    %reduce_sum3A_691 = arith.constant dense<0> : vector<4xi32>
    %reduce_sum3A_692 = vector.multi_reduction <add>, %convert_element_type3A_690, %reduce_sum3A_691 [1] : vector<4x8192xi32> to vector<4xi32>
    %broadcast_in_dim3A_693 = vector.shape_cast %reduce_sum3A_692 : vector<4xi32> to vector<4x1xi32>
    %ge3A_694 = arith.constant 256 : i32
    %ge3A_695 = vector.broadcast %ge3A_694 : i32 to vector<4x1xi32>
    %ge3A_696 = arith.cmpi sge, %broadcast_in_dim3A_693, %ge3A_695 : vector<4x1xi32>
    %select_n3A_697 = arith.select %ge3A_696, %or3A_687, %select_n3A_684 : vector<4x1xi1>, vector<4x1xi32>
    %or3A_698 = arith.constant 4096 : i32
    %or3A_699 = vector.broadcast %or3A_698 : i32 to vector<4x1xi32>
    %or3A_700 = arith.ori %select_n3A_697, %or3A_699 : vector<4x1xi32>
    %ge3A_701 = vector.broadcast %or3A_700 : vector<4x1xi32> to vector<4x8192xi32>
    %ge3A_702 = arith.cmpi uge, %select_n3A_448, %ge3A_701 : vector<4x8192xi32>
    %convert_element_type3A_703 = arith.extui %ge3A_702 : vector<4x8192xi1> to vector<4x8192xi32>
    %reduce_sum3A_704 = arith.constant dense<0> : vector<4xi32>
    %reduce_sum3A_705 = vector.multi_reduction <add>, %convert_element_type3A_703, %reduce_sum3A_704 [1] : vector<4x8192xi32> to vector<4xi32>
    %broadcast_in_dim3A_706 = vector.shape_cast %reduce_sum3A_705 : vector<4xi32> to vector<4x1xi32>
    %ge3A_707 = arith.constant 256 : i32
    %ge3A_708 = vector.broadcast %ge3A_707 : i32 to vector<4x1xi32>
    %ge3A_709 = arith.cmpi sge, %broadcast_in_dim3A_706, %ge3A_708 : vector<4x1xi32>
    %select_n3A_710 = arith.select %ge3A_709, %or3A_700, %select_n3A_697 : vector<4x1xi1>, vector<4x1xi32>
    %or3A_711 = arith.constant 2048 : i32
    %or3A_712 = vector.broadcast %or3A_711 : i32 to vector<4x1xi32>
    %or3A_713 = arith.ori %select_n3A_710, %or3A_712 : vector<4x1xi32>
    %ge3A_714 = vector.broadcast %or3A_713 : vector<4x1xi32> to vector<4x8192xi32>
    %ge3A_715 = arith.cmpi uge, %select_n3A_448, %ge3A_714 : vector<4x8192xi32>
    %convert_element_type3A_716 = arith.extui %ge3A_715 : vector<4x8192xi1> to vector<4x8192xi32>
    %reduce_sum3A_717 = arith.constant dense<0> : vector<4xi32>
    %reduce_sum3A_718 = vector.multi_reduction <add>, %convert_element_type3A_716, %reduce_sum3A_717 [1] : vector<4x8192xi32> to vector<4xi32>
    %broadcast_in_dim3A_719 = vector.shape_cast %reduce_sum3A_718 : vector<4xi32> to vector<4x1xi32>
    %ge3A_720 = arith.constant 256 : i32
    %ge3A_721 = vector.broadcast %ge3A_720 : i32 to vector<4x1xi32>
    %ge3A_722 = arith.cmpi sge, %broadcast_in_dim3A_719, %ge3A_721 : vector<4x1xi32>
    %select_n3A_723 = arith.select %ge3A_722, %or3A_713, %select_n3A_710 : vector<4x1xi1>, vector<4x1xi32>
    %or3A_724 = arith.constant 1024 : i32
    %or3A_725 = vector.broadcast %or3A_724 : i32 to vector<4x1xi32>
    %or3A_726 = arith.ori %select_n3A_723, %or3A_725 : vector<4x1xi32>
    %ge3A_727 = vector.broadcast %or3A_726 : vector<4x1xi32> to vector<4x8192xi32>
    %ge3A_728 = arith.cmpi uge, %select_n3A_448, %ge3A_727 : vector<4x8192xi32>
    %convert_element_type3A_729 = arith.extui %ge3A_728 : vector<4x8192xi1> to vector<4x8192xi32>
    %reduce_sum3A_730 = arith.constant dense<0> : vector<4xi32>
    %reduce_sum3A_731 = vector.multi_reduction <add>, %convert_element_type3A_729, %reduce_sum3A_730 [1] : vector<4x8192xi32> to vector<4xi32>
    %broadcast_in_dim3A_732 = vector.shape_cast %reduce_sum3A_731 : vector<4xi32> to vector<4x1xi32>
    %ge3A_733 = arith.constant 256 : i32
    %ge3A_734 = vector.broadcast %ge3A_733 : i32 to vector<4x1xi32>
    %ge3A_735 = arith.cmpi sge, %broadcast_in_dim3A_732, %ge3A_734 : vector<4x1xi32>
    %select_n3A_736 = arith.select %ge3A_735, %or3A_726, %select_n3A_723 : vector<4x1xi1>, vector<4x1xi32>
    %or3A_737 = arith.constant 512 : i32
    %or3A_738 = vector.broadcast %or3A_737 : i32 to vector<4x1xi32>
    %or3A_739 = arith.ori %select_n3A_736, %or3A_738 : vector<4x1xi32>
    %ge3A_740 = vector.broadcast %or3A_739 : vector<4x1xi32> to vector<4x8192xi32>
    %ge3A_741 = arith.cmpi uge, %select_n3A_448, %ge3A_740 : vector<4x8192xi32>
    %convert_element_type3A_742 = arith.extui %ge3A_741 : vector<4x8192xi1> to vector<4x8192xi32>
    %reduce_sum3A_743 = arith.constant dense<0> : vector<4xi32>
    %reduce_sum3A_744 = vector.multi_reduction <add>, %convert_element_type3A_742, %reduce_sum3A_743 [1] : vector<4x8192xi32> to vector<4xi32>
    %broadcast_in_dim3A_745 = vector.shape_cast %reduce_sum3A_744 : vector<4xi32> to vector<4x1xi32>
    %ge3A_746 = arith.constant 256 : i32
    %ge3A_747 = vector.broadcast %ge3A_746 : i32 to vector<4x1xi32>
    %ge3A_748 = arith.cmpi sge, %broadcast_in_dim3A_745, %ge3A_747 : vector<4x1xi32>
    %select_n3A_749 = arith.select %ge3A_748, %or3A_739, %select_n3A_736 : vector<4x1xi1>, vector<4x1xi32>
    %or3A_750 = arith.constant 256 : i32
    %or3A_751 = vector.broadcast %or3A_750 : i32 to vector<4x1xi32>
    %or3A_752 = arith.ori %select_n3A_749, %or3A_751 : vector<4x1xi32>
    %ge3A_753 = vector.broadcast %or3A_752 : vector<4x1xi32> to vector<4x8192xi32>
    %ge3A_754 = arith.cmpi uge, %select_n3A_448, %ge3A_753 : vector<4x8192xi32>
    %convert_element_type3A_755 = arith.extui %ge3A_754 : vector<4x8192xi1> to vector<4x8192xi32>
    %reduce_sum3A_756 = arith.constant dense<0> : vector<4xi32>
    %reduce_sum3A_757 = vector.multi_reduction <add>, %convert_element_type3A_755, %reduce_sum3A_756 [1] : vector<4x8192xi32> to vector<4xi32>
    %broadcast_in_dim3A_758 = vector.shape_cast %reduce_sum3A_757 : vector<4xi32> to vector<4x1xi32>
    %ge3A_759 = arith.constant 256 : i32
    %ge3A_760 = vector.broadcast %ge3A_759 : i32 to vector<4x1xi32>
    %ge3A_761 = arith.cmpi sge, %broadcast_in_dim3A_758, %ge3A_760 : vector<4x1xi32>
    %select_n3A_762 = arith.select %ge3A_761, %or3A_752, %select_n3A_749 : vector<4x1xi1>, vector<4x1xi32>
    %or3A_763 = arith.constant 128 : i32
    %or3A_764 = vector.broadcast %or3A_763 : i32 to vector<4x1xi32>
    %or3A_765 = arith.ori %select_n3A_762, %or3A_764 : vector<4x1xi32>
    %ge3A_766 = vector.broadcast %or3A_765 : vector<4x1xi32> to vector<4x8192xi32>
    %ge3A_767 = arith.cmpi uge, %select_n3A_448, %ge3A_766 : vector<4x8192xi32>
    %convert_element_type3A_768 = arith.extui %ge3A_767 : vector<4x8192xi1> to vector<4x8192xi32>
    %reduce_sum3A_769 = arith.constant dense<0> : vector<4xi32>
    %reduce_sum3A_770 = vector.multi_reduction <add>, %convert_element_type3A_768, %reduce_sum3A_769 [1] : vector<4x8192xi32> to vector<4xi32>
    %broadcast_in_dim3A_771 = vector.shape_cast %reduce_sum3A_770 : vector<4xi32> to vector<4x1xi32>
    %ge3A_772 = arith.constant 256 : i32
    %ge3A_773 = vector.broadcast %ge3A_772 : i32 to vector<4x1xi32>
    %ge3A_774 = arith.cmpi sge, %broadcast_in_dim3A_771, %ge3A_773 : vector<4x1xi32>
    %select_n3A_775 = arith.select %ge3A_774, %or3A_765, %select_n3A_762 : vector<4x1xi1>, vector<4x1xi32>
    %or3A_776 = arith.constant 64 : i32
    %or3A_777 = vector.broadcast %or3A_776 : i32 to vector<4x1xi32>
    %or3A_778 = arith.ori %select_n3A_775, %or3A_777 : vector<4x1xi32>
    %ge3A_779 = vector.broadcast %or3A_778 : vector<4x1xi32> to vector<4x8192xi32>
    %ge3A_780 = arith.cmpi uge, %select_n3A_448, %ge3A_779 : vector<4x8192xi32>
    %convert_element_type3A_781 = arith.extui %ge3A_780 : vector<4x8192xi1> to vector<4x8192xi32>
    %reduce_sum3A_782 = arith.constant dense<0> : vector<4xi32>
    %reduce_sum3A_783 = vector.multi_reduction <add>, %convert_element_type3A_781, %reduce_sum3A_782 [1] : vector<4x8192xi32> to vector<4xi32>
    %broadcast_in_dim3A_784 = vector.shape_cast %reduce_sum3A_783 : vector<4xi32> to vector<4x1xi32>
    %ge3A_785 = arith.constant 256 : i32
    %ge3A_786 = vector.broadcast %ge3A_785 : i32 to vector<4x1xi32>
    %ge3A_787 = arith.cmpi sge, %broadcast_in_dim3A_784, %ge3A_786 : vector<4x1xi32>
    %select_n3A_788 = arith.select %ge3A_787, %or3A_778, %select_n3A_775 : vector<4x1xi1>, vector<4x1xi32>
    %or3A_789 = arith.constant 32 : i32
    %or3A_790 = vector.broadcast %or3A_789 : i32 to vector<4x1xi32>
    %or3A_791 = arith.ori %select_n3A_788, %or3A_790 : vector<4x1xi32>
    %ge3A_792 = vector.broadcast %or3A_791 : vector<4x1xi32> to vector<4x8192xi32>
    %ge3A_793 = arith.cmpi uge, %select_n3A_448, %ge3A_792 : vector<4x8192xi32>
    %convert_element_type3A_794 = arith.extui %ge3A_793 : vector<4x8192xi1> to vector<4x8192xi32>
    %reduce_sum3A_795 = arith.constant dense<0> : vector<4xi32>
    %reduce_sum3A_796 = vector.multi_reduction <add>, %convert_element_type3A_794, %reduce_sum3A_795 [1] : vector<4x8192xi32> to vector<4xi32>
    %broadcast_in_dim3A_797 = vector.shape_cast %reduce_sum3A_796 : vector<4xi32> to vector<4x1xi32>
    %ge3A_798 = arith.constant 256 : i32
    %ge3A_799 = vector.broadcast %ge3A_798 : i32 to vector<4x1xi32>
    %ge3A_800 = arith.cmpi sge, %broadcast_in_dim3A_797, %ge3A_799 : vector<4x1xi32>
    %select_n3A_801 = arith.select %ge3A_800, %or3A_791, %select_n3A_788 : vector<4x1xi1>, vector<4x1xi32>
    %or3A_802 = arith.constant 16 : i32
    %or3A_803 = vector.broadcast %or3A_802 : i32 to vector<4x1xi32>
    %or3A_804 = arith.ori %select_n3A_801, %or3A_803 : vector<4x1xi32>
    %ge3A_805 = vector.broadcast %or3A_804 : vector<4x1xi32> to vector<4x8192xi32>
    %ge3A_806 = arith.cmpi uge, %select_n3A_448, %ge3A_805 : vector<4x8192xi32>
    %convert_element_type3A_807 = arith.extui %ge3A_806 : vector<4x8192xi1> to vector<4x8192xi32>
    %reduce_sum3A_808 = arith.constant dense<0> : vector<4xi32>
    %reduce_sum3A_809 = vector.multi_reduction <add>, %convert_element_type3A_807, %reduce_sum3A_808 [1] : vector<4x8192xi32> to vector<4xi32>
    %broadcast_in_dim3A_810 = vector.shape_cast %reduce_sum3A_809 : vector<4xi32> to vector<4x1xi32>
    %ge3A_811 = arith.constant 256 : i32
    %ge3A_812 = vector.broadcast %ge3A_811 : i32 to vector<4x1xi32>
    %ge3A_813 = arith.cmpi sge, %broadcast_in_dim3A_810, %ge3A_812 : vector<4x1xi32>
    %select_n3A_814 = arith.select %ge3A_813, %or3A_804, %select_n3A_801 : vector<4x1xi1>, vector<4x1xi32>
    %or3A_815 = arith.constant 8 : i32
    %or3A_816 = vector.broadcast %or3A_815 : i32 to vector<4x1xi32>
    %or3A_817 = arith.ori %select_n3A_814, %or3A_816 : vector<4x1xi32>
    %ge3A_818 = vector.broadcast %or3A_817 : vector<4x1xi32> to vector<4x8192xi32>
    %ge3A_819 = arith.cmpi uge, %select_n3A_448, %ge3A_818 : vector<4x8192xi32>
    %convert_element_type3A_820 = arith.extui %ge3A_819 : vector<4x8192xi1> to vector<4x8192xi32>
    %reduce_sum3A_821 = arith.constant dense<0> : vector<4xi32>
    %reduce_sum3A_822 = vector.multi_reduction <add>, %convert_element_type3A_820, %reduce_sum3A_821 [1] : vector<4x8192xi32> to vector<4xi32>
    %broadcast_in_dim3A_823 = vector.shape_cast %reduce_sum3A_822 : vector<4xi32> to vector<4x1xi32>
    %ge3A_824 = arith.constant 256 : i32
    %ge3A_825 = vector.broadcast %ge3A_824 : i32 to vector<4x1xi32>
    %ge3A_826 = arith.cmpi sge, %broadcast_in_dim3A_823, %ge3A_825 : vector<4x1xi32>
    %select_n3A_827 = arith.select %ge3A_826, %or3A_817, %select_n3A_814 : vector<4x1xi1>, vector<4x1xi32>
    %or3A_828 = arith.constant 4 : i32
    %or3A_829 = vector.broadcast %or3A_828 : i32 to vector<4x1xi32>
    %or3A_830 = arith.ori %select_n3A_827, %or3A_829 : vector<4x1xi32>
    %ge3A_831 = vector.broadcast %or3A_830 : vector<4x1xi32> to vector<4x8192xi32>
    %ge3A_832 = arith.cmpi uge, %select_n3A_448, %ge3A_831 : vector<4x8192xi32>
    %convert_element_type3A_833 = arith.extui %ge3A_832 : vector<4x8192xi1> to vector<4x8192xi32>
    %reduce_sum3A_834 = arith.constant dense<0> : vector<4xi32>
    %reduce_sum3A_835 = vector.multi_reduction <add>, %convert_element_type3A_833, %reduce_sum3A_834 [1] : vector<4x8192xi32> to vector<4xi32>
    %broadcast_in_dim3A_836 = vector.shape_cast %reduce_sum3A_835 : vector<4xi32> to vector<4x1xi32>
    %ge3A_837 = arith.constant 256 : i32
    %ge3A_838 = vector.broadcast %ge3A_837 : i32 to vector<4x1xi32>
    %ge3A_839 = arith.cmpi sge, %broadcast_in_dim3A_836, %ge3A_838 : vector<4x1xi32>
    %select_n3A_840 = arith.select %ge3A_839, %or3A_830, %select_n3A_827 : vector<4x1xi1>, vector<4x1xi32>
    %or3A_841 = arith.constant 2 : i32
    %or3A_842 = vector.broadcast %or3A_841 : i32 to vector<4x1xi32>
    %or3A_843 = arith.ori %select_n3A_840, %or3A_842 : vector<4x1xi32>
    %ge3A_844 = vector.broadcast %or3A_843 : vector<4x1xi32> to vector<4x8192xi32>
    %ge3A_845 = arith.cmpi uge, %select_n3A_448, %ge3A_844 : vector<4x8192xi32>
    %convert_element_type3A_846 = arith.extui %ge3A_845 : vector<4x8192xi1> to vector<4x8192xi32>
    %reduce_sum3A_847 = arith.constant dense<0> : vector<4xi32>
    %reduce_sum3A_848 = vector.multi_reduction <add>, %convert_element_type3A_846, %reduce_sum3A_847 [1] : vector<4x8192xi32> to vector<4xi32>
    %broadcast_in_dim3A_849 = vector.shape_cast %reduce_sum3A_848 : vector<4xi32> to vector<4x1xi32>
    %ge3A_850 = arith.constant 256 : i32
    %ge3A_851 = vector.broadcast %ge3A_850 : i32 to vector<4x1xi32>
    %ge3A_852 = arith.cmpi sge, %broadcast_in_dim3A_849, %ge3A_851 : vector<4x1xi32>
    %select_n3A_853 = arith.select %ge3A_852, %or3A_843, %select_n3A_840 : vector<4x1xi1>, vector<4x1xi32>
    %or3A_854 = arith.constant 1 : i32
    %or3A_855 = vector.broadcast %or3A_854 : i32 to vector<4x1xi32>
    %or3A_856 = arith.ori %select_n3A_853, %or3A_855 : vector<4x1xi32>
    %ge3A_857 = vector.broadcast %or3A_856 : vector<4x1xi32> to vector<4x8192xi32>
    %ge3A_858 = arith.cmpi uge, %select_n3A_448, %ge3A_857 : vector<4x8192xi32>
    %convert_element_type3A_859 = arith.extui %ge3A_858 : vector<4x8192xi1> to vector<4x8192xi32>
    %reduce_sum3A_860 = arith.constant dense<0> : vector<4xi32>
    %reduce_sum3A_861 = vector.multi_reduction <add>, %convert_element_type3A_859, %reduce_sum3A_860 [1] : vector<4x8192xi32> to vector<4xi32>
    %broadcast_in_dim3A_862 = vector.shape_cast %reduce_sum3A_861 : vector<4xi32> to vector<4x1xi32>
    %ge3A_863 = arith.constant 256 : i32
    %ge3A_864 = vector.broadcast %ge3A_863 : i32 to vector<4x1xi32>
    %ge3A_865 = arith.cmpi sge, %broadcast_in_dim3A_862, %ge3A_864 : vector<4x1xi32>
    %select_n3A_866 = arith.select %ge3A_865, %or3A_856, %select_n3A_853 : vector<4x1xi1>, vector<4x1xi32>
    %gt3A_867 = vector.broadcast %select_n3A_866 : vector<4x1xi32> to vector<4x8192xi32>
    %gt3A_868 = arith.cmpi ugt, %select_n3A_448, %gt3A_867 : vector<4x8192xi32>
    %convert_element_type3A_869 = arith.extui %gt3A_868 : vector<4x8192xi1> to vector<4x8192xi32>
    %reduce_sum3A_870 = arith.constant dense<0> : vector<4xi32>
    %reduce_sum3A_871 = vector.multi_reduction <add>, %convert_element_type3A_869, %reduce_sum3A_870 [1] : vector<4x8192xi32> to vector<4xi32>
    %broadcast_in_dim3A_872 = vector.shape_cast %reduce_sum3A_871 : vector<4xi32> to vector<4x1xi32>
    %xor3A_873 = arith.constant -2147483648 : i32
    %xor3A_874 = vector.broadcast %xor3A_873 : i32 to vector<4x1xi32>
    %xor3A_875 = arith.xori %select_n3A_866, %xor3A_874 : vector<4x1xi32>
    %bitcast_convert_type3A_876 = tpu.bitcast %xor3A_875 : vector<4x1xi32> -> vector<4x1xi32>
    %sub3A_877 = arith.constant 256 : i32
    %sub3A_878 = vector.broadcast %sub3A_877 : i32 to vector<4x1xi32>
    %sub3A_879 = arith.subi %sub3A_878, %broadcast_in_dim3A_872 : vector<4x1xi32>
    %concatenate3A = tpu.concatenate %bitcast_convert_type3A_431, %bitcast_convert_type3A_876 in 0 : vector<4x1xi32>, vector<4x1xi32> -> vector<8x1xi32>
    %concatenate3A_880 = tpu.concatenate %sub3A_433, %sub3A_879 in 0 : vector<4x1xi32>, vector<4x1xi32> -> vector<8x1xi32>
    %broadcast_in_dim3A_881 = vector.shape_cast %concatenate3A : vector<8x1xi32> to vector<8x1xi32>
    %broadcast_in_dim3A_882 = vector.broadcast %broadcast_in_dim3A_881 : vector<8x1xi32> to vector<8x16xi32>
    %swap3A = arith.constant 0 : index
    %swap3A_883 = arith.constant 0 : index
    %swap3A_884 = vector.load %arg2[%swap3A, %swap3A_883] : memref<8x16xi32, #tpu.memory_space<vmem>>, vector<8x16xi32>
    tpu.vector_store %arg2[%swap3A, %swap3A_883], %broadcast_in_dim3A_882 {strides = array<i32>} : memref<8x16xi32, #tpu.memory_space<vmem>>, vector<8x16xi32>,
    %broadcast_in_dim3A_885 = vector.shape_cast %concatenate3A_880 : vector<8x1xi32> to vector<8x1xi32>
    %broadcast_in_dim3A_886 = vector.broadcast %broadcast_in_dim3A_885 : vector<8x1xi32> to vector<8x16xi32>
    %swap3A_887 = arith.constant 0 : index
    %swap3A_888 = arith.constant 0 : index
    %swap3A_889 = vector.load %arg3[%swap3A_887, %swap3A_888] : memref<8x16xi32, #tpu.memory_space<vmem>>, vector<8x16xi32>
    tpu.vector_store %arg3[%swap3A_887, %swap3A_888], %broadcast_in_dim3A_886 {strides = array<i32>} : memref<8x16xi32, #tpu.memory_space<vmem>>, vector<8x16xi32>,
    return
  }
}

module attributes {stable_mosaic.version = 14 : i64} {
  func.func @_mlp_body(%arg0: i32, %arg1: memref<1x512x768xf32, #tpu.memory_space<vmem>>, %arg2: memref<1x1x512xf32, #tpu.memory_space<vmem>>, %arg3: memref<1x1x64xf32, #tpu.memory_space<vmem>>, %arg4: memref<832x128xf32, #tpu.memory_space<vmem>>, %arg5: memref<128xf32, #tpu.memory_space<vmem>>, %arg6: memref<128xf32, #tpu.memory_space<vmem>>, %arg7: memref<128xf32, #tpu.memory_space<vmem>>, %arg8: memref<128x64xf32, #tpu.memory_space<vmem>>, %arg9: memref<64xf32, #tpu.memory_space<vmem>>, %arg10: memref<64xf32, #tpu.memory_space<vmem>>, %arg11: memref<64xf32, #tpu.memory_space<vmem>>, %arg12: memref<64x16xf32, #tpu.memory_space<vmem>>, %arg13: memref<16xf32, #tpu.memory_space<vmem>>, %arg14: memref<1x512x784xf32, #tpu.memory_space<vmem>>) attributes {dimension_semantics = [#tpu.dimension_semantics<arbitrary>], iteration_bounds = array<i64: 4>, scalar_prefetch = 0 : i64, scratch_operands = 0 : i64, tpu.core_type = #tpu.core_type<tc>, window_params = [{transform_indices = @transform_0, window_bounds = array<i64: 1, 512, 768>}, {transform_indices = @transform_1, window_bounds = array<i64: 1, 1, 512>}, {transform_indices = @transform_2, window_bounds = array<i64: 1, 1, 64>}, {pipeline_mode = #tpu.pipeline_mode<synchronous>, transform_indices = @transform_3, window_bounds = array<i64: 832, 128>}, {pipeline_mode = #tpu.pipeline_mode<synchronous>, transform_indices = @transform_4, window_bounds = array<i64: 128>}, {pipeline_mode = #tpu.pipeline_mode<synchronous>, transform_indices = @transform_5, window_bounds = array<i64: 128>}, {pipeline_mode = #tpu.pipeline_mode<synchronous>, transform_indices = @transform_6, window_bounds = array<i64: 128>}, {pipeline_mode = #tpu.pipeline_mode<synchronous>, transform_indices = @transform_7, window_bounds = array<i64: 128, 64>}, {pipeline_mode = #tpu.pipeline_mode<synchronous>, transform_indices = @transform_8, window_bounds = array<i64: 64>}, {pipeline_mode = #tpu.pipeline_mode<synchronous>, transform_indices = @transform_9, window_bounds = array<i64: 64>}, {pipeline_mode = #tpu.pipeline_mode<synchronous>, transform_indices = @transform_10, window_bounds = array<i64: 64>}, {pipeline_mode = #tpu.pipeline_mode<synchronous>, transform_indices = @transform_11, window_bounds = array<i64: 64, 16>}, {pipeline_mode = #tpu.pipeline_mode<synchronous>, transform_indices = @transform_12, window_bounds = array<i64: 16>}, {transform_indices = @transform_13, window_bounds = array<i64: 1, 512, 784>}]} {
    %get3A = arith.constant 0 : index
    %get3A_0 = arith.constant 0 : index
    %get3A_1 = arith.constant 0 : index
    %get3A_2 = vector.load %arg1[%get3A, %get3A_0, %get3A_1] : memref<1x512x768xf32, #tpu.memory_space<vmem>>, vector<1x512x768xf32>
    %get3A_3 = vector.shape_cast %get3A_2 : vector<1x512x768xf32> to vector<512x768xf32>
    %get3A_4 = arith.constant 0 : index
    %get3A_5 = arith.constant 0 : index
    %get3A_6 = arith.constant 0 : index
    %get3A_7 = vector.load %arg2[%get3A_4, %get3A_5, %get3A_6] : memref<1x1x512xf32, #tpu.memory_space<vmem>>, vector<1x1x512xf32>
    %get3A_8 = vector.shape_cast %get3A_7 : vector<1x1x512xf32> to vector<512xf32>
    %logistic3A = arith.negf %get3A_8 : vector<512xf32>
    %logistic3A_9 = math.exp %logistic3A : vector<512xf32>
    %logistic3A_10 = arith.constant 1.000000e+00 : f32
    %logistic3A_11 = vector.broadcast %logistic3A_10 : f32 to vector<512xf32>
    %logistic3A_12 = arith.addf %logistic3A_11, %logistic3A_9 : vector<512xf32>
    %logistic3A_13 = arith.divf %logistic3A_11, %logistic3A_12 : vector<512xf32>
    %broadcast_in_dim3A = vector.shape_cast %logistic3A_13 : vector<512xf32> to vector<512x1xf32>
    %mul3A = vector.broadcast %broadcast_in_dim3A : vector<512x1xf32> to vector<512x768xf32>
    %mul3A_14 = arith.mulf %get3A_3, %mul3A : vector<512x768xf32>
    %get3A_15 = arith.constant 0 : index
    %get3A_16 = arith.constant 0 : index
    %get3A_17 = arith.constant 0 : index
    %get3A_18 = vector.load %arg3[%get3A_15, %get3A_16, %get3A_17] : memref<1x1x64xf32, #tpu.memory_space<vmem>>, vector<1x1x64xf32>
    %get3A_19 = vector.shape_cast %get3A_18 : vector<1x1x64xf32> to vector<1x64xf32>
    %broadcast_in_dim3A_20 = vector.shape_cast %get3A_19 : vector<1x64xf32> to vector<1x64xf32>
    %broadcast_in_dim3A_21 = vector.broadcast %broadcast_in_dim3A_20 : vector<1x64xf32> to vector<512x64xf32>
    %concatenate3A = tpu.concatenate %mul3A_14, %broadcast_in_dim3A_21 in 1 : vector<512x768xf32>, vector<512x64xf32> -> vector<512x832xf32>
    %get3A_22 = arith.constant 0 : index
    %get3A_23 = arith.constant 0 : index
    %get3A_24 = vector.load %arg4[%get3A_22, %get3A_23] : memref<832x128xf32, #tpu.memory_space<vmem>>, vector<832x128xf32>
    %dot_general3A = arith.constant dense<0.000000e+00> : vector<512x128xf32>
    %dot_general3A_25 = tpu.matmul %concatenate3A, %get3A_24, %dot_general3A {dimension_numbers = #tpu.dot_dimension_numbers<[1], [0], [0], [1], [0, 0, 1, 1], [], []>, transpose_lhs_hint = false} : vector<512x832xf32>, vector<832x128xf32>, vector<512x128xf32> -> vector<512x128xf32>
    %get3A_26 = arith.constant 0 : index
    %get3A_27 = vector.load %arg5[%get3A_26] : memref<128xf32, #tpu.memory_space<vmem>>, vector<128xf32>
    %broadcast_in_dim3A_28 = vector.shape_cast %get3A_27 : vector<128xf32> to vector<1x128xf32>
    %add3A = vector.broadcast %broadcast_in_dim3A_28 : vector<1x128xf32> to vector<512x128xf32>
    %add3A_29 = arith.addf %dot_general3A_25, %add3A : vector<512x128xf32>
    %reduce_sum3A = arith.constant dense<0.000000e+00> : vector<512xf32>
    %reduce_sum3A_30 = vector.multi_reduction <add>, %add3A_29, %reduce_sum3A [1] : vector<512x128xf32> to vector<512xf32>
    %broadcast_in_dim3A_31 = vector.shape_cast %reduce_sum3A_30 : vector<512xf32> to vector<512x1xf32>
    %div3A = arith.constant 1.280000e+02 : f32
    %div3A_32 = vector.broadcast %div3A : f32 to vector<512x1xf32>
    %div3A_33 = arith.divf %broadcast_in_dim3A_31, %div3A_32 : vector<512x1xf32>
    %jit3A = arith.constant 0 : i32
    %reduce_sum3A_34 = arith.constant dense<0.000000e+00> : vector<512xf32>
    %reduce_sum3A_35 = vector.multi_reduction <add>, %add3A_29, %reduce_sum3A_34 [1] : vector<512x128xf32> to vector<512xf32>
    %broadcast_in_dim3A_36 = vector.shape_cast %reduce_sum3A_35 : vector<512xf32> to vector<512x1xf32>
    %div3A_37 = arith.constant 1.280000e+02 : f32
    %div3A_38 = vector.broadcast %div3A_37 : f32 to vector<512x1xf32>
    %div3A_39 = arith.divf %broadcast_in_dim3A_36, %div3A_38 : vector<512x1xf32>
    %sub3A = vector.broadcast %div3A_39 : vector<512x1xf32> to vector<512x128xf32>
    %sub3A_40 = arith.subf %add3A_29, %sub3A : vector<512x128xf32>
    %square3A = arith.mulf %sub3A_40, %sub3A_40 : vector<512x128xf32>
    %convert_element_type3A = arith.sitofp %jit3A : i32 to f32
    %sub3A_41 = arith.constant 1.280000e+02 : f32
    %sub3A_42 = arith.subf %sub3A_41, %convert_element_type3A : f32
    %reduce_sum3A_43 = arith.constant dense<0.000000e+00> : vector<512xf32>
    %reduce_sum3A_44 = vector.multi_reduction <add>, %square3A, %reduce_sum3A_43 [1] : vector<512x128xf32> to vector<512xf32>
    %broadcast_in_dim3A_45 = vector.shape_cast %reduce_sum3A_44 : vector<512xf32> to vector<512x1xf32>
    %div3A_46 = vector.broadcast %sub3A_42 : f32 to vector<512x1xf32>
    %div3A_47 = arith.divf %broadcast_in_dim3A_45, %div3A_46 : vector<512x1xf32>
    %gt3A = arith.constant 0.000000e+00 : f32
    %gt3A_48 = arith.cmpf ogt, %sub3A_42, %gt3A : f32
    %jit3A_49 = arith.constant 0x7FC00000 : f32
    %broadcast_in_dim3A_50 = vector.broadcast %jit3A_49 : f32 to vector<512x1xf32>
    %select_n3A = arith.select %gt3A_48, %div3A_47, %broadcast_in_dim3A_50 : vector<512x1xf32>
    %sub3A_51 = vector.broadcast %div3A_33 : vector<512x1xf32> to vector<512x128xf32>
    %sub3A_52 = arith.subf %add3A_29, %sub3A_51 : vector<512x128xf32>
    %add3A_53 = arith.constant 9.99999974E-6 : f32
    %add3A_54 = vector.broadcast %add3A_53 : f32 to vector<512x1xf32>
    %add3A_55 = arith.addf %select_n3A, %add3A_54 : vector<512x1xf32>
    %sqrt3A = math.sqrt %add3A_55 : vector<512x1xf32>
    %div3A_56 = vector.broadcast %sqrt3A : vector<512x1xf32> to vector<512x128xf32>
    %div3A_57 = arith.divf %sub3A_52, %div3A_56 : vector<512x128xf32>
    %get3A_58 = arith.constant 0 : index
    %get3A_59 = vector.load %arg6[%get3A_58] : memref<128xf32, #tpu.memory_space<vmem>>, vector<128xf32>
    %broadcast_in_dim3A_60 = vector.shape_cast %get3A_59 : vector<128xf32> to vector<1x128xf32>
    %mul3A_61 = vector.broadcast %broadcast_in_dim3A_60 : vector<1x128xf32> to vector<512x128xf32>
    %mul3A_62 = arith.mulf %div3A_57, %mul3A_61 : vector<512x128xf32>
    %get3A_63 = arith.constant 0 : index
    %get3A_64 = vector.load %arg7[%get3A_63] : memref<128xf32, #tpu.memory_space<vmem>>, vector<128xf32>
    %broadcast_in_dim3A_65 = vector.shape_cast %get3A_64 : vector<128xf32> to vector<1x128xf32>
    %add3A_66 = vector.broadcast %broadcast_in_dim3A_65 : vector<1x128xf32> to vector<512x128xf32>
    %add3A_67 = arith.addf %mul3A_62, %add3A_66 : vector<512x128xf32>
    %integer_pow3A = arith.mulf %add3A_67, %add3A_67 : vector<512x128xf32>
    %integer_pow3A_68 = arith.mulf %add3A_67, %integer_pow3A : vector<512x128xf32>
    %mul3A_69 = arith.constant 4.471500e-02 : f32
    %mul3A_70 = vector.broadcast %mul3A_69 : f32 to vector<512x128xf32>
    %mul3A_71 = arith.mulf %mul3A_70, %integer_pow3A_68 : vector<512x128xf32>
    %add3A_72 = arith.addf %add3A_67, %mul3A_71 : vector<512x128xf32>
    %mul3A_73 = arith.constant 0.797884583 : f32
    %mul3A_74 = vector.broadcast %mul3A_73 : f32 to vector<512x128xf32>
    %mul3A_75 = arith.mulf %mul3A_74, %add3A_72 : vector<512x128xf32>
    %tanh3A = math.tanh %mul3A_75 : vector<512x128xf32>
    %add3A_76 = arith.constant 1.000000e+00 : f32
    %add3A_77 = vector.broadcast %add3A_76 : f32 to vector<512x128xf32>
    %add3A_78 = arith.addf %add3A_77, %tanh3A : vector<512x128xf32>
    %mul3A_79 = arith.constant 5.000000e-01 : f32
    %mul3A_80 = vector.broadcast %mul3A_79 : f32 to vector<512x128xf32>
    %mul3A_81 = arith.mulf %mul3A_80, %add3A_78 : vector<512x128xf32>
    %mul3A_82 = arith.mulf %add3A_67, %mul3A_81 : vector<512x128xf32>
    %get3A_83 = arith.constant 0 : index
    %get3A_84 = arith.constant 0 : index
    %get3A_85 = vector.load %arg8[%get3A_83, %get3A_84] : memref<128x64xf32, #tpu.memory_space<vmem>>, vector<128x64xf32>
    %dot_general3A_86 = arith.constant dense<0.000000e+00> : vector<512x64xf32>
    %dot_general3A_87 = tpu.matmul %mul3A_82, %get3A_85, %dot_general3A_86 {dimension_numbers = #tpu.dot_dimension_numbers<[1], [0], [0], [1], [0, 0, 1, 1], [], []>, transpose_lhs_hint = false} : vector<512x128xf32>, vector<128x64xf32>, vector<512x64xf32> -> vector<512x64xf32>
    %get3A_88 = arith.constant 0 : index
    %get3A_89 = vector.load %arg9[%get3A_88] : memref<64xf32, #tpu.memory_space<vmem>>, vector<64xf32>
    %broadcast_in_dim3A_90 = vector.shape_cast %get3A_89 : vector<64xf32> to vector<1x64xf32>
    %add3A_91 = vector.broadcast %broadcast_in_dim3A_90 : vector<1x64xf32> to vector<512x64xf32>
    %add3A_92 = arith.addf %dot_general3A_87, %add3A_91 : vector<512x64xf32>
    %reduce_sum3A_93 = arith.constant dense<0.000000e+00> : vector<512xf32>
    %reduce_sum3A_94 = vector.multi_reduction <add>, %add3A_92, %reduce_sum3A_93 [1] : vector<512x64xf32> to vector<512xf32>
    %broadcast_in_dim3A_95 = vector.shape_cast %reduce_sum3A_94 : vector<512xf32> to vector<512x1xf32>
    %div3A_96 = arith.constant 6.400000e+01 : f32
    %div3A_97 = vector.broadcast %div3A_96 : f32 to vector<512x1xf32>
    %div3A_98 = arith.divf %broadcast_in_dim3A_95, %div3A_97 : vector<512x1xf32>
    %jit3A_99 = arith.constant 0 : i32
    %reduce_sum3A_100 = arith.constant dense<0.000000e+00> : vector<512xf32>
    %reduce_sum3A_101 = vector.multi_reduction <add>, %add3A_92, %reduce_sum3A_100 [1] : vector<512x64xf32> to vector<512xf32>
    %broadcast_in_dim3A_102 = vector.shape_cast %reduce_sum3A_101 : vector<512xf32> to vector<512x1xf32>
    %div3A_103 = arith.constant 6.400000e+01 : f32
    %div3A_104 = vector.broadcast %div3A_103 : f32 to vector<512x1xf32>
    %div3A_105 = arith.divf %broadcast_in_dim3A_102, %div3A_104 : vector<512x1xf32>
    %sub3A_106 = vector.broadcast %div3A_105 : vector<512x1xf32> to vector<512x64xf32>
    %sub3A_107 = arith.subf %add3A_92, %sub3A_106 : vector<512x64xf32>
    %square3A_108 = arith.mulf %sub3A_107, %sub3A_107 : vector<512x64xf32>
    %convert_element_type3A_109 = arith.sitofp %jit3A_99 : i32 to f32
    %sub3A_110 = arith.constant 6.400000e+01 : f32
    %sub3A_111 = arith.subf %sub3A_110, %convert_element_type3A_109 : f32
    %reduce_sum3A_112 = arith.constant dense<0.000000e+00> : vector<512xf32>
    %reduce_sum3A_113 = vector.multi_reduction <add>, %square3A_108, %reduce_sum3A_112 [1] : vector<512x64xf32> to vector<512xf32>
    %broadcast_in_dim3A_114 = vector.shape_cast %reduce_sum3A_113 : vector<512xf32> to vector<512x1xf32>
    %div3A_115 = vector.broadcast %sub3A_111 : f32 to vector<512x1xf32>
    %div3A_116 = arith.divf %broadcast_in_dim3A_114, %div3A_115 : vector<512x1xf32>
    %gt3A_117 = arith.constant 0.000000e+00 : f32
    %gt3A_118 = arith.cmpf ogt, %sub3A_111, %gt3A_117 : f32
    %jit3A_119 = arith.constant 0x7FC00000 : f32
    %broadcast_in_dim3A_120 = vector.broadcast %jit3A_119 : f32 to vector<512x1xf32>
    %select_n3A_121 = arith.select %gt3A_118, %div3A_116, %broadcast_in_dim3A_120 : vector<512x1xf32>
    %sub3A_122 = vector.broadcast %div3A_98 : vector<512x1xf32> to vector<512x64xf32>
    %sub3A_123 = arith.subf %add3A_92, %sub3A_122 : vector<512x64xf32>
    %add3A_124 = arith.constant 9.99999974E-6 : f32
    %add3A_125 = vector.broadcast %add3A_124 : f32 to vector<512x1xf32>
    %add3A_126 = arith.addf %select_n3A_121, %add3A_125 : vector<512x1xf32>
    %sqrt3A_127 = math.sqrt %add3A_126 : vector<512x1xf32>
    %div3A_128 = vector.broadcast %sqrt3A_127 : vector<512x1xf32> to vector<512x64xf32>
    %div3A_129 = arith.divf %sub3A_123, %div3A_128 : vector<512x64xf32>
    %get3A_130 = arith.constant 0 : index
    %get3A_131 = vector.load %arg10[%get3A_130] : memref<64xf32, #tpu.memory_space<vmem>>, vector<64xf32>
    %broadcast_in_dim3A_132 = vector.shape_cast %get3A_131 : vector<64xf32> to vector<1x64xf32>
    %mul3A_133 = vector.broadcast %broadcast_in_dim3A_132 : vector<1x64xf32> to vector<512x64xf32>
    %mul3A_134 = arith.mulf %div3A_129, %mul3A_133 : vector<512x64xf32>
    %get3A_135 = arith.constant 0 : index
    %get3A_136 = vector.load %arg11[%get3A_135] : memref<64xf32, #tpu.memory_space<vmem>>, vector<64xf32>
    %broadcast_in_dim3A_137 = vector.shape_cast %get3A_136 : vector<64xf32> to vector<1x64xf32>
    %add3A_138 = vector.broadcast %broadcast_in_dim3A_137 : vector<1x64xf32> to vector<512x64xf32>
    %add3A_139 = arith.addf %mul3A_134, %add3A_138 : vector<512x64xf32>
    %integer_pow3A_140 = arith.mulf %add3A_139, %add3A_139 : vector<512x64xf32>
    %integer_pow3A_141 = arith.mulf %add3A_139, %integer_pow3A_140 : vector<512x64xf32>
    %mul3A_142 = arith.constant 4.471500e-02 : f32
    %mul3A_143 = vector.broadcast %mul3A_142 : f32 to vector<512x64xf32>
    %mul3A_144 = arith.mulf %mul3A_143, %integer_pow3A_141 : vector<512x64xf32>
    %add3A_145 = arith.addf %add3A_139, %mul3A_144 : vector<512x64xf32>
    %mul3A_146 = arith.constant 0.797884583 : f32
    %mul3A_147 = vector.broadcast %mul3A_146 : f32 to vector<512x64xf32>
    %mul3A_148 = arith.mulf %mul3A_147, %add3A_145 : vector<512x64xf32>
    %tanh3A_149 = math.tanh %mul3A_148 : vector<512x64xf32>
    %add3A_150 = arith.constant 1.000000e+00 : f32
    %add3A_151 = vector.broadcast %add3A_150 : f32 to vector<512x64xf32>
    %add3A_152 = arith.addf %add3A_151, %tanh3A_149 : vector<512x64xf32>
    %mul3A_153 = arith.constant 5.000000e-01 : f32
    %mul3A_154 = vector.broadcast %mul3A_153 : f32 to vector<512x64xf32>
    %mul3A_155 = arith.mulf %mul3A_154, %add3A_152 : vector<512x64xf32>
    %mul3A_156 = arith.mulf %add3A_139, %mul3A_155 : vector<512x64xf32>
    %get3A_157 = arith.constant 0 : index
    %get3A_158 = arith.constant 0 : index
    %get3A_159 = vector.load %arg12[%get3A_157, %get3A_158] : memref<64x16xf32, #tpu.memory_space<vmem>>, vector<64x16xf32>
    %dot_general3A_160 = arith.constant dense<0.000000e+00> : vector<512x16xf32>
    %dot_general3A_161 = tpu.matmul %mul3A_156, %get3A_159, %dot_general3A_160 {dimension_numbers = #tpu.dot_dimension_numbers<[1], [0], [0], [1], [0, 0, 1, 1], [], []>, transpose_lhs_hint = false} : vector<512x64xf32>, vector<64x16xf32>, vector<512x16xf32> -> vector<512x16xf32>
    %get3A_162 = arith.constant 0 : index
    %get3A_163 = vector.load %arg13[%get3A_162] : memref<16xf32, #tpu.memory_space<vmem>>, vector<16xf32>
    %broadcast_in_dim3A_164 = vector.shape_cast %get3A_163 : vector<16xf32> to vector<1x16xf32>
    %add3A_165 = vector.broadcast %broadcast_in_dim3A_164 : vector<1x16xf32> to vector<512x16xf32>
    %add3A_166 = arith.addf %dot_general3A_161, %add3A_165 : vector<512x16xf32>
    %mul3A_167 = arith.constant 2.000000e+00 : f32
    %mul3A_168 = vector.broadcast %mul3A_167 : f32 to vector<512x16xf32>
    %mul3A_169 = arith.mulf %add3A_166, %mul3A_168 : vector<512x16xf32>
    %sin3A = math.sin %mul3A_169 : vector<512x16xf32>
    %concatenate3A_170 = tpu.concatenate %mul3A_14, %sin3A in 1 : vector<512x768xf32>, vector<512x16xf32> -> vector<512x784xf32>
    %swap3A = arith.constant 0 : index
    %swap3A_171 = arith.constant 0 : index
    %swap3A_172 = arith.constant 0 : index
    %swap3A_173 = vector.load %arg14[%swap3A, %swap3A_171, %swap3A_172] : memref<1x512x784xf32, #tpu.memory_space<vmem>>, vector<1x512x784xf32>
    %swap3A_174 = vector.shape_cast %swap3A_173 : vector<1x512x784xf32> to vector<512x784xf32>
    %swap3A_175 = vector.shape_cast %concatenate3A_170 : vector<512x784xf32> to vector<1x512x784xf32>
    tpu.vector_store %arg14[%swap3A, %swap3A_171, %swap3A_172], %swap3A_175 {strides = array<i32>} : memref<1x512x784xf32, #tpu.memory_space<vmem>>, vector<1x512x784xf32>,
    return
  }
  func.func @transform_0(%arg0: i32) -> (i32, i32, i32) {
    %c0_i32 = arith.constant 0 : i32
    %c0_i32_0 = arith.constant 0 : i32
    %c0_i32_1 = arith.constant 0 : i32
    return %arg0, %c0_i32, %c0_i32_0 : i32, i32, i32
  }
  func.func @transform_1(%arg0: i32) -> (i32, i32, i32) {
    %c0_i32 = arith.constant 0 : i32
    %c0_i32_0 = arith.constant 0 : i32
    %c0_i32_1 = arith.constant 0 : i32
    return %arg0, %c0_i32, %c0_i32_0 : i32, i32, i32
  }
  func.func @transform_2(%arg0: i32) -> (i32, i32, i32) {
    %c0_i32 = arith.constant 0 : i32
    %c0_i32_0 = arith.constant 0 : i32
    %c0_i32_1 = arith.constant 0 : i32
    return %arg0, %c0_i32, %c0_i32_0 : i32, i32, i32
  }
  func.func @transform_3(%arg0: i32) -> (i32, i32) {
    %c0_i32 = arith.constant 0 : i32
    %c0_i32_0 = arith.constant 0 : i32
    %c0_i32_1 = arith.constant 0 : i32
    return %c0_i32, %c0_i32_0 : i32, i32
  }
  func.func @transform_4(%arg0: i32) -> i32 {
    %c0_i32 = arith.constant 0 : i32
    %c0_i32_0 = arith.constant 0 : i32
    return %c0_i32 : i32
  }
  func.func @transform_5(%arg0: i32) -> i32 {
    %c0_i32 = arith.constant 0 : i32
    %c0_i32_0 = arith.constant 0 : i32
    return %c0_i32 : i32
  }
  func.func @transform_6(%arg0: i32) -> i32 {
    %c0_i32 = arith.constant 0 : i32
    %c0_i32_0 = arith.constant 0 : i32
    return %c0_i32 : i32
  }
  func.func @transform_7(%arg0: i32) -> (i32, i32) {
    %c0_i32 = arith.constant 0 : i32
    %c0_i32_0 = arith.constant 0 : i32
    %c0_i32_1 = arith.constant 0 : i32
    return %c0_i32, %c0_i32_0 : i32, i32
  }
  func.func @transform_8(%arg0: i32) -> i32 {
    %c0_i32 = arith.constant 0 : i32
    %c0_i32_0 = arith.constant 0 : i32
    return %c0_i32 : i32
  }
  func.func @transform_9(%arg0: i32) -> i32 {
    %c0_i32 = arith.constant 0 : i32
    %c0_i32_0 = arith.constant 0 : i32
    return %c0_i32 : i32
  }
  func.func @transform_10(%arg0: i32) -> i32 {
    %c0_i32 = arith.constant 0 : i32
    %c0_i32_0 = arith.constant 0 : i32
    return %c0_i32 : i32
  }
  func.func @transform_11(%arg0: i32) -> (i32, i32) {
    %c0_i32 = arith.constant 0 : i32
    %c0_i32_0 = arith.constant 0 : i32
    %c0_i32_1 = arith.constant 0 : i32
    return %c0_i32, %c0_i32_0 : i32, i32
  }
  func.func @transform_12(%arg0: i32) -> i32 {
    %c0_i32 = arith.constant 0 : i32
    %c0_i32_0 = arith.constant 0 : i32
    return %c0_i32 : i32
  }
  func.func @transform_13(%arg0: i32) -> (i32, i32, i32) {
    %c0_i32 = arith.constant 0 : i32
    %c0_i32_0 = arith.constant 0 : i32
    %c0_i32_1 = arith.constant 0 : i32
    return %arg0, %c0_i32, %c0_i32_0 : i32, i32, i32
  }
}

module attributes {stable_mosaic.version = 14 : i64} {
  func.func @_mlp_body(%arg0: i32, %arg1: memref<1x256x768xf32, #tpu.memory_space<vmem>>, %arg2: memref<1x1x256xf32, #tpu.memory_space<vmem>>, %arg3: memref<1x1x64xf32, #tpu.memory_space<vmem>>, %arg4: memref<832x128xf32, #tpu.memory_space<vmem>>, %arg5: memref<128xf32, #tpu.memory_space<vmem>>, %arg6: memref<128xf32, #tpu.memory_space<vmem>>, %arg7: memref<128xf32, #tpu.memory_space<vmem>>, %arg8: memref<128x64xf32, #tpu.memory_space<vmem>>, %arg9: memref<64xf32, #tpu.memory_space<vmem>>, %arg10: memref<64xf32, #tpu.memory_space<vmem>>, %arg11: memref<64xf32, #tpu.memory_space<vmem>>, %arg12: memref<64x16xf32, #tpu.memory_space<vmem>>, %arg13: memref<16xf32, #tpu.memory_space<vmem>>, %arg14: memref<1x256x784xf32, #tpu.memory_space<vmem>>) attributes {dimension_semantics = [#tpu.dimension_semantics<arbitrary>], iteration_bounds = array<i64: 4>, scalar_prefetch = 0 : i64, scratch_operands = 0 : i64, tpu.core_type = #tpu.core_type<tc>, window_params = [{transform_indices = @transform_0, window_bounds = array<i64: 1, 256, 768>}, {transform_indices = @transform_1, window_bounds = array<i64: 1, 1, 256>}, {transform_indices = @transform_2, window_bounds = array<i64: 1, 1, 64>}, {pipeline_mode = #tpu.pipeline_mode<synchronous>, transform_indices = @transform_3, window_bounds = array<i64: 832, 128>}, {pipeline_mode = #tpu.pipeline_mode<synchronous>, transform_indices = @transform_4, window_bounds = array<i64: 128>}, {pipeline_mode = #tpu.pipeline_mode<synchronous>, transform_indices = @transform_5, window_bounds = array<i64: 128>}, {pipeline_mode = #tpu.pipeline_mode<synchronous>, transform_indices = @transform_6, window_bounds = array<i64: 128>}, {pipeline_mode = #tpu.pipeline_mode<synchronous>, transform_indices = @transform_7, window_bounds = array<i64: 128, 64>}, {pipeline_mode = #tpu.pipeline_mode<synchronous>, transform_indices = @transform_8, window_bounds = array<i64: 64>}, {pipeline_mode = #tpu.pipeline_mode<synchronous>, transform_indices = @transform_9, window_bounds = array<i64: 64>}, {pipeline_mode = #tpu.pipeline_mode<synchronous>, transform_indices = @transform_10, window_bounds = array<i64: 64>}, {pipeline_mode = #tpu.pipeline_mode<synchronous>, transform_indices = @transform_11, window_bounds = array<i64: 64, 16>}, {pipeline_mode = #tpu.pipeline_mode<synchronous>, transform_indices = @transform_12, window_bounds = array<i64: 16>}, {transform_indices = @transform_13, window_bounds = array<i64: 1, 256, 784>}]} {
    %get3A = arith.constant 0 : index
    %get3A_0 = arith.constant 0 : index
    %get3A_1 = arith.constant 0 : index
    %get3A_2 = vector.load %arg1[%get3A, %get3A_0, %get3A_1] : memref<1x256x768xf32, #tpu.memory_space<vmem>>, vector<1x256x768xf32>
    %get3A_3 = vector.shape_cast %get3A_2 : vector<1x256x768xf32> to vector<256x768xf32>
    %get3A_4 = arith.constant 0 : index
    %get3A_5 = arith.constant 0 : index
    %get3A_6 = arith.constant 0 : index
    %get3A_7 = vector.load %arg2[%get3A_4, %get3A_5, %get3A_6] : memref<1x1x256xf32, #tpu.memory_space<vmem>>, vector<1x1x256xf32>
    %get3A_8 = vector.shape_cast %get3A_7 : vector<1x1x256xf32> to vector<256xf32>
    %logistic3A = arith.negf %get3A_8 : vector<256xf32>
    %logistic3A_9 = math.exp %logistic3A : vector<256xf32>
    %logistic3A_10 = arith.constant 1.000000e+00 : f32
    %logistic3A_11 = vector.broadcast %logistic3A_10 : f32 to vector<256xf32>
    %logistic3A_12 = arith.addf %logistic3A_11, %logistic3A_9 : vector<256xf32>
    %logistic3A_13 = arith.divf %logistic3A_11, %logistic3A_12 : vector<256xf32>
    %broadcast_in_dim3A = vector.shape_cast %logistic3A_13 : vector<256xf32> to vector<256x1xf32>
    %mul3A = vector.broadcast %broadcast_in_dim3A : vector<256x1xf32> to vector<256x768xf32>
    %mul3A_14 = arith.mulf %get3A_3, %mul3A : vector<256x768xf32>
    %get3A_15 = arith.constant 0 : index
    %get3A_16 = arith.constant 0 : index
    %get3A_17 = arith.constant 0 : index
    %get3A_18 = vector.load %arg3[%get3A_15, %get3A_16, %get3A_17] : memref<1x1x64xf32, #tpu.memory_space<vmem>>, vector<1x1x64xf32>
    %get3A_19 = vector.shape_cast %get3A_18 : vector<1x1x64xf32> to vector<1x64xf32>
    %broadcast_in_dim3A_20 = vector.shape_cast %get3A_19 : vector<1x64xf32> to vector<1x64xf32>
    %broadcast_in_dim3A_21 = vector.broadcast %broadcast_in_dim3A_20 : vector<1x64xf32> to vector<256x64xf32>
    %concatenate3A = tpu.concatenate %mul3A_14, %broadcast_in_dim3A_21 in 1 : vector<256x768xf32>, vector<256x64xf32> -> vector<256x832xf32>
    %get3A_22 = arith.constant 0 : index
    %get3A_23 = arith.constant 0 : index
    %get3A_24 = vector.load %arg4[%get3A_22, %get3A_23] : memref<832x128xf32, #tpu.memory_space<vmem>>, vector<832x128xf32>
    %dot_general3A = arith.constant dense<0.000000e+00> : vector<256x128xf32>
    %dot_general3A_25 = tpu.matmul %concatenate3A, %get3A_24, %dot_general3A {dimension_numbers = #tpu.dot_dimension_numbers<[1], [0], [0], [1], [0, 0, 1, 1], [], []>, transpose_lhs_hint = false} : vector<256x832xf32>, vector<832x128xf32>, vector<256x128xf32> -> vector<256x128xf32>
    %get3A_26 = arith.constant 0 : index
    %get3A_27 = vector.load %arg5[%get3A_26] : memref<128xf32, #tpu.memory_space<vmem>>, vector<128xf32>
    %broadcast_in_dim3A_28 = vector.shape_cast %get3A_27 : vector<128xf32> to vector<1x128xf32>
    %add3A = vector.broadcast %broadcast_in_dim3A_28 : vector<1x128xf32> to vector<256x128xf32>
    %add3A_29 = arith.addf %dot_general3A_25, %add3A : vector<256x128xf32>
    %reduce_sum3A = arith.constant dense<0.000000e+00> : vector<256xf32>
    %reduce_sum3A_30 = vector.multi_reduction <add>, %add3A_29, %reduce_sum3A [1] : vector<256x128xf32> to vector<256xf32>
    %broadcast_in_dim3A_31 = vector.shape_cast %reduce_sum3A_30 : vector<256xf32> to vector<256x1xf32>
    %div3A = arith.constant 1.280000e+02 : f32
    %div3A_32 = vector.broadcast %div3A : f32 to vector<256x1xf32>
    %div3A_33 = arith.divf %broadcast_in_dim3A_31, %div3A_32 : vector<256x1xf32>
    %jit3A = arith.constant 0 : i32
    %reduce_sum3A_34 = arith.constant dense<0.000000e+00> : vector<256xf32>
    %reduce_sum3A_35 = vector.multi_reduction <add>, %add3A_29, %reduce_sum3A_34 [1] : vector<256x128xf32> to vector<256xf32>
    %broadcast_in_dim3A_36 = vector.shape_cast %reduce_sum3A_35 : vector<256xf32> to vector<256x1xf32>
    %div3A_37 = arith.constant 1.280000e+02 : f32
    %div3A_38 = vector.broadcast %div3A_37 : f32 to vector<256x1xf32>
    %div3A_39 = arith.divf %broadcast_in_dim3A_36, %div3A_38 : vector<256x1xf32>
    %sub3A = vector.broadcast %div3A_39 : vector<256x1xf32> to vector<256x128xf32>
    %sub3A_40 = arith.subf %add3A_29, %sub3A : vector<256x128xf32>
    %square3A = arith.mulf %sub3A_40, %sub3A_40 : vector<256x128xf32>
    %convert_element_type3A = arith.sitofp %jit3A : i32 to f32
    %sub3A_41 = arith.constant 1.280000e+02 : f32
    %sub3A_42 = arith.subf %sub3A_41, %convert_element_type3A : f32
    %reduce_sum3A_43 = arith.constant dense<0.000000e+00> : vector<256xf32>
    %reduce_sum3A_44 = vector.multi_reduction <add>, %square3A, %reduce_sum3A_43 [1] : vector<256x128xf32> to vector<256xf32>
    %broadcast_in_dim3A_45 = vector.shape_cast %reduce_sum3A_44 : vector<256xf32> to vector<256x1xf32>
    %div3A_46 = vector.broadcast %sub3A_42 : f32 to vector<256x1xf32>
    %div3A_47 = arith.divf %broadcast_in_dim3A_45, %div3A_46 : vector<256x1xf32>
    %gt3A = arith.constant 0.000000e+00 : f32
    %gt3A_48 = arith.cmpf ogt, %sub3A_42, %gt3A : f32
    %jit3A_49 = arith.constant 0x7FC00000 : f32
    %broadcast_in_dim3A_50 = vector.broadcast %jit3A_49 : f32 to vector<256x1xf32>
    %select_n3A = arith.select %gt3A_48, %div3A_47, %broadcast_in_dim3A_50 : vector<256x1xf32>
    %sub3A_51 = vector.broadcast %div3A_33 : vector<256x1xf32> to vector<256x128xf32>
    %sub3A_52 = arith.subf %add3A_29, %sub3A_51 : vector<256x128xf32>
    %add3A_53 = arith.constant 9.99999974E-6 : f32
    %add3A_54 = vector.broadcast %add3A_53 : f32 to vector<256x1xf32>
    %add3A_55 = arith.addf %select_n3A, %add3A_54 : vector<256x1xf32>
    %sqrt3A = math.sqrt %add3A_55 : vector<256x1xf32>
    %div3A_56 = vector.broadcast %sqrt3A : vector<256x1xf32> to vector<256x128xf32>
    %div3A_57 = arith.divf %sub3A_52, %div3A_56 : vector<256x128xf32>
    %get3A_58 = arith.constant 0 : index
    %get3A_59 = vector.load %arg6[%get3A_58] : memref<128xf32, #tpu.memory_space<vmem>>, vector<128xf32>
    %broadcast_in_dim3A_60 = vector.shape_cast %get3A_59 : vector<128xf32> to vector<1x128xf32>
    %mul3A_61 = vector.broadcast %broadcast_in_dim3A_60 : vector<1x128xf32> to vector<256x128xf32>
    %mul3A_62 = arith.mulf %div3A_57, %mul3A_61 : vector<256x128xf32>
    %get3A_63 = arith.constant 0 : index
    %get3A_64 = vector.load %arg7[%get3A_63] : memref<128xf32, #tpu.memory_space<vmem>>, vector<128xf32>
    %broadcast_in_dim3A_65 = vector.shape_cast %get3A_64 : vector<128xf32> to vector<1x128xf32>
    %add3A_66 = vector.broadcast %broadcast_in_dim3A_65 : vector<1x128xf32> to vector<256x128xf32>
    %add3A_67 = arith.addf %mul3A_62, %add3A_66 : vector<256x128xf32>
    %integer_pow3A = arith.mulf %add3A_67, %add3A_67 : vector<256x128xf32>
    %integer_pow3A_68 = arith.mulf %add3A_67, %integer_pow3A : vector<256x128xf32>
    %mul3A_69 = arith.constant 4.471500e-02 : f32
    %mul3A_70 = vector.broadcast %mul3A_69 : f32 to vector<256x128xf32>
    %mul3A_71 = arith.mulf %mul3A_70, %integer_pow3A_68 : vector<256x128xf32>
    %add3A_72 = arith.addf %add3A_67, %mul3A_71 : vector<256x128xf32>
    %mul3A_73 = arith.constant 0.797884583 : f32
    %mul3A_74 = vector.broadcast %mul3A_73 : f32 to vector<256x128xf32>
    %mul3A_75 = arith.mulf %mul3A_74, %add3A_72 : vector<256x128xf32>
    %tanh3A = math.tanh %mul3A_75 : vector<256x128xf32>
    %add3A_76 = arith.constant 1.000000e+00 : f32
    %add3A_77 = vector.broadcast %add3A_76 : f32 to vector<256x128xf32>
    %add3A_78 = arith.addf %add3A_77, %tanh3A : vector<256x128xf32>
    %mul3A_79 = arith.constant 5.000000e-01 : f32
    %mul3A_80 = vector.broadcast %mul3A_79 : f32 to vector<256x128xf32>
    %mul3A_81 = arith.mulf %mul3A_80, %add3A_78 : vector<256x128xf32>
    %mul3A_82 = arith.mulf %add3A_67, %mul3A_81 : vector<256x128xf32>
    %get3A_83 = arith.constant 0 : index
    %get3A_84 = arith.constant 0 : index
    %get3A_85 = vector.load %arg8[%get3A_83, %get3A_84] : memref<128x64xf32, #tpu.memory_space<vmem>>, vector<128x64xf32>
    %dot_general3A_86 = arith.constant dense<0.000000e+00> : vector<256x64xf32>
    %dot_general3A_87 = tpu.matmul %mul3A_82, %get3A_85, %dot_general3A_86 {dimension_numbers = #tpu.dot_dimension_numbers<[1], [0], [0], [1], [0, 0, 1, 1], [], []>, transpose_lhs_hint = false} : vector<256x128xf32>, vector<128x64xf32>, vector<256x64xf32> -> vector<256x64xf32>
    %get3A_88 = arith.constant 0 : index
    %get3A_89 = vector.load %arg9[%get3A_88] : memref<64xf32, #tpu.memory_space<vmem>>, vector<64xf32>
    %broadcast_in_dim3A_90 = vector.shape_cast %get3A_89 : vector<64xf32> to vector<1x64xf32>
    %add3A_91 = vector.broadcast %broadcast_in_dim3A_90 : vector<1x64xf32> to vector<256x64xf32>
    %add3A_92 = arith.addf %dot_general3A_87, %add3A_91 : vector<256x64xf32>
    %reduce_sum3A_93 = arith.constant dense<0.000000e+00> : vector<256xf32>
    %reduce_sum3A_94 = vector.multi_reduction <add>, %add3A_92, %reduce_sum3A_93 [1] : vector<256x64xf32> to vector<256xf32>
    %broadcast_in_dim3A_95 = vector.shape_cast %reduce_sum3A_94 : vector<256xf32> to vector<256x1xf32>
    %div3A_96 = arith.constant 6.400000e+01 : f32
    %div3A_97 = vector.broadcast %div3A_96 : f32 to vector<256x1xf32>
    %div3A_98 = arith.divf %broadcast_in_dim3A_95, %div3A_97 : vector<256x1xf32>
    %jit3A_99 = arith.constant 0 : i32
    %reduce_sum3A_100 = arith.constant dense<0.000000e+00> : vector<256xf32>
    %reduce_sum3A_101 = vector.multi_reduction <add>, %add3A_92, %reduce_sum3A_100 [1] : vector<256x64xf32> to vector<256xf32>
    %broadcast_in_dim3A_102 = vector.shape_cast %reduce_sum3A_101 : vector<256xf32> to vector<256x1xf32>
    %div3A_103 = arith.constant 6.400000e+01 : f32
    %div3A_104 = vector.broadcast %div3A_103 : f32 to vector<256x1xf32>
    %div3A_105 = arith.divf %broadcast_in_dim3A_102, %div3A_104 : vector<256x1xf32>
    %sub3A_106 = vector.broadcast %div3A_105 : vector<256x1xf32> to vector<256x64xf32>
    %sub3A_107 = arith.subf %add3A_92, %sub3A_106 : vector<256x64xf32>
    %square3A_108 = arith.mulf %sub3A_107, %sub3A_107 : vector<256x64xf32>
    %convert_element_type3A_109 = arith.sitofp %jit3A_99 : i32 to f32
    %sub3A_110 = arith.constant 6.400000e+01 : f32
    %sub3A_111 = arith.subf %sub3A_110, %convert_element_type3A_109 : f32
    %reduce_sum3A_112 = arith.constant dense<0.000000e+00> : vector<256xf32>
    %reduce_sum3A_113 = vector.multi_reduction <add>, %square3A_108, %reduce_sum3A_112 [1] : vector<256x64xf32> to vector<256xf32>
    %broadcast_in_dim3A_114 = vector.shape_cast %reduce_sum3A_113 : vector<256xf32> to vector<256x1xf32>
    %div3A_115 = vector.broadcast %sub3A_111 : f32 to vector<256x1xf32>
    %div3A_116 = arith.divf %broadcast_in_dim3A_114, %div3A_115 : vector<256x1xf32>
    %gt3A_117 = arith.constant 0.000000e+00 : f32
    %gt3A_118 = arith.cmpf ogt, %sub3A_111, %gt3A_117 : f32
    %jit3A_119 = arith.constant 0x7FC00000 : f32
    %broadcast_in_dim3A_120 = vector.broadcast %jit3A_119 : f32 to vector<256x1xf32>
    %select_n3A_121 = arith.select %gt3A_118, %div3A_116, %broadcast_in_dim3A_120 : vector<256x1xf32>
    %sub3A_122 = vector.broadcast %div3A_98 : vector<256x1xf32> to vector<256x64xf32>
    %sub3A_123 = arith.subf %add3A_92, %sub3A_122 : vector<256x64xf32>
    %add3A_124 = arith.constant 9.99999974E-6 : f32
    %add3A_125 = vector.broadcast %add3A_124 : f32 to vector<256x1xf32>
    %add3A_126 = arith.addf %select_n3A_121, %add3A_125 : vector<256x1xf32>
    %sqrt3A_127 = math.sqrt %add3A_126 : vector<256x1xf32>
    %div3A_128 = vector.broadcast %sqrt3A_127 : vector<256x1xf32> to vector<256x64xf32>
    %div3A_129 = arith.divf %sub3A_123, %div3A_128 : vector<256x64xf32>
    %get3A_130 = arith.constant 0 : index
    %get3A_131 = vector.load %arg10[%get3A_130] : memref<64xf32, #tpu.memory_space<vmem>>, vector<64xf32>
    %broadcast_in_dim3A_132 = vector.shape_cast %get3A_131 : vector<64xf32> to vector<1x64xf32>
    %mul3A_133 = vector.broadcast %broadcast_in_dim3A_132 : vector<1x64xf32> to vector<256x64xf32>
    %mul3A_134 = arith.mulf %div3A_129, %mul3A_133 : vector<256x64xf32>
    %get3A_135 = arith.constant 0 : index
    %get3A_136 = vector.load %arg11[%get3A_135] : memref<64xf32, #tpu.memory_space<vmem>>, vector<64xf32>
    %broadcast_in_dim3A_137 = vector.shape_cast %get3A_136 : vector<64xf32> to vector<1x64xf32>
    %add3A_138 = vector.broadcast %broadcast_in_dim3A_137 : vector<1x64xf32> to vector<256x64xf32>
    %add3A_139 = arith.addf %mul3A_134, %add3A_138 : vector<256x64xf32>
    %integer_pow3A_140 = arith.mulf %add3A_139, %add3A_139 : vector<256x64xf32>
    %integer_pow3A_141 = arith.mulf %add3A_139, %integer_pow3A_140 : vector<256x64xf32>
    %mul3A_142 = arith.constant 4.471500e-02 : f32
    %mul3A_143 = vector.broadcast %mul3A_142 : f32 to vector<256x64xf32>
    %mul3A_144 = arith.mulf %mul3A_143, %integer_pow3A_141 : vector<256x64xf32>
    %add3A_145 = arith.addf %add3A_139, %mul3A_144 : vector<256x64xf32>
    %mul3A_146 = arith.constant 0.797884583 : f32
    %mul3A_147 = vector.broadcast %mul3A_146 : f32 to vector<256x64xf32>
    %mul3A_148 = arith.mulf %mul3A_147, %add3A_145 : vector<256x64xf32>
    %tanh3A_149 = math.tanh %mul3A_148 : vector<256x64xf32>
    %add3A_150 = arith.constant 1.000000e+00 : f32
    %add3A_151 = vector.broadcast %add3A_150 : f32 to vector<256x64xf32>
    %add3A_152 = arith.addf %add3A_151, %tanh3A_149 : vector<256x64xf32>
    %mul3A_153 = arith.constant 5.000000e-01 : f32
    %mul3A_154 = vector.broadcast %mul3A_153 : f32 to vector<256x64xf32>
    %mul3A_155 = arith.mulf %mul3A_154, %add3A_152 : vector<256x64xf32>
    %mul3A_156 = arith.mulf %add3A_139, %mul3A_155 : vector<256x64xf32>
    %get3A_157 = arith.constant 0 : index
    %get3A_158 = arith.constant 0 : index
    %get3A_159 = vector.load %arg12[%get3A_157, %get3A_158] : memref<64x16xf32, #tpu.memory_space<vmem>>, vector<64x16xf32>
    %dot_general3A_160 = arith.constant dense<0.000000e+00> : vector<256x16xf32>
    %dot_general3A_161 = tpu.matmul %mul3A_156, %get3A_159, %dot_general3A_160 {dimension_numbers = #tpu.dot_dimension_numbers<[1], [0], [0], [1], [0, 0, 1, 1], [], []>, transpose_lhs_hint = false} : vector<256x64xf32>, vector<64x16xf32>, vector<256x16xf32> -> vector<256x16xf32>
    %get3A_162 = arith.constant 0 : index
    %get3A_163 = vector.load %arg13[%get3A_162] : memref<16xf32, #tpu.memory_space<vmem>>, vector<16xf32>
    %broadcast_in_dim3A_164 = vector.shape_cast %get3A_163 : vector<16xf32> to vector<1x16xf32>
    %add3A_165 = vector.broadcast %broadcast_in_dim3A_164 : vector<1x16xf32> to vector<256x16xf32>
    %add3A_166 = arith.addf %dot_general3A_161, %add3A_165 : vector<256x16xf32>
    %mul3A_167 = arith.constant 2.000000e+00 : f32
    %mul3A_168 = vector.broadcast %mul3A_167 : f32 to vector<256x16xf32>
    %mul3A_169 = arith.mulf %add3A_166, %mul3A_168 : vector<256x16xf32>
    %sin3A = math.sin %mul3A_169 : vector<256x16xf32>
    %concatenate3A_170 = tpu.concatenate %mul3A_14, %sin3A in 1 : vector<256x768xf32>, vector<256x16xf32> -> vector<256x784xf32>
    %swap3A = arith.constant 0 : index
    %swap3A_171 = arith.constant 0 : index
    %swap3A_172 = arith.constant 0 : index
    %swap3A_173 = vector.load %arg14[%swap3A, %swap3A_171, %swap3A_172] : memref<1x256x784xf32, #tpu.memory_space<vmem>>, vector<1x256x784xf32>
    %swap3A_174 = vector.shape_cast %swap3A_173 : vector<1x256x784xf32> to vector<256x784xf32>
    %swap3A_175 = vector.shape_cast %concatenate3A_170 : vector<256x784xf32> to vector<1x256x784xf32>
    tpu.vector_store %arg14[%swap3A, %swap3A_171, %swap3A_172], %swap3A_175 {strides = array<i32>} : memref<1x256x784xf32, #tpu.memory_space<vmem>>, vector<1x256x784xf32>,
    return
  }
  func.func @transform_0(%arg0: i32) -> (i32, i32, i32) {
    %c0_i32 = arith.constant 0 : i32
    %c0_i32_0 = arith.constant 0 : i32
    %c0_i32_1 = arith.constant 0 : i32
    return %arg0, %c0_i32, %c0_i32_0 : i32, i32, i32
  }
  func.func @transform_1(%arg0: i32) -> (i32, i32, i32) {
    %c0_i32 = arith.constant 0 : i32
    %c0_i32_0 = arith.constant 0 : i32
    %c0_i32_1 = arith.constant 0 : i32
    return %arg0, %c0_i32, %c0_i32_0 : i32, i32, i32
  }
  func.func @transform_2(%arg0: i32) -> (i32, i32, i32) {
    %c0_i32 = arith.constant 0 : i32
    %c0_i32_0 = arith.constant 0 : i32
    %c0_i32_1 = arith.constant 0 : i32
    return %arg0, %c0_i32, %c0_i32_0 : i32, i32, i32
  }
  func.func @transform_3(%arg0: i32) -> (i32, i32) {
    %c0_i32 = arith.constant 0 : i32
    %c0_i32_0 = arith.constant 0 : i32
    %c0_i32_1 = arith.constant 0 : i32
    return %c0_i32, %c0_i32_0 : i32, i32
  }
  func.func @transform_4(%arg0: i32) -> i32 {
    %c0_i32 = arith.constant 0 : i32
    %c0_i32_0 = arith.constant 0 : i32
    return %c0_i32 : i32
  }
  func.func @transform_5(%arg0: i32) -> i32 {
    %c0_i32 = arith.constant 0 : i32
    %c0_i32_0 = arith.constant 0 : i32
    return %c0_i32 : i32
  }
  func.func @transform_6(%arg0: i32) -> i32 {
    %c0_i32 = arith.constant 0 : i32
    %c0_i32_0 = arith.constant 0 : i32
    return %c0_i32 : i32
  }
  func.func @transform_7(%arg0: i32) -> (i32, i32) {
    %c0_i32 = arith.constant 0 : i32
    %c0_i32_0 = arith.constant 0 : i32
    %c0_i32_1 = arith.constant 0 : i32
    return %c0_i32, %c0_i32_0 : i32, i32
  }
  func.func @transform_8(%arg0: i32) -> i32 {
    %c0_i32 = arith.constant 0 : i32
    %c0_i32_0 = arith.constant 0 : i32
    return %c0_i32 : i32
  }
  func.func @transform_9(%arg0: i32) -> i32 {
    %c0_i32 = arith.constant 0 : i32
    %c0_i32_0 = arith.constant 0 : i32
    return %c0_i32 : i32
  }
  func.func @transform_10(%arg0: i32) -> i32 {
    %c0_i32 = arith.constant 0 : i32
    %c0_i32_0 = arith.constant 0 : i32
    return %c0_i32 : i32
  }
  func.func @transform_11(%arg0: i32) -> (i32, i32) {
    %c0_i32 = arith.constant 0 : i32
    %c0_i32_0 = arith.constant 0 : i32
    %c0_i32_1 = arith.constant 0 : i32
    return %c0_i32, %c0_i32_0 : i32, i32
  }
  func.func @transform_12(%arg0: i32) -> i32 {
    %c0_i32 = arith.constant 0 : i32
    %c0_i32_0 = arith.constant 0 : i32
    return %c0_i32 : i32
  }
  func.func @transform_13(%arg0: i32) -> (i32, i32, i32) {
    %c0_i32 = arith.constant 0 : i32
    %c0_i32_0 = arith.constant 0 : i32
    %c0_i32_1 = arith.constant 0 : i32
    return %arg0, %c0_i32, %c0_i32_0 : i32, i32, i32
  }
}

</mosaic_0001>

<sc_bundles>
// kernel: kernel.7.cloned.1.call-start
scs
__scs_entry_jumppad:
0x0: {  	(pc) =	sbr.rel $0x88, $3  }
0x1: {  	(tag) =	ssettag $0x0;
	lr =	simm.s32 $0x1  }
0x2: {  	[smem:$0x3F85] =	sst lr;
	_ =	strace $0xD0000000  }
0x3: {  	_ = 	snop  }
0x4: {  	_ = 	snop  }
0x5: {  	_ = 	snop  }
0x6: {  	_ = 	snop  }
0x7: {  	_ = 	snop  }
__scs_overlays_trampoline_lowered:
0x8: {  	[smem:$0x3F94] =	sst s0  }
0x9: {  	[smem:$0x3F95] =	sst s1  }
0xa: {  	[smem:$0x3F96] =	sst s2  }
0xb: {  	[smem:$0x3F97] =	sst s3  }
0xc: {  	[smem:$0x3F98] =	sst s4  }
0xd: {  	[smem:$0x3F99] =	sst s5  }
0xe: {  	[smem:$0x3F9A] =	sst s6  }
0xf: {  	[smem:$0x3F9B] =	sst s7  }
0x10: {  	[smem:$0x3F9C] =	sst s8  }
0x11: {  	[smem:$0x3F9D] =	sst s9;
	s0 =	simm.s32 @!p0 $0x0  }
0x12: {  	s1 =	sld [smem:$0x3F83];
	s0 =	simm.s32 @p0 $0x1  }
0x13: {  	[smem:$0x3F9E] =	sst s0;
	s0 =	simm.s32 @!p1 $0x0  }
0x14: {  	s2 =	sld [smem:$0x3F82];
	s0 =	simm.s32 @p1 $0x1  }
0x15: {  	[smem:$0x3F9F] =	sst s0;
	s0 =	simm.s32 @!p2 $0x0  }
0x16: {  	s3 =	sld [smem:$0x3FDB];
	s0 =	simm.s32 @p2 $0x1  }
0x17: {  	s4 =	simm.s32 $0x1BF5;
	[smem:$0x3FA1] =	sst s0  }
0x18: {  	s0 =	sld [smem:$0x3F84];
	_ =	swait.ge [sflag:s4], $0x0  }
0x19: {  	s7 =	sld [smem:$0x3F85]  }
0x1a: {  	s8 =	sadd.s32 $0xFFFFE003, lr  }
0x1b: {  	s9 =	sadd.s32 $0xFFFFFEF7, lr;
	s5 =	simm.s32 $0xFFFFFFFF;
	p2 =	slt.u32 s8, $0xFFFFF086  }
0x1c: {  	p1 =	slt.u32 s9, $0xF7A;
	s5 =	simm.s32 @!p2 $0x0  }
0x1d: {  	s5 =	simm.s32 @p1 $0x1;
	p0 =	seq.s32 s7, s2  }
0x1e: {  	s7 =	smul.u32 @!p0 $0xF7A, s2;
	p2 =	seq.s32 @!p0 s5, $0x0  }
0x1f: {  	s9 =	smul.u32 $0xF7A, s1;
	s8 =	simm.s32 @!p0 $0x1BF5;
	p2 =	por !p2, p0  }
0x20: {  	[sflag:s8] =	ssyncset.s32 @!p0 $0xFFFFF086;
	s6 =	sadd.s32 @!p0 s3, s7;
	s7 =	simm.s32 @!p0 $0x108  }
0x21: {  	s3 =	sadd.s32 s3, s9;
	s6 =	sadd.s32 @!p0 $0x88, s6;
	s7 =	simm.s32 @p2 $0x1082  }
0x22: {  	[simem:s7], [sflag:s8] =	dma.local @!p0 [hbm:s6], $0xF7A  }
0x23: {  	s9 =	sor.u32 $0xD0000000, s2;
	s6 =	simm.s32 $0x108;
	_ =	swait.ge @!p0 [sflag:s8], $0x0  }
0x24: {  	s3 =	sadd.s32 $0x88, s3;
	s6 =	simm.s32 @!p1 $0x1082;
	[sflag:s4] =	ssyncset.s32 $0xFFFFF086  }
0x25: {  	[simem:s6], [sflag:s4] =	dma.local [hbm:s3], $0xF7A  }
0x26: {  	[smem:$0x3F85] =	sst s1;
	(tag) =	ssettag s2;
	_ =	strace s9  }
0x27: {  	s1 =	sld [smem:$0x3F95]  }
0x28: {  	s2 =	sld [smem:$0x3F96]  }
0x29: {  	s4 =	sld [smem:$0x3F98]  }
0x2a: {  	p0 =	seq.s32 s5, $0x0;
	s5 =	sld [smem:$0x3F99]  }
0x2b: {  	s6 =	sld [smem:$0x3F9A]  }
0x2c: {  	s7 =	sld [smem:$0x3F9B]  }
0x2d: {  	s3 =	simm.s32 $0x108;
	s8 =	sld [smem:$0x3F9C]  }
0x2e: {  	s3 =	simm.s32 @!p0 $0x1082;
	s9 =	sld [smem:$0x3F9D]  }
0x2f: {  	lr =	sadd.s32 s0, s3;
	s0 =	sld [smem:$0x3F94]  }
0x30: {  	s3 =	sld [smem:$0x3F97]  }
0x31: {  	[smem:$0x3FA0] =	sst s10  }
0x32: {  	s10 =	sld [smem:$0x3F9E];
	_ =	sdelay $0x3  }
0x33: {  	p0 =	seq.s32 s10, $0x1;
	s10 =	sld [smem:$0x3FA0];
	_ =	sdelay $0x3  }
0x34: {  	[smem:$0x3FA0] =	sst s10  }
0x35: {  	s10 =	sld [smem:$0x3F9F];
	_ =	sdelay $0x3  }
0x36: {  	p1 =	seq.s32 s10, $0x1;
	s10 =	sld [smem:$0x3FA0];
	_ =	sdelay $0x3  }
0x37: {  	[smem:$0x3FA0] =	sst s10  }
0x38: {  	s10 =	sld [smem:$0x3FA1]  }
0x39: {  	_ = 	snop;
	(pc) =	sbr.ind lr, $3  }
0x3a: {  	_ = 	snop  }
0x3b: {  	_ = 	snop  }
0x3c: {  	p2 =	seq.s32 s10, $0x1;
	s10 =	sld [smem:$0x3FA0]  }
0x3d: {  	_ =	shalt  }
0x3e: {  	_ =	shalt  }
0x3f: {  	_ =	shalt  }
0x40: {  	_ =	shalt  }
0x41: {  	_ =	shalt  }
0x42: {  	_ =	shalt  }
0x43: {  	_ =	shalt  }
0x44: {  	_ =	shalt  }
0x45: {  	_ =	shalt  }
0x46: {  	_ =	shalt  }
0x47: {  	_ =	shalt  }
0x48: {  	_ =	shalt  }
0x49: {  	_ =	shalt  }
0x4a: {  	_ =	shalt  }
0x4b: {  	_ =	shalt  }
0x4c: {  	_ =	shalt  }
0x4d: {  	_ =	shalt  }
0x4e: {  	_ =	shalt  }
0x4f: {  	_ =	shalt  }
0x50: {  	_ =	shalt  }
0x51: {  	_ =	shalt  }
0x52: {  	_ =	shalt  }
0x53: {  	_ =	shalt  }
0x54: {  	_ =	shalt  }
0x55: {  	_ =	shalt  }
0x56: {  	_ =	shalt  }
0x57: {  	_ =	shalt  }
0x58: {  	_ =	shalt  }
0x59: {  	_ =	shalt  }
0x5a: {  	_ =	shalt  }
0x5b: {  	_ =	shalt  }
0x5c: {  	_ =	shalt  }
0x5d: {  	_ =	shalt  }
0x5e: {  	_ =	shalt  }
0x5f: {  	_ =	shalt  }
0x60: {  	_ =	shalt  }
0x61: {  	_ =	shalt  }
0x62: {  	_ =	shalt  }
0x63: {  	_ =	shalt  }
0x64: {  	_ =	shalt  }
0x65: {  	_ =	shalt  }
0x66: {  	_ =	shalt  }
0x67: {  	_ =	shalt  }
0x68: {  	_ =	shalt  }
0x69: {  	_ =	shalt  }
0x6a: {  	_ =	shalt  }
0x6b: {  	_ =	shalt  }
0x6c: {  	_ =	shalt  }
0x6d: {  	_ =	shalt  }
0x6e: {  	_ =	shalt  }
0x6f: {  	_ =	shalt  }
0x70: {  	_ =	shalt  }
0x71: {  	_ =	shalt  }
0x72: {  	_ =	shalt  }
0x73: {  	_ =	shalt  }
0x74: {  	_ =	shalt  }
0x75: {  	_ =	shalt  }
0x76: {  	_ =	shalt  }
0x77: {  	_ =	shalt  }
0x78: {  	_ =	shalt  }
0x79: {  	_ =	shalt  }
0x7a: {  	_ =	shalt  }
0x7b: {  	_ =	shalt  }
0x7c: {  	_ =	shalt  }
0x7d: {  	_ =	shalt  }
0x7e: {  	_ =	shalt  }
0x7f: {  	_ =	shalt  }
0x80: {  	_ =	shalt  }
0x81: {  	_ =	shalt  }
0x82: {  	_ =	shalt  }
0x83: {  	_ =	shalt  }
0x84: {  	_ =	shalt  }
0x85: {  	_ =	shalt  }
0x86: {  	_ =	shalt  }
0x87: {  	_ =	shalt  }
.Lfunc_end0:
.L_simem_size_0:
called_computation_lowered:
.L_overlay_start_0:
0x88: {  	s2 =	sld [smem:$0x3FD9]  }
0x89: {  	s3 =	sld [smem:$0x3FFE];
	_ =	sdelay $0x1  }
0x8a: {  	s1 =	srdreg.scid  }
0x8b: {  	s0 =	sand.u32 $0x1, s1  }
0x8c: {  	s14 =	sshll.u32 s0, $0xA;
	s2 =	sadd.s32 s3, s2  }
0x8d: {  	s2 =	sadd.s32 s2, s14  }
0x8e: {  	[smem:$0x3FAC] =	sst s2  }
0x8f: {  	_ = 	snop  }
0x90: {  	s2 =	sld [smem:$0x3FD0];
	_ =	sdelay $0x2  }
0x91: {  	s4 =	simm.s32 $0xA;
	s5 =	simm.s32 $0x10;
	s15 =	sld [smem:$0x3FC9]  }
0x92: {  	[smem:s5], [sflag:s4] =	dma.local [hbm:s2], $0x1  }
0x93: {  	_ =	swait.eq [sflag:s4], $0x1  }
0x94: {  	[sflag:s4] =	ssyncset.done $0x0  }
0x95: {  	s16 =	sld [smem:$0x10];
	[sflag:s4] =	ssyncadd.s32 $0xFFFFFFFF  }
0x96: {  	s17 =	sld [smem:$0x11];
	(tm) =	ssettm $0x1  }
0x97: {  	s18 =	sld [smem:$0x3FFB];
	_ =	sdelay $0x3  }
0x98: {  	_ =	strace s18  }
0x99: {  	s5 =	sld [smem:$0x3FFC];
	_ =	sdelay $0x3  }
0x9a: {  	_ =	strace s5  }
0x9b: {  	s5 =	sld [smem:$0x3FFD];
	_ =	sdelay $0x3  }
0x9c: {  	_ =	strace s5  }
0x9d: {  	_ =	strace $0x8FFFFFFF  }
0x9e: {  	s19 =	sld [smem:$0x3FDB];
	_ =	sdelay $0x1  }
0x9f: {  	s6 =	simm.s32 $_scs_section_size  }
0xa0: {  	s7 =	simm.s32 $_size__tile_overlayer_lowered;
	s8 =	simm.s32 $_tile_overlayer_lowered  }
0xa1: {  	s22 =	simm.s32 $0x1BFF;
	s21 =	sshll.u32 s8, $0x1;
	s5 =	sadd.s32 s6, s19  }
0xa2: {  	s9 =	simm.s32 $0x0;
	s20 =	sshll.u32 s7, $0x1;
	s7 =	sadd.s32 s21, s5  }
0xa3: {  	[timem:s9], [sflag:s22] =	dma.local [hbm:s7], s20  }
0xa4: {  	_ =	swait.ge [sflag:s22], s20  }
0xa5: {  	s6 =	ssub.s32 $0x0, s20;
	[sflag:s22] =	ssyncset.done $0x0  }
0xa6: {  	[sflag:s22] =	ssyncadd.s32 s6;
	_ =	sdelay $0x1  }
0xa7: {  	s23 =	simm.s32 $0x1B8B  }
0xa8: {  	_ =	swait.ge [sflag:s23], $0x1  }
0xa9: {  	[sflag:s23] =	ssyncset.done $0x0  }
0xaa: {  	s25 =	simm.s32 $0x1B8E;
	s24 =	sld [smem:$0x3FFE];
	[sflag:s23] =	ssyncadd.s32 $0xFFFFFFFF  }
0xab: {  	s26 =	simm.s32 $execute0_lowered;
	[smem:$0x3FD2] =	sst s25  }
0xac: {  	s7 =	sshll.u32 s26, $0x1;
	_ =	strace $0x80000046;
	[dreg:$0x1] =	wrdreg $0xFFFFFFFF  }
0xad: {  	s28 =	simm.s32 $_size_execute0_lowered;
	s5 =	sadd.s32 s5, s7;
	[dreg:$0x0] =	wrdreg $0x0  }
0xae: {  	s7 =	sshll.u32 s28, $0x1;
	[dreg:$0x2] =	wrdreg s5  }
0xaf: {  	[dreg:$0x3] =	wrdreg s7  }
0xb0: {  	[dreg:$0x4] =	wrdreg $0xC0  }
0xb1: {  	_ =	task [dreg:s9], $0x5FFFF  }
0xb2: {  	[dreg:$0x1] =	wrdreg $0xFFFFFFFF  }
0xb3: {  	[dreg:$0x0] =	wrdreg $0x60  }
0xb4: {  	[dreg:$0x2] =	wrdreg s24  }
0xb5: {  	[dreg:$0x3] =	wrdreg s15  }
0xb6: {  	[dreg:$0x4] =	wrdreg s16  }
0xb7: {  	[dreg:$0x5] =	wrdreg s17  }
0xb8: {  	[dreg:$0x6] =	wrdreg $0x9  }
0xb9: {  	_ =	task.clear_ibuf [dreg:s9], $0x7FFFF;
	_ =	strace $0x90000046  }
0xba: {  	s29 =	simm.s32 $0x9;
	_ =	strace $0x80000048  }
0xbb: {  	_ =	swait.ge [sflag:s29], $0x1  }
0xbc: {  	[sflag:s29] =	ssyncadd.s32 $0xFFFFFFFF  }
0xbd: {  	_ =	strace $0x90000048  }
0xbe: {  	_ =	sfence  }
0xbf: {  	s30 =	sld [smem:$0x0];
	_ =	sdelay $0x2  }
0xc0: {  	s31 =	sshll.u32 s1, $0xD;
	s1 =	sshrl.u32 s1, $0x2  }
0xc1: {  	s3 =	sand.u32 $0x4000, s31;
	s1 =	sadd.s32 s1, s30  }
0xc2: {  	s0 =	sor.u32 s3, s0;
	s1 =	sshll.u32 s1, $0x11  }
0xc3: {  	s0 =	sor.u32 s1, s0  }
0xc4: {  	s0 =	sadd.s32 $0x8F2B, s0  }
0xc5: {  	[sflag:s0] =	ssyncadd.remote.s32 $0x1  }
0xc6: {  	_ =	sfence.sel $0xFFFF  }
0xc7: {  	[dreg:$0x0] =	wrdreg $0xFFFFFFFF;
	(pc) =	sbr.abs _section_cstart, $3  }
0xc8: {  	[dreg:$0x1] =	wrdreg $0xFFFFFFFF  }
0xc9: {  	_ =	task.clear_ibuf [dreg:s9], $0x2FFFF;
	_ =	strace $0x9FFFFFFF  }
0xca: {  	(tm) =	ssettm $0x7FFFFFFF  }
0xcb: {  	_ =	shalt  }
tec
execute0_lowered:
.L_overlay_start_1:
0x0: {  	(tag) =	ssettag $0x1  }
0x1: {  	s0 =	rddreg [dreg:$0x0]  }
0x2: {  	s1 =	rddreg [dreg:$0x1]  }
0x3: {  	s2 =	rddreg [dreg:$0x2]  }
0x4: {  	s7 =	rddreg [dreg:$0x3]  }
0x5: {  	s3 =	simm.s32 $0x0;
	s20 =	stileid.u32;
	s19 =	srdreg.scid  }
0x6: {  	s28 =	simm.s32 $0x2500;
	s29 =	simm.s32 $0x2700;
	s30 =	simm.s32 $0x2900  }
0x7: {  	s31 =	simm.s32 $0x2B00;
	[smem:$0x7FF] =	sst s3;
	s4 =	sshll.u32 s20, $0x4  }
0x8: {  	s8 =	sshll.u32 s20, $0x6;
	s9 =	sadd.s32 $0xFFFFFFFC, s20;
	s13 =	sadd.s32 $0x6800, s0  }
0x9: {  	s21 =	sshll.u32 s20, $0x1;
	p0 =	sgt.u32 s20, $0x3;
	_ =	strace $0x80000047  }
0xa: {  	s6 =	sadd.s32 s4, s0;
	s4 =	sand.u32 $0x1, s19;
	s10 =	sadd.s32 s8, s0  }
0xb: {  	s11 =	sshll.u32 s9, $0x5;
	s19 =	sshll.u32 s20, $0xD;
	s16 =	sadd.s32 s13, s8  }
0xc: {  	s9 =	sshll.u32 s9, $0xD;
	s5 =	ssub.s32 $0x2, s4;
	s12 =	sadd.s32 s11, s0  }
0xd: {  	s0 =	sadd.s32 $0x6A00, s0;
	s22 =	sor.u32 s4, s21;
	s15 =	sadd.s32 $0x4400, s6  }
0xe: {  	[dreg:$0x6] =	wrdreg s16;
	s17 =	sadd.s32 $0x6C00, s10;
	s21 =	sand.u32 $0xC, s20  }
0xf: {  	s20 =	simm.s32 $0x1;
	s14 =	sshrl.u32 s5, $0x1;
	[dreg:$0x5] =	wrdreg s15  }
0x10: {  	[dreg:$0x7] =	wrdreg s17;
	s23 =	sadd.s32 s0, s11;
	s24 =	sadd.s32 $0x6E00, s12  }
0x11: {  	s25 =	smul.u32 $0x1800, s22;
	s26 =	sshll.u32 s22, $0x3;
	s15 =	sshll.u32 s22, $0x2  }
0x12: {  	s17 =	smul.u32 $0xC00, s22;
	s11 =	sor.u32 $0x30, s19;
	s22 =	simm.s32 $0x2  }
0x13: {  	p1 =	sne.s32 s21, $0x4;
	s21 =	simm.s32 $0x0;
	s18 =	ssub.s32 s5, s14  }
.Ltmp0:
0x14: {  	s5 =	sadd.s32 $0x4800, s6;
	[dreg:$0x8] =	wrdreg s23;
	(pc) =	sbr.rel .LBB2_1-.Ltmp0, $4  }
0x15: {  	s6 =	sadd.s32 $0x4600, s6;
	[dreg:$0x9] =	wrdreg s24;
	s12 =	sadd.s32 s13, s26  }
0x16: {  	s13 =	sadd.s32 s0, s15;
	s14 =	sadd.s32 $0x100, s1;
	s15 =	sadd.s32 $0x200, s1  }
0x17: {  	s26 =	simm.s32 $0x2300;
	s16 =	sadd.s32 s2, s25;
	s18 =	smax.u32 s18, $0x1  }
0x18: {  	v0 =	vimm.s32 $0x0;
	v1 =	vlaneseq.u32;
	s17 =	sadd.s32 s7, s17;
	s25 =	simm.s32 $0x2100;
	[dreg:$0xa] =	wrdreg s18  }
.LBB2_17:
0x19: {  	[bflag:$0x0] =	sbarrier.arrive $0xFFFF  }
0x1a: {  	[tilespmem:s31], [sflag:$0x2] =	stream.linear.gather [hbm4b:s12+s3], $0x40, $0x38;
	[tilespmem:$0x14C00] =	vst v63  }
0x1b: {  	_ =	swait.ge [sflag:s22], $0x40  }
0x1c: {  	[sflag:s22] =	ssyncset.done $0x0  }
0x1d: {  	s0 =	simm.s32 $0x2B80;
	[sflag:s22] =	ssyncadd.s32 $0xFFFFFFC0  }
0x1e: {  	[tilespmem:s0], [sflag:$0x2] =	stream.linear.gather [hbm4b:s13+s3], $0x20, $0x38;
	[tilespmem:$0x14C00] =	vst v63  }
0x1f: {  	_ =	swait.ge [sflag:s22], $0x20  }
0x20: {  	[sflag:s22] =	ssyncset.done $0x0  }
0x21: {  	[sflag:s22] =	ssyncadd.s32 $0xFFFFFFE0  }
0x22: {  	v2 =	vld [tilespmem:$0x2B00];
	_ =	sdelay $0x4  }
0x23: {  	v3 =	vshrl.u32 v2, $0x3  }
0x24: {  	v3 =	vmul.u32 $0x30, v3  }
0x25: {  	v2 =	vand.u32 $0x7, v2  }
0x26: {  	v4 =	vshrl.u32 v1, $0x3;
	v2 =	vor.u32 v2, v3;
	v3 =	vand.u32 $0x7, v1  }
0x27: {  	v4 =	vmul.u32 $0x8, v4;
	v5 =	vperm.xlane v2, v3;
	_ =	sdelay $0x1  }
0x28: {  	v5 =	vadd.s32 v4, v5;
	_ =	sdelay $0x2  }
0x29: {  	v6 =	vor.u32 $0x8, v1  }
0x2a: {  	vm0 =	vmmov $0xffff;
	s0 =	simm.s32 $0x2C00;
	v2 =	vperm.xlane v2, v6  }
0x2b: {  	[tilespmem:s0], [sflag:$0x1] =	stream.indirect_vreg.gather [hbm4b:s1+s3], $0x80, v5, vm0, $0xb8;
	[tilespmem:$0x14C00] =	vst v63  }
0x2c: {  	s2 =	simm.s32 $0x3400;
	v2 =	vadd.s32 v4, v2  }
0x2d: {  	[tilespmem:s2], [sflag:$0x1] =	stream.indirect_vreg.gather [hbm4b:s14+s3], $0x80, v5, vm0, $0xb8;
	[tilespmem:$0x14C00] =	vst v63  }
0x2e: {  	s8 =	simm.s32 $0x3C00  }
0x2f: {  	[tilespmem:s8], [sflag:$0x1] =	stream.indirect_vreg.gather [hbm4b:s15+s3], $0x80, v5, vm0, $0xb8;
	[tilespmem:$0x14C00] =	vst v63  }
0x30: {  	s10 =	simm.s32 $0x4400  }
0x31: {  	[tilespmem:s10], [sflag:$0x1] =	stream.indirect_vreg.gather [hbm4b:s1+s3], $0x80, v2, vm0, $0xb8;
	[tilespmem:$0x14C00] =	vst v63  }
0x32: {  	s19 =	simm.s32 $0x4C00  }
0x33: {  	[tilespmem:s19], [sflag:$0x1] =	stream.indirect_vreg.gather [hbm4b:s14+s3], $0x80, v2, vm0, $0xb8;
	[tilespmem:$0x14C00] =	vst v63  }
0x34: {  	s23 =	simm.s32 $0x5400  }
0x35: {  	[tilespmem:s23], [sflag:$0x1] =	stream.indirect_vreg.gather [hbm4b:s15+s3], $0x80, v2, vm0, $0xb8;
	[tilespmem:$0x14C00] =	vst v63  }
0x36: {  	v2 =	vld [tilespmem:$0x2B10];
	_ =	sdelay $0x4  }
0x37: {  	v59 =	vshrl.u32 v2, $0x3  }
0x38: {  	v5 =	vmul.u32 $0x30, v59  }
0x39: {  	v2 =	vand.u32 $0x7, v2  }
0x3a: {  	v2 =	vor.u32 v2, v5  }
0x3b: {  	v5 =	vperm.xlane v2, v3;
	_ =	sdelay $0x1  }
0x3c: {  	v5 =	vadd.s32 v4, v5;
	_ =	sdelay $0x3  }
0x3d: {  	s24 =	simm.s32 $0x5C00;
	v2 =	vperm.xlane v2, v6  }
0x3e: {  	[tilespmem:s24], [sflag:$0x1] =	stream.indirect_vreg.gather [hbm4b:s1+s3], $0x80, v5, vm0, $0xb8;
	[tilespmem:$0x14C00] =	vst v63  }
0x3f: {  	s4 =	simm.s32 $0x6400;
	v2 =	vadd.s32 v4, v2  }
0x40: {  	[tilespmem:s4], [sflag:$0x1] =	stream.indirect_vreg.gather [hbm4b:s14+s3], $0x80, v5, vm0, $0xb8;
	[tilespmem:$0x14C00] =	vst v63  }
0x41: {  	s7 =	simm.s32 $0x6C00  }
0x42: {  	[tilespmem:s7], [sflag:$0x1] =	stream.indirect_vreg.gather [hbm4b:s15+s3], $0x80, v5, vm0, $0xb8;
	[tilespmem:$0x14C00] =	vst v63  }
0x43: {  	s8 =	simm.s32 $0x7400  }
0x44: {  	[tilespmem:s8], [sflag:$0x1] =	stream.indirect_vreg.gather [hbm4b:s1+s3], $0x80, v2, vm0, $0xb8;
	[tilespmem:$0x14C00] =	vst v63  }
0x45: {  	s10 =	simm.s32 $0x7C00  }
0x46: {  	[tilespmem:s10], [sflag:$0x1] =	stream.indirect_vreg.gather [hbm4b:s14+s3], $0x80, v2, vm0, $0xb8;
	[tilespmem:$0x14C00] =	vst v63  }
0x47: {  	s19 =	simm.s32 $0x8400  }
0x48: {  	[tilespmem:s19], [sflag:$0x1] =	stream.indirect_vreg.gather [hbm4b:s15+s3], $0x80, v2, vm0, $0xb8;
	[tilespmem:$0x14C00] =	vst v63  }
0x49: {  	v2 =	vld [tilespmem:$0x2B20];
	_ =	sdelay $0x4  }
0x4a: {  	v60 =	vshrl.u32 v2, $0x3  }
0x4b: {  	v5 =	vmul.u32 $0x30, v60  }
0x4c: {  	v2 =	vand.u32 $0x7, v2  }
0x4d: {  	v2 =	vor.u32 v2, v5  }
0x4e: {  	v5 =	vperm.xlane v2, v3;
	_ =	sdelay $0x1  }
0x4f: {  	v5 =	vadd.s32 v4, v5;
	_ =	sdelay $0x3  }
0x50: {  	s23 =	simm.s32 $0x8C00;
	v2 =	vperm.xlane v2, v6  }
0x51: {  	[tilespmem:s23], [sflag:$0x1] =	stream.indirect_vreg.gather [hbm4b:s1+s3], $0x80, v5, vm0, $0xb8;
	[tilespmem:$0x14C00] =	vst v63  }
0x52: {  	s24 =	simm.s32 $0x9400;
	v2 =	vadd.s32 v4, v2  }
0x53: {  	[tilespmem:s24], [sflag:$0x1] =	stream.indirect_vreg.gather [hbm4b:s14+s3], $0x80, v5, vm0, $0xb8;
	[tilespmem:$0x14C00] =	vst v63  }
0x54: {  	s4 =	simm.s32 $0x9C00  }
0x55: {  	[tilespmem:s4], [sflag:$0x1] =	stream.indirect_vreg.gather [hbm4b:s15+s3], $0x80, v5, vm0, $0xb8;
	[tilespmem:$0x14C00] =	vst v63  }
0x56: {  	s7 =	simm.s32 $0xA400  }
0x57: {  	[tilespmem:s7], [sflag:$0x1] =	stream.indirect_vreg.gather [hbm4b:s1+s3], $0x80, v2, vm0, $0xb8;
	[tilespmem:$0x14C00] =	vst v63  }
0x58: {  	s8 =	simm.s32 $0xAC00  }
0x59: {  	[tilespmem:s8], [sflag:$0x1] =	stream.indirect_vreg.gather [hbm4b:s14+s3], $0x80, v2, vm0, $0xb8;
	[tilespmem:$0x14C00] =	vst v63  }
0x5a: {  	s10 =	simm.s32 $0xB400  }
0x5b: {  	[tilespmem:s10], [sflag:$0x1] =	stream.indirect_vreg.gather [hbm4b:s15+s3], $0x80, v2, vm0, $0xb8;
	[tilespmem:$0x14C00] =	vst v63  }
0x5c: {  	v2 =	vld [tilespmem:$0x2B30];
	_ =	sdelay $0x4  }
0x5d: {  	v61 =	vshrl.u32 v2, $0x3  }
0x5e: {  	v5 =	vmul.u32 $0x30, v61  }
0x5f: {  	v2 =	vand.u32 $0x7, v2  }
0x60: {  	v2 =	vor.u32 v2, v5  }
0x61: {  	v5 =	vperm.xlane v2, v3;
	_ =	sdelay $0x1  }
0x62: {  	v5 =	vadd.s32 v4, v5;
	_ =	sdelay $0x3  }
0x63: {  	s19 =	simm.s32 $0xBC00;
	v2 =	vperm.xlane v2, v6  }
0x64: {  	[tilespmem:s19], [sflag:$0x1] =	stream.indirect_vreg.gather [hbm4b:s1+s3], $0x80, v5, vm0, $0xb8;
	[tilespmem:$0x14C00] =	vst v63  }
0x65: {  	s23 =	simm.s32 $0xC400;
	v2 =	vadd.s32 v4, v2  }
0x66: {  	[tilespmem:s23], [sflag:$0x1] =	stream.indirect_vreg.gather [hbm4b:s14+s3], $0x80, v5, vm0, $0xb8;
	[tilespmem:$0x14C00] =	vst v63  }
0x67: {  	s24 =	simm.s32 $0xCC00  }
0x68: {  	[tilespmem:s24], [sflag:$0x1] =	stream.indirect_vreg.gather [hbm4b:s15+s3], $0x80, v5, vm0, $0xb8;
	[tilespmem:$0x14C00] =	vst v63  }
0x69: {  	s4 =	simm.s32 $0xD400  }
0x6a: {  	[tilespmem:s4], [sflag:$0x1] =	stream.indirect_vreg.gather [hbm4b:s1+s3], $0x80, v2, vm0, $0xb8;
	[tilespmem:$0x14C00] =	vst v63  }
0x6b: {  	s7 =	simm.s32 $0xDC00  }
0x6c: {  	[tilespmem:s7], [sflag:$0x1] =	stream.indirect_vreg.gather [hbm4b:s14+s3], $0x80, v2, vm0, $0xb8;
	[tilespmem:$0x14C00] =	vst v63  }
0x6d: {  	s8 =	simm.s32 $0xE400  }
0x6e: {  	[tilespmem:s8], [sflag:$0x1] =	stream.indirect_vreg.gather [hbm4b:s15+s3], $0x80, v2, vm0, $0xb8;
	[tilespmem:$0x14C00] =	vst v63  }
0x6f: {  	v2 =	vld [tilespmem:$0x2B80];
	_ =	sdelay $0x4  }
0x70: {  	v62 =	vshrl.u32 v2, $0x3  }
0x71: {  	v5 =	vmul.u32 $0x30, v62  }
0x72: {  	v2 =	vand.u32 $0x7, v2  }
0x73: {  	v2 =	vor.u32 v2, v5  }
0x74: {  	v5 =	vperm.xlane v2, v3;
	_ =	sdelay $0x1  }
0x75: {  	v5 =	vadd.s32 v4, v5;
	_ =	sdelay $0x3  }
0x76: {  	s2 =	simm.s32 $0xEC00;
	v2 =	vperm.xlane v2, v6  }
0x77: {  	[tilespmem:s2], [sflag:$0x1] =	stream.indirect_vreg.gather [hbm4b:s1+s3], $0x80, v5, vm0, $0xb8;
	[tilespmem:$0x14C00] =	vst v63  }
0x78: {  	s4 =	simm.s32 $0xF400;
	v2 =	vadd.s32 v4, v2  }
0x79: {  	[tilespmem:s4], [sflag:$0x1] =	stream.indirect_vreg.gather [hbm4b:s14+s3], $0x80, v5, vm0, $0xb8;
	[tilespmem:$0x14C00] =	vst v63  }
0x7a: {  	s10 =	simm.s32 $0xFC00  }
0x7b: {  	[tilespmem:s10], [sflag:$0x1] =	stream.indirect_vreg.gather [hbm4b:s15+s3], $0x80, v5, vm0, $0xb8;
	[tilespmem:$0x14C00] =	vst v63  }
0x7c: {  	s19 =	simm.s32 $0x10400  }
0x7d: {  	[tilespmem:s19], [sflag:$0x1] =	stream.indirect_vreg.gather [hbm4b:s1+s3], $0x80, v2, vm0, $0xb8;
	[tilespmem:$0x14C00] =	vst v63  }
0x7e: {  	s23 =	simm.s32 $0x10C00  }
0x7f: {  	[tilespmem:s23], [sflag:$0x1] =	stream.indirect_vreg.gather [hbm4b:s14+s3], $0x80, v2, vm0, $0xb8;
	[tilespmem:$0x14C00] =	vst v63  }
0x80: {  	s24 =	simm.s32 $0x11400  }
0x81: {  	[tilespmem:s24], [sflag:$0x1] =	stream.indirect_vreg.gather [hbm4b:s15+s3], $0x80, v2, vm0, $0xb8;
	[tilespmem:$0x14C00] =	vst v63  }
0x82: {  	v2 =	vld [tilespmem:$0x2B90];
	_ =	sdelay $0x4  }
0x83: {  	v63 =	vshrl.u32 v2, $0x3  }
0x84: {  	v5 =	vmul.u32 $0x30, v63  }
0x85: {  	v2 =	vand.u32 $0x7, v2  }
0x86: {  	v2 =	vor.u32 v2, v5  }
0x87: {  	v3 =	vperm.xlane v2, v3;
	_ =	sdelay $0x1  }
0x88: {  	v3 =	vadd.s32 v4, v3;
	_ =	sdelay $0x3  }
0x89: {  	s7 =	simm.s32 $0x11C00;
	v2 =	vperm.xlane v2, v6  }
0x8a: {  	[tilespmem:s7], [sflag:$0x1] =	stream.indirect_vreg.gather [hbm4b:s1+s3], $0x80, v3, vm0, $0xb8;
	[tilespmem:$0x14C00] =	vst v63  }
0x8b: {  	s8 =	simm.s32 $0x12400;
	v2 =	vadd.s32 v4, v2  }
0x8c: {  	[tilespmem:s8], [sflag:$0x1] =	stream.indirect_vreg.gather [hbm4b:s14+s3], $0x80, v3, vm0, $0xb8;
	[tilespmem:$0x14C00] =	vst v63  }
0x8d: {  	s10 =	simm.s32 $0x12C00  }
0x8e: {  	[tilespmem:s10], [sflag:$0x1] =	stream.indirect_vreg.gather [hbm4b:s15+s3], $0x80, v3, vm0, $0xb8;
	[tilespmem:$0x14C00] =	vst v63  }
0x8f: {  	s19 =	simm.s32 $0x13400  }
0x90: {  	[tilespmem:s19], [sflag:$0x1] =	stream.indirect_vreg.gather [hbm4b:s1+s3], $0x80, v2, vm0, $0xb8;
	[tilespmem:$0x14C00] =	vst v63  }
0x91: {  	s23 =	simm.s32 $0x13C00  }
0x92: {  	[tilespmem:s23], [sflag:$0x1] =	stream.indirect_vreg.gather [hbm4b:s14+s3], $0x80, v2, vm0, $0xb8;
	[tilespmem:$0x14C00] =	vst v63  }
0x93: {  	s24 =	simm.s32 $0x14400  }
0x94: {  	[tilespmem:s24], [sflag:$0x1] =	stream.indirect_vreg.gather [hbm4b:s15+s3], $0x80, v2, vm0, $0xb8;
	[tilespmem:$0x14C00] =	vst v63  }
0x95: {  	_ =	swait.ge [sflag:s20], $0xC000  }
0x96: {  	[sflag:s20] =	ssyncset.done $0x0  }
0x97: {  	[sflag:s20] =	ssyncadd.s32 $0xFFFF4000  }
0x98: {  	[hbm4b:s16+s3] =	stream.linear.scatter [tilespmem:s0], [sflag:$0x2], $0xC000, $0x38;
	[tilespmem:$0x14C00] =	vst v63  }
0x99: {  	_ =	swait.ge [sflag:s22], $0xC000  }
0x9a: {  	[sflag:s22] =	ssyncset.done $0x0  }
0x9b: {  	[sflag:s22] =	ssyncadd.s32 $0xFFFF4000  }
0x9c: {  	s21 =	sadd.s32 $0x1, s21;
	_ =	swait.ge [sflag:s20], $0x6000  }
0x9d: {  	p2 =	sne.s32 s21, s18;
	[sflag:s20] =	ssyncset.done $0x0  }
.Ltmp1:
0x9e: {  	[sflag:s20] =	ssyncadd.s32 $0xFFFFA000;
	(pc) =	sbr.rel @!p2 .LBB2_18-.Ltmp1, $4  }
0x9f: {  	[hbm4b:s17+s3] =	stream.linear.scatter [tilespmem:s2], [sflag:$0x2], $0x6000, $0x38;
	[tilespmem:$0x14C00] =	vst v63  }
0xa0: {  	_ =	swait.ge [sflag:s22], $0x6000  }
0xa1: {  	[sflag:s22] =	ssyncset.done $0x0  }
0xa2: {  	[sflag:s22] =	ssyncadd.s32 $0xFFFFA000  }
.LBB2_1:
.Ltmp2:
0xa3: {  	(pc) =	sbr.rel @p0 .LBB2_9-.Ltmp2, $1  }
0xa4: {  	_ =	sdelay $0x3  }
0xa5: {  	s10 =	simm.s32 $0x0;
	s0 =	simm.s32 $0x80;
	s2 =	simm.s32 $0x400  }
0xa6: {  	[tilespmem:s10], [sflag:$0x2] =	stream.strided.gather [hbm4b:s5+s0], $0x2000, s2, s0, $0x38;
	[tilespmem:$0x14C00] =	vst v63  }
0xa7: {  	s18 =	smov.u32 s16;
	_ =	swait.ge [sflag:s22], $0x2000  }
0xa8: {  	s16 =	smov.u32 s12;
	s12 =	smov.u32 s5;
	[sflag:s22] =	ssyncset.done $0x0  }
0xa9: {  	s7 =	simm.s32 $0x2000;
	s5 =	rddreg [dreg:$0x5];
	[sflag:s22] =	ssyncadd.s32 $0xFFFFE000  }
0xaa: {  	[tilespmem:s7], [sflag:$0x2] =	stream.linear.gather [hbm4b:s5+s10], $0x80, $0x38;
	[tilespmem:$0x14C00] =	vst v63  }
0xab: {  	_ =	swait.ge [sflag:s22], $0x80  }
0xac: {  	[sflag:s22] =	ssyncset.done $0x0  }
0xad: {  	s8 =	simm.s32 $0x2080;
	[sflag:s22] =	ssyncadd.s32 $0xFFFFFF80  }
0xae: {  	[tilespmem:s8], [sflag:$0x2] =	stream.linear.gather [hbm4b:s6+s10], $0x80, $0x38;
	[tilespmem:$0x14C00] =	vst v63  }
0xaf: {  	_ =	swait.ge [sflag:s22], $0x80  }
0xb0: {  	[sflag:s22] =	ssyncset.done $0x0  }
0xb1: {  	s7 =	simm.s32 $0x20;
	[sflag:s22] =	ssyncadd.s32 $0xFFFFFF80  }
0xb2: {  	v4 =	vld [tilespmem:s7+$0xFFFFFFE0];
	_ =	sdelay $0x2  }
0xb3: {  	v2 =	vld [tilespmem:$0x2000];
	_ =	sdelay $0x1  }
0xb4: {  	v3 =	vshra.s32 v4, $0x1F  }
0xb5: {  	v3 =	vand.u32 $0x7FFFFFFF, v3  }
0xb6: {  	v5 =	vxor.u32 v4, v3  }
0xb7: {  	vm0 =	veq.s32 v5, v2  }
0xb8: {  	v3 =	vsel vm0, $0x1, v0  }
0xb9: {  	(xrf0) =	vadd.scan.msk.s32 $0xffff, v3;
	_ =	sdelay $0x2  }
0xba: {  	v3 =	vld [tilespmem:$0x2080];
	_ =	sdelay $0x2  }
0xbb: {  	v6, _, _ =	vpop (xrf0)  }
0xbc: {  	v7 =	vadd.s32 s10, v6  }
0xbd: {  	vm1 =	vle.s32 v7, v3  }
0xbe: {  	vm2 =	vgt.s32 v5, v2;
	vm0 =	vmand vm0, vm1  }
0xbf: {  	vm0 =	vmor vm2, vm0  }
0xc0: {  	v7 =	vsel vm0, $0x1, v0  }
0xc1: {  	(xrf0) =	vadd.scan.msk.s32 $0xffff, v7;
	_ =	sdelay $0x5  }
0xc2: {  	v8, _, _ =	vpop (xrf0)  }
0xc3: {  	v7 =	vsub.s32 v8, v7  }
0xc4: {  	v7 =	vadd.s32 s10, v7;
	_ =	sdelay $0x3  }
0xc5: {  	s19 =	sadd.s32 $0xFFFFFFD0, s11  }
0xc6: {  	[tilespmem:v7+s25+$0x0] =	vst.idx.msk vm0, v5;
	v5 =	vor.u32 s19, v1  }
0xc7: {  	[tilespmem:v7+s26+$0x0] =	vst.idx.msk vm0, v5  }
0xc8: {  	[tilespmem:v7+s28+$0x0] =	vst.idx.msk vm0, v4  }
0xc9: {  	(v2sf) =	vpush v6, $0xF;
	v4 =	vld [tilespmem:s7+$0xFFFFFFF0];
	_ =	sdelay $0x4  }
0xca: {  	v5 =	vshra.s32 v4, $0x1F  }
0xcb: {  	v5 =	vand.u32 $0x7FFFFFFF, v5  }
0xcc: {  	v5 =	vxor.u32 v4, v5  }
0xcd: {  	vm7 =	veq.s32 v5, v2  }
0xce: {  	v6 =	vsel vm7, $0x1, v0  }
0xcf: {  	(xrf0) =	vadd.scan.msk.s32 $0xffff, v6;
	_ =	sdelay $0x2  }
0xd0: {  	(v2sf) =	vpush v8, $0xF;
	_ =	sdelay $0x1  }
0xd1: {  	s23 =	spop (v2sf)  }
0xd2: {  	s0 =	sadd.s32 $0x0, s23;
	v6, _, _ =	vpop (xrf0)  }
0xd3: {  	v7 =	vadd.s32 s0, v6  }
0xd4: {  	vm8 =	vle.s32 v7, v3  }
0xd5: {  	vm9 =	vgt.s32 v5, v2;
	vm0 =	vmand vm7, vm8  }
0xd6: {  	vm0 =	vmor vm9, vm0  }
0xd7: {  	v7 =	vsel vm0, $0x1, v0  }
0xd8: {  	(xrf0) =	vadd.scan.msk.s32 $0xffff, v7;
	_ =	sdelay $0x5  }
0xd9: {  	s8 =	spop (v2sf);
	v62, _, _ =	vpop (xrf0)  }
0xda: {  	s8 =	sadd.s32 $0x0, s8;
	v7 =	vsub.s32 v62, v7  }
0xdb: {  	v7 =	vadd.s32 s8, v7;
	_ =	sdelay $0x3  }
0xdc: {  	s19 =	sadd.s32 $0xFFFFFFE0, s11  }
0xdd: {  	[tilespmem:v7+s25+$0x0] =	vst.idx.msk vm0, v5;
	v5 =	vor.u32 s19, v1  }
0xde: {  	[tilespmem:v7+s26+$0x0] =	vst.idx.msk vm0, v5  }
0xdf: {  	[tilespmem:v7+s28+$0x0] =	vst.idx.msk vm0, v4  }
0xe0: {  	(v2sf) =	vpush v6, $0xF;
	v4 =	vld [tilespmem:s7+$0x0];
	_ =	sdelay $0x4  }
0xe1: {  	v5 =	vshra.s32 v4, $0x1F  }
0xe2: {  	v5 =	vand.u32 $0x7FFFFFFF, v5  }
0xe3: {  	v5 =	vxor.u32 v4, v5  }
0xe4: {  	vm10 =	veq.s32 v5, v2  }
0xe5: {  	v6 =	vsel vm10, $0x1, v0  }
0xe6: {  	(xrf0) =	vadd.scan.msk.s32 $0xffff, v6;
	_ =	sdelay $0x2  }
0xe7: {  	(v2sf) =	vpush v62, $0xF;
	_ =	sdelay $0x1  }
0xe8: {  	s24 =	spop (v2sf)  }
0xe9: {  	s0 =	sadd.s32 s0, s24;
	v6, _, _ =	vpop (xrf0)  }
0xea: {  	v7 =	vadd.s32 s0, v6  }
0xeb: {  	vm11 =	vle.s32 v7, v3  }
0xec: {  	vm12 =	vgt.s32 v5, v2;
	vm0 =	vmand vm10, vm11  }
0xed: {  	vm0 =	vmor vm12, vm0  }
0xee: {  	v7 =	vsel vm0, $0x1, v0  }
0xef: {  	(xrf0) =	vadd.scan.msk.s32 $0xffff, v7;
	_ =	sdelay $0x5  }
0xf0: {  	s2 =	spop (v2sf);
	v63, _, _ =	vpop (xrf0)  }
0xf1: {  	s8 =	sadd.s32 s8, s2;
	v7 =	vsub.s32 v63, v7  }
0xf2: {  	v7 =	vadd.s32 s8, v7;
	_ =	sdelay $0x3  }
0xf3: {  	s4 =	sadd.s32 $0xFFFFFFF0, s11  }
0xf4: {  	[tilespmem:v7+s25+$0x0] =	vst.idx.msk vm0, v5;
	v5 =	vor.u32 s4, v1  }
0xf5: {  	[tilespmem:v7+s26+$0x0] =	vst.idx.msk vm0, v5  }
0xf6: {  	[tilespmem:v7+s28+$0x0] =	vst.idx.msk vm0, v4  }
0xf7: {  	(v2sf) =	vpush v6, $0xF;
	v4 =	vld [tilespmem:s7+$0x10];
	_ =	sdelay $0x4  }
0xf8: {  	v5 =	vshra.s32 v4, $0x1F  }
0xf9: {  	v5 =	vand.u32 $0x7FFFFFFF, v5  }
0xfa: {  	v5 =	vxor.u32 v4, v5  }
0xfb: {  	vm13 =	veq.s32 v5, v2  }
0xfc: {  	v6 =	vsel vm13, $0x1, v0  }
0xfd: {  	(xrf0) =	vadd.scan.msk.s32 $0xffff, v6;
	_ =	sdelay $0x2  }
0xfe: {  	(v2sf) =	vpush v63, $0xF;
	_ =	sdelay $0x1  }
0xff: {  	s5 =	spop (v2sf)  }
0x100: {  	s0 =	sadd.s32 s0, s5;
	v6, _, _ =	vpop (xrf0)  }
0x101: {  	v7 =	vadd.s32 s0, v6  }
0x102: {  	vm14 =	vle.s32 v7, v3  }
0x103: {  	vm15 =	vgt.s32 v5, v2;
	vm0 =	vmand vm13, vm14  }
0x104: {  	vm0 =	vmor vm15, vm0  }
0x105: {  	v7 =	vsel vm0, $0x1, v0  }
0x106: {  	(xrf0) =	vadd.scan.msk.s32 $0xffff, v7;
	_ =	sdelay $0x4  }
0x107: {  	s31 =	smov.u32 s17  }
0x108: {  	s17 =	smov.u32 s13;
	s13 =	smov.u32 s6;
	s6 =	spop (v2sf);
	(v2sf) =	vpush v6, $0xF;
	v6, _, _ =	vpop (xrf0)  }
0x109: {  	s8 =	sadd.s32 s8, s6;
	v7 =	vsub.s32 v6, v7;
	(v2sf) =	vpush v6, $0xF  }
0x10a: {  	v6 =	vadd.s32 s8, v7;
	_ =	sdelay $0x4  }
0x10b: {  	v7 =	vor.u32 s11, v1;
	[tilespmem:v6+s25+$0x0] =	vst.idx.msk vm0, v5  }
0x10c: {  	[tilespmem:v6+s26+$0x0] =	vst.idx.msk vm0, v7  }
0x10d: {  	s23 =	simm.s32 $0x60;
	[tilespmem:v6+s28+$0x0] =	vst.idx.msk vm0, v4  }
0x10e: {  	v4 =	vld [tilespmem:s23+$0xFFFFFFE0];
	_ =	sdelay $0x4  }
0x10f: {  	s24 =	simm.s32 $0x4;
	s19 =	spop (v2sf);
	v5 =	vshra.s32 v4, $0x1F  }
0x110: {  	s7 =	sadd.s32 s0, s19;
	s19 =	smov.u32 s11;
	v5 =	vand.u32 $0x7FFFFFFF, v5;
	s0 =	spop (v2sf)  }
.LBB2_3:
0x111: {  	s24 =	sadd.s32 $0x4, s24;
	v5 =	vxor.u32 v4, v5;
	s8 =	sadd.s32 s8, s0;
	s19 =	sadd.s32 $0x40, s19  }
0x112: {  	p2 =	slt.u32 s24, $0x1FC;
	vm0 =	veq.s32 v5, v2  }
0x113: {  	v6 =	vsel vm0, $0x1, v0  }
0x114: {  	(xrf0) =	vadd.scan.msk.s32 $0xffff, v6;
	_ =	sdelay $0x5  }
0x115: {  	v6, _, _ =	vpop (xrf0)  }
0x116: {  	v7 =	vadd.s32 s7, v6;
	(v2sf) =	vpush v6, $0xF  }
0x117: {  	vm1 =	vle.s32 v7, v3  }
0x118: {  	vm2 =	vgt.s32 v5, v2;
	vm0 =	vmand vm0, vm1  }
0x119: {  	vm0 =	vmor vm2, vm0  }
0x11a: {  	v6 =	vsel vm0, $0x1, v0  }
0x11b: {  	(xrf0) =	vadd.scan.msk.s32 $0xffff, v6;
	_ =	sdelay $0x5  }
0x11c: {  	v7, _, _ =	vpop (xrf0)  }
0x11d: {  	v6 =	vsub.s32 v7, v6;
	(v2sf) =	vpush v7, $0xF  }
0x11e: {  	v6 =	vadd.s32 s8, v6;
	_ =	sdelay $0x1  }
0x11f: {  	s0 =	spop (v2sf);
	_ =	sdelay $0x1  }
0x120: {  	s4 =	sadd.s32 $0xFFFFFFD0, s19  }
0x121: {  	v7 =	vor.u32 s4, v1;
	[tilespmem:v6+s25+$0x0] =	vst.idx.msk vm0, v5  }
0x122: {  	[tilespmem:v6+s26+$0x0] =	vst.idx.msk vm0, v7  }
0x123: {  	[tilespmem:v6+s28+$0x0] =	vst.idx.msk vm0, v4  }
0x124: {  	v4 =	vld [tilespmem:s23+$0xFFFFFFF0];
	_ =	sdelay $0x4  }
0x125: {  	v5 =	vshra.s32 v4, $0x1F  }
0x126: {  	v5 =	vand.u32 $0x7FFFFFFF, v5;
	s4 =	spop (v2sf)  }
0x127: {  	v5 =	vxor.u32 v4, v5  }
0x128: {  	vm0 =	veq.s32 v5, v2  }
0x129: {  	v6 =	vsel vm0, $0x1, v0  }
0x12a: {  	(xrf0) =	vadd.scan.msk.s32 $0xffff, v6;
	_ =	sdelay $0x5  }
0x12b: {  	s0 =	sadd.s32 s7, s0;
	v6, _, _ =	vpop (xrf0)  }
0x12c: {  	v7 =	vadd.s32 s0, v6;
	(v2sf) =	vpush v6, $0xF  }
0x12d: {  	vm1 =	vle.s32 v7, v3  }
0x12e: {  	vm2 =	vgt.s32 v5, v2;
	vm0 =	vmand vm0, vm1  }
0x12f: {  	vm0 =	vmor vm2, vm0  }
0x130: {  	v6 =	vsel vm0, $0x1, v0  }
0x131: {  	(xrf0) =	vadd.scan.msk.s32 $0xffff, v6;
	_ =	sdelay $0x5  }
0x132: {  	v7, _, _ =	vpop (xrf0)  }
0x133: {  	s4 =	sadd.s32 s8, s4;
	v6 =	vsub.s32 v7, v6;
	(v2sf) =	vpush v7, $0xF  }
0x134: {  	v6 =	vadd.s32 s4, v6;
	_ =	sdelay $0x1  }
0x135: {  	s7 =	spop (v2sf)  }
0x136: {  	s8 =	sadd.s32 s0, s7  }
0x137: {  	s0 =	sadd.s32 $0xFFFFFFE0, s19  }
0x138: {  	v7 =	vor.u32 s0, v1;
	[tilespmem:v6+s25+$0x0] =	vst.idx.msk vm0, v5  }
0x139: {  	[tilespmem:v6+s26+$0x0] =	vst.idx.msk vm0, v7  }
0x13a: {  	[tilespmem:v6+s28+$0x0] =	vst.idx.msk vm0, v4  }
0x13b: {  	v4 =	vld [tilespmem:s23+$0x0];
	_ =	sdelay $0x4  }
0x13c: {  	v5 =	vshra.s32 v4, $0x1F  }
0x13d: {  	v5 =	vand.u32 $0x7FFFFFFF, v5;
	s0 =	spop (v2sf)  }
0x13e: {  	s7 =	sadd.s32 s4, s0;
	v5 =	vxor.u32 v4, v5  }
0x13f: {  	vm0 =	veq.s32 v5, v2  }
0x140: {  	v6 =	vsel vm0, $0x1, v0  }
0x141: {  	(xrf0) =	vadd.scan.msk.s32 $0xffff, v6;
	_ =	sdelay $0x5  }
0x142: {  	v6, _, _ =	vpop (xrf0)  }
0x143: {  	v7 =	vadd.s32 s8, v6;
	(v2sf) =	vpush v6, $0xF  }
0x144: {  	vm1 =	vle.s32 v7, v3  }
0x145: {  	vm2 =	vgt.s32 v5, v2;
	vm0 =	vmand vm0, vm1  }
0x146: {  	vm0 =	vmor vm2, vm0  }
0x147: {  	v6 =	vsel vm0, $0x1, v0  }
0x148: {  	(xrf0) =	vadd.scan.msk.s32 $0xffff, v6;
	_ =	sdelay $0x5  }
0x149: {  	v7, _, _ =	vpop (xrf0)  }
0x14a: {  	v6 =	vsub.s32 v7, v6;
	(v2sf) =	vpush v7, $0xF  }
0x14b: {  	v6 =	vadd.s32 s7, v6;
	_ =	sdelay $0x1  }
0x14c: {  	s0 =	spop (v2sf);
	_ =	sdelay $0x1  }
0x14d: {  	s4 =	sadd.s32 $0xFFFFFFF0, s19  }
0x14e: {  	v7 =	vor.u32 s4, v1;
	[tilespmem:v6+s25+$0x0] =	vst.idx.msk vm0, v5  }
0x14f: {  	[tilespmem:v6+s26+$0x0] =	vst.idx.msk vm0, v7  }
0x150: {  	[tilespmem:v6+s28+$0x0] =	vst.idx.msk vm0, v4  }
0x151: {  	v4 =	vld [tilespmem:s23+$0x10];
	_ =	sdelay $0x4  }
0x152: {  	v5 =	vshra.s32 v4, $0x1F  }
0x153: {  	v5 =	vand.u32 $0x7FFFFFFF, v5;
	s4 =	spop (v2sf)  }
0x154: {  	v5 =	vxor.u32 v4, v5  }
0x155: {  	vm0 =	veq.s32 v5, v2  }
0x156: {  	v6 =	vsel vm0, $0x1, v0  }
0x157: {  	(xrf0) =	vadd.scan.msk.s32 $0xffff, v6;
	_ =	sdelay $0x5  }
0x158: {  	s0 =	sadd.s32 s8, s0;
	v6, _, _ =	vpop (xrf0)  }
0x159: {  	v7 =	vadd.s32 s0, v6;
	(v2sf) =	vpush v6, $0xF  }
0x15a: {  	vm1 =	vle.s32 v7, v3  }
0x15b: {  	vm2 =	vgt.s32 v5, v2;
	vm0 =	vmand vm0, vm1  }
0x15c: {  	vm0 =	vmor vm2, vm0  }
0x15d: {  	v6 =	vsel vm0, $0x1, v0  }
0x15e: {  	(xrf0) =	vadd.scan.msk.s32 $0xffff, v6;
	_ =	sdelay $0x5  }
0x15f: {  	v7, _, _ =	vpop (xrf0)  }
0x160: {  	s8 =	sadd.s32 s7, s4;
	v6 =	vsub.s32 v7, v6;
	(v2sf) =	vpush v7, $0xF  }
0x161: {  	v6 =	vadd.s32 s8, v6;
	_ =	sdelay $0x1  }
0x162: {  	s4 =	spop (v2sf)  }
0x163: {  	s7 =	sadd.s32 s0, s4;
	_ =	sdelay $0x1  }
0x164: {  	v7 =	vor.u32 s19, v1;
	[tilespmem:v6+s25+$0x0] =	vst.idx.msk vm0, v5  }
0x165: {  	[tilespmem:v6+s26+$0x0] =	vst.idx.msk vm0, v7  }
0x166: {  	s23 =	sadd.s32 $0x40, s23;
	[tilespmem:v6+s28+$0x0] =	vst.idx.msk vm0, v4  }
0x167: {  	v4 =	vld [tilespmem:s23+$0xFFFFFFE0];
	_ =	sdelay $0x1  }
.Ltmp3:
0x168: {  	(pc) =	sbr.rel @p2 .LBB2_3-.Ltmp3, $3  }
0x169: {  	_ =	sdelay $0x1  }
0x16a: {  	v5 =	vshra.s32 v4, $0x1F  }
0x16b: {  	v5 =	vand.u32 $0x7FFFFFFF, v5;
	s0 =	spop (v2sf)  }
0x16c: {  	v5 =	vxor.u32 v4, v5  }
0x16d: {  	vm0 =	veq.s32 v5, v2  }
0x16e: {  	v6 =	vsel vm0, $0x1, v0  }
0x16f: {  	(xrf0) =	vadd.scan.msk.s32 $0xffff, v6;
	_ =	sdelay $0x5  }
0x170: {  	v6, _, _ =	vpop (xrf0)  }
0x171: {  	v7 =	vadd.s32 s7, v6  }
0x172: {  	vm1 =	vle.s32 v7, v3  }
0x173: {  	vm2 =	vgt.s32 v5, v2;
	vm0 =	vmand vm0, vm1  }
0x174: {  	vm0 =	vmor vm2, vm0  }
0x175: {  	v47 =	vsel vm0, $0x1, v0  }
0x176: {  	(xrf0) =	vadd.scan.msk.s32 $0xffff, v47;
	_ =	sdelay $0x5  }
0x177: {  	v8, _, _ =	vpop (xrf0)  }
0x178: {  	s0 =	sadd.s32 s8, s0;
	v7 =	vsub.s32 v8, v47  }
0x179: {  	v7 =	vadd.s32 s0, v7;
	_ =	sdelay $0x2  }
0x17a: {  	s8 =	sadd.s32 $0x40, s19  }
0x17b: {  	s4 =	sadd.s32 $0xFFFFFFD0, s8  }
0x17c: {  	v48 =	vor.u32 s4, v1;
	[tilespmem:v7+s25+$0x0] =	vst.idx.msk vm0, v5  }
0x17d: {  	[tilespmem:v7+s26+$0x0] =	vst.idx.msk vm0, v48  }
0x17e: {  	[tilespmem:v7+s28+$0x0] =	vst.idx.msk vm0, v4  }
0x17f: {  	(v2sf) =	vpush v6, $0xF;
	v4 =	vld [tilespmem:s23+$0xFFFFFFF0];
	_ =	sdelay $0x4  }
0x180: {  	v49 =	vshra.s32 v4, $0x1F  }
0x181: {  	v5 =	vand.u32 $0x7FFFFFFF, v49  }
0x182: {  	v5 =	vxor.u32 v4, v5  }
0x183: {  	vm7 =	veq.s32 v5, v2  }
0x184: {  	v50 =	vsel vm7, $0x1, v0  }
0x185: {  	(xrf0) =	vadd.scan.msk.s32 $0xffff, v50;
	_ =	sdelay $0x2  }
0x186: {  	(v2sf) =	vpush v8, $0xF;
	_ =	sdelay $0x1  }
0x187: {  	s5 =	spop (v2sf)  }
0x188: {  	s4 =	sadd.s32 s7, s5;
	v6, _, _ =	vpop (xrf0)  }
0x189: {  	v51 =	vadd.s32 s4, v6  }
0x18a: {  	vm8 =	vle.s32 v51, v3  }
0x18b: {  	vm9 =	vgt.s32 v5, v2;
	vm0 =	vmand vm7, vm8  }
0x18c: {  	vm0 =	vmor vm9, vm0  }
0x18d: {  	v52 =	vsel vm0, $0x1, v0  }
0x18e: {  	(xrf0) =	vadd.scan.msk.s32 $0xffff, v52;
	_ =	sdelay $0x5  }
0x18f: {  	s6 =	spop (v2sf);
	v53, _, _ =	vpop (xrf0)  }
0x190: {  	s0 =	sadd.s32 s0, s6;
	v7 =	vsub.s32 v53, v52  }
0x191: {  	v7 =	vadd.s32 s0, v7;
	_ =	sdelay $0x3  }
0x192: {  	s19 =	sadd.s32 $0xFFFFFFE0, s8  }
0x193: {  	v54 =	vor.u32 s19, v1;
	[tilespmem:v7+s25+$0x0] =	vst.idx.msk vm0, v5  }
0x194: {  	[tilespmem:v7+s26+$0x0] =	vst.idx.msk vm0, v54  }
0x195: {  	[tilespmem:v7+s28+$0x0] =	vst.idx.msk vm0, v4  }
0x196: {  	(v2sf) =	vpush v6, $0xF;
	v4 =	vld [tilespmem:s23+$0x0];
	_ =	sdelay $0x4  }
0x197: {  	v55 =	vshra.s32 v4, $0x1F  }
0x198: {  	v5 =	vand.u32 $0x7FFFFFFF, v55  }
0x199: {  	v5 =	vxor.u32 v4, v5  }
0x19a: {  	vm10 =	veq.s32 v5, v2  }
0x19b: {  	v56 =	vsel vm10, $0x1, v0  }
0x19c: {  	(xrf0) =	vadd.scan.msk.s32 $0xffff, v56;
	_ =	sdelay $0x2  }
0x19d: {  	(v2sf) =	vpush v53, $0xF;
	_ =	sdelay $0x1  }
0x19e: {  	s24 =	spop (v2sf)  }
0x19f: {  	s4 =	sadd.s32 s4, s24;
	v6, _, _ =	vpop (xrf0)  }
0x1a0: {  	v57 =	vadd.s32 s4, v6  }
0x1a1: {  	vm11 =	vle.s32 v57, v3  }
0x1a2: {  	vm12 =	vgt.s32 v5, v2;
	vm0 =	vmand vm10, vm11  }
0x1a3: {  	vm0 =	vmor vm12, vm0  }
0x1a4: {  	v58 =	vsel vm0, $0x1, v0  }
0x1a5: {  	(xrf0) =	vadd.scan.msk.s32 $0xffff, v58;
	_ =	sdelay $0x5  }
0x1a6: {  	s2 =	spop (v2sf);
	v59, _, _ =	vpop (xrf0)  }
0x1a7: {  	s0 =	sadd.s32 s0, s2;
	v7 =	vsub.s32 v59, v58  }
0x1a8: {  	v7 =	vadd.s32 s0, v7;
	_ =	sdelay $0x3  }
0x1a9: {  	s5 =	sadd.s32 $0xFFFFFFF0, s8  }
0x1aa: {  	v60 =	vor.u32 s5, v1;
	[tilespmem:v7+s25+$0x0] =	vst.idx.msk vm0, v5  }
0x1ab: {  	[tilespmem:v7+s26+$0x0] =	vst.idx.msk vm0, v60  }
0x1ac: {  	[tilespmem:v7+s28+$0x0] =	vst.idx.msk vm0, v4  }
0x1ad: {  	(v2sf) =	vpush v6, $0xF;
	v4 =	vld [tilespmem:s23+$0x10];
	_ =	sdelay $0x4  }
0x1ae: {  	v61 =	vshra.s32 v4, $0x1F  }
0x1af: {  	v5 =	vand.u32 $0x7FFFFFFF, v61  }
0x1b0: {  	v5 =	vxor.u32 v4, v5  }
0x1b1: {  	vm13 =	veq.s32 v5, v2  }
0x1b2: {  	v62 =	vsel vm13, $0x1, v0  }
0x1b3: {  	(xrf0) =	vadd.scan.msk.s32 $0xffff, v62;
	_ =	sdelay $0x4  }
0x1b4: {  	s6 =	spop (v2sf)  }
0x1b5: {  	s4 =	sadd.s32 s4, s6;
	v6, _, _ =	vpop (xrf0)  }
0x1b6: {  	v63 =	vadd.s32 s4, v6  }
0x1b7: {  	vm14 =	vle.s32 v63, v3  }
0x1b8: {  	vm15 =	vgt.s32 v5, v2;
	vm0 =	vmand vm13, vm14  }
0x1b9: {  	(v2sf) =	vpush v59, $0xF;
	vm0 =	vmor vm15, vm0  }
0x1ba: {  	v2 =	vsel vm0, $0x1, v0  }
0x1bb: {  	(xrf0) =	vadd.scan.msk.s32 $0xffff, v2;
	_ =	sdelay $0x5  }
0x1bc: {  	(v2sf) =	vpush v6, $0xF;
	v3, _, _ =	vpop (xrf0)  }
0x1bd: {  	(v2sf) =	vpush v3, $0xF;
	_ =	sdelay $0x5  }
0x1be: {  	s19 =	spop (v2sf)  }
0x1bf: {  	s0 =	sadd.s32 s0, s19;
	v2 =	vsub.s32 v3, v2  }
0x1c0: {  	v2 =	vadd.s32 s0, v2;
	_ =	sdelay $0x4  }
0x1c1: {  	v3 =	vor.u32 s8, v1;
	[tilespmem:v2+s25+$0x0] =	vst.idx.msk vm0, v5  }
0x1c2: {  	s23 =	spop (v2sf);
	[tilespmem:v2+s26+$0x0] =	vst.idx.msk vm0, v3  }
0x1c3: {  	[tilespmem:v2+s28+$0x0] =	vst.idx.msk vm0, v4;
	s24 =	spop (v2sf)  }
.LBB2_5:
0x1c4: {  	s19 =	sand.u32 $0x1F0, s10  }
0x1c5: {  	v2 =	vld [tilespmem:s19+$0x2100];
	_ =	sdelay $0x1  }
0x1c6: {  	s0 =	sand.u32 $0xF, s10  }
0x1c7: {  	v3 =	vmov s0  }
0x1c8: {  	vm0 =	veq.s32 v3, v1  }
0x1c9: {  	v2 =	vnsel vm0, $0x0, v2  }
0x1ca: {  	(xrf0) =	vadd.scan.msk.s32 $0xffff, v2;
	_ =	sdelay $0x2  }
0x1cb: {  	s0 =	simm.s32 $0x2140  }
0x1cc: {  	v3 =	vimm.s32 $0x0;
	v4 =	vld [tilespmem:s0+$0xFFFFFFC0]  }
0x1cd: {  	s23 =	simm.s32 $0x70;
	v3 =	vsel vm0, $0xFFFFFFFF, v3  }
0x1ce: {  	v5 =	vimm.s32 $0x0;
	s4 =	simm.s32 $0x60;
	v6 =	vor.u32 s23, v1;
	[tilespmem:$0x1FFF0] =	vst v3;
	v3 =	vmov s10;
	v2, _, _ =	vpop (xrf0)  }
0x1cf: {  	s7 =	simm.s32 $0x30;
	s8 =	simm.s32 $0x40;
	s2 =	simm.s32 $0x0;
	v7 =	vor.u32 s4, v1;
	vm1 =	vlt.u32 v6, v3;
	v6 =	vld [tilespmem:s0+$0xFFFFFFD0];
	v2 =	vbroadcast v2, $0xF  }
0x1d0: {  	s24 =	simm.s32 $0x50;
	v8 =	vor.u32 s7, v1;
	v9 =	vor.u32 s8, v1;
	v12 =	vor.u32 s2, v1  }
0x1d1: {  	s5 =	simm.s32 $0x10;
	v10 =	vor.u32 s24, v1;
	v11 =	vld [tilespmem:s0+$0xFFFFFFE0];
	vm2 =	vlt.u32 v12, v3;
	vm4 =	veq.s32 v4, v2  }
0x1d2: {  	s6 =	simm.s32 $0x20;
	v13 =	vor.u32 s5, v1;
	vm2 =	vmand vm2, vm4;
	vm4 =	vgt.s32 v4, v2  }
0x1d3: {  	v14 =	vor.u32 s6, v1;
	vm6 =	vlt.u32 v13, v3;
	v56 =	vsel vm4, $0x1, v0  }
0x1d4: {  	v4 =	vld [tilespmem:s0+$0xFFFFFFF0];
	v57 =	vsel vm2, $0x1, v0;
	vm2 =	veq.s32 v6, v2;
	vm4 =	vgt.s32 v6, v2  }
0x1d5: {  	vm3 =	vlt.u32 v9, v3;
	vm2 =	vmand vm6, vm2;
	v6 =	vsel vm4, $0x1, v0  }
0x1d6: {  	vm4 =	vgt.s32 v11, v2;
	v5 =	vadd.s32 v56, v5;
	v58 =	vsel vm2, $0x1, v0  }
0x1d7: {  	v59 =	vld [tilespmem:s0+$0x0];
	vm2 =	vlt.u32 v14, v3;
	v60 =	vsel vm4, $0x1, v0;
	vm4 =	veq.s32 v11, v2  }
0x1d8: {  	v5 =	vadd.s32 v57, v5;
	vm2 =	vmand vm2, vm4;
	vm4 =	vlt.u32 v8, v3  }
0x1d9: {  	v62 =	vld [tilespmem:s0+$0x10];
	v5 =	vadd.s32 v6, v5;
	v61 =	vsel vm2, $0x1, v0;
	vm2 =	vgt.s32 v4, v2  }
0x1da: {  	v8 =	vld [tilespmem:s0+$0x20];
	v5 =	vadd.s32 v58, v5;
	v6 =	vsel vm2, $0x1, v0;
	vm2 =	veq.s32 v4, v2  }
0x1db: {  	v5 =	vadd.s32 v60, v5;
	vm4 =	vmand vm4, vm2;
	vm2 =	vlt.u32 v7, v3  }
0x1dc: {  	v4 =	vld [tilespmem:s0+$0x30];
	v5 =	vadd.s32 v61, v5;
	v7 =	vsel vm4, $0x1, v0;
	vm4 =	vgt.s32 v59, v2  }
0x1dd: {  	v5 =	vadd.s32 v6, v5;
	v63 =	vsel vm4, $0x1, v0;
	vm4 =	veq.s32 v59, v2  }
0x1de: {  	vm5 =	vlt.u32 v10, v3;
	v5 =	vadd.s32 v7, v5;
	vm3 =	vmand vm3, vm4  }
0x1df: {  	vm4 =	vgt.s32 v8, v2;
	v6 =	vsel vm3, $0x1, v0;
	vm3 =	vgt.s32 v62, v2  }
0x1e0: {  	v5 =	vadd.s32 v63, v5;
	v7 =	vsel vm3, $0x1, v0;
	vm3 =	veq.s32 v62, v2  }
0x1e1: {  	v6 =	vadd.s32 v6, v5;
	vm5 =	vmand vm5, vm3;
	vm3 =	vgt.s32 v4, v2  }
0x1e2: {  	s7 =	simm.s32 $0x0;
	s24 =	simm.s32 $0x21C0;
	v6 =	vadd.s32 v7, v6;
	v5 =	vsel vm5, $0x1, v0;
	vm5 =	veq.s32 v8, v2  }
.LBB2_6:
0x1e3: {  	v7 =	vld [tilespmem:s24+$0x30];
	v5 =	vadd.s32 v5, v6;
	v6 =	vsel vm4, $0x1, v0;
	vm2 =	vmand vm2, vm5  }
0x1e4: {  	v8 =	vld [tilespmem:s24+$0x20];
	v9 =	vsel vm2, $0x1, v0;
	v5 =	vadd.s32 v6, v5;
	vm2 =	veq.s32 v4, v2  }
0x1e5: {  	s23 =	sadd.s32 $0x80, s23;
	v6 =	vld [tilespmem:s24+$0x10];
	v4 =	vadd.s32 v9, v5;
	v5 =	vsel vm3, $0x1, v0;
	vm1 =	vmand vm1, vm2  }
0x1e6: {  	s0 =	sadd.s32 $0xFFFFFFF0, s23;
	v10 =	vor.u32 s23, v1;
	v9 =	vld [tilespmem:s24+$0x0];
	v11 =	vsel vm1, $0x1, v0;
	v16 =	vadd.s32 v5, v4  }
0x1e7: {  	s4 =	sadd.s32 $0xFFFFFFC0, s23;
	s5 =	sadd.s32 $0xFFFFFFD0, s23;
	s6 =	sadd.s32 $0xFFFFFFE0, s23;
	v12 =	vor.u32 s0, v1;
	vm1 =	vlt.u32 v10, v3;
	v5 =	vld [tilespmem:s24+$0xFFFFFFF0];
	v10 =	vadd.s32 v11, v16  }
0x1e8: {  	s8 =	sadd.s32 $0xFFFFFFA0, s23;
	s2 =	sadd.s32 $0xFFFFFFB0, s23;
	s0 =	sadd.s32 $0xFFFFFF90, s23;
	v13 =	vor.u32 s4, v1;
	v14 =	vor.u32 s5, v1;
	v15 =	vor.u32 s6, v1;
	v11 =	vld [tilespmem:s24+$0xFFFFFFE0];
	v4 =	vmovc v7  }
0x1e9: {  	s7 =	sadd.s32 $0x8, s7;
	v17 =	vor.u32 s8, v1;
	v18 =	vor.u32 s2, v1;
	v16 =	vor.u32 s0, v1;
	v7 =	vld [tilespmem:s24+$0xFFFFFFC0]  }
0x1ea: {  	p2 =	slt.u32 s7, $0x18;
	vm6 =	vlt.u32 v14, v3;
	vm5 =	vlt.u32 v15, v3;
	vm2 =	vlt.u32 v12, v3;
	v19 =	vld [tilespmem:s24+$0xFFFFFFD0]  }
0x1eb: {  	vm12 =	vlt.u32 v17, v3;
	vm10 =	vlt.u32 v18, v3;
	vm8 =	vlt.u32 v13, v3  }
0x1ec: {  	vm13 =	vlt.u32 v16, v3;
	vm4 =	vgt.s32 v8, v2;
	vm3 =	vgt.s32 v4, v2  }
0x1ed: {  	vm7 =	vgt.s32 v6, v2;
	vm9 =	vgt.s32 v9, v2;
	vm11 =	vgt.s32 v5, v2  }
0x1ee: {  	vm0 =	vgt.s32 v11, v2;
	vm14 =	vgt.s32 v7, v2;
	vm15 =	veq.s32 v7, v2  }
0x1ef: {  	v7 =	vsel vm14, $0x1, v0;
	vm13 =	vmand vm13, vm15;
	vm14 =	vgt.s32 v19, v2  }
0x1f0: {  	v12 =	vsel vm13, $0x1, v0;
	v7 =	vadd.s32 v7, v10;
	vm13 =	veq.s32 v19, v2  }
0x1f1: {  	v10 =	vsel vm14, $0x1, v0;
	v7 =	vadd.s32 v12, v7;
	vm12 =	vmand vm12, vm13  }
0x1f2: {  	v12 =	vsel vm12, $0x1, v0;
	v7 =	vadd.s32 v10, v7;
	vm12 =	veq.s32 v11, v2  }
0x1f3: {  	v10 =	vsel vm0, $0x1, v0;
	v7 =	vadd.s32 v12, v7;
	vm0 =	vmand vm10, vm12  }
0x1f4: {  	v11 =	vsel vm0, $0x1, v0;
	v7 =	vadd.s32 v10, v7;
	vm0 =	veq.s32 v5, v2  }
0x1f5: {  	v5 =	vadd.s32 v11, v7;
	v7 =	vsel vm11, $0x1, v0;
	vm0 =	vmand vm8, vm0  }
.Ltmp4:
0x1f6: {  	v10 =	vsel vm0, $0x1, v0;
	v5 =	vadd.s32 v7, v5;
	vm0 =	veq.s32 v9, v2;
	(pc) =	sbr.rel @p2 .LBB2_6-.Ltmp4, $4  }
0x1f7: {  	v7 =	vsel vm9, $0x1, v0;
	v5 =	vadd.s32 v10, v5;
	vm0 =	vmand vm6, vm0  }
0x1f8: {  	v9 =	vsel vm0, $0x1, v0;
	v5 =	vadd.s32 v7, v5;
	vm0 =	veq.s32 v6, v2  }
0x1f9: {  	v7 =	vsel vm7, $0x1, v0;
	v6 =	vadd.s32 v9, v5;
	vm0 =	vmand vm5, vm0  }
0x1fa: {  	s24 =	sadd.s32 $0x80, s24;
	vm5 =	veq.s32 v8, v2;
	v5 =	vsel vm0, $0x1, v0;
	v6 =	vadd.s32 v7, v6  }
0x1fb: {  	v3 =	vadd.s32 v5, v6;
	v59 =	vsel vm4, $0x1, v0;
	vm0 =	vmand vm2, vm5  }
0x1fc: {  	vm14 =	veq.s32 v4, v2;
	v3 =	vadd.s32 v59, v3;
	v61 =	vsel vm0, $0x1, v0  }
0x1fd: {  	vm0 =	vmand vm1, vm14;
	v2 =	vadd.s32 v61, v3;
	v3 =	vsel vm3, $0x1, v0  }
0x1fe: {  	v62 =	vsel vm0, $0x1, v0;
	v2 =	vadd.s32 v3, v2  }
0x1ff: {  	v2 =	vadd.s32 v62, v2  }
0x200: {  	(xrf0) =	vadd.scan.msk.s32 $0xffff, v2;
	v2 =	vld [tilespmem:$0x1FFF0]  }
0x201: {  	v60 =	vld [tilespmem:s19+$0x2500];
	_ =	sdelay $0x2  }
0x202: {  	v3 =	vld [tilespmem:s19+$0x2300]  }
0x203: {  	vm15 =	vnez.u8 v2  }
0x204: {  	v2 =	vnsel vm15, $0x0, v60  }
0x205: {  	(xrf2) =	vadd.scan.msk.f32 $0xffff, v2;
	_ =	sdelay $0x1  }
0x206: {  	v2 =	vnsel vm15, $0x0, v3  }
0x207: {  	(xrf0) =	vadd.scan.msk.s32 $0xffff, v2;
	_ =	sdelay $0x1  }
0x208: {  	v2, _, _ =	vpop (xrf0)  }
0x209: {  	v2 =	vbroadcast v2, $0xF  }
0x20a: {  	s10 =	sadd.s32 $0x1, s10  }
0x20b: {  	p2 =	sne.s32 s10, $0x200  }
.Ltmp5:
0x20c: {  	v3, _, _ =	vpop (xrf0);
	(pc) =	sbr.rel @p2 .LBB2_5-.Ltmp5, $4  }
0x20d: {  	v3 =	vbroadcast v3, $0xF;
	v63, _, _ =	vpop (xrf2)  }
0x20e: {  	v4 =	vbroadcast v63, $0xF  }
0x20f: {  	[tilespmem:v2+s29+$0x0] =	vst.idx.msk $0x1, v3  }
0x210: {  	[tilespmem:v2+s30+$0x0] =	vst.idx.msk $0x1, v4  }
0x211: {  	s0 =	rddreg [dreg:$0x6]  }
0x212: {  	[hbm4b:s0+s3] =	stream.linear.scatter [tilespmem:s29], [sflag:$0x2], $0x200, $0x38;
	[tilespmem:$0x14C00] =	vst v63  }
0x213: {  	_ =	swait.ge [sflag:s22], $0x200  }
0x214: {  	s5 =	smov.u32 s12;
	[sflag:s22] =	ssyncset.done $0x0  }
0x215: {  	s6 =	smov.u32 s13;
	s24 =	rddreg [dreg:$0x7];
	[sflag:s22] =	ssyncadd.s32 $0xFFFFFE00  }
0x216: {  	[hbm4b:s24+s3] =	stream.linear.scatter [tilespmem:s30], [sflag:$0x2], $0x200, $0x38;
	[tilespmem:$0x14C00] =	vst v63  }
0x217: {  	s12 =	smov.u32 s16;
	s13 =	smov.u32 s17;
	_ =	swait.ge [sflag:s22], $0x200  }
0x218: {  	s16 =	smov.u32 s18;
	s17 =	smov.u32 s31;
	[sflag:s22] =	ssyncset.done $0x0  }
0x219: {  	s31 =	simm.s32 $0x2B00;
	s18 =	rddreg [dreg:$0xa];
	[sflag:s22] =	ssyncadd.s32 $0xFFFFFE00  }
.LBB2_9:
.Ltmp6:
0x21a: {  	(pc) =	sbr.rel @p1 .LBB2_17-.Ltmp6, $1  }
0x21b: {  	_ =	sdelay $0x3  }
0x21c: {  	s10 =	simm.s32 $0x0;
	s0 =	simm.s32 $0x80;
	s2 =	simm.s32 $0x400  }
0x21d: {  	[tilespmem:s10], [sflag:$0x2] =	stream.strided.gather [hbm4b:s5+s0], $0x2000, s2, s0, $0x38;
	[tilespmem:$0x14C00] =	vst v63  }
0x21e: {  	_ =	swait.ge [sflag:s22], $0x2000  }
0x21f: {  	[sflag:s22] =	ssyncset.done $0x0  }
0x220: {  	s7 =	simm.s32 $0x2000;
	s4 =	rddreg [dreg:$0x5];
	[sflag:s22] =	ssyncadd.s32 $0xFFFFE000  }
0x221: {  	[tilespmem:s7], [sflag:$0x2] =	stream.linear.gather [hbm4b:s4+s10], $0x80, $0x38;
	[tilespmem:$0x14C00] =	vst v63  }
0x222: {  	_ =	swait.ge [sflag:s22], $0x80  }
0x223: {  	[sflag:s22] =	ssyncset.done $0x0  }
0x224: {  	s8 =	simm.s32 $0x2080;
	[sflag:s22] =	ssyncadd.s32 $0xFFFFFF80  }
0x225: {  	[tilespmem:s8], [sflag:$0x2] =	stream.linear.gather [hbm4b:s6+s10], $0x80, $0x38;
	[tilespmem:$0x14C00] =	vst v63  }
0x226: {  	_ =	swait.ge [sflag:s22], $0x80  }
0x227: {  	[sflag:s22] =	ssyncset.done $0x0  }
0x228: {  	s7 =	simm.s32 $0x20;
	[sflag:s22] =	ssyncadd.s32 $0xFFFFFF80  }
0x229: {  	v4 =	vld [tilespmem:s7+$0xFFFFFFE0];
	_ =	sdelay $0x2  }
0x22a: {  	v2 =	vld [tilespmem:$0x2000];
	_ =	sdelay $0x1  }
0x22b: {  	v3 =	vshra.s32 v4, $0x1F  }
0x22c: {  	v3 =	vand.u32 $0x7FFFFFFF, v3  }
0x22d: {  	v5 =	vxor.u32 v4, v3  }
0x22e: {  	vm0 =	veq.s32 v5, v2  }
0x22f: {  	v3 =	vsel vm0, $0x1, v0  }
0x230: {  	(xrf0) =	vadd.scan.msk.s32 $0xffff, v3;
	_ =	sdelay $0x2  }
0x231: {  	v3 =	vld [tilespmem:$0x2080];
	_ =	sdelay $0x2  }
0x232: {  	v6, _, _ =	vpop (xrf0)  }
0x233: {  	v7 =	vadd.s32 s10, v6  }
0x234: {  	vm1 =	vle.s32 v7, v3  }
0x235: {  	vm2 =	vgt.s32 v5, v2;
	vm0 =	vmand vm0, vm1  }
0x236: {  	vm0 =	vmor vm2, vm0  }
0x237: {  	v7 =	vsel vm0, $0x1, v0  }
0x238: {  	(xrf0) =	vadd.scan.msk.s32 $0xffff, v7;
	_ =	sdelay $0x5  }
0x239: {  	v8, _, _ =	vpop (xrf0)  }
0x23a: {  	v7 =	vsub.s32 v8, v7  }
0x23b: {  	v7 =	vadd.s32 s10, v7;
	_ =	sdelay $0x4  }
0x23c: {  	[tilespmem:v7+s25+$0x0] =	vst.idx.msk vm0, v5;
	v5 =	vor.u32 s9, v1  }
0x23d: {  	[tilespmem:v7+s26+$0x0] =	vst.idx.msk vm0, v5  }
0x23e: {  	[tilespmem:v7+s28+$0x0] =	vst.idx.msk vm0, v4  }
0x23f: {  	(v2sf) =	vpush v6, $0xF;
	v4 =	vld [tilespmem:s7+$0xFFFFFFF0];
	_ =	sdelay $0x4  }
0x240: {  	v5 =	vshra.s32 v4, $0x1F  }
0x241: {  	v5 =	vand.u32 $0x7FFFFFFF, v5  }
0x242: {  	v5 =	vxor.u32 v4, v5  }
0x243: {  	vm7 =	veq.s32 v5, v2  }
0x244: {  	v6 =	vsel vm7, $0x1, v0  }
0x245: {  	(xrf0) =	vadd.scan.msk.s32 $0xffff, v6;
	_ =	sdelay $0x2  }
0x246: {  	(v2sf) =	vpush v8, $0xF;
	_ =	sdelay $0x1  }
0x247: {  	s19 =	spop (v2sf)  }
0x248: {  	s0 =	sadd.s32 $0x0, s19;
	v6, _, _ =	vpop (xrf0)  }
0x249: {  	v7 =	vadd.s32 s0, v6  }
0x24a: {  	vm8 =	vle.s32 v7, v3  }
0x24b: {  	vm9 =	vgt.s32 v5, v2;
	vm0 =	vmand vm7, vm8  }
0x24c: {  	vm0 =	vmor vm9, vm0  }
0x24d: {  	v7 =	vsel vm0, $0x1, v0  }
0x24e: {  	(xrf0) =	vadd.scan.msk.s32 $0xffff, v7;
	_ =	sdelay $0x5  }
0x24f: {  	s23 =	spop (v2sf);
	v62, _, _ =	vpop (xrf0)  }
0x250: {  	s2 =	sadd.s32 $0x0, s23;
	v7 =	vsub.s32 v62, v7  }
0x251: {  	v7 =	vadd.s32 s2, v7;
	_ =	sdelay $0x3  }
0x252: {  	s4 =	sadd.s32 $0x10, s9  }
0x253: {  	[tilespmem:v7+s25+$0x0] =	vst.idx.msk vm0, v5;
	v5 =	vor.u32 s4, v1  }
0x254: {  	[tilespmem:v7+s26+$0x0] =	vst.idx.msk vm0, v5  }
0x255: {  	[tilespmem:v7+s28+$0x0] =	vst.idx.msk vm0, v4  }
0x256: {  	(v2sf) =	vpush v6, $0xF;
	v4 =	vld [tilespmem:s7+$0x0];
	_ =	sdelay $0x4  }
0x257: {  	v5 =	vshra.s32 v4, $0x1F  }
0x258: {  	v5 =	vand.u32 $0x7FFFFFFF, v5  }
0x259: {  	v5 =	vxor.u32 v4, v5  }
0x25a: {  	vm10 =	veq.s32 v5, v2  }
0x25b: {  	v6 =	vsel vm10, $0x1, v0  }
0x25c: {  	(xrf0) =	vadd.scan.msk.s32 $0xffff, v6;
	_ =	sdelay $0x2  }
0x25d: {  	(v2sf) =	vpush v62, $0xF;
	_ =	sdelay $0x1  }
0x25e: {  	s24 =	spop (v2sf)  }
0x25f: {  	s0 =	sadd.s32 s0, s24;
	v6, _, _ =	vpop (xrf0)  }
0x260: {  	v7 =	vadd.s32 s0, v6  }
0x261: {  	vm11 =	vle.s32 v7, v3  }
0x262: {  	vm12 =	vgt.s32 v5, v2;
	vm0 =	vmand vm10, vm11  }
0x263: {  	vm0 =	vmor vm12, vm0  }
0x264: {  	v7 =	vsel vm0, $0x1, v0  }
0x265: {  	(xrf0) =	vadd.scan.msk.s32 $0xffff, v7;
	_ =	sdelay $0x5  }
0x266: {  	s8 =	spop (v2sf);
	v63, _, _ =	vpop (xrf0)  }
0x267: {  	s2 =	sadd.s32 s2, s8;
	v7 =	vsub.s32 v63, v7  }
0x268: {  	v7 =	vadd.s32 s2, v7;
	_ =	sdelay $0x3  }
0x269: {  	s19 =	sadd.s32 $0x20, s9  }
0x26a: {  	[tilespmem:v7+s25+$0x0] =	vst.idx.msk vm0, v5;
	v5 =	vor.u32 s19, v1  }
0x26b: {  	[tilespmem:v7+s26+$0x0] =	vst.idx.msk vm0, v5  }
0x26c: {  	[tilespmem:v7+s28+$0x0] =	vst.idx.msk vm0, v4  }
0x26d: {  	(v2sf) =	vpush v6, $0xF;
	v4 =	vld [tilespmem:s7+$0x10];
	_ =	sdelay $0x4  }
0x26e: {  	v5 =	vshra.s32 v4, $0x1F  }
0x26f: {  	v5 =	vand.u32 $0x7FFFFFFF, v5  }
0x270: {  	v5 =	vxor.u32 v4, v5  }
0x271: {  	vm13 =	veq.s32 v5, v2  }
0x272: {  	v6 =	vsel vm13, $0x1, v0  }
0x273: {  	(xrf0) =	vadd.scan.msk.s32 $0xffff, v6;
	_ =	sdelay $0x2  }
0x274: {  	(v2sf) =	vpush v63, $0xF;
	_ =	sdelay $0x1  }
0x275: {  	s23 =	spop (v2sf)  }
0x276: {  	s0 =	sadd.s32 s0, s23;
	v6, _, _ =	vpop (xrf0)  }
0x277: {  	v7 =	vadd.s32 s0, v6  }
0x278: {  	vm14 =	vle.s32 v7, v3  }
0x279: {  	vm15 =	vgt.s32 v5, v2;
	vm0 =	vmand vm13, vm14  }
0x27a: {  	vm0 =	vmor vm15, vm0  }
0x27b: {  	v7 =	vsel vm0, $0x1, v0  }
0x27c: {  	(xrf0) =	vadd.scan.msk.s32 $0xffff, v7;
	_ =	sdelay $0x5  }
0x27d: {  	s24 =	spop (v2sf);
	(v2sf) =	vpush v6, $0xF;
	v6, _, _ =	vpop (xrf0)  }
0x27e: {  	s8 =	sadd.s32 s2, s24;
	v7 =	vsub.s32 v6, v7;
	(v2sf) =	vpush v6, $0xF  }
0x27f: {  	v6 =	vadd.s32 s8, v7;
	_ =	sdelay $0x3  }
0x280: {  	s7 =	sadd.s32 $0x30, s9  }
0x281: {  	v7 =	vor.u32 s7, v1;
	[tilespmem:v6+s25+$0x0] =	vst.idx.msk vm0, v5  }
0x282: {  	[tilespmem:v6+s26+$0x0] =	vst.idx.msk vm0, v7  }
0x283: {  	s23 =	simm.s32 $0x60;
	[tilespmem:v6+s28+$0x0] =	vst.idx.msk vm0, v4  }
0x284: {  	v4 =	vld [tilespmem:s23+$0xFFFFFFE0];
	_ =	sdelay $0x4  }
0x285: {  	s24 =	simm.s32 $0x4;
	s19 =	spop (v2sf);
	v5 =	vshra.s32 v4, $0x1F  }
0x286: {  	s7 =	sadd.s32 s0, s19;
	s19 =	smov.u32 s9;
	v5 =	vand.u32 $0x7FFFFFFF, v5;
	s0 =	spop (v2sf)  }
.LBB2_11:
0x287: {  	s24 =	sadd.s32 $0x4, s24;
	v5 =	vxor.u32 v4, v5;
	s8 =	sadd.s32 s8, s0;
	s19 =	sadd.s32 $0x40, s19  }
0x288: {  	p2 =	slt.u32 s24, $0x1FC;
	vm0 =	veq.s32 v5, v2  }
0x289: {  	v6 =	vsel vm0, $0x1, v0  }
0x28a: {  	(xrf0) =	vadd.scan.msk.s32 $0xffff, v6;
	_ =	sdelay $0x5  }
0x28b: {  	v6, _, _ =	vpop (xrf0)  }
0x28c: {  	v7 =	vadd.s32 s7, v6;
	(v2sf) =	vpush v6, $0xF  }
0x28d: {  	vm1 =	vle.s32 v7, v3  }
0x28e: {  	vm2 =	vgt.s32 v5, v2;
	vm0 =	vmand vm0, vm1  }
0x28f: {  	vm0 =	vmor vm2, vm0  }
0x290: {  	v6 =	vsel vm0, $0x1, v0  }
0x291: {  	(xrf0) =	vadd.scan.msk.s32 $0xffff, v6;
	_ =	sdelay $0x5  }
0x292: {  	v7, _, _ =	vpop (xrf0)  }
0x293: {  	v6 =	vsub.s32 v7, v6;
	(v2sf) =	vpush v7, $0xF  }
0x294: {  	v6 =	vadd.s32 s8, v6;
	_ =	sdelay $0x1  }
0x295: {  	s0 =	spop (v2sf);
	_ =	sdelay $0x2  }
0x296: {  	v7 =	vor.u32 s19, v1;
	[tilespmem:v6+s25+$0x0] =	vst.idx.msk vm0, v5  }
0x297: {  	[tilespmem:v6+s26+$0x0] =	vst.idx.msk vm0, v7  }
0x298: {  	[tilespmem:v6+s28+$0x0] =	vst.idx.msk vm0, v4  }
0x299: {  	v4 =	vld [tilespmem:s23+$0xFFFFFFF0];
	_ =	sdelay $0x4  }
0x29a: {  	v5 =	vshra.s32 v4, $0x1F  }
0x29b: {  	v5 =	vand.u32 $0x7FFFFFFF, v5;
	s2 =	spop (v2sf)  }
0x29c: {  	v5 =	vxor.u32 v4, v5  }
0x29d: {  	vm0 =	veq.s32 v5, v2  }
0x29e: {  	v6 =	vsel vm0, $0x1, v0  }
0x29f: {  	(xrf0) =	vadd.scan.msk.s32 $0xffff, v6;
	_ =	sdelay $0x5  }
0x2a0: {  	s0 =	sadd.s32 s7, s0;
	v6, _, _ =	vpop (xrf0)  }
0x2a1: {  	v7 =	vadd.s32 s0, v6;
	(v2sf) =	vpush v6, $0xF  }
0x2a2: {  	vm1 =	vle.s32 v7, v3  }
0x2a3: {  	vm2 =	vgt.s32 v5, v2;
	vm0 =	vmand vm0, vm1  }
0x2a4: {  	vm0 =	vmor vm2, vm0  }
0x2a5: {  	v6 =	vsel vm0, $0x1, v0  }
0x2a6: {  	(xrf0) =	vadd.scan.msk.s32 $0xffff, v6;
	_ =	sdelay $0x5  }
0x2a7: {  	v7, _, _ =	vpop (xrf0)  }
0x2a8: {  	s2 =	sadd.s32 s8, s2;
	v6 =	vsub.s32 v7, v6;
	(v2sf) =	vpush v7, $0xF  }
0x2a9: {  	v6 =	vadd.s32 s2, v6;
	_ =	sdelay $0x1  }
0x2aa: {  	s4 =	spop (v2sf)  }
0x2ab: {  	s8 =	sadd.s32 s0, s4  }
0x2ac: {  	s0 =	sadd.s32 $0x10, s19  }
0x2ad: {  	v7 =	vor.u32 s0, v1;
	[tilespmem:v6+s25+$0x0] =	vst.idx.msk vm0, v5  }
0x2ae: {  	[tilespmem:v6+s26+$0x0] =	vst.idx.msk vm0, v7  }
0x2af: {  	[tilespmem:v6+s28+$0x0] =	vst.idx.msk vm0, v4  }
0x2b0: {  	v4 =	vld [tilespmem:s23+$0x0];
	_ =	sdelay $0x4  }
0x2b1: {  	v5 =	vshra.s32 v4, $0x1F  }
0x2b2: {  	v5 =	vand.u32 $0x7FFFFFFF, v5;
	s0 =	spop (v2sf)  }
0x2b3: {  	s7 =	sadd.s32 s2, s0;
	v5 =	vxor.u32 v4, v5  }
0x2b4: {  	vm0 =	veq.s32 v5, v2  }
0x2b5: {  	v6 =	vsel vm0, $0x1, v0  }
0x2b6: {  	(xrf0) =	vadd.scan.msk.s32 $0xffff, v6;
	_ =	sdelay $0x5  }
0x2b7: {  	v6, _, _ =	vpop (xrf0)  }
0x2b8: {  	v7 =	vadd.s32 s8, v6;
	(v2sf) =	vpush v6, $0xF  }
0x2b9: {  	vm1 =	vle.s32 v7, v3  }
0x2ba: {  	vm2 =	vgt.s32 v5, v2;
	vm0 =	vmand vm0, vm1  }
0x2bb: {  	vm0 =	vmor vm2, vm0  }
0x2bc: {  	v6 =	vsel vm0, $0x1, v0  }
0x2bd: {  	(xrf0) =	vadd.scan.msk.s32 $0xffff, v6;
	_ =	sdelay $0x5  }
0x2be: {  	v7, _, _ =	vpop (xrf0)  }
0x2bf: {  	v6 =	vsub.s32 v7, v6;
	(v2sf) =	vpush v7, $0xF  }
0x2c0: {  	v6 =	vadd.s32 s7, v6;
	_ =	sdelay $0x1  }
0x2c1: {  	s0 =	spop (v2sf);
	_ =	sdelay $0x1  }
0x2c2: {  	s2 =	sadd.s32 $0x20, s19  }
0x2c3: {  	v7 =	vor.u32 s2, v1;
	[tilespmem:v6+s25+$0x0] =	vst.idx.msk vm0, v5  }
0x2c4: {  	[tilespmem:v6+s26+$0x0] =	vst.idx.msk vm0, v7  }
0x2c5: {  	[tilespmem:v6+s28+$0x0] =	vst.idx.msk vm0, v4  }
0x2c6: {  	v4 =	vld [tilespmem:s23+$0x10];
	_ =	sdelay $0x4  }
0x2c7: {  	v5 =	vshra.s32 v4, $0x1F  }
0x2c8: {  	v5 =	vand.u32 $0x7FFFFFFF, v5;
	s2 =	spop (v2sf)  }
0x2c9: {  	v5 =	vxor.u32 v4, v5  }
0x2ca: {  	vm0 =	veq.s32 v5, v2  }
0x2cb: {  	v6 =	vsel vm0, $0x1, v0  }
0x2cc: {  	(xrf0) =	vadd.scan.msk.s32 $0xffff, v6;
	_ =	sdelay $0x5  }
0x2cd: {  	s0 =	sadd.s32 s8, s0;
	v6, _, _ =	vpop (xrf0)  }
0x2ce: {  	v7 =	vadd.s32 s0, v6;
	(v2sf) =	vpush v6, $0xF  }
0x2cf: {  	vm1 =	vle.s32 v7, v3  }
0x2d0: {  	vm2 =	vgt.s32 v5, v2;
	vm0 =	vmand vm0, vm1  }
0x2d1: {  	vm0 =	vmor vm2, vm0  }
0x2d2: {  	v6 =	vsel vm0, $0x1, v0  }
0x2d3: {  	(xrf0) =	vadd.scan.msk.s32 $0xffff, v6;
	_ =	sdelay $0x5  }
0x2d4: {  	v7, _, _ =	vpop (xrf0)  }
0x2d5: {  	s8 =	sadd.s32 s7, s2;
	v6 =	vsub.s32 v7, v6;
	(v2sf) =	vpush v7, $0xF  }
0x2d6: {  	v6 =	vadd.s32 s8, v6;
	_ =	sdelay $0x1  }
0x2d7: {  	s2 =	spop (v2sf)  }
0x2d8: {  	s7 =	sadd.s32 s0, s2  }
0x2d9: {  	s0 =	sadd.s32 $0x30, s19  }
0x2da: {  	v7 =	vor.u32 s0, v1;
	[tilespmem:v6+s25+$0x0] =	vst.idx.msk vm0, v5  }
0x2db: {  	[tilespmem:v6+s26+$0x0] =	vst.idx.msk vm0, v7  }
0x2dc: {  	s23 =	sadd.s32 $0x40, s23;
	[tilespmem:v6+s28+$0x0] =	vst.idx.msk vm0, v4  }
0x2dd: {  	v4 =	vld [tilespmem:s23+$0xFFFFFFE0];
	_ =	sdelay $0x1  }
.Ltmp7:
0x2de: {  	(pc) =	sbr.rel @p2 .LBB2_11-.Ltmp7, $3  }
0x2df: {  	_ =	sdelay $0x1  }
0x2e0: {  	v5 =	vshra.s32 v4, $0x1F  }
0x2e1: {  	v5 =	vand.u32 $0x7FFFFFFF, v5;
	s0 =	spop (v2sf)  }
0x2e2: {  	v5 =	vxor.u32 v4, v5  }
0x2e3: {  	vm0 =	veq.s32 v5, v2  }
0x2e4: {  	v6 =	vsel vm0, $0x1, v0  }
0x2e5: {  	(xrf0) =	vadd.scan.msk.s32 $0xffff, v6;
	_ =	sdelay $0x5  }
0x2e6: {  	v6, _, _ =	vpop (xrf0)  }
0x2e7: {  	v7 =	vadd.s32 s7, v6  }
0x2e8: {  	vm1 =	vle.s32 v7, v3  }
0x2e9: {  	vm2 =	vgt.s32 v5, v2;
	vm0 =	vmand vm0, vm1  }
0x2ea: {  	vm0 =	vmor vm2, vm0  }
0x2eb: {  	v47 =	vsel vm0, $0x1, v0  }
0x2ec: {  	(xrf0) =	vadd.scan.msk.s32 $0xffff, v47;
	_ =	sdelay $0x5  }
0x2ed: {  	v8, _, _ =	vpop (xrf0)  }
0x2ee: {  	s0 =	sadd.s32 s8, s0;
	v7 =	vsub.s32 v8, v47  }
0x2ef: {  	v7 =	vadd.s32 s0, v7;
	_ =	sdelay $0x3  }
0x2f0: {  	s8 =	sadd.s32 $0x40, s19  }
0x2f1: {  	v48 =	vor.u32 s8, v1;
	[tilespmem:v7+s25+$0x0] =	vst.idx.msk vm0, v5  }
0x2f2: {  	[tilespmem:v7+s26+$0x0] =	vst.idx.msk vm0, v48  }
0x2f3: {  	[tilespmem:v7+s28+$0x0] =	vst.idx.msk vm0, v4  }
0x2f4: {  	(v2sf) =	vpush v6, $0xF;
	v4 =	vld [tilespmem:s23+$0xFFFFFFF0];
	_ =	sdelay $0x4  }
0x2f5: {  	v49 =	vshra.s32 v4, $0x1F  }
0x2f6: {  	v5 =	vand.u32 $0x7FFFFFFF, v49  }
0x2f7: {  	v5 =	vxor.u32 v4, v5  }
0x2f8: {  	vm7 =	veq.s32 v5, v2  }
0x2f9: {  	v50 =	vsel vm7, $0x1, v0  }
0x2fa: {  	(xrf0) =	vadd.scan.msk.s32 $0xffff, v50;
	_ =	sdelay $0x2  }
0x2fb: {  	(v2sf) =	vpush v8, $0xF;
	_ =	sdelay $0x1  }
0x2fc: {  	s2 =	spop (v2sf)  }
0x2fd: {  	s2 =	sadd.s32 s7, s2;
	v6, _, _ =	vpop (xrf0)  }
0x2fe: {  	v51 =	vadd.s32 s2, v6  }
0x2ff: {  	vm8 =	vle.s32 v51, v3  }
0x300: {  	vm9 =	vgt.s32 v5, v2;
	vm0 =	vmand vm7, vm8  }
0x301: {  	vm0 =	vmor vm9, vm0  }
0x302: {  	v52 =	vsel vm0, $0x1, v0  }
0x303: {  	(xrf0) =	vadd.scan.msk.s32 $0xffff, v52;
	_ =	sdelay $0x5  }
0x304: {  	s4 =	spop (v2sf);
	v53, _, _ =	vpop (xrf0)  }
0x305: {  	s0 =	sadd.s32 s0, s4;
	v7 =	vsub.s32 v53, v52  }
0x306: {  	v7 =	vadd.s32 s0, v7;
	_ =	sdelay $0x3  }
0x307: {  	s19 =	sadd.s32 $0x10, s8  }
0x308: {  	v54 =	vor.u32 s19, v1;
	[tilespmem:v7+s25+$0x0] =	vst.idx.msk vm0, v5  }
0x309: {  	[tilespmem:v7+s26+$0x0] =	vst.idx.msk vm0, v54  }
0x30a: {  	[tilespmem:v7+s28+$0x0] =	vst.idx.msk vm0, v4  }
0x30b: {  	(v2sf) =	vpush v6, $0xF;
	v4 =	vld [tilespmem:s23+$0x0];
	_ =	sdelay $0x4  }
0x30c: {  	v55 =	vshra.s32 v4, $0x1F  }
0x30d: {  	v5 =	vand.u32 $0x7FFFFFFF, v55  }
0x30e: {  	v5 =	vxor.u32 v4, v5  }
0x30f: {  	vm10 =	veq.s32 v5, v2  }
0x310: {  	v56 =	vsel vm10, $0x1, v0  }
0x311: {  	(xrf0) =	vadd.scan.msk.s32 $0xffff, v56;
	_ =	sdelay $0x2  }
0x312: {  	(v2sf) =	vpush v53, $0xF;
	_ =	sdelay $0x1  }
0x313: {  	s24 =	spop (v2sf)  }
0x314: {  	s2 =	sadd.s32 s2, s24;
	v6, _, _ =	vpop (xrf0)  }
0x315: {  	v57 =	vadd.s32 s2, v6  }
0x316: {  	vm11 =	vle.s32 v57, v3  }
0x317: {  	vm12 =	vgt.s32 v5, v2;
	vm0 =	vmand vm10, vm11  }
0x318: {  	vm0 =	vmor vm12, vm0  }
0x319: {  	v58 =	vsel vm0, $0x1, v0  }
0x31a: {  	(xrf0) =	vadd.scan.msk.s32 $0xffff, v58;
	_ =	sdelay $0x5  }
0x31b: {  	s7 =	spop (v2sf);
	v59, _, _ =	vpop (xrf0)  }
0x31c: {  	s0 =	sadd.s32 s0, s7;
	v7 =	vsub.s32 v59, v58  }
0x31d: {  	v7 =	vadd.s32 s0, v7;
	_ =	sdelay $0x3  }
0x31e: {  	s19 =	sadd.s32 $0x20, s8  }
0x31f: {  	v60 =	vor.u32 s19, v1;
	[tilespmem:v7+s25+$0x0] =	vst.idx.msk vm0, v5  }
0x320: {  	[tilespmem:v7+s26+$0x0] =	vst.idx.msk vm0, v60  }
0x321: {  	[tilespmem:v7+s28+$0x0] =	vst.idx.msk vm0, v4  }
0x322: {  	(v2sf) =	vpush v6, $0xF;
	v4 =	vld [tilespmem:s23+$0x10];
	_ =	sdelay $0x4  }
0x323: {  	v61 =	vshra.s32 v4, $0x1F  }
0x324: {  	v5 =	vand.u32 $0x7FFFFFFF, v61  }
0x325: {  	v5 =	vxor.u32 v4, v5  }
0x326: {  	vm13 =	veq.s32 v5, v2  }
0x327: {  	v62 =	vsel vm13, $0x1, v0  }
0x328: {  	(xrf0) =	vadd.scan.msk.s32 $0xffff, v62;
	_ =	sdelay $0x4  }
0x329: {  	s24 =	spop (v2sf)  }
0x32a: {  	s2 =	sadd.s32 s2, s24;
	v6, _, _ =	vpop (xrf0)  }
0x32b: {  	v63 =	vadd.s32 s2, v6  }
0x32c: {  	vm14 =	vle.s32 v63, v3  }
0x32d: {  	vm15 =	vgt.s32 v5, v2;
	vm0 =	vmand vm13, vm14  }
0x32e: {  	(v2sf) =	vpush v59, $0xF;
	vm0 =	vmor vm15, vm0  }
0x32f: {  	v2 =	vsel vm0, $0x1, v0  }
0x330: {  	(xrf0) =	vadd.scan.msk.s32 $0xffff, v2;
	_ =	sdelay $0x5  }
0x331: {  	(v2sf) =	vpush v6, $0xF;
	v3, _, _ =	vpop (xrf0)  }
0x332: {  	(v2sf) =	vpush v3, $0xF;
	_ =	sdelay $0x5  }
0x333: {  	s7 =	spop (v2sf)  }
0x334: {  	s0 =	sadd.s32 s0, s7;
	v2 =	vsub.s32 v3, v2  }
0x335: {  	v2 =	vadd.s32 s0, v2;
	_ =	sdelay $0x3  }
0x336: {  	s19 =	sadd.s32 $0x30, s8  }
0x337: {  	v3 =	vor.u32 s19, v1;
	[tilespmem:v2+s25+$0x0] =	vst.idx.msk vm0, v5  }
0x338: {  	s23 =	spop (v2sf);
	[tilespmem:v2+s26+$0x0] =	vst.idx.msk vm0, v3  }
0x339: {  	[tilespmem:v2+s28+$0x0] =	vst.idx.msk vm0, v4;
	s24 =	spop (v2sf)  }
.LBB2_13:
0x33a: {  	s7 =	sand.u32 $0xF0, s10  }
0x33b: {  	v2 =	vld [tilespmem:s7+$0x2100];
	_ =	sdelay $0x1  }
0x33c: {  	s0 =	sand.u32 $0xF, s10  }
0x33d: {  	v3 =	vmov s0  }
0x33e: {  	vm0 =	veq.s32 v3, v1  }
0x33f: {  	v2 =	vnsel vm0, $0x0, v2  }
0x340: {  	(xrf0) =	vadd.scan.msk.s32 $0xffff, v2;
	_ =	sdelay $0x5  }
0x341: {  	v2, _, _ =	vpop (xrf0)  }
0x342: {  	v4 =	vimm.s32 $0x0;
	s8 =	simm.s32 $0x0;
	p2 =	por $0x1, $0x1;
	v3 =	vmov s10;
	v2 =	vbroadcast v2, $0xF  }
.LBB2_14:
0x343: {  	v5 =	vld [tilespmem:s8+$0x2100];
	_ =	sdelay $0x1  }
0x344: {  	v6 =	vld [tilespmem:s8+$0x2110];
	_ =	sdelay $0x1  }
0x345: {  	v7 =	vor.u32 s8, v1  }
0x346: {  	vm3 =	vlt.u32 v7, v3;
	vm1 =	vgt.s32 v5, v2;
	vm2 =	veq.s32 v5, v2;
	v5 =	vld [tilespmem:s8+$0x2120]  }
0x347: {  	s0 =	sor.u32 $0x10, s8;
	v7 =	vsel vm1, $0x1, v0;
	vm1 =	vmand vm3, vm2  }
0x348: {  	vm2 =	vgt.s32 v6, v2;
	v4 =	vadd.s32 v7, v4;
	v7 =	vor.u32 s0, v1  }
0x349: {  	vm3 =	veq.s32 v6, v2;
	v6 =	vsel vm1, $0x1, v0;
	vm1 =	vlt.u32 v7, v3;
	v7 =	vld [tilespmem:s8+$0x2130]  }
0x34a: {  	s24 =	sor.u32 $0x20, s8;
	v4 =	vadd.s32 v6, v4;
	v6 =	vsel vm2, $0x1, v0;
	vm1 =	vmand vm1, vm3  }
0x34b: {  	v4 =	vadd.s32 v6, v4;
	v6 =	vor.u32 s24, v1;
	vm2 =	vgt.s32 v5, v2  }
0x34c: {  	vm3 =	veq.s32 v5, v2;
	v5 =	vsel vm1, $0x1, v0;
	vm1 =	vlt.u32 v6, v3;
	v6 =	vld [tilespmem:s8+$0x2140]  }
0x34d: {  	s2 =	sor.u32 $0x30, s8;
	v4 =	vadd.s32 v5, v4;
	v5 =	vsel vm2, $0x1, v0;
	vm1 =	vmand vm1, vm3  }
0x34e: {  	v4 =	vadd.s32 v5, v4;
	v5 =	vor.u32 s2, v1;
	vm2 =	vgt.s32 v7, v2  }
0x34f: {  	vm3 =	veq.s32 v7, v2;
	v7 =	vsel vm1, $0x1, v0;
	vm1 =	vlt.u32 v5, v3;
	v5 =	vld [tilespmem:s8+$0x2150]  }
0x350: {  	s4 =	sor.u32 $0x40, s8;
	v4 =	vadd.s32 v7, v4;
	v7 =	vsel vm2, $0x1, v0;
	vm1 =	vmand vm1, vm3  }
0x351: {  	v4 =	vadd.s32 v7, v4;
	v7 =	vor.u32 s4, v1;
	vm2 =	vgt.s32 v6, v2  }
0x352: {  	vm3 =	veq.s32 v6, v2;
	v6 =	vsel vm1, $0x1, v0;
	vm1 =	vlt.u32 v7, v3;
	v7 =	vld [tilespmem:s8+$0x2160]  }
0x353: {  	s19 =	sor.u32 $0x50, s8;
	v4 =	vadd.s32 v6, v4;
	v6 =	vsel vm2, $0x1, v0;
	vm1 =	vmand vm1, vm3  }
0x354: {  	v4 =	vadd.s32 v6, v4;
	v6 =	vor.u32 s19, v1;
	vm2 =	vgt.s32 v5, v2  }
0x355: {  	vm3 =	veq.s32 v5, v2;
	v5 =	vsel vm1, $0x1, v0;
	vm1 =	vlt.u32 v6, v3  }
0x356: {  	s23 =	sor.u32 $0x60, s8;
	v6 =	vld [tilespmem:s8+$0x2170];
	v4 =	vadd.s32 v5, v4;
	v5 =	vsel vm2, $0x1, v0;
	vm1 =	vmand vm1, vm3  }
0x357: {  	v4 =	vadd.s32 v5, v4;
	v5 =	vor.u32 s23, v1;
	vm2 =	vgt.s32 v7, v2  }
0x358: {  	vm3 =	veq.s32 v7, v2;
	v7 =	vsel vm1, $0x1, v0;
	vm1 =	vlt.u32 v5, v3  }
0x359: {  	p3 =	por p2, p2;
	s24 =	sor.u32 $0x70, s8;
	v4 =	vadd.s32 v7, v4;
	v5 =	vsel vm2, $0x1, v0;
	vm1 =	vmand vm1, vm3  }
.Ltmp8:
0x35a: {  	v7 =	vsel vm1, $0x1, v0;
	v4 =	vadd.s32 v5, v4;
	v5 =	vor.u32 s24, v1;
	(pc) =	sbr.rel @p3 .LBB2_14-.Ltmp8, $4  }
0x35b: {  	vm1 =	vgt.s32 v6, v2;
	vm2 =	veq.s32 v6, v2;
	vm3 =	vlt.u32 v5, v3  }
0x35c: {  	v5 =	vsel vm1, $0x1, v0;
	v4 =	vadd.s32 v7, v4;
	vm1 =	vmand vm3, vm2  }
0x35d: {  	v4 =	vadd.s32 v5, v4;
	v6 =	vsel vm1, $0x1, v0  }
0x35e: {  	p2 =	por $0x0, $0x0;
	s8 =	simm.s32 $0x80;
	v4 =	vadd.s32 v6, v4  }
0x35f: {  	v2 =	vld [tilespmem:s7+$0x2500];
	_ =	sdelay $0x2  }
0x360: {  	v3 =	vld [tilespmem:s7+$0x2300];
	_ =	sdelay $0x1  }
0x361: {  	(xrf0) =	vadd.scan.msk.s32 $0xffff, v4;
	v2 =	vnsel vm0, $0x0, v2  }
0x362: {  	(xrf2) =	vadd.scan.msk.f32 $0xffff, v2;
	_ =	sdelay $0x1  }
0x363: {  	v2 =	vnsel vm0, $0x0, v3  }
0x364: {  	(xrf0) =	vadd.scan.msk.s32 $0xffff, v2;
	_ =	sdelay $0x1  }
0x365: {  	v2, _, _ =	vpop (xrf0)  }
0x366: {  	v2 =	vbroadcast v2, $0xF  }
0x367: {  	s10 =	sadd.s32 $0x1, s10  }
0x368: {  	p2 =	sne.s32 s10, $0x100  }
.Ltmp9:
0x369: {  	v3, _, _ =	vpop (xrf0);
	(pc) =	sbr.rel @p2 .LBB2_13-.Ltmp9, $4  }
0x36a: {  	v3 =	vbroadcast v3, $0xF;
	v63, _, _ =	vpop (xrf2)  }
0x36b: {  	v4 =	vbroadcast v63, $0xF  }
0x36c: {  	[tilespmem:v2+s29+$0x0] =	vst.idx.msk $0x1, v3  }
0x36d: {  	[tilespmem:v2+s30+$0x0] =	vst.idx.msk $0x1, v4  }
0x36e: {  	s0 =	rddreg [dreg:$0x8]  }
0x36f: {  	[hbm4b:s0+s3] =	stream.linear.scatter [tilespmem:s29], [sflag:$0x2], $0x100, $0x38;
	[tilespmem:$0x14C00] =	vst v63  }
0x370: {  	_ =	swait.ge [sflag:s22], $0x100  }
0x371: {  	[sflag:s22] =	ssyncset.done $0x0  }
.Ltmp10:
0x372: {  	s24 =	rddreg [dreg:$0x9];
	[sflag:s22] =	ssyncadd.s32 $0xFFFFFF00;
	(pc) =	sbr.rel .LBB2_17-.Ltmp10, $4  }
0x373: {  	[hbm4b:s24+s3] =	stream.linear.scatter [tilespmem:s30], [sflag:$0x2], $0x100, $0x38;
	[tilespmem:$0x14C00] =	vst v63  }
0x374: {  	_ =	swait.ge [sflag:s22], $0x100  }
0x375: {  	[sflag:s22] =	ssyncset.done $0x0  }
0x376: {  	[sflag:s22] =	ssyncadd.s32 $0xFFFFFF00  }
.LBB2_18:
0x377: {  	_ =	sfence.sel $0x180000  }
0x378: {  	[bflag:$0x0] =	sbarrier.arrive $0xFFFF  }
0x379: {  	_ =	strace $0x90000047  }
0x37a: {  	s0 =	stileid.u32;
	[bflag:$0x2] =	sbarrier.arrive $0xFFFF  }
0x37b: {  	p0 =	sne.s32 s0, $0x0;
	s0 =	rddreg [dreg:$0x4]  }
0x37c: {  	s0 =	sadd.s32 @!p0 $0x100000, s0  }
0x37d: {  	[sflag:s0] =	ssyncadd.tile.s32 @!p0 $0x1;
	_ =	shalt  }
.Lfunc_end2:
_tile_overlayer_lowered:
.L_overlay_start_2:
0x37e: {  	(tag) =	ssettag $0x2  }
0x37f: {  	s0 =	rddreg [dreg:$0x0];
	s2 =	stileid.u32  }
0x380: {  	s1 =	rddreg [dreg:$0x1];
	p0 =	sne.s32 s2, $0x0  }
0x381: {  	s3 =	rddreg [dreg:$0x2];
	[bflag:$0x3] =	sbarrier.arrive $0xFFFF;
	s2 =	simm.s32 @!p0 $0x1C02  }
0x382: {  	[timem:s3], [sflag:s2] =	dma.local @!p0 [hbm:s0], s1  }
0x383: {  	s0 =	simm.s32 @!p0 $0x2  }
0x384: {  	_ =	swait.ge @!p0 [sflag:s0], s1  }
0x385: {  	s1 =	ssub.s32 @!p0 $0x0, s1;
	[sflag:s0] =	ssyncset.done @!p0 $0x0  }
0x386: {  	[sflag:s0] =	ssyncadd.s32 @!p0 s1  }
0x387: {  	[bflag:$0x3] =	sbarrier.arrive $0xFFFF  }
0x388: {  	_ =	shalt  }

</sc_bundles>
